<compile_context>
chip_gen: v7x
topology: tpu7x:2x2x1
jax: 0.10.2.dev20260603
libtpu: 0.0.44.dev20260713+nightly
codegen_flags: <defaults>
</compile_context>

<pallas_src>
import jax
import jax.numpy as jnp
from jax import lax
from jax.experimental import pallas as pl
from jax.experimental.pallas import tpu as pltpu
from jax.experimental.pallas import tpu_sc as plsc

N_NODES = 10000
N_EDGES = 320000
F_IN = 128
F_HID = 256
F_OUT = 128

EB = 128
EP_ROWS = 2560
NC = 2
NS = 16
N_PAD = 10240
IDXC = 16

_MESH = plsc.VectorSubcoreMesh(core_axis_name="c", subcore_axis_name="s")


def _fill_vmem(ref, n_rows, width, value):
    v = jnp.full((16,), value, jnp.float32)

    def body(i, _):
        for j in range(width // 16):
            ref[i, pl.ds(j * 16, 16)] = v
        return 0

    lax.fori_loop(0, n_rows, body, 0)


def _deg_body(zeros_hbm, dst_rs, deg_cat, ones_v, idx_v, acc_sh):
    cid = lax.axis_index("c")
    sid = lax.axis_index("s")
    wid = cid * NS + sid
    rows_per_tile = EP_ROWS // (NC * NS)

    @pl.when(sid == 0)
    def _():
        pltpu.sync_copy(zeros_hbm, acc_sh)

    _fill_vmem(ones_v, EB, EB, 1.0)
    plsc.subcore_barrier()

    def chunk(c, _):
        pltpu.sync_copy(dst_rs.at[pl.ds(wid * rows_per_tile + c * IDXC, IDXC)],
                        idx_v)

        def body(j, _):
            pltpu.sync_copy(ones_v, acc_sh.at[idx_v.at[j]], add=True)
            return 0

        lax.fori_loop(0, IDXC, body, 0)
        return 0

    lax.fori_loop(0, rows_per_tile // IDXC, chunk, 0)
    plsc.subcore_barrier()

    @pl.when(sid == 0)
    def _():
        pltpu.sync_copy(acc_sh, deg_cat.at[pl.ds(cid * N_PAD, N_PAD)])


def _deg_call(zeros_hbm, dst_rs):
    f = pl.kernel(
        _deg_body,
        mesh=_MESH,
        out_type=jax.ShapeDtypeStruct((2 * N_PAD, EB), jnp.float32),
        scratch_types=[
            pltpu.VMEM((EB, EB), jnp.float32),
            pltpu.VMEM((IDXC, EB), jnp.int32),
            pltpu.VMEM_SHARED((N_PAD, EB), jnp.float32),
        ],
    )
    return f(zeros_hbm, dst_rs)


def _agg1_body(zeros_hbm, src_rs3, dst_rs, hs_cat, acc_cat,
               src_v, dst_v, rows_a, rows_b, acc_sh,
               sem_a, sem_b, ssem_a, ssem_b):
    cid = lax.axis_index("c")
    sid = lax.axis_index("s")
    rows_per_tile = EP_ROWS // NS

    @pl.when(sid == 0)
    def _():
        pltpu.sync_copy(zeros_hbm, acc_sh)

    plsc.subcore_barrier()
    rows = (rows_a, rows_b)
    sems = (sem_a, sem_b)
    ssems = (ssem_a, ssem_b)

    def chunk(c, _):
        base = sid * rows_per_tile + c * IDXC
        pltpu.sync_copy(src_rs3.at[cid, pl.ds(base, IDXC)], src_v)
        pltpu.sync_copy(dst_rs.at[pl.ds(base, IDXC)], dst_v)
        cur = pltpu.async_copy(hs_cat.at[src_v.at[0]], rows[0], sems[0])
        sc = [None, None]
        for j in range(IDXC):
            nxt = None
            if j + 1 < IDXC:
                if sc[(j + 1) % 2] is not None:
                    sc[(j + 1) % 2].wait()
                nxt = pltpu.async_copy(hs_cat.at[src_v.at[j + 1]],
                                       rows[(j + 1) % 2], sems[(j + 1) % 2])
            cur.wait()
            sc[j % 2] = pltpu.async_copy(rows[j % 2], acc_sh.at[dst_v.at[j]],
                                         ssems[j % 2], add=True)
            cur = nxt
        for h in sc:
            if h is not None:
                h.wait()
        return 0

    lax.fori_loop(0, rows_per_tile // IDXC, chunk, 0)
    plsc.subcore_barrier()

    @pl.when(sid == 0)
    def _():
        pltpu.sync_copy(acc_sh, acc_cat.at[pl.ds(cid * N_PAD, N_PAD)])


def _agg1_call(zeros_hbm, src_rs3, dst_rs, hs_cat):
    W = F_HID // 2
    f = pl.kernel(
        _agg1_body,
        mesh=_MESH,
        out_type=jax.ShapeDtypeStruct((2 * N_PAD, W), jnp.float32),
        scratch_types=[
            pltpu.VMEM((IDXC, EB), jnp.int32),
            pltpu.VMEM((IDXC, EB), jnp.int32),
            pltpu.VMEM((EB, W), jnp.float32),
            pltpu.VMEM((EB, W), jnp.float32),
            pltpu.VMEM_SHARED((N_PAD, W), jnp.float32),
            pltpu.SemaphoreType.DMA,
            pltpu.SemaphoreType.DMA,
            pltpu.SemaphoreType.DMA,
            pltpu.SemaphoreType.DMA,
        ],
    )
    return f(zeros_hbm, src_rs3, dst_rs, hs_cat)


def _agg2_body(zeros_hbm, src_rs, dst_rs, hs2, acc_cat,
               src_v, dst_v, rows_a, rows_b, acc_sh,
               sem_a, sem_b, ssem_a, ssem_b):
    cid = lax.axis_index("c")
    sid = lax.axis_index("s")
    wid = cid * NS + sid
    rows_per_tile = EP_ROWS // (NC * NS)

    @pl.when(sid == 0)
    def _():
        pltpu.sync_copy(zeros_hbm, acc_sh)

    plsc.subcore_barrier()
    rows = (rows_a, rows_b)
    sems = (sem_a, sem_b)
    ssems = (ssem_a, ssem_b)

    def chunk(c, _):
        base = wid * rows_per_tile + c * IDXC
        pltpu.sync_copy(src_rs.at[pl.ds(base, IDXC)], src_v)
        pltpu.sync_copy(dst_rs.at[pl.ds(base, IDXC)], dst_v)
        cur = pltpu.async_copy(hs2.at[src_v.at[0]], rows[0], sems[0])
        sc = [None, None]
        for j in range(IDXC):
            nxt = None
            if j + 1 < IDXC:
                if sc[(j + 1) % 2] is not None:
                    sc[(j + 1) % 2].wait()
                nxt = pltpu.async_copy(hs2.at[src_v.at[j + 1]],
                                       rows[(j + 1) % 2], sems[(j + 1) % 2])
            cur.wait()
            sc[j % 2] = pltpu.async_copy(rows[j % 2], acc_sh.at[dst_v.at[j]],
                                         ssems[j % 2], add=True)
            cur = nxt
        for h in sc:
            if h is not None:
                h.wait()
        return 0

    lax.fori_loop(0, rows_per_tile // IDXC, chunk, 0)
    plsc.subcore_barrier()

    @pl.when(sid == 0)
    def _():
        pltpu.sync_copy(acc_sh, acc_cat.at[pl.ds(cid * N_PAD, N_PAD)])


def _agg2_call(zeros_hbm, src_rs, dst_rs, hs2):
    f = pl.kernel(
        _agg2_body,
        mesh=_MESH,
        out_type=jax.ShapeDtypeStruct((2 * N_PAD, F_OUT), jnp.float32),
        scratch_types=[
            pltpu.VMEM((IDXC, EB), jnp.int32),
            pltpu.VMEM((IDXC, EB), jnp.int32),
            pltpu.VMEM((EB, F_OUT), jnp.float32),
            pltpu.VMEM((EB, F_OUT), jnp.float32),
            pltpu.VMEM_SHARED((N_PAD, F_OUT), jnp.float32),
            pltpu.SemaphoreType.DMA,
            pltpu.SemaphoreType.DMA,
            pltpu.SemaphoreType.DMA,
            pltpu.SemaphoreType.DMA,
        ],
    )
    return f(zeros_hbm, src_rs, dst_rs, hs2)


_BM = 1024
_GRID = N_PAD // _BM
_OFF = N_PAD // _BM


def _tc1a_body(x_ref, w1_ref, h_ref):
    h_ref[...] = jnp.dot(x_ref[...], w1_ref[...],
                         preferred_element_type=jnp.float32)


def _tc1a_call(x, W1):
    return pl.pallas_call(
        _tc1a_body,
        grid=(_GRID,),
        in_specs=[pl.BlockSpec((_BM, F_IN), lambda i: (i, 0)),
                  pl.BlockSpec((F_IN, F_HID), lambda i: (0, 0))],
        out_specs=pl.BlockSpec((_BM, F_HID), lambda i: (i, 0)),
        out_shape=jax.ShapeDtypeStruct((N_PAD, F_HID), jnp.float32),
    )(x, W1)


def _tc1_body(h_ref, d0_ref, d1_ref, hs_lo_ref, hs_hi_ref, dinv_ref):
    deg = d0_ref[:, :1] + d1_ref[:, :1] + 1.0
    dinv = lax.rsqrt(deg)
    hs = h_ref[...] * dinv
    hs_lo_ref[...] = hs[:, :F_HID // 2]
    hs_hi_ref[...] = hs[:, F_HID // 2:]
    dinv_ref[...] = dinv


def _tc1_call(h1, deg_cat):
    return pl.pallas_call(
        _tc1_body,
        grid=(_GRID,),
        in_specs=[pl.BlockSpec((_BM, F_HID), lambda i: (i, 0)),
                  pl.BlockSpec((_BM, EB), lambda i: (i, 0)),
                  pl.BlockSpec((_BM, EB), lambda i: (i + _OFF, 0))],
        out_specs=[pl.BlockSpec((_BM, F_HID // 2), lambda i: (i, 0)),
                   pl.BlockSpec((_BM, F_HID // 2), lambda i: (i, 0)),
                   pl.BlockSpec((_BM, 1), lambda i: (i, 0))],
        out_shape=[jax.ShapeDtypeStruct((N_PAD, F_HID // 2), jnp.float32),
                   jax.ShapeDtypeStruct((N_PAD, F_HID // 2), jnp.float32),
                   jax.ShapeDtypeStruct((N_PAD, 1), jnp.float32)],
    )(h1, deg_cat, deg_cat)


def _tc2_body(acc_lo_ref, acc_hi_ref, hs_lo_ref, hs_hi_ref, dinv_ref, b1_ref,
              w2_ref, hs2_ref):
    dinv = dinv_ref[...]
    lo = jnp.maximum(dinv * (acc_lo_ref[...] + hs_lo_ref[...])
                     + b1_ref[:, :F_HID // 2], 0.0)
    hi = jnp.maximum(dinv * (acc_hi_ref[...] + hs_hi_ref[...])
                     + b1_ref[:, F_HID // 2:], 0.0)
    out1 = jnp.concatenate([lo, hi], axis=1)
    h2 = jnp.dot(out1, w2_ref[...], preferred_element_type=jnp.float32)
    hs2_ref[...] = h2 * dinv


def _tc2_call(acc_cat, hs_lo, hs_hi, dinv, b1, W2):
    W = F_HID // 2
    return pl.pallas_call(
        _tc2_body,
        grid=(_GRID,),
        in_specs=[pl.BlockSpec((_BM, W), lambda i: (i, 0)),
                  pl.BlockSpec((_BM, W), lambda i: (i + _OFF, 0)),
                  pl.BlockSpec((_BM, W), lambda i: (i, 0)),
                  pl.BlockSpec((_BM, W), lambda i: (i, 0)),
                  pl.BlockSpec((_BM, 1), lambda i: (i, 0)),
                  pl.BlockSpec((1, F_HID), lambda i: (0, 0)),
                  pl.BlockSpec((F_HID, F_OUT), lambda i: (0, 0))],
        out_specs=pl.BlockSpec((_BM, F_OUT), lambda i: (i, 0)),
        out_shape=jax.ShapeDtypeStruct((N_PAD, F_OUT), jnp.float32),
    )(acc_cat, acc_cat, hs_lo, hs_hi, dinv, b1, W2)


def _tc3_body(a_ref, b_ref, hs2_ref, dinv_ref, b2_ref, g_ref, out_ref):
    z = (dinv_ref[...] * (a_ref[...] + b_ref[...] + hs2_ref[...])
         + b2_ref[...] + g_ref[...])
    m = jnp.max(z, axis=1, keepdims=True)
    li = lax.broadcasted_iota(jnp.int32, z.shape, 1)
    first = jnp.min(jnp.where(z >= m, li, z.shape[1]), axis=1, keepdims=True)
    out_ref[...] = (li == first).astype(jnp.float32)


def _tc3_call(acc2_cat, hs2, dinv, b2, g):
    return pl.pallas_call(
        _tc3_body,
        grid=(_GRID,),
        in_specs=[pl.BlockSpec((_BM, F_OUT), lambda i: (i, 0)),
                  pl.BlockSpec((_BM, F_OUT), lambda i: (i + _OFF, 0)),
                  pl.BlockSpec((_BM, F_OUT), lambda i: (i, 0)),
                  pl.BlockSpec((_BM, 1), lambda i: (i, 0)),
                  pl.BlockSpec((1, F_OUT), lambda i: (0, 0)),
                  pl.BlockSpec((_BM, F_OUT), lambda i: (i, 0))],
        out_specs=pl.BlockSpec((_BM, F_OUT), lambda i: (i, 0)),
        out_shape=jax.ShapeDtypeStruct((N_PAD, F_OUT), jnp.float32),
    )(acc2_cat, acc2_cat, hs2, dinv, b2, g)


def _gumbel_const():
    u = jax.random.uniform(jax.random.key(42), (N_NODES, F_OUT), jnp.float32)
    return -jnp.log(-jnp.log(u + 1e-20) + 1e-20)


def kernel(x, edge_index, W1, b1, W2, b2):
    pad = EP_ROWS * EB - N_EDGES
    src_rs = jnp.concatenate(
        [edge_index[0], jnp.zeros((pad,), jnp.int32)]).reshape(EP_ROWS, EB)
    dst_rs = jnp.concatenate(
        [edge_index[1], jnp.full((pad,), N_PAD - 1, jnp.int32)]
    ).reshape(EP_ROWS, EB)
    src_rs3 = jnp.stack([src_rs, src_rs + N_PAD])
    zeros128 = jnp.zeros((N_PAD, EB), jnp.float32)

    deg_cat = _deg_call(zeros128, dst_rs)
    h1 = _tc1a_call(x, W1)
    hs_lo, hs_hi, dinv = _tc1_call(h1, deg_cat)
    hs_cat = jnp.concatenate([hs_lo, hs_hi], axis=0)
    acc_cat = _agg1_call(zeros128, src_rs3, dst_rs, hs_cat)
    hs2 = _tc2_call(acc_cat, hs_lo, hs_hi, dinv, b1.reshape(1, F_HID), W2)
    acc2_cat = _agg2_call(zeros128, src_rs, dst_rs, hs2)
    g = _gumbel_const()
    out = _tc3_call(acc2_cat, hs2, dinv, b2.reshape(1, F_OUT), g)
    return out[:N_NODES]

# --- scband reference (transcript-rebuilt; emitter-appended) ---
"""Pipeline reference for scband-gcnnet-47330539602643 (READ-ONLY COPY).

The authoritative reference and input builder live on the scoring server;
editing this copy changes nothing except your own understanding.
"""

import jax, jax.numpy as jnp
import numpy as np

N_NODES = 10000
N_EDGES = 320000
F_IN = 128
F_HID = 256
F_OUT = 128


def gcn_conv(x, edge_index, W, b):
    # PyG GCNConv: linear transform, add self-loops, symmetric normalization, scatter-add aggregate, add bias
    N = x.shape[0]
    src = edge_index[0]
    dst = edge_index[1]
    loop = jnp.arange(N, dtype=src.dtype)
    src = jnp.concatenate([src, loop])
    dst = jnp.concatenate([dst, loop])
    deg = jnp.zeros((N,), dtype=x.dtype).at[dst].add(1.0)
    dinv = jnp.where(deg > 0, deg ** -0.5, 0.0)
    norm = dinv[src] * dinv[dst]
    h = x @ W
    msg = h[src] * norm[:, None]
    out = jnp.zeros((N, W.shape[1]), dtype=x.dtype).at[dst].add(msg)
    return out + b


def gumbel_softmax(logits, temperature, key):
    U = jax.random.uniform(key, logits.shape, dtype=logits.dtype)
    g = -jnp.log(-jnp.log(U + 1e-20) + 1e-20)
    y = jax.nn.softmax((logits + g) / temperature, axis=-1)
    ind = jnp.argmax(y, axis=-1)
    y_hard = jax.nn.one_hot(ind, y.shape[-1], dtype=y.dtype)
    return jax.lax.stop_gradient(y_hard - y) + y


def setup_inputs(seed: int = 0) -> dict:
    key = jax.random.key(seed)
    k1, k2, k3, k4 = jax.random.split(key, 4)
    x = jax.random.normal(k1, (N_NODES, F_IN), dtype=jnp.float32)
    edge_index = jax.random.randint(k2, (2, N_EDGES), 0, N_NODES, dtype=jnp.int32)
    s1 = (1.0 / F_IN) ** 0.5
    s2 = (1.0 / F_HID) ** 0.5
    W1 = jax.random.uniform(k3, (F_IN, F_HID), dtype=jnp.float32, minval=-s1, maxval=s1)
    b1 = jnp.zeros((F_HID,), dtype=jnp.float32)
    W2 = jax.random.uniform(k4, (F_HID, F_OUT), dtype=jnp.float32, minval=-s2, maxval=s2)
    b2 = jnp.zeros((F_OUT,), dtype=jnp.float32)
    return {"x": x, "edge_index": edge_index, "W1": W1, "b1": b1, "W2": W2, "b2": b2}


def reference(x, edge_index, W1, b1, W2, b2):
    h = jax.nn.relu(gcn_conv(x, edge_index, W1, b1))
    h = gcn_conv(h, edge_index, W2, b2)
    return gumbel_softmax(h, 0.6, jax.random.key(42))

if __name__ == "__main__":
    import jax
    _d = setup_inputs()
    print(jax.jit(kernel)(*tuple(_d.values())))

</pallas_src>

<mosaic_0001>
#map = affine_map<(d0, d1) -> (0, 0)>
module attributes {stable_mosaic.version = 14 : i64} {
  func.func @_deg_body(%arg0: i32, %arg1: i32, %arg2: memref<10240x128xf32, #tpu.memory_space<hbm>>, %arg3: memref<2560x128xi32, #tpu.memory_space<hbm>>, %arg4: memref<20480x128xf32, #tpu.memory_space<hbm>>, %arg5: memref<128x128xf32, #tpu.memory_space<vmem>>, %arg6: memref<16x128xi32, #tpu.memory_space<vmem>>, %arg7: memref<10240x128xf32, #tpu.memory_space<vmem_shared>>) attributes {dimension_semantics = [#tpu.dimension_semantics<core_parallel>, #tpu.dimension_semantics<subcore_parallel>], iteration_bounds = array<i64: 2, 16>, scalar_prefetch = 0 : i64, scratch_operands = 3 : i64, tpu.core_type = #tpu.core_type<sc_vector_subcore>, window_params = [{transform_indices = #map}, {transform_indices = #map}, {transform_indices = #map}]} {
    %mul3A = arith.constant 16 : i32
    %mul3A_0 = arith.muli %arg0, %mul3A : i32
    %add3A = arith.addi %mul3A_0, %arg1 : i32
    %eq3A = arith.constant 0 : i32
    %eq3A_1 = arith.cmpi eq, %arg1, %eq3A : i32
    %convert_element_type3A = arith.extui %eq3A_1 : i1 to i32
    %cond3A = arith.constant 0 : i32
    %cond3A_2 = arith.cmpi ne, %convert_element_type3A, %cond3A : i32
    scf.if %cond3A_2 {
      "tpu.region"() ({
        %run_scoped3A = tpu.sem_alloc : memref<!tpu.dma_semaphore, #tpu.memory_space<semaphore_mem>>
        tpu.enqueue_dma source(%arg2 : memref<10240x128xf32, #tpu.memory_space<hbm>>) target(%arg7 : memref<10240x128xf32, #tpu.memory_space<vmem_shared>>) target_semaphore(%run_scoped3A : memref<!tpu.dma_semaphore, #tpu.memory_space<semaphore_mem>>)
        tpu.wait_dma2 semaphore(%run_scoped3A : memref<!tpu.dma_semaphore, #tpu.memory_space<semaphore_mem>>) src(%arg2 : memref<10240x128xf32, #tpu.memory_space<hbm>>) dst(%arg7 : memref<10240x128xf32, #tpu.memory_space<vmem_shared>>)
        tpu.yield
      }) : () -> ()
    } else {
    }
    %broadcast_in_dim3A = arith.constant 1.000000e+00 : f32
    %broadcast_in_dim3A_3 = vector.broadcast %broadcast_in_dim3A : f32 to vector<16xf32>
    %scan3A = arith.constant 0 : i32
    %scan3A_4 = arith.constant 0 : i32
    %scan3A_5 = arith.constant 128 : i32
    %scan3A_6 = arith.addi %scan3A_4, %scan3A_5 : i32
    %scan3A_7 = arith.constant 1 : i32
    %scan3A_8 = scf.for %scan3A_23 = %scan3A_4 to %scan3A_6 step %scan3A_7 iter_args(%scan3A_24 = %scan3A) -> (i32)  : i32 {
      %swap3A = arith.index_cast %scan3A_23 : i32 to index
      %swap3A_25 = arith.constant 0 : index
      %swap3A_26 = tpu.vector_load %arg5[%swap3A, %swap3A_25] {strides = array<i32>} : memref<128x128xf32, #tpu.memory_space<vmem>>, vector<1x16xf32>,
      %swap3A_27 = vector.shape_cast %swap3A_26 : vector<1x16xf32> to vector<16xf32>
      %swap3A_28 = vector.shape_cast %broadcast_in_dim3A_3 : vector<16xf32> to vector<1x16xf32>
      tpu.vector_store %arg5[%swap3A, %swap3A_25], %swap3A_28 {strides = array<i32>} : memref<128x128xf32, #tpu.memory_space<vmem>>, vector<1x16xf32>,
      %swap3A_29 = arith.index_cast %scan3A_23 : i32 to index
      %swap3A_30 = arith.constant 16 : index
      %swap3A_31 = tpu.vector_load %arg5[%swap3A_29, %swap3A_30] {strides = array<i32>} : memref<128x128xf32, #tpu.memory_space<vmem>>, vector<1x16xf32>,
      %swap3A_32 = vector.shape_cast %swap3A_31 : vector<1x16xf32> to vector<16xf32>
      %swap3A_33 = vector.shape_cast %broadcast_in_dim3A_3 : vector<16xf32> to vector<1x16xf32>
      tpu.vector_store %arg5[%swap3A_29, %swap3A_30], %swap3A_33 {strides = array<i32>} : memref<128x128xf32, #tpu.memory_space<vmem>>, vector<1x16xf32>,
      %swap3A_34 = arith.index_cast %scan3A_23 : i32 to index
      %swap3A_35 = arith.constant 32 : index
      %swap3A_36 = tpu.vector_load %arg5[%swap3A_34, %swap3A_35] {strides = array<i32>} : memref<128x128xf32, #tpu.memory_space<vmem>>, vector<1x16xf32>,
      %swap3A_37 = vector.shape_cast %swap3A_36 : vector<1x16xf32> to vector<16xf32>
      %swap3A_38 = vector.shape_cast %broadcast_in_dim3A_3 : vector<16xf32> to vector<1x16xf32>
      tpu.vector_store %arg5[%swap3A_34, %swap3A_35], %swap3A_38 {strides = array<i32>} : memref<128x128xf32, #tpu.memory_space<vmem>>, vector<1x16xf32>,
      %swap3A_39 = arith.index_cast %scan3A_23 : i32 to index
      %swap3A_40 = arith.constant 48 : index
      %swap3A_41 = tpu.vector_load %arg5[%swap3A_39, %swap3A_40] {strides = array<i32>} : memref<128x128xf32, #tpu.memory_space<vmem>>, vector<1x16xf32>,
      %swap3A_42 = vector.shape_cast %swap3A_41 : vector<1x16xf32> to vector<16xf32>
      %swap3A_43 = vector.shape_cast %broadcast_in_dim3A_3 : vector<16xf32> to vector<1x16xf32>
      tpu.vector_store %arg5[%swap3A_39, %swap3A_40], %swap3A_43 {strides = array<i32>} : memref<128x128xf32, #tpu.memory_space<vmem>>, vector<1x16xf32>,
      %swap3A_44 = arith.index_cast %scan3A_23 : i32 to index
      %swap3A_45 = arith.constant 64 : index
      %swap3A_46 = tpu.vector_load %arg5[%swap3A_44, %swap3A_45] {strides = array<i32>} : memref<128x128xf32, #tpu.memory_space<vmem>>, vector<1x16xf32>,
      %swap3A_47 = vector.shape_cast %swap3A_46 : vector<1x16xf32> to vector<16xf32>
      %swap3A_48 = vector.shape_cast %broadcast_in_dim3A_3 : vector<16xf32> to vector<1x16xf32>
      tpu.vector_store %arg5[%swap3A_44, %swap3A_45], %swap3A_48 {strides = array<i32>} : memref<128x128xf32, #tpu.memory_space<vmem>>, vector<1x16xf32>,
      %swap3A_49 = arith.index_cast %scan3A_23 : i32 to index
      %swap3A_50 = arith.constant 80 : index
      %swap3A_51 = tpu.vector_load %arg5[%swap3A_49, %swap3A_50] {strides = array<i32>} : memref<128x128xf32, #tpu.memory_space<vmem>>, vector<1x16xf32>,
      %swap3A_52 = vector.shape_cast %swap3A_51 : vector<1x16xf32> to vector<16xf32>
      %swap3A_53 = vector.shape_cast %broadcast_in_dim3A_3 : vector<16xf32> to vector<1x16xf32>
      tpu.vector_store %arg5[%swap3A_49, %swap3A_50], %swap3A_53 {strides = array<i32>} : memref<128x128xf32, #tpu.memory_space<vmem>>, vector<1x16xf32>,
      %swap3A_54 = arith.index_cast %scan3A_23 : i32 to index
      %swap3A_55 = arith.constant 96 : index
      %swap3A_56 = tpu.vector_load %arg5[%swap3A_54, %swap3A_55] {strides = array<i32>} : memref<128x128xf32, #tpu.memory_space<vmem>>, vector<1x16xf32>,
      %swap3A_57 = vector.shape_cast %swap3A_56 : vector<1x16xf32> to vector<16xf32>
      %swap3A_58 = vector.shape_cast %broadcast_in_dim3A_3 : vector<16xf32> to vector<1x16xf32>
      tpu.vector_store %arg5[%swap3A_54, %swap3A_55], %swap3A_58 {strides = array<i32>} : memref<128x128xf32, #tpu.memory_space<vmem>>, vector<1x16xf32>,
      %swap3A_59 = arith.index_cast %scan3A_23 : i32 to index
      %swap3A_60 = arith.constant 112 : index
      %swap3A_61 = tpu.vector_load %arg5[%swap3A_59, %swap3A_60] {strides = array<i32>} : memref<128x128xf32, #tpu.memory_space<vmem>>, vector<1x16xf32>,
      %swap3A_62 = vector.shape_cast %swap3A_61 : vector<1x16xf32> to vector<16xf32>
      %swap3A_63 = vector.shape_cast %broadcast_in_dim3A_3 : vector<16xf32> to vector<1x16xf32>
      tpu.vector_store %arg5[%swap3A_59, %swap3A_60], %swap3A_63 {strides = array<i32>} : memref<128x128xf32, #tpu.memory_space<vmem>>, vector<1x16xf32>,
      %scan3A_64 = arith.constant 0 : i32
      scf.yield %scan3A_64 : i32
    }
    %scan3A_9 = arith.constant 128 : i32
    %barrier3A = arith.constant 0 : index
    tpu.barrier barrier_id(%barrier3A)
    %scan3A_10 = arith.constant 0 : i32
    %scan3A_11 = arith.constant 0 : i32
    %scan3A_12 = arith.constant 5 : i32
    %scan3A_13 = arith.addi %scan3A_11, %scan3A_12 : i32
    %scan3A_14 = arith.constant 1 : i32
    %scan3A_15 = scf.for %scan3A_23 = %scan3A_11 to %scan3A_13 step %scan3A_14 iter_args(%scan3A_24 = %scan3A_10) -> (i32)  : i32 {
      %mul3A_25 = arith.constant 80 : i32
      %mul3A_26 = arith.muli %add3A, %mul3A_25 : i32
      %mul3A_27 = arith.constant 16 : i32
      %mul3A_28 = arith.muli %scan3A_23, %mul3A_27 : i32
      %add3A_29 = arith.addi %mul3A_26, %mul3A_28 : i32
      "tpu.region"() ({
        %run_scoped3A = tpu.sem_alloc : memref<!tpu.dma_semaphore, #tpu.memory_space<semaphore_mem>>
        %dma_start3A = arith.constant 0 : i32
        %dma_start3A_38 = tpu.memref_slice %arg3[%add3A_29, %dma_start3A] : memref<2560x128xi32, #tpu.memory_space<hbm>> -> memref<16x128xi32, #tpu.memory_space<hbm>>
        %dma_start3A_39 = arith.constant 0 : i32
        %dma_start3A_40 = tpu.memref_slice %arg3[%add3A_29, %dma_start3A_39] : memref<2560x128xi32, #tpu.memory_space<hbm>> -> memref<16x128xi32, #tpu.memory_space<hbm>>
        tpu.enqueue_dma source(%dma_start3A_40 : memref<16x128xi32, #tpu.memory_space<hbm>>) target(%arg6 : memref<16x128xi32, #tpu.memory_space<vmem>>) target_semaphore(%run_scoped3A : memref<!tpu.dma_semaphore, #tpu.memory_space<semaphore_mem>>)
        %dma_wait3A = arith.constant 0 : i32
        %dma_wait3A_41 = tpu.memref_slice %arg3[%add3A_29, %dma_wait3A] : memref<2560x128xi32, #tpu.memory_space<hbm>> -> memref<16x128xi32, #tpu.memory_space<hbm>>
        %dma_wait3A_42 = arith.constant 0 : i32
        %dma_wait3A_43 = tpu.memref_slice %arg3[%add3A_29, %dma_wait3A_42] : memref<2560x128xi32, #tpu.memory_space<hbm>> -> memref<16x128xi32, #tpu.memory_space<hbm>>
        tpu.wait_dma2 semaphore(%run_scoped3A : memref<!tpu.dma_semaphore, #tpu.memory_space<semaphore_mem>>) src(%dma_wait3A_43 : memref<16x128xi32, #tpu.memory_space<hbm>>) dst(%arg6 : memref<16x128xi32, #tpu.memory_space<vmem>>)
        tpu.yield
      }) : () -> ()
      %scan3A_30 = arith.constant 0 : i32
      %scan3A_31 = arith.constant 0 : i32
      %scan3A_32 = arith.constant 16 : i32
      %scan3A_33 = arith.addi %scan3A_31, %scan3A_32 : i32
      %scan3A_34 = arith.constant 1 : i32
      %scan3A_35 = scf.for %scan3A_38 = %scan3A_31 to %scan3A_33 step %scan3A_34 iter_args(%scan3A_39 = %scan3A_30) -> (i32)  : i32 {
        "tpu.region"() ({
          %run_scoped3A = tpu.sem_alloc : memref<!tpu.dma_semaphore, #tpu.memory_space<semaphore_mem>>
          %dma_start3A = arith.constant 0 : i32
          %dma_start3A_41 = tpu.memref_slice %arg6[%scan3A_38, %dma_start3A] : memref<16x128xi32, #tpu.memory_space<vmem>> -> memref<1x128xi32, #tpu.memory_space<vmem>>
          %dma_start3A_42 = tpu.memref_squeeze %dma_start3A_41 : memref<1x128xi32, #tpu.memory_space<vmem>> -> memref<128xi32, #tpu.memory_space<vmem>>
          %dma_start3A_43 = arith.constant 0 : i32
          %dma_start3A_44 = arith.constant 0 : i32
          %dma_start3A_45 = tpu.memref_slice %arg7[%dma_start3A_43, %dma_start3A_44] : memref<10240x128xf32, #tpu.memory_space<vmem_shared>> -> memref<10240x128xf32, #tpu.memory_space<vmem_shared>>
          tpu.enqueue_indirect_dma source(%arg5 : memref<128x128xf32, #tpu.memory_space<vmem>>) target(%dma_start3A_45 : memref<10240x128xf32, #tpu.memory_space<vmem_shared>>) offsets(%dma_start3A_42 : memref<128xi32, #tpu.memory_space<vmem>>) semaphore(%run_scoped3A : memref<!tpu.dma_semaphore, #tpu.memory_space<semaphore_mem>>) {add = true}
          %dma_wait3A = arith.constant 0 : i32
          %dma_wait3A_46 = tpu.memref_slice %arg6[%scan3A_38, %dma_wait3A] : memref<16x128xi32, #tpu.memory_space<vmem>> -> memref<1x128xi32, #tpu.memory_space<vmem>>
          %dma_wait3A_47 = tpu.memref_squeeze %dma_wait3A_46 : memref<1x128xi32, #tpu.memory_space<vmem>> -> memref<128xi32, #tpu.memory_space<vmem>>
          %dma_wait3A_48 = arith.constant 0 : i32
          %dma_wait3A_49 = arith.constant 0 : i32
          %dma_wait3A_50 = tpu.memref_slice %arg7[%dma_wait3A_48, %dma_wait3A_49] : memref<10240x128xf32, #tpu.memory_space<vmem_shared>> -> memref<10240x128xf32, #tpu.memory_space<vmem_shared>>
          tpu.wait_indirect_dma semaphore(%run_scoped3A : memref<!tpu.dma_semaphore, #tpu.memory_space<semaphore_mem>>) src(%arg5 : memref<128x128xf32, #tpu.memory_space<vmem>>) dst(%dma_wait3A_50 : memref<10240x128xf32, #tpu.memory_space<vmem_shared>>)
          tpu.yield
        }) : () -> ()
        %scan3A_40 = arith.constant 0 : i32
        scf.yield %scan3A_40 : i32
      }
      %scan3A_36 = arith.constant 16 : i32
      %scan3A_37 = arith.constant 0 : i32
      scf.yield %scan3A_37 : i32
    }
    %scan3A_16 = arith.constant 5 : i32
    %barrier3A_17 = arith.constant 0 : index
    tpu.barrier barrier_id(%barrier3A_17)
    %eq3A_18 = arith.constant 0 : i32
    %eq3A_19 = arith.cmpi eq, %arg1, %eq3A_18 : i32
    %convert_element_type3A_20 = arith.extui %eq3A_19 : i1 to i32
    %cond3A_21 = arith.constant 0 : i32
    %cond3A_22 = arith.cmpi ne, %convert_element_type3A_20, %cond3A_21 : i32
    scf.if %cond3A_22 {
      %mul3A_23 = arith.constant 10240 : i32
      %mul3A_24 = arith.muli %arg0, %mul3A_23 : i32
      "tpu.region"() ({
        %run_scoped3A = tpu.sem_alloc : memref<!tpu.dma_semaphore, #tpu.memory_space<semaphore_mem>>
        %dma_start3A = arith.constant 0 : i32
        %dma_start3A_25 = tpu.memref_slice %arg4[%mul3A_24, %dma_start3A] : memref<20480x128xf32, #tpu.memory_space<hbm>> -> memref<10240x128xf32, #tpu.memory_space<hbm>>
        tpu.enqueue_dma source(%arg7 : memref<10240x128xf32, #tpu.memory_space<vmem_shared>>) target(%dma_start3A_25 : memref<10240x128xf32, #tpu.memory_space<hbm>>) target_semaphore(%run_scoped3A : memref<!tpu.dma_semaphore, #tpu.memory_space<semaphore_mem>>)
        %dma_wait3A = arith.constant 0 : i32
        %dma_wait3A_26 = tpu.memref_slice %arg4[%mul3A_24, %dma_wait3A] : memref<20480x128xf32, #tpu.memory_space<hbm>> -> memref<10240x128xf32, #tpu.memory_space<hbm>>
        tpu.wait_dma2 semaphore(%run_scoped3A : memref<!tpu.dma_semaphore, #tpu.memory_space<semaphore_mem>>) src(%arg7 : memref<10240x128xf32, #tpu.memory_space<vmem_shared>>) dst(%dma_wait3A_26 : memref<10240x128xf32, #tpu.memory_space<hbm>>)
        tpu.yield
      }) : () -> ()
    } else {
    }
    return
  }
}

#map = affine_map<(d0, d1) -> (0, 0)>
module attributes {stable_mosaic.version = 14 : i64} {
  func.func @_agg2_body(%arg0: i32, %arg1: i32, %arg2: memref<10240x128xf32, #tpu.memory_space<hbm>>, %arg3: memref<2560x128xi32, #tpu.memory_space<hbm>>, %arg4: memref<2560x128xi32, #tpu.memory_space<hbm>>, %arg5: memref<10240x128xf32, #tpu.memory_space<hbm>>, %arg6: memref<20480x128xf32, #tpu.memory_space<hbm>>, %arg7: memref<16x128xi32, #tpu.memory_space<vmem>>, %arg8: memref<16x128xi32, #tpu.memory_space<vmem>>, %arg9: memref<128x128xf32, #tpu.memory_space<vmem>>, %arg10: memref<128x128xf32, #tpu.memory_space<vmem>>, %arg11: memref<10240x128xf32, #tpu.memory_space<vmem_shared>>, %arg12: memref<!tpu.dma_semaphore, #tpu.memory_space<semaphore_mem>>, %arg13: memref<!tpu.dma_semaphore, #tpu.memory_space<semaphore_mem>>, %arg14: memref<!tpu.dma_semaphore, #tpu.memory_space<semaphore_mem>>, %arg15: memref<!tpu.dma_semaphore, #tpu.memory_space<semaphore_mem>>) attributes {dimension_semantics = [#tpu.dimension_semantics<core_parallel>, #tpu.dimension_semantics<subcore_parallel>], iteration_bounds = array<i64: 2, 16>, scalar_prefetch = 0 : i64, scratch_operands = 9 : i64, tpu.core_type = #tpu.core_type<sc_vector_subcore>, window_params = [{transform_indices = #map}, {transform_indices = #map}, {transform_indices = #map}, {transform_indices = #map}, {transform_indices = #map}]} {
    %mul3A = arith.constant 16 : i32
    %mul3A_0 = arith.muli %arg0, %mul3A : i32
    %add3A = arith.addi %mul3A_0, %arg1 : i32
    %eq3A = arith.constant 0 : i32
    %eq3A_1 = arith.cmpi eq, %arg1, %eq3A : i32
    %convert_element_type3A = arith.extui %eq3A_1 : i1 to i32
    %cond3A = arith.constant 0 : i32
    %cond3A_2 = arith.cmpi ne, %convert_element_type3A, %cond3A : i32
    scf.if %cond3A_2 {
      "tpu.region"() ({
        %run_scoped3A = tpu.sem_alloc : memref<!tpu.dma_semaphore, #tpu.memory_space<semaphore_mem>>
        tpu.enqueue_dma source(%arg2 : memref<10240x128xf32, #tpu.memory_space<hbm>>) target(%arg11 : memref<10240x128xf32, #tpu.memory_space<vmem_shared>>) target_semaphore(%run_scoped3A : memref<!tpu.dma_semaphore, #tpu.memory_space<semaphore_mem>>)
        tpu.wait_dma2 semaphore(%run_scoped3A : memref<!tpu.dma_semaphore, #tpu.memory_space<semaphore_mem>>) src(%arg2 : memref<10240x128xf32, #tpu.memory_space<hbm>>) dst(%arg11 : memref<10240x128xf32, #tpu.memory_space<vmem_shared>>)
        tpu.yield
      }) : () -> ()
    } else {
    }
    %barrier3A = arith.constant 0 : index
    tpu.barrier barrier_id(%barrier3A)
    %scan3A = arith.constant 0 : i32
    %scan3A_3 = arith.constant 0 : i32
    %scan3A_4 = arith.constant 5 : i32
    %scan3A_5 = arith.addi %scan3A_3, %scan3A_4 : i32
    %scan3A_6 = arith.constant 1 : i32
    %scan3A_7 = scf.for %scan3A_15 = %scan3A_3 to %scan3A_5 step %scan3A_6 iter_args(%scan3A_16 = %scan3A) -> (i32)  : i32 {
      %mul3A_17 = arith.constant 80 : i32
      %mul3A_18 = arith.muli %add3A, %mul3A_17 : i32
      %mul3A_19 = arith.constant 16 : i32
      %mul3A_20 = arith.muli %scan3A_15, %mul3A_19 : i32
      %add3A_21 = arith.addi %mul3A_18, %mul3A_20 : i32
      "tpu.region"() ({
        %run_scoped3A = tpu.sem_alloc : memref<!tpu.dma_semaphore, #tpu.memory_space<semaphore_mem>>
        %dma_start3A_469 = arith.constant 0 : i32
        %dma_start3A_470 = tpu.memref_slice %arg3[%add3A_21, %dma_start3A_469] : memref<2560x128xi32, #tpu.memory_space<hbm>> -> memref<16x128xi32, #tpu.memory_space<hbm>>
        %dma_start3A_471 = arith.constant 0 : i32
        %dma_start3A_472 = tpu.memref_slice %arg3[%add3A_21, %dma_start3A_471] : memref<2560x128xi32, #tpu.memory_space<hbm>> -> memref<16x128xi32, #tpu.memory_space<hbm>>
        tpu.enqueue_dma source(%dma_start3A_472 : memref<16x128xi32, #tpu.memory_space<hbm>>) target(%arg7 : memref<16x128xi32, #tpu.memory_space<vmem>>) target_semaphore(%run_scoped3A : memref<!tpu.dma_semaphore, #tpu.memory_space<semaphore_mem>>)
        %dma_wait3A_473 = arith.constant 0 : i32
        %dma_wait3A_474 = tpu.memref_slice %arg3[%add3A_21, %dma_wait3A_473] : memref<2560x128xi32, #tpu.memory_space<hbm>> -> memref<16x128xi32, #tpu.memory_space<hbm>>
        %dma_wait3A_475 = arith.constant 0 : i32
        %dma_wait3A_476 = tpu.memref_slice %arg3[%add3A_21, %dma_wait3A_475] : memref<2560x128xi32, #tpu.memory_space<hbm>> -> memref<16x128xi32, #tpu.memory_space<hbm>>
        tpu.wait_dma2 semaphore(%run_scoped3A : memref<!tpu.dma_semaphore, #tpu.memory_space<semaphore_mem>>) src(%dma_wait3A_476 : memref<16x128xi32, #tpu.memory_space<hbm>>) dst(%arg7 : memref<16x128xi32, #tpu.memory_space<vmem>>)
        tpu.yield
      }) : () -> ()
      "tpu.region"() ({
        %run_scoped3A = tpu.sem_alloc : memref<!tpu.dma_semaphore, #tpu.memory_space<semaphore_mem>>
        %dma_start3A_469 = arith.constant 0 : i32
        %dma_start3A_470 = tpu.memref_slice %arg4[%add3A_21, %dma_start3A_469] : memref<2560x128xi32, #tpu.memory_space<hbm>> -> memref<16x128xi32, #tpu.memory_space<hbm>>
        %dma_start3A_471 = arith.constant 0 : i32
        %dma_start3A_472 = tpu.memref_slice %arg4[%add3A_21, %dma_start3A_471] : memref<2560x128xi32, #tpu.memory_space<hbm>> -> memref<16x128xi32, #tpu.memory_space<hbm>>
        tpu.enqueue_dma source(%dma_start3A_472 : memref<16x128xi32, #tpu.memory_space<hbm>>) target(%arg8 : memref<16x128xi32, #tpu.memory_space<vmem>>) target_semaphore(%run_scoped3A : memref<!tpu.dma_semaphore, #tpu.memory_space<semaphore_mem>>)
        %dma_wait3A_473 = arith.constant 0 : i32
        %dma_wait3A_474 = tpu.memref_slice %arg4[%add3A_21, %dma_wait3A_473] : memref<2560x128xi32, #tpu.memory_space<hbm>> -> memref<16x128xi32, #tpu.memory_space<hbm>>
        %dma_wait3A_475 = arith.constant 0 : i32
        %dma_wait3A_476 = tpu.memref_slice %arg4[%add3A_21, %dma_wait3A_475] : memref<2560x128xi32, #tpu.memory_space<hbm>> -> memref<16x128xi32, #tpu.memory_space<hbm>>
        tpu.wait_dma2 semaphore(%run_scoped3A : memref<!tpu.dma_semaphore, #tpu.memory_space<semaphore_mem>>) src(%dma_wait3A_476 : memref<16x128xi32, #tpu.memory_space<hbm>>) dst(%arg8 : memref<16x128xi32, #tpu.memory_space<vmem>>)
        tpu.yield
      }) : () -> ()
      %dma_start3A = arith.constant 0 : i32
      %dma_start3A_22 = arith.constant 0 : i32
      %dma_start3A_23 = tpu.memref_slice %arg7[%dma_start3A, %dma_start3A_22] : memref<16x128xi32, #tpu.memory_space<vmem>> -> memref<1x128xi32, #tpu.memory_space<vmem>>
      %dma_start3A_24 = tpu.memref_squeeze %dma_start3A_23 : memref<1x128xi32, #tpu.memory_space<vmem>> -> memref<128xi32, #tpu.memory_space<vmem>>
      %dma_start3A_25 = arith.constant 0 : i32
      %dma_start3A_26 = arith.constant 0 : i32
      %dma_start3A_27 = tpu.memref_slice %arg5[%dma_start3A_25, %dma_start3A_26] : memref<10240x128xf32, #tpu.memory_space<hbm>> -> memref<10240x128xf32, #tpu.memory_space<hbm>>
      tpu.enqueue_indirect_dma source(%dma_start3A_27 : memref<10240x128xf32, #tpu.memory_space<hbm>>) target(%arg9 : memref<128x128xf32, #tpu.memory_space<vmem>>) offsets(%dma_start3A_24 : memref<128xi32, #tpu.memory_space<vmem>>) semaphore(%arg12 : memref<!tpu.dma_semaphore, #tpu.memory_space<semaphore_mem>>)
      %dma_start3A_28 = arith.constant 1 : i32
      %dma_start3A_29 = arith.constant 0 : i32
      %dma_start3A_30 = tpu.memref_slice %arg7[%dma_start3A_28, %dma_start3A_29] : memref<16x128xi32, #tpu.memory_space<vmem>> -> memref<1x128xi32, #tpu.memory_space<vmem>>
      %dma_start3A_31 = tpu.memref_squeeze %dma_start3A_30 : memref<1x128xi32, #tpu.memory_space<vmem>> -> memref<128xi32, #tpu.memory_space<vmem>>
      %dma_start3A_32 = arith.constant 0 : i32
      %dma_start3A_33 = arith.constant 0 : i32
      %dma_start3A_34 = tpu.memref_slice %arg5[%dma_start3A_32, %dma_start3A_33] : memref<10240x128xf32, #tpu.memory_space<hbm>> -> memref<10240x128xf32, #tpu.memory_space<hbm>>
      tpu.enqueue_indirect_dma source(%dma_start3A_34 : memref<10240x128xf32, #tpu.memory_space<hbm>>) target(%arg10 : memref<128x128xf32, #tpu.memory_space<vmem>>) offsets(%dma_start3A_31 : memref<128xi32, #tpu.memory_space<vmem>>) semaphore(%arg13 : memref<!tpu.dma_semaphore, #tpu.memory_space<semaphore_mem>>)
      %dma_wait3A = arith.constant 0 : i32
      %dma_wait3A_35 = arith.constant 0 : i32
      %dma_wait3A_36 = tpu.memref_slice %arg7[%dma_wait3A, %dma_wait3A_35] : memref<16x128xi32, #tpu.memory_space<vmem>> -> memref<1x128xi32, #tpu.memory_space<vmem>>
      %dma_wait3A_37 = tpu.memref_squeeze %dma_wait3A_36 : memref<1x128xi32, #tpu.memory_space<vmem>> -> memref<128xi32, #tpu.memory_space<vmem>>
      %dma_wait3A_38 = arith.constant 0 : i32
      %dma_wait3A_39 = arith.constant 0 : i32
      %dma_wait3A_40 = tpu.memref_slice %arg5[%dma_wait3A_38, %dma_wait3A_39] : memref<10240x128xf32, #tpu.memory_space<hbm>> -> memref<10240x128xf32, #tpu.memory_space<hbm>>
      tpu.wait_indirect_dma semaphore(%arg12 : memref<!tpu.dma_semaphore, #tpu.memory_space<semaphore_mem>>) src(%dma_wait3A_40 : memref<10240x128xf32, #tpu.memory_space<hbm>>) dst(%arg9 : memref<128x128xf32, #tpu.memory_space<vmem>>)
      %dma_start3A_41 = arith.constant 0 : i32
      %dma_start3A_42 = arith.constant 0 : i32
      %dma_start3A_43 = tpu.memref_slice %arg8[%dma_start3A_41, %dma_start3A_42] : memref<16x128xi32, #tpu.memory_space<vmem>> -> memref<1x128xi32, #tpu.memory_space<vmem>>
      %dma_start3A_44 = tpu.memref_squeeze %dma_start3A_43 : memref<1x128xi32, #tpu.memory_space<vmem>> -> memref<128xi32, #tpu.memory_space<vmem>>
      %dma_start3A_45 = arith.constant 0 : i32
      %dma_start3A_46 = arith.constant 0 : i32
      %dma_start3A_47 = tpu.memref_slice %arg11[%dma_start3A_45, %dma_start3A_46] : memref<10240x128xf32, #tpu.memory_space<vmem_shared>> -> memref<10240x128xf32, #tpu.memory_space<vmem_shared>>
      tpu.enqueue_indirect_dma source(%arg9 : memref<128x128xf32, #tpu.memory_space<vmem>>) target(%dma_start3A_47 : memref<10240x128xf32, #tpu.memory_space<vmem_shared>>) offsets(%dma_start3A_44 : memref<128xi32, #tpu.memory_space<vmem>>) semaphore(%arg14 : memref<!tpu.dma_semaphore, #tpu.memory_space<semaphore_mem>>) {add = true}
      %dma_wait3A_48 = arith.constant 0 : i32
      %dma_wait3A_49 = arith.constant 0 : i32
      %dma_wait3A_50 = tpu.memref_slice %arg8[%dma_wait3A_48, %dma_wait3A_49] : memref<16x128xi32, #tpu.memory_space<vmem>> -> memref<1x128xi32, #tpu.memory_space<vmem>>
      %dma_wait3A_51 = tpu.memref_squeeze %dma_wait3A_50 : memref<1x128xi32, #tpu.memory_space<vmem>> -> memref<128xi32, #tpu.memory_space<vmem>>
      %dma_wait3A_52 = arith.constant 0 : i32
      %dma_wait3A_53 = arith.constant 0 : i32
      %dma_wait3A_54 = tpu.memref_slice %arg11[%dma_wait3A_52, %dma_wait3A_53] : memref<10240x128xf32, #tpu.memory_space<vmem_shared>> -> memref<10240x128xf32, #tpu.memory_space<vmem_shared>>
      tpu.wait_indirect_dma semaphore(%arg14 : memref<!tpu.dma_semaphore, #tpu.memory_space<semaphore_mem>>) src(%arg9 : memref<128x128xf32, #tpu.memory_space<vmem>>) dst(%dma_wait3A_54 : memref<10240x128xf32, #tpu.memory_space<vmem_shared>>)
      %dma_start3A_55 = arith.constant 2 : i32
      %dma_start3A_56 = arith.constant 0 : i32
      %dma_start3A_57 = tpu.memref_slice %arg7[%dma_start3A_55, %dma_start3A_56] : memref<16x128xi32, #tpu.memory_space<vmem>> -> memref<1x128xi32, #tpu.memory_space<vmem>>
      %dma_start3A_58 = tpu.memref_squeeze %dma_start3A_57 : memref<1x128xi32, #tpu.memory_space<vmem>> -> memref<128xi32, #tpu.memory_space<vmem>>
      %dma_start3A_59 = arith.constant 0 : i32
      %dma_start3A_60 = arith.constant 0 : i32
      %dma_start3A_61 = tpu.memref_slice %arg5[%dma_start3A_59, %dma_start3A_60] : memref<10240x128xf32, #tpu.memory_space<hbm>> -> memref<10240x128xf32, #tpu.memory_space<hbm>>
      tpu.enqueue_indirect_dma source(%dma_start3A_61 : memref<10240x128xf32, #tpu.memory_space<hbm>>) target(%arg9 : memref<128x128xf32, #tpu.memory_space<vmem>>) offsets(%dma_start3A_58 : memref<128xi32, #tpu.memory_space<vmem>>) semaphore(%arg12 : memref<!tpu.dma_semaphore, #tpu.memory_space<semaphore_mem>>)
      %dma_wait3A_62 = arith.constant 1 : i32
      %dma_wait3A_63 = arith.constant 0 : i32
      %dma_wait3A_64 = tpu.memref_slice %arg7[%dma_wait3A_62, %dma_wait3A_63] : memref<16x128xi32, #tpu.memory_space<vmem>> -> memref<1x128xi32, #tpu.memory_space<vmem>>
      %dma_wait3A_65 = tpu.memref_squeeze %dma_wait3A_64 : memref<1x128xi32, #tpu.memory_space<vmem>> -> memref<128xi32, #tpu.memory_space<vmem>>
      %dma_wait3A_66 = arith.constant 0 : i32
      %dma_wait3A_67 = arith.constant 0 : i32
      %dma_wait3A_68 = tpu.memref_slice %arg5[%dma_wait3A_66, %dma_wait3A_67] : memref<10240x128xf32, #tpu.memory_space<hbm>> -> memref<10240x128xf32, #tpu.memory_space<hbm>>
      tpu.wait_indirect_dma semaphore(%arg13 : memref<!tpu.dma_semaphore, #tpu.memory_space<semaphore_mem>>) src(%dma_wait3A_68 : memref<10240x128xf32, #tpu.memory_space<hbm>>) dst(%arg10 : memref<128x128xf32, #tpu.memory_space<vmem>>)
      %dma_start3A_69 = arith.constant 1 : i32
      %dma_start3A_70 = arith.constant 0 : i32
      %dma_start3A_71 = tpu.memref_slice %arg8[%dma_start3A_69, %dma_start3A_70] : memref<16x128xi32, #tpu.memory_space<vmem>> -> memref<1x128xi32, #tpu.memory_space<vmem>>
      %dma_start3A_72 = tpu.memref_squeeze %dma_start3A_71 : memref<1x128xi32, #tpu.memory_space<vmem>> -> memref<128xi32, #tpu.memory_space<vmem>>
      %dma_start3A_73 = arith.constant 0 : i32
      %dma_start3A_74 = arith.constant 0 : i32
      %dma_start3A_75 = tpu.memref_slice %arg11[%dma_start3A_73, %dma_start3A_74] : memref<10240x128xf32, #tpu.memory_space<vmem_shared>> -> memref<10240x128xf32, #tpu.memory_space<vmem_shared>>
      tpu.enqueue_indirect_dma source(%arg10 : memref<128x128xf32, #tpu.memory_space<vmem>>) target(%dma_start3A_75 : memref<10240x128xf32, #tpu.memory_space<vmem_shared>>) offsets(%dma_start3A_72 : memref<128xi32, #tpu.memory_space<vmem>>) semaphore(%arg15 : memref<!tpu.dma_semaphore, #tpu.memory_space<semaphore_mem>>) {add = true}
      %dma_wait3A_76 = arith.constant 1 : i32
      %dma_wait3A_77 = arith.constant 0 : i32
      %dma_wait3A_78 = tpu.memref_slice %arg8[%dma_wait3A_76, %dma_wait3A_77] : memref<16x128xi32, #tpu.memory_space<vmem>> -> memref<1x128xi32, #tpu.memory_space<vmem>>
      %dma_wait3A_79 = tpu.memref_squeeze %dma_wait3A_78 : memref<1x128xi32, #tpu.memory_space<vmem>> -> memref<128xi32, #tpu.memory_space<vmem>>
      %dma_wait3A_80 = arith.constant 0 : i32
      %dma_wait3A_81 = arith.constant 0 : i32
      %dma_wait3A_82 = tpu.memref_slice %arg11[%dma_wait3A_80, %dma_wait3A_81] : memref<10240x128xf32, #tpu.memory_space<vmem_shared>> -> memref<10240x128xf32, #tpu.memory_space<vmem_shared>>
      tpu.wait_indirect_dma semaphore(%arg15 : memref<!tpu.dma_semaphore, #tpu.memory_space<semaphore_mem>>) src(%arg10 : memref<128x128xf32, #tpu.memory_space<vmem>>) dst(%dma_wait3A_82 : memref<10240x128xf32, #tpu.memory_space<vmem_shared>>)
      %dma_start3A_83 = arith.constant 3 : i32
      %dma_start3A_84 = arith.constant 0 : i32
      %dma_start3A_85 = tpu.memref_slice %arg7[%dma_start3A_83, %dma_start3A_84] : memref<16x128xi32, #tpu.memory_space<vmem>> -> memref<1x128xi32, #tpu.memory_space<vmem>>
      %dma_start3A_86 = tpu.memref_squeeze %dma_start3A_85 : memref<1x128xi32, #tpu.memory_space<vmem>> -> memref<128xi32, #tpu.memory_space<vmem>>
      %dma_start3A_87 = arith.constant 0 : i32
      %dma_start3A_88 = arith.constant 0 : i32
      %dma_start3A_89 = tpu.memref_slice %arg5[%dma_start3A_87, %dma_start3A_88] : memref<10240x128xf32, #tpu.memory_space<hbm>> -> memref<10240x128xf32, #tpu.memory_space<hbm>>
      tpu.enqueue_indirect_dma source(%dma_start3A_89 : memref<10240x128xf32, #tpu.memory_space<hbm>>) target(%arg10 : memref<128x128xf32, #tpu.memory_space<vmem>>) offsets(%dma_start3A_86 : memref<128xi32, #tpu.memory_space<vmem>>) semaphore(%arg13 : memref<!tpu.dma_semaphore, #tpu.memory_space<semaphore_mem>>)
      %dma_wait3A_90 = arith.constant 2 : i32
      %dma_wait3A_91 = arith.constant 0 : i32
      %dma_wait3A_92 = tpu.memref_slice %arg7[%dma_wait3A_90, %dma_wait3A_91] : memref<16x128xi32, #tpu.memory_space<vmem>> -> memref<1x128xi32, #tpu.memory_space<vmem>>
      %dma_wait3A_93 = tpu.memref_squeeze %dma_wait3A_92 : memref<1x128xi32, #tpu.memory_space<vmem>> -> memref<128xi32, #tpu.memory_space<vmem>>
      %dma_wait3A_94 = arith.constant 0 : i32
      %dma_wait3A_95 = arith.constant 0 : i32
      %dma_wait3A_96 = tpu.memref_slice %arg5[%dma_wait3A_94, %dma_wait3A_95] : memref<10240x128xf32, #tpu.memory_space<hbm>> -> memref<10240x128xf32, #tpu.memory_space<hbm>>
      tpu.wait_indirect_dma semaphore(%arg12 : memref<!tpu.dma_semaphore, #tpu.memory_space<semaphore_mem>>) src(%dma_wait3A_96 : memref<10240x128xf32, #tpu.memory_space<hbm>>) dst(%arg9 : memref<128x128xf32, #tpu.memory_space<vmem>>)
      %dma_start3A_97 = arith.constant 2 : i32
      %dma_start3A_98 = arith.constant 0 : i32
      %dma_start3A_99 = tpu.memref_slice %arg8[%dma_start3A_97, %dma_start3A_98] : memref<16x128xi32, #tpu.memory_space<vmem>> -> memref<1x128xi32, #tpu.memory_space<vmem>>
      %dma_start3A_100 = tpu.memref_squeeze %dma_start3A_99 : memref<1x128xi32, #tpu.memory_space<vmem>> -> memref<128xi32, #tpu.memory_space<vmem>>
      %dma_start3A_101 = arith.constant 0 : i32
      %dma_start3A_102 = arith.constant 0 : i32
      %dma_start3A_103 = tpu.memref_slice %arg11[%dma_start3A_101, %dma_start3A_102] : memref<10240x128xf32, #tpu.memory_space<vmem_shared>> -> memref<10240x128xf32, #tpu.memory_space<vmem_shared>>
      tpu.enqueue_indirect_dma source(%arg9 : memref<128x128xf32, #tpu.memory_space<vmem>>) target(%dma_start3A_103 : memref<10240x128xf32, #tpu.memory_space<vmem_shared>>) offsets(%dma_start3A_100 : memref<128xi32, #tpu.memory_space<vmem>>) semaphore(%arg14 : memref<!tpu.dma_semaphore, #tpu.memory_space<semaphore_mem>>) {add = true}
      %dma_wait3A_104 = arith.constant 2 : i32
      %dma_wait3A_105 = arith.constant 0 : i32
      %dma_wait3A_106 = tpu.memref_slice %arg8[%dma_wait3A_104, %dma_wait3A_105] : memref<16x128xi32, #tpu.memory_space<vmem>> -> memref<1x128xi32, #tpu.memory_space<vmem>>
      %dma_wait3A_107 = tpu.memref_squeeze %dma_wait3A_106 : memref<1x128xi32, #tpu.memory_space<vmem>> -> memref<128xi32, #tpu.memory_space<vmem>>
      %dma_wait3A_108 = arith.constant 0 : i32
      %dma_wait3A_109 = arith.constant 0 : i32
      %dma_wait3A_110 = tpu.memref_slice %arg11[%dma_wait3A_108, %dma_wait3A_109] : memref<10240x128xf32, #tpu.memory_space<vmem_shared>> -> memref<10240x128xf32, #tpu.memory_space<vmem_shared>>
      tpu.wait_indirect_dma semaphore(%arg14 : memref<!tpu.dma_semaphore, #tpu.memory_space<semaphore_mem>>) src(%arg9 : memref<128x128xf32, #tpu.memory_space<vmem>>) dst(%dma_wait3A_110 : memref<10240x128xf32, #tpu.memory_space<vmem_shared>>)
      %dma_start3A_111 = arith.constant 4 : i32
      %dma_start3A_112 = arith.constant 0 : i32
      %dma_start3A_113 = tpu.memref_slice %arg7[%dma_start3A_111, %dma_start3A_112] : memref<16x128xi32, #tpu.memory_space<vmem>> -> memref<1x128xi32, #tpu.memory_space<vmem>>
      %dma_start3A_114 = tpu.memref_squeeze %dma_start3A_113 : memref<1x128xi32, #tpu.memory_space<vmem>> -> memref<128xi32, #tpu.memory_space<vmem>>
      %dma_start3A_115 = arith.constant 0 : i32
      %dma_start3A_116 = arith.constant 0 : i32
      %dma_start3A_117 = tpu.memref_slice %arg5[%dma_start3A_115, %dma_start3A_116] : memref<10240x128xf32, #tpu.memory_space<hbm>> -> memref<10240x128xf32, #tpu.memory_space<hbm>>
      tpu.enqueue_indirect_dma source(%dma_start3A_117 : memref<10240x128xf32, #tpu.memory_space<hbm>>) target(%arg9 : memref<128x128xf32, #tpu.memory_space<vmem>>) offsets(%dma_start3A_114 : memref<128xi32, #tpu.memory_space<vmem>>) semaphore(%arg12 : memref<!tpu.dma_semaphore, #tpu.memory_space<semaphore_mem>>)
      %dma_wait3A_118 = arith.constant 3 : i32
      %dma_wait3A_119 = arith.constant 0 : i32
      %dma_wait3A_120 = tpu.memref_slice %arg7[%dma_wait3A_118, %dma_wait3A_119] : memref<16x128xi32, #tpu.memory_space<vmem>> -> memref<1x128xi32, #tpu.memory_space<vmem>>
      %dma_wait3A_121 = tpu.memref_squeeze %dma_wait3A_120 : memref<1x128xi32, #tpu.memory_space<vmem>> -> memref<128xi32, #tpu.memory_space<vmem>>
      %dma_wait3A_122 = arith.constant 0 : i32
      %dma_wait3A_123 = arith.constant 0 : i32
      %dma_wait3A_124 = tpu.memref_slice %arg5[%dma_wait3A_122, %dma_wait3A_123] : memref<10240x128xf32, #tpu.memory_space<hbm>> -> memref<10240x128xf32, #tpu.memory_space<hbm>>
      tpu.wait_indirect_dma semaphore(%arg13 : memref<!tpu.dma_semaphore, #tpu.memory_space<semaphore_mem>>) src(%dma_wait3A_124 : memref<10240x128xf32, #tpu.memory_space<hbm>>) dst(%arg10 : memref<128x128xf32, #tpu.memory_space<vmem>>)
      %dma_start3A_125 = arith.constant 3 : i32
      %dma_start3A_126 = arith.constant 0 : i32
      %dma_start3A_127 = tpu.memref_slice %arg8[%dma_start3A_125, %dma_start3A_126] : memref<16x128xi32, #tpu.memory_space<vmem>> -> memref<1x128xi32, #tpu.memory_space<vmem>>
      %dma_start3A_128 = tpu.memref_squeeze %dma_start3A_127 : memref<1x128xi32, #tpu.memory_space<vmem>> -> memref<128xi32, #tpu.memory_space<vmem>>
      %dma_start3A_129 = arith.constant 0 : i32
      %dma_start3A_130 = arith.constant 0 : i32
      %dma_start3A_131 = tpu.memref_slice %arg11[%dma_start3A_129, %dma_start3A_130] : memref<10240x128xf32, #tpu.memory_space<vmem_shared>> -> memref<10240x128xf32, #tpu.memory_space<vmem_shared>>
      tpu.enqueue_indirect_dma source(%arg10 : memref<128x128xf32, #tpu.memory_space<vmem>>) target(%dma_start3A_131 : memref<10240x128xf32, #tpu.memory_space<vmem_shared>>) offsets(%dma_start3A_128 : memref<128xi32, #tpu.memory_space<vmem>>) semaphore(%arg15 : memref<!tpu.dma_semaphore, #tpu.memory_space<semaphore_mem>>) {add = true}
      %dma_wait3A_132 = arith.constant 3 : i32
      %dma_wait3A_133 = arith.constant 0 : i32
      %dma_wait3A_134 = tpu.memref_slice %arg8[%dma_wait3A_132, %dma_wait3A_133] : memref<16x128xi32, #tpu.memory_space<vmem>> -> memref<1x128xi32, #tpu.memory_space<vmem>>
      %dma_wait3A_135 = tpu.memref_squeeze %dma_wait3A_134 : memref<1x128xi32, #tpu.memory_space<vmem>> -> memref<128xi32, #tpu.memory_space<vmem>>
      %dma_wait3A_136 = arith.constant 0 : i32
      %dma_wait3A_137 = arith.constant 0 : i32
      %dma_wait3A_138 = tpu.memref_slice %arg11[%dma_wait3A_136, %dma_wait3A_137] : memref<10240x128xf32, #tpu.memory_space<vmem_shared>> -> memref<10240x128xf32, #tpu.memory_space<vmem_shared>>
      tpu.wait_indirect_dma semaphore(%arg15 : memref<!tpu.dma_semaphore, #tpu.memory_space<semaphore_mem>>) src(%arg10 : memref<128x128xf32, #tpu.memory_space<vmem>>) dst(%dma_wait3A_138 : memref<10240x128xf32, #tpu.memory_space<vmem_shared>>)
      %dma_start3A_139 = arith.constant 5 : i32
      %dma_start3A_140 = arith.constant 0 : i32
      %dma_start3A_141 = tpu.memref_slice %arg7[%dma_start3A_139, %dma_start3A_140] : memref<16x128xi32, #tpu.memory_space<vmem>> -> memref<1x128xi32, #tpu.memory_space<vmem>>
      %dma_start3A_142 = tpu.memref_squeeze %dma_start3A_141 : memref<1x128xi32, #tpu.memory_space<vmem>> -> memref<128xi32, #tpu.memory_space<vmem>>
      %dma_start3A_143 = arith.constant 0 : i32
      %dma_start3A_144 = arith.constant 0 : i32
      %dma_start3A_145 = tpu.memref_slice %arg5[%dma_start3A_143, %dma_start3A_144] : memref<10240x128xf32, #tpu.memory_space<hbm>> -> memref<10240x128xf32, #tpu.memory_space<hbm>>
      tpu.enqueue_indirect_dma source(%dma_start3A_145 : memref<10240x128xf32, #tpu.memory_space<hbm>>) target(%arg10 : memref<128x128xf32, #tpu.memory_space<vmem>>) offsets(%dma_start3A_142 : memref<128xi32, #tpu.memory_space<vmem>>) semaphore(%arg13 : memref<!tpu.dma_semaphore, #tpu.memory_space<semaphore_mem>>)
      %dma_wait3A_146 = arith.constant 4 : i32
      %dma_wait3A_147 = arith.constant 0 : i32
      %dma_wait3A_148 = tpu.memref_slice %arg7[%dma_wait3A_146, %dma_wait3A_147] : memref<16x128xi32, #tpu.memory_space<vmem>> -> memref<1x128xi32, #tpu.memory_space<vmem>>
      %dma_wait3A_149 = tpu.memref_squeeze %dma_wait3A_148 : memref<1x128xi32, #tpu.memory_space<vmem>> -> memref<128xi32, #tpu.memory_space<vmem>>
      %dma_wait3A_150 = arith.constant 0 : i32
      %dma_wait3A_151 = arith.constant 0 : i32
      %dma_wait3A_152 = tpu.memref_slice %arg5[%dma_wait3A_150, %dma_wait3A_151] : memref<10240x128xf32, #tpu.memory_space<hbm>> -> memref<10240x128xf32, #tpu.memory_space<hbm>>
      tpu.wait_indirect_dma semaphore(%arg12 : memref<!tpu.dma_semaphore, #tpu.memory_space<semaphore_mem>>) src(%dma_wait3A_152 : memref<10240x128xf32, #tpu.memory_space<hbm>>) dst(%arg9 : memref<128x128xf32, #tpu.memory_space<vmem>>)
      %dma_start3A_153 = arith.constant 4 : i32
      %dma_start3A_154 = arith.constant 0 : i32
      %dma_start3A_155 = tpu.memref_slice %arg8[%dma_start3A_153, %dma_start3A_154] : memref<16x128xi32, #tpu.memory_space<vmem>> -> memref<1x128xi32, #tpu.memory_space<vmem>>
      %dma_start3A_156 = tpu.memref_squeeze %dma_start3A_155 : memref<1x128xi32, #tpu.memory_space<vmem>> -> memref<128xi32, #tpu.memory_space<vmem>>
      %dma_start3A_157 = arith.constant 0 : i32
      %dma_start3A_158 = arith.constant 0 : i32
      %dma_start3A_159 = tpu.memref_slice %arg11[%dma_start3A_157, %dma_start3A_158] : memref<10240x128xf32, #tpu.memory_space<vmem_shared>> -> memref<10240x128xf32, #tpu.memory_space<vmem_shared>>
      tpu.enqueue_indirect_dma source(%arg9 : memref<128x128xf32, #tpu.memory_space<vmem>>) target(%dma_start3A_159 : memref<10240x128xf32, #tpu.memory_space<vmem_shared>>) offsets(%dma_start3A_156 : memref<128xi32, #tpu.memory_space<vmem>>) semaphore(%arg14 : memref<!tpu.dma_semaphore, #tpu.memory_space<semaphore_mem>>) {add = true}
      %dma_wait3A_160 = arith.constant 4 : i32
      %dma_wait3A_161 = arith.constant 0 : i32
      %dma_wait3A_162 = tpu.memref_slice %arg8[%dma_wait3A_160, %dma_wait3A_161] : memref<16x128xi32, #tpu.memory_space<vmem>> -> memref<1x128xi32, #tpu.memory_space<vmem>>
      %dma_wait3A_163 = tpu.memref_squeeze %dma_wait3A_162 : memref<1x128xi32, #tpu.memory_space<vmem>> -> memref<128xi32, #tpu.memory_space<vmem>>
      %dma_wait3A_164 = arith.constant 0 : i32
      %dma_wait3A_165 = arith.constant 0 : i32
      %dma_wait3A_166 = tpu.memref_slice %arg11[%dma_wait3A_164, %dma_wait3A_165] : memref<10240x128xf32, #tpu.memory_space<vmem_shared>> -> memref<10240x128xf32, #tpu.memory_space<vmem_shared>>
      tpu.wait_indirect_dma semaphore(%arg14 : memref<!tpu.dma_semaphore, #tpu.memory_space<semaphore_mem>>) src(%arg9 : memref<128x128xf32, #tpu.memory_space<vmem>>) dst(%dma_wait3A_166 : memref<10240x128xf32, #tpu.memory_space<vmem_shared>>)
      %dma_start3A_167 = arith.constant 6 : i32
      %dma_start3A_168 = arith.constant 0 : i32
      %dma_start3A_169 = tpu.memref_slice %arg7[%dma_start3A_167, %dma_start3A_168] : memref<16x128xi32, #tpu.memory_space<vmem>> -> memref<1x128xi32, #tpu.memory_space<vmem>>
      %dma_start3A_170 = tpu.memref_squeeze %dma_start3A_169 : memref<1x128xi32, #tpu.memory_space<vmem>> -> memref<128xi32, #tpu.memory_space<vmem>>
      %dma_start3A_171 = arith.constant 0 : i32
      %dma_start3A_172 = arith.constant 0 : i32
      %dma_start3A_173 = tpu.memref_slice %arg5[%dma_start3A_171, %dma_start3A_172] : memref<10240x128xf32, #tpu.memory_space<hbm>> -> memref<10240x128xf32, #tpu.memory_space<hbm>>
      tpu.enqueue_indirect_dma source(%dma_start3A_173 : memref<10240x128xf32, #tpu.memory_space<hbm>>) target(%arg9 : memref<128x128xf32, #tpu.memory_space<vmem>>) offsets(%dma_start3A_170 : memref<128xi32, #tpu.memory_space<vmem>>) semaphore(%arg12 : memref<!tpu.dma_semaphore, #tpu.memory_space<semaphore_mem>>)
      %dma_wait3A_174 = arith.constant 5 : i32
      %dma_wait3A_175 = arith.constant 0 : i32
      %dma_wait3A_176 = tpu.memref_slice %arg7[%dma_wait3A_174, %dma_wait3A_175] : memref<16x128xi32, #tpu.memory_space<vmem>> -> memref<1x128xi32, #tpu.memory_space<vmem>>
      %dma_wait3A_177 = tpu.memref_squeeze %dma_wait3A_176 : memref<1x128xi32, #tpu.memory_space<vmem>> -> memref<128xi32, #tpu.memory_space<vmem>>
      %dma_wait3A_178 = arith.constant 0 : i32
      %dma_wait3A_179 = arith.constant 0 : i32
      %dma_wait3A_180 = tpu.memref_slice %arg5[%dma_wait3A_178, %dma_wait3A_179] : memref<10240x128xf32, #tpu.memory_space<hbm>> -> memref<10240x128xf32, #tpu.memory_space<hbm>>
      tpu.wait_indirect_dma semaphore(%arg13 : memref<!tpu.dma_semaphore, #tpu.memory_space<semaphore_mem>>) src(%dma_wait3A_180 : memref<10240x128xf32, #tpu.memory_space<hbm>>) dst(%arg10 : memref<128x128xf32, #tpu.memory_space<vmem>>)
      %dma_start3A_181 = arith.constant 5 : i32
      %dma_start3A_182 = arith.constant 0 : i32
      %dma_start3A_183 = tpu.memref_slice %arg8[%dma_start3A_181, %dma_start3A_182] : memref<16x128xi32, #tpu.memory_space<vmem>> -> memref<1x128xi32, #tpu.memory_space<vmem>>
      %dma_start3A_184 = tpu.memref_squeeze %dma_start3A_183 : memref<1x128xi32, #tpu.memory_space<vmem>> -> memref<128xi32, #tpu.memory_space<vmem>>
      %dma_start3A_185 = arith.constant 0 : i32
      %dma_start3A_186 = arith.constant 0 : i32
      %dma_start3A_187 = tpu.memref_slice %arg11[%dma_start3A_185, %dma_start3A_186] : memref<10240x128xf32, #tpu.memory_space<vmem_shared>> -> memref<10240x128xf32, #tpu.memory_space<vmem_shared>>
      tpu.enqueue_indirect_dma source(%arg10 : memref<128x128xf32, #tpu.memory_space<vmem>>) target(%dma_start3A_187 : memref<10240x128xf32, #tpu.memory_space<vmem_shared>>) offsets(%dma_start3A_184 : memref<128xi32, #tpu.memory_space<vmem>>) semaphore(%arg15 : memref<!tpu.dma_semaphore, #tpu.memory_space<semaphore_mem>>) {add = true}
      %dma_wait3A_188 = arith.constant 5 : i32
      %dma_wait3A_189 = arith.constant 0 : i32
      %dma_wait3A_190 = tpu.memref_slice %arg8[%dma_wait3A_188, %dma_wait3A_189] : memref<16x128xi32, #tpu.memory_space<vmem>> -> memref<1x128xi32, #tpu.memory_space<vmem>>
      %dma_wait3A_191 = tpu.memref_squeeze %dma_wait3A_190 : memref<1x128xi32, #tpu.memory_space<vmem>> -> memref<128xi32, #tpu.memory_space<vmem>>
      %dma_wait3A_192 = arith.constant 0 : i32
      %dma_wait3A_193 = arith.constant 0 : i32
      %dma_wait3A_194 = tpu.memref_slice %arg11[%dma_wait3A_192, %dma_wait3A_193] : memref<10240x128xf32, #tpu.memory_space<vmem_shared>> -> memref<10240x128xf32, #tpu.memory_space<vmem_shared>>
      tpu.wait_indirect_dma semaphore(%arg15 : memref<!tpu.dma_semaphore, #tpu.memory_space<semaphore_mem>>) src(%arg10 : memref<128x128xf32, #tpu.memory_space<vmem>>) dst(%dma_wait3A_194 : memref<10240x128xf32, #tpu.memory_space<vmem_shared>>)
      %dma_start3A_195 = arith.constant 7 : i32
      %dma_start3A_196 = arith.constant 0 : i32
      %dma_start3A_197 = tpu.memref_slice %arg7[%dma_start3A_195, %dma_start3A_196] : memref<16x128xi32, #tpu.memory_space<vmem>> -> memref<1x128xi32, #tpu.memory_space<vmem>>
      %dma_start3A_198 = tpu.memref_squeeze %dma_start3A_197 : memref<1x128xi32, #tpu.memory_space<vmem>> -> memref<128xi32, #tpu.memory_space<vmem>>
      %dma_start3A_199 = arith.constant 0 : i32
      %dma_start3A_200 = arith.constant 0 : i32
      %dma_start3A_201 = tpu.memref_slice %arg5[%dma_start3A_199, %dma_start3A_200] : memref<10240x128xf32, #tpu.memory_space<hbm>> -> memref<10240x128xf32, #tpu.memory_space<hbm>>
      tpu.enqueue_indirect_dma source(%dma_start3A_201 : memref<10240x128xf32, #tpu.memory_space<hbm>>) target(%arg10 : memref<128x128xf32, #tpu.memory_space<vmem>>) offsets(%dma_start3A_198 : memref<128xi32, #tpu.memory_space<vmem>>) semaphore(%arg13 : memref<!tpu.dma_semaphore, #tpu.memory_space<semaphore_mem>>)
      %dma_wait3A_202 = arith.constant 6 : i32
      %dma_wait3A_203 = arith.constant 0 : i32
      %dma_wait3A_204 = tpu.memref_slice %arg7[%dma_wait3A_202, %dma_wait3A_203] : memref<16x128xi32, #tpu.memory_space<vmem>> -> memref<1x128xi32, #tpu.memory_space<vmem>>
      %dma_wait3A_205 = tpu.memref_squeeze %dma_wait3A_204 : memref<1x128xi32, #tpu.memory_space<vmem>> -> memref<128xi32, #tpu.memory_space<vmem>>
      %dma_wait3A_206 = arith.constant 0 : i32
      %dma_wait3A_207 = arith.constant 0 : i32
      %dma_wait3A_208 = tpu.memref_slice %arg5[%dma_wait3A_206, %dma_wait3A_207] : memref<10240x128xf32, #tpu.memory_space<hbm>> -> memref<10240x128xf32, #tpu.memory_space<hbm>>
      tpu.wait_indirect_dma semaphore(%arg12 : memref<!tpu.dma_semaphore, #tpu.memory_space<semaphore_mem>>) src(%dma_wait3A_208 : memref<10240x128xf32, #tpu.memory_space<hbm>>) dst(%arg9 : memref<128x128xf32, #tpu.memory_space<vmem>>)
      %dma_start3A_209 = arith.constant 6 : i32
      %dma_start3A_210 = arith.constant 0 : i32
      %dma_start3A_211 = tpu.memref_slice %arg8[%dma_start3A_209, %dma_start3A_210] : memref<16x128xi32, #tpu.memory_space<vmem>> -> memref<1x128xi32, #tpu.memory_space<vmem>>
      %dma_start3A_212 = tpu.memref_squeeze %dma_start3A_211 : memref<1x128xi32, #tpu.memory_space<vmem>> -> memref<128xi32, #tpu.memory_space<vmem>>
      %dma_start3A_213 = arith.constant 0 : i32
      %dma_start3A_214 = arith.constant 0 : i32
      %dma_start3A_215 = tpu.memref_slice %arg11[%dma_start3A_213, %dma_start3A_214] : memref<10240x128xf32, #tpu.memory_space<vmem_shared>> -> memref<10240x128xf32, #tpu.memory_space<vmem_shared>>
      tpu.enqueue_indirect_dma source(%arg9 : memref<128x128xf32, #tpu.memory_space<vmem>>) target(%dma_start3A_215 : memref<10240x128xf32, #tpu.memory_space<vmem_shared>>) offsets(%dma_start3A_212 : memref<128xi32, #tpu.memory_space<vmem>>) semaphore(%arg14 : memref<!tpu.dma_semaphore, #tpu.memory_space<semaphore_mem>>) {add = true}
      %dma_wait3A_216 = arith.constant 6 : i32
      %dma_wait3A_217 = arith.constant 0 : i32
      %dma_wait3A_218 = tpu.memref_slice %arg8[%dma_wait3A_216, %dma_wait3A_217] : memref<16x128xi32, #tpu.memory_space<vmem>> -> memref<1x128xi32, #tpu.memory_space<vmem>>
      %dma_wait3A_219 = tpu.memref_squeeze %dma_wait3A_218 : memref<1x128xi32, #tpu.memory_space<vmem>> -> memref<128xi32, #tpu.memory_space<vmem>>
      %dma_wait3A_220 = arith.constant 0 : i32
      %dma_wait3A_221 = arith.constant 0 : i32
      %dma_wait3A_222 = tpu.memref_slice %arg11[%dma_wait3A_220, %dma_wait3A_221] : memref<10240x128xf32, #tpu.memory_space<vmem_shared>> -> memref<10240x128xf32, #tpu.memory_space<vmem_shared>>
      tpu.wait_indirect_dma semaphore(%arg14 : memref<!tpu.dma_semaphore, #tpu.memory_space<semaphore_mem>>) src(%arg9 : memref<128x128xf32, #tpu.memory_space<vmem>>) dst(%dma_wait3A_222 : memref<10240x128xf32, #tpu.memory_space<vmem_shared>>)
      %dma_start3A_223 = arith.constant 8 : i32
      %dma_start3A_224 = arith.constant 0 : i32
      %dma_start3A_225 = tpu.memref_slice %arg7[%dma_start3A_223, %dma_start3A_224] : memref<16x128xi32, #tpu.memory_space<vmem>> -> memref<1x128xi32, #tpu.memory_space<vmem>>
      %dma_start3A_226 = tpu.memref_squeeze %dma_start3A_225 : memref<1x128xi32, #tpu.memory_space<vmem>> -> memref<128xi32, #tpu.memory_space<vmem>>
      %dma_start3A_227 = arith.constant 0 : i32
      %dma_start3A_228 = arith.constant 0 : i32
      %dma_start3A_229 = tpu.memref_slice %arg5[%dma_start3A_227, %dma_start3A_228] : memref<10240x128xf32, #tpu.memory_space<hbm>> -> memref<10240x128xf32, #tpu.memory_space<hbm>>
      tpu.enqueue_indirect_dma source(%dma_start3A_229 : memref<10240x128xf32, #tpu.memory_space<hbm>>) target(%arg9 : memref<128x128xf32, #tpu.memory_space<vmem>>) offsets(%dma_start3A_226 : memref<128xi32, #tpu.memory_space<vmem>>) semaphore(%arg12 : memref<!tpu.dma_semaphore, #tpu.memory_space<semaphore_mem>>)
      %dma_wait3A_230 = arith.constant 7 : i32
      %dma_wait3A_231 = arith.constant 0 : i32
      %dma_wait3A_232 = tpu.memref_slice %arg7[%dma_wait3A_230, %dma_wait3A_231] : memref<16x128xi32, #tpu.memory_space<vmem>> -> memref<1x128xi32, #tpu.memory_space<vmem>>
      %dma_wait3A_233 = tpu.memref_squeeze %dma_wait3A_232 : memref<1x128xi32, #tpu.memory_space<vmem>> -> memref<128xi32, #tpu.memory_space<vmem>>
      %dma_wait3A_234 = arith.constant 0 : i32
      %dma_wait3A_235 = arith.constant 0 : i32
      %dma_wait3A_236 = tpu.memref_slice %arg5[%dma_wait3A_234, %dma_wait3A_235] : memref<10240x128xf32, #tpu.memory_space<hbm>> -> memref<10240x128xf32, #tpu.memory_space<hbm>>
      tpu.wait_indirect_dma semaphore(%arg13 : memref<!tpu.dma_semaphore, #tpu.memory_space<semaphore_mem>>) src(%dma_wait3A_236 : memref<10240x128xf32, #tpu.memory_space<hbm>>) dst(%arg10 : memref<128x128xf32, #tpu.memory_space<vmem>>)
      %dma_start3A_237 = arith.constant 7 : i32
      %dma_start3A_238 = arith.constant 0 : i32
      %dma_start3A_239 = tpu.memref_slice %arg8[%dma_start3A_237, %dma_start3A_238] : memref<16x128xi32, #tpu.memory_space<vmem>> -> memref<1x128xi32, #tpu.memory_space<vmem>>
      %dma_start3A_240 = tpu.memref_squeeze %dma_start3A_239 : memref<1x128xi32, #tpu.memory_space<vmem>> -> memref<128xi32, #tpu.memory_space<vmem>>
      %dma_start3A_241 = arith.constant 0 : i32
      %dma_start3A_242 = arith.constant 0 : i32
      %dma_start3A_243 = tpu.memref_slice %arg11[%dma_start3A_241, %dma_start3A_242] : memref<10240x128xf32, #tpu.memory_space<vmem_shared>> -> memref<10240x128xf32, #tpu.memory_space<vmem_shared>>
      tpu.enqueue_indirect_dma source(%arg10 : memref<128x128xf32, #tpu.memory_space<vmem>>) target(%dma_start3A_243 : memref<10240x128xf32, #tpu.memory_space<vmem_shared>>) offsets(%dma_start3A_240 : memref<128xi32, #tpu.memory_space<vmem>>) semaphore(%arg15 : memref<!tpu.dma_semaphore, #tpu.memory_space<semaphore_mem>>) {add = true}
      %dma_wait3A_244 = arith.constant 7 : i32
      %dma_wait3A_245 = arith.constant 0 : i32
      %dma_wait3A_246 = tpu.memref_slice %arg8[%dma_wait3A_244, %dma_wait3A_245] : memref<16x128xi32, #tpu.memory_space<vmem>> -> memref<1x128xi32, #tpu.memory_space<vmem>>
      %dma_wait3A_247 = tpu.memref_squeeze %dma_wait3A_246 : memref<1x128xi32, #tpu.memory_space<vmem>> -> memref<128xi32, #tpu.memory_space<vmem>>
      %dma_wait3A_248 = arith.constant 0 : i32
      %dma_wait3A_249 = arith.constant 0 : i32
      %dma_wait3A_250 = tpu.memref_slice %arg11[%dma_wait3A_248, %dma_wait3A_249] : memref<10240x128xf32, #tpu.memory_space<vmem_shared>> -> memref<10240x128xf32, #tpu.memory_space<vmem_shared>>
      tpu.wait_indirect_dma semaphore(%arg15 : memref<!tpu.dma_semaphore, #tpu.memory_space<semaphore_mem>>) src(%arg10 : memref<128x128xf32, #tpu.memory_space<vmem>>) dst(%dma_wait3A_250 : memref<10240x128xf32, #tpu.memory_space<vmem_shared>>)
      %dma_start3A_251 = arith.constant 9 : i32
      %dma_start3A_252 = arith.constant 0 : i32
      %dma_start3A_253 = tpu.memref_slice %arg7[%dma_start3A_251, %dma_start3A_252] : memref<16x128xi32, #tpu.memory_space<vmem>> -> memref<1x128xi32, #tpu.memory_space<vmem>>
      %dma_start3A_254 = tpu.memref_squeeze %dma_start3A_253 : memref<1x128xi32, #tpu.memory_space<vmem>> -> memref<128xi32, #tpu.memory_space<vmem>>
      %dma_start3A_255 = arith.constant 0 : i32
      %dma_start3A_256 = arith.constant 0 : i32
      %dma_start3A_257 = tpu.memref_slice %arg5[%dma_start3A_255, %dma_start3A_256] : memref<10240x128xf32, #tpu.memory_space<hbm>> -> memref<10240x128xf32, #tpu.memory_space<hbm>>
      tpu.enqueue_indirect_dma source(%dma_start3A_257 : memref<10240x128xf32, #tpu.memory_space<hbm>>) target(%arg10 : memref<128x128xf32, #tpu.memory_space<vmem>>) offsets(%dma_start3A_254 : memref<128xi32, #tpu.memory_space<vmem>>) semaphore(%arg13 : memref<!tpu.dma_semaphore, #tpu.memory_space<semaphore_mem>>)
      %dma_wait3A_258 = arith.constant 8 : i32
      %dma_wait3A_259 = arith.constant 0 : i32
      %dma_wait3A_260 = tpu.memref_slice %arg7[%dma_wait3A_258, %dma_wait3A_259] : memref<16x128xi32, #tpu.memory_space<vmem>> -> memref<1x128xi32, #tpu.memory_space<vmem>>
      %dma_wait3A_261 = tpu.memref_squeeze %dma_wait3A_260 : memref<1x128xi32, #tpu.memory_space<vmem>> -> memref<128xi32, #tpu.memory_space<vmem>>
      %dma_wait3A_262 = arith.constant 0 : i32
      %dma_wait3A_263 = arith.constant 0 : i32
      %dma_wait3A_264 = tpu.memref_slice %arg5[%dma_wait3A_262, %dma_wait3A_263] : memref<10240x128xf32, #tpu.memory_space<hbm>> -> memref<10240x128xf32, #tpu.memory_space<hbm>>
      tpu.wait_indirect_dma semaphore(%arg12 : memref<!tpu.dma_semaphore, #tpu.memory_space<semaphore_mem>>) src(%dma_wait3A_264 : memref<10240x128xf32, #tpu.memory_space<hbm>>) dst(%arg9 : memref<128x128xf32, #tpu.memory_space<vmem>>)
      %dma_start3A_265 = arith.constant 8 : i32
      %dma_start3A_266 = arith.constant 0 : i32
      %dma_start3A_267 = tpu.memref_slice %arg8[%dma_start3A_265, %dma_start3A_266] : memref<16x128xi32, #tpu.memory_space<vmem>> -> memref<1x128xi32, #tpu.memory_space<vmem>>
      %dma_start3A_268 = tpu.memref_squeeze %dma_start3A_267 : memref<1x128xi32, #tpu.memory_space<vmem>> -> memref<128xi32, #tpu.memory_space<vmem>>
      %dma_start3A_269 = arith.constant 0 : i32
      %dma_start3A_270 = arith.constant 0 : i32
      %dma_start3A_271 = tpu.memref_slice %arg11[%dma_start3A_269, %dma_start3A_270] : memref<10240x128xf32, #tpu.memory_space<vmem_shared>> -> memref<10240x128xf32, #tpu.memory_space<vmem_shared>>
      tpu.enqueue_indirect_dma source(%arg9 : memref<128x128xf32, #tpu.memory_space<vmem>>) target(%dma_start3A_271 : memref<10240x128xf32, #tpu.memory_space<vmem_shared>>) offsets(%dma_start3A_268 : memref<128xi32, #tpu.memory_space<vmem>>) semaphore(%arg14 : memref<!tpu.dma_semaphore, #tpu.memory_space<semaphore_mem>>) {add = true}
      %dma_wait3A_272 = arith.constant 8 : i32
      %dma_wait3A_273 = arith.constant 0 : i32
      %dma_wait3A_274 = tpu.memref_slice %arg8[%dma_wait3A_272, %dma_wait3A_273] : memref<16x128xi32, #tpu.memory_space<vmem>> -> memref<1x128xi32, #tpu.memory_space<vmem>>
      %dma_wait3A_275 = tpu.memref_squeeze %dma_wait3A_274 : memref<1x128xi32, #tpu.memory_space<vmem>> -> memref<128xi32, #tpu.memory_space<vmem>>
      %dma_wait3A_276 = arith.constant 0 : i32
      %dma_wait3A_277 = arith.constant 0 : i32
      %dma_wait3A_278 = tpu.memref_slice %arg11[%dma_wait3A_276, %dma_wait3A_277] : memref<10240x128xf32, #tpu.memory_space<vmem_shared>> -> memref<10240x128xf32, #tpu.memory_space<vmem_shared>>
      tpu.wait_indirect_dma semaphore(%arg14 : memref<!tpu.dma_semaphore, #tpu.memory_space<semaphore_mem>>) src(%arg9 : memref<128x128xf32, #tpu.memory_space<vmem>>) dst(%dma_wait3A_278 : memref<10240x128xf32, #tpu.memory_space<vmem_shared>>)
      %dma_start3A_279 = arith.constant 10 : i32
      %dma_start3A_280 = arith.constant 0 : i32
      %dma_start3A_281 = tpu.memref_slice %arg7[%dma_start3A_279, %dma_start3A_280] : memref<16x128xi32, #tpu.memory_space<vmem>> -> memref<1x128xi32, #tpu.memory_space<vmem>>
      %dma_start3A_282 = tpu.memref_squeeze %dma_start3A_281 : memref<1x128xi32, #tpu.memory_space<vmem>> -> memref<128xi32, #tpu.memory_space<vmem>>
      %dma_start3A_283 = arith.constant 0 : i32
      %dma_start3A_284 = arith.constant 0 : i32
      %dma_start3A_285 = tpu.memref_slice %arg5[%dma_start3A_283, %dma_start3A_284] : memref<10240x128xf32, #tpu.memory_space<hbm>> -> memref<10240x128xf32, #tpu.memory_space<hbm>>
      tpu.enqueue_indirect_dma source(%dma_start3A_285 : memref<10240x128xf32, #tpu.memory_space<hbm>>) target(%arg9 : memref<128x128xf32, #tpu.memory_space<vmem>>) offsets(%dma_start3A_282 : memref<128xi32, #tpu.memory_space<vmem>>) semaphore(%arg12 : memref<!tpu.dma_semaphore, #tpu.memory_space<semaphore_mem>>)
      %dma_wait3A_286 = arith.constant 9 : i32
      %dma_wait3A_287 = arith.constant 0 : i32
      %dma_wait3A_288 = tpu.memref_slice %arg7[%dma_wait3A_286, %dma_wait3A_287] : memref<16x128xi32, #tpu.memory_space<vmem>> -> memref<1x128xi32, #tpu.memory_space<vmem>>
      %dma_wait3A_289 = tpu.memref_squeeze %dma_wait3A_288 : memref<1x128xi32, #tpu.memory_space<vmem>> -> memref<128xi32, #tpu.memory_space<vmem>>
      %dma_wait3A_290 = arith.constant 0 : i32
      %dma_wait3A_291 = arith.constant 0 : i32
      %dma_wait3A_292 = tpu.memref_slice %arg5[%dma_wait3A_290, %dma_wait3A_291] : memref<10240x128xf32, #tpu.memory_space<hbm>> -> memref<10240x128xf32, #tpu.memory_space<hbm>>
      tpu.wait_indirect_dma semaphore(%arg13 : memref<!tpu.dma_semaphore, #tpu.memory_space<semaphore_mem>>) src(%dma_wait3A_292 : memref<10240x128xf32, #tpu.memory_space<hbm>>) dst(%arg10 : memref<128x128xf32, #tpu.memory_space<vmem>>)
      %dma_start3A_293 = arith.constant 9 : i32
      %dma_start3A_294 = arith.constant 0 : i32
      %dma_start3A_295 = tpu.memref_slice %arg8[%dma_start3A_293, %dma_start3A_294] : memref<16x128xi32, #tpu.memory_space<vmem>> -> memref<1x128xi32, #tpu.memory_space<vmem>>
      %dma_start3A_296 = tpu.memref_squeeze %dma_start3A_295 : memref<1x128xi32, #tpu.memory_space<vmem>> -> memref<128xi32, #tpu.memory_space<vmem>>
      %dma_start3A_297 = arith.constant 0 : i32
      %dma_start3A_298 = arith.constant 0 : i32
      %dma_start3A_299 = tpu.memref_slice %arg11[%dma_start3A_297, %dma_start3A_298] : memref<10240x128xf32, #tpu.memory_space<vmem_shared>> -> memref<10240x128xf32, #tpu.memory_space<vmem_shared>>
      tpu.enqueue_indirect_dma source(%arg10 : memref<128x128xf32, #tpu.memory_space<vmem>>) target(%dma_start3A_299 : memref<10240x128xf32, #tpu.memory_space<vmem_shared>>) offsets(%dma_start3A_296 : memref<128xi32, #tpu.memory_space<vmem>>) semaphore(%arg15 : memref<!tpu.dma_semaphore, #tpu.memory_space<semaphore_mem>>) {add = true}
      %dma_wait3A_300 = arith.constant 9 : i32
      %dma_wait3A_301 = arith.constant 0 : i32
      %dma_wait3A_302 = tpu.memref_slice %arg8[%dma_wait3A_300, %dma_wait3A_301] : memref<16x128xi32, #tpu.memory_space<vmem>> -> memref<1x128xi32, #tpu.memory_space<vmem>>
      %dma_wait3A_303 = tpu.memref_squeeze %dma_wait3A_302 : memref<1x128xi32, #tpu.memory_space<vmem>> -> memref<128xi32, #tpu.memory_space<vmem>>
      %dma_wait3A_304 = arith.constant 0 : i32
      %dma_wait3A_305 = arith.constant 0 : i32
      %dma_wait3A_306 = tpu.memref_slice %arg11[%dma_wait3A_304, %dma_wait3A_305] : memref<10240x128xf32, #tpu.memory_space<vmem_shared>> -> memref<10240x128xf32, #tpu.memory_space<vmem_shared>>
      tpu.wait_indirect_dma semaphore(%arg15 : memref<!tpu.dma_semaphore, #tpu.memory_space<semaphore_mem>>) src(%arg10 : memref<128x128xf32, #tpu.memory_space<vmem>>) dst(%dma_wait3A_306 : memref<10240x128xf32, #tpu.memory_space<vmem_shared>>)
      %dma_start3A_307 = arith.constant 11 : i32
      %dma_start3A_308 = arith.constant 0 : i32
      %dma_start3A_309 = tpu.memref_slice %arg7[%dma_start3A_307, %dma_start3A_308] : memref<16x128xi32, #tpu.memory_space<vmem>> -> memref<1x128xi32, #tpu.memory_space<vmem>>
      %dma_start3A_310 = tpu.memref_squeeze %dma_start3A_309 : memref<1x128xi32, #tpu.memory_space<vmem>> -> memref<128xi32, #tpu.memory_space<vmem>>
      %dma_start3A_311 = arith.constant 0 : i32
      %dma_start3A_312 = arith.constant 0 : i32
      %dma_start3A_313 = tpu.memref_slice %arg5[%dma_start3A_311, %dma_start3A_312] : memref<10240x128xf32, #tpu.memory_space<hbm>> -> memref<10240x128xf32, #tpu.memory_space<hbm>>
      tpu.enqueue_indirect_dma source(%dma_start3A_313 : memref<10240x128xf32, #tpu.memory_space<hbm>>) target(%arg10 : memref<128x128xf32, #tpu.memory_space<vmem>>) offsets(%dma_start3A_310 : memref<128xi32, #tpu.memory_space<vmem>>) semaphore(%arg13 : memref<!tpu.dma_semaphore, #tpu.memory_space<semaphore_mem>>)
      %dma_wait3A_314 = arith.constant 10 : i32
      %dma_wait3A_315 = arith.constant 0 : i32
      %dma_wait3A_316 = tpu.memref_slice %arg7[%dma_wait3A_314, %dma_wait3A_315] : memref<16x128xi32, #tpu.memory_space<vmem>> -> memref<1x128xi32, #tpu.memory_space<vmem>>
      %dma_wait3A_317 = tpu.memref_squeeze %dma_wait3A_316 : memref<1x128xi32, #tpu.memory_space<vmem>> -> memref<128xi32, #tpu.memory_space<vmem>>
      %dma_wait3A_318 = arith.constant 0 : i32
      %dma_wait3A_319 = arith.constant 0 : i32
      %dma_wait3A_320 = tpu.memref_slice %arg5[%dma_wait3A_318, %dma_wait3A_319] : memref<10240x128xf32, #tpu.memory_space<hbm>> -> memref<10240x128xf32, #tpu.memory_space<hbm>>
      tpu.wait_indirect_dma semaphore(%arg12 : memref<!tpu.dma_semaphore, #tpu.memory_space<semaphore_mem>>) src(%dma_wait3A_320 : memref<10240x128xf32, #tpu.memory_space<hbm>>) dst(%arg9 : memref<128x128xf32, #tpu.memory_space<vmem>>)
      %dma_start3A_321 = arith.constant 10 : i32
      %dma_start3A_322 = arith.constant 0 : i32
      %dma_start3A_323 = tpu.memref_slice %arg8[%dma_start3A_321, %dma_start3A_322] : memref<16x128xi32, #tpu.memory_space<vmem>> -> memref<1x128xi32, #tpu.memory_space<vmem>>
      %dma_start3A_324 = tpu.memref_squeeze %dma_start3A_323 : memref<1x128xi32, #tpu.memory_space<vmem>> -> memref<128xi32, #tpu.memory_space<vmem>>
      %dma_start3A_325 = arith.constant 0 : i32
      %dma_start3A_326 = arith.constant 0 : i32
      %dma_start3A_327 = tpu.memref_slice %arg11[%dma_start3A_325, %dma_start3A_326] : memref<10240x128xf32, #tpu.memory_space<vmem_shared>> -> memref<10240x128xf32, #tpu.memory_space<vmem_shared>>
      tpu.enqueue_indirect_dma source(%arg9 : memref<128x128xf32, #tpu.memory_space<vmem>>) target(%dma_start3A_327 : memref<10240x128xf32, #tpu.memory_space<vmem_shared>>) offsets(%dma_start3A_324 : memref<128xi32, #tpu.memory_space<vmem>>) semaphore(%arg14 : memref<!tpu.dma_semaphore, #tpu.memory_space<semaphore_mem>>) {add = true}
      %dma_wait3A_328 = arith.constant 10 : i32
      %dma_wait3A_329 = arith.constant 0 : i32
      %dma_wait3A_330 = tpu.memref_slice %arg8[%dma_wait3A_328, %dma_wait3A_329] : memref<16x128xi32, #tpu.memory_space<vmem>> -> memref<1x128xi32, #tpu.memory_space<vmem>>
      %dma_wait3A_331 = tpu.memref_squeeze %dma_wait3A_330 : memref<1x128xi32, #tpu.memory_space<vmem>> -> memref<128xi32, #tpu.memory_space<vmem>>
      %dma_wait3A_332 = arith.constant 0 : i32
      %dma_wait3A_333 = arith.constant 0 : i32
      %dma_wait3A_334 = tpu.memref_slice %arg11[%dma_wait3A_332, %dma_wait3A_333] : memref<10240x128xf32, #tpu.memory_space<vmem_shared>> -> memref<10240x128xf32, #tpu.memory_space<vmem_shared>>
      tpu.wait_indirect_dma semaphore(%arg14 : memref<!tpu.dma_semaphore, #tpu.memory_space<semaphore_mem>>) src(%arg9 : memref<128x128xf32, #tpu.memory_space<vmem>>) dst(%dma_wait3A_334 : memref<10240x128xf32, #tpu.memory_space<vmem_shared>>)
      %dma_start3A_335 = arith.constant 12 : i32
      %dma_start3A_336 = arith.constant 0 : i32
      %dma_start3A_337 = tpu.memref_slice %arg7[%dma_start3A_335, %dma_start3A_336] : memref<16x128xi32, #tpu.memory_space<vmem>> -> memref<1x128xi32, #tpu.memory_space<vmem>>
      %dma_start3A_338 = tpu.memref_squeeze %dma_start3A_337 : memref<1x128xi32, #tpu.memory_space<vmem>> -> memref<128xi32, #tpu.memory_space<vmem>>
      %dma_start3A_339 = arith.constant 0 : i32
      %dma_start3A_340 = arith.constant 0 : i32
      %dma_start3A_341 = tpu.memref_slice %arg5[%dma_start3A_339, %dma_start3A_340] : memref<10240x128xf32, #tpu.memory_space<hbm>> -> memref<10240x128xf32, #tpu.memory_space<hbm>>
      tpu.enqueue_indirect_dma source(%dma_start3A_341 : memref<10240x128xf32, #tpu.memory_space<hbm>>) target(%arg9 : memref<128x128xf32, #tpu.memory_space<vmem>>) offsets(%dma_start3A_338 : memref<128xi32, #tpu.memory_space<vmem>>) semaphore(%arg12 : memref<!tpu.dma_semaphore, #tpu.memory_space<semaphore_mem>>)
      %dma_wait3A_342 = arith.constant 11 : i32
      %dma_wait3A_343 = arith.constant 0 : i32
      %dma_wait3A_344 = tpu.memref_slice %arg7[%dma_wait3A_342, %dma_wait3A_343] : memref<16x128xi32, #tpu.memory_space<vmem>> -> memref<1x128xi32, #tpu.memory_space<vmem>>
      %dma_wait3A_345 = tpu.memref_squeeze %dma_wait3A_344 : memref<1x128xi32, #tpu.memory_space<vmem>> -> memref<128xi32, #tpu.memory_space<vmem>>
      %dma_wait3A_346 = arith.constant 0 : i32
      %dma_wait3A_347 = arith.constant 0 : i32
      %dma_wait3A_348 = tpu.memref_slice %arg5[%dma_wait3A_346, %dma_wait3A_347] : memref<10240x128xf32, #tpu.memory_space<hbm>> -> memref<10240x128xf32, #tpu.memory_space<hbm>>
      tpu.wait_indirect_dma semaphore(%arg13 : memref<!tpu.dma_semaphore, #tpu.memory_space<semaphore_mem>>) src(%dma_wait3A_348 : memref<10240x128xf32, #tpu.memory_space<hbm>>) dst(%arg10 : memref<128x128xf32, #tpu.memory_space<vmem>>)
      %dma_start3A_349 = arith.constant 11 : i32
      %dma_start3A_350 = arith.constant 0 : i32
      %dma_start3A_351 = tpu.memref_slice %arg8[%dma_start3A_349, %dma_start3A_350] : memref<16x128xi32, #tpu.memory_space<vmem>> -> memref<1x128xi32, #tpu.memory_space<vmem>>
      %dma_start3A_352 = tpu.memref_squeeze %dma_start3A_351 : memref<1x128xi32, #tpu.memory_space<vmem>> -> memref<128xi32, #tpu.memory_space<vmem>>
      %dma_start3A_353 = arith.constant 0 : i32
      %dma_start3A_354 = arith.constant 0 : i32
      %dma_start3A_355 = tpu.memref_slice %arg11[%dma_start3A_353, %dma_start3A_354] : memref<10240x128xf32, #tpu.memory_space<vmem_shared>> -> memref<10240x128xf32, #tpu.memory_space<vmem_shared>>
      tpu.enqueue_indirect_dma source(%arg10 : memref<128x128xf32, #tpu.memory_space<vmem>>) target(%dma_start3A_355 : memref<10240x128xf32, #tpu.memory_space<vmem_shared>>) offsets(%dma_start3A_352 : memref<128xi32, #tpu.memory_space<vmem>>) semaphore(%arg15 : memref<!tpu.dma_semaphore, #tpu.memory_space<semaphore_mem>>) {add = true}
      %dma_wait3A_356 = arith.constant 11 : i32
      %dma_wait3A_357 = arith.constant 0 : i32
      %dma_wait3A_358 = tpu.memref_slice %arg8[%dma_wait3A_356, %dma_wait3A_357] : memref<16x128xi32, #tpu.memory_space<vmem>> -> memref<1x128xi32, #tpu.memory_space<vmem>>
      %dma_wait3A_359 = tpu.memref_squeeze %dma_wait3A_358 : memref<1x128xi32, #tpu.memory_space<vmem>> -> memref<128xi32, #tpu.memory_space<vmem>>
      %dma_wait3A_360 = arith.constant 0 : i32
      %dma_wait3A_361 = arith.constant 0 : i32
      %dma_wait3A_362 = tpu.memref_slice %arg11[%dma_wait3A_360, %dma_wait3A_361] : memref<10240x128xf32, #tpu.memory_space<vmem_shared>> -> memref<10240x128xf32, #tpu.memory_space<vmem_shared>>
      tpu.wait_indirect_dma semaphore(%arg15 : memref<!tpu.dma_semaphore, #tpu.memory_space<semaphore_mem>>) src(%arg10 : memref<128x128xf32, #tpu.memory_space<vmem>>) dst(%dma_wait3A_362 : memref<10240x128xf32, #tpu.memory_space<vmem_shared>>)
      %dma_start3A_363 = arith.constant 13 : i32
      %dma_start3A_364 = arith.constant 0 : i32
      %dma_start3A_365 = tpu.memref_slice %arg7[%dma_start3A_363, %dma_start3A_364] : memref<16x128xi32, #tpu.memory_space<vmem>> -> memref<1x128xi32, #tpu.memory_space<vmem>>
      %dma_start3A_366 = tpu.memref_squeeze %dma_start3A_365 : memref<1x128xi32, #tpu.memory_space<vmem>> -> memref<128xi32, #tpu.memory_space<vmem>>
      %dma_start3A_367 = arith.constant 0 : i32
      %dma_start3A_368 = arith.constant 0 : i32
      %dma_start3A_369 = tpu.memref_slice %arg5[%dma_start3A_367, %dma_start3A_368] : memref<10240x128xf32, #tpu.memory_space<hbm>> -> memref<10240x128xf32, #tpu.memory_space<hbm>>
      tpu.enqueue_indirect_dma source(%dma_start3A_369 : memref<10240x128xf32, #tpu.memory_space<hbm>>) target(%arg10 : memref<128x128xf32, #tpu.memory_space<vmem>>) offsets(%dma_start3A_366 : memref<128xi32, #tpu.memory_space<vmem>>) semaphore(%arg13 : memref<!tpu.dma_semaphore, #tpu.memory_space<semaphore_mem>>)
      %dma_wait3A_370 = arith.constant 12 : i32
      %dma_wait3A_371 = arith.constant 0 : i32
      %dma_wait3A_372 = tpu.memref_slice %arg7[%dma_wait3A_370, %dma_wait3A_371] : memref<16x128xi32, #tpu.memory_space<vmem>> -> memref<1x128xi32, #tpu.memory_space<vmem>>
      %dma_wait3A_373 = tpu.memref_squeeze %dma_wait3A_372 : memref<1x128xi32, #tpu.memory_space<vmem>> -> memref<128xi32, #tpu.memory_space<vmem>>
      %dma_wait3A_374 = arith.constant 0 : i32
      %dma_wait3A_375 = arith.constant 0 : i32
      %dma_wait3A_376 = tpu.memref_slice %arg5[%dma_wait3A_374, %dma_wait3A_375] : memref<10240x128xf32, #tpu.memory_space<hbm>> -> memref<10240x128xf32, #tpu.memory_space<hbm>>
      tpu.wait_indirect_dma semaphore(%arg12 : memref<!tpu.dma_semaphore, #tpu.memory_space<semaphore_mem>>) src(%dma_wait3A_376 : memref<10240x128xf32, #tpu.memory_space<hbm>>) dst(%arg9 : memref<128x128xf32, #tpu.memory_space<vmem>>)
      %dma_start3A_377 = arith.constant 12 : i32
      %dma_start3A_378 = arith.constant 0 : i32
      %dma_start3A_379 = tpu.memref_slice %arg8[%dma_start3A_377, %dma_start3A_378] : memref<16x128xi32, #tpu.memory_space<vmem>> -> memref<1x128xi32, #tpu.memory_space<vmem>>
      %dma_start3A_380 = tpu.memref_squeeze %dma_start3A_379 : memref<1x128xi32, #tpu.memory_space<vmem>> -> memref<128xi32, #tpu.memory_space<vmem>>
      %dma_start3A_381 = arith.constant 0 : i32
      %dma_start3A_382 = arith.constant 0 : i32
      %dma_start3A_383 = tpu.memref_slice %arg11[%dma_start3A_381, %dma_start3A_382] : memref<10240x128xf32, #tpu.memory_space<vmem_shared>> -> memref<10240x128xf32, #tpu.memory_space<vmem_shared>>
      tpu.enqueue_indirect_dma source(%arg9 : memref<128x128xf32, #tpu.memory_space<vmem>>) target(%dma_start3A_383 : memref<10240x128xf32, #tpu.memory_space<vmem_shared>>) offsets(%dma_start3A_380 : memref<128xi32, #tpu.memory_space<vmem>>) semaphore(%arg14 : memref<!tpu.dma_semaphore, #tpu.memory_space<semaphore_mem>>) {add = true}
      %dma_wait3A_384 = arith.constant 12 : i32
      %dma_wait3A_385 = arith.constant 0 : i32
      %dma_wait3A_386 = tpu.memref_slice %arg8[%dma_wait3A_384, %dma_wait3A_385] : memref<16x128xi32, #tpu.memory_space<vmem>> -> memref<1x128xi32, #tpu.memory_space<vmem>>
      %dma_wait3A_387 = tpu.memref_squeeze %dma_wait3A_386 : memref<1x128xi32, #tpu.memory_space<vmem>> -> memref<128xi32, #tpu.memory_space<vmem>>
      %dma_wait3A_388 = arith.constant 0 : i32
      %dma_wait3A_389 = arith.constant 0 : i32
      %dma_wait3A_390 = tpu.memref_slice %arg11[%dma_wait3A_388, %dma_wait3A_389] : memref<10240x128xf32, #tpu.memory_space<vmem_shared>> -> memref<10240x128xf32, #tpu.memory_space<vmem_shared>>
      tpu.wait_indirect_dma semaphore(%arg14 : memref<!tpu.dma_semaphore, #tpu.memory_space<semaphore_mem>>) src(%arg9 : memref<128x128xf32, #tpu.memory_space<vmem>>) dst(%dma_wait3A_390 : memref<10240x128xf32, #tpu.memory_space<vmem_shared>>)
      %dma_start3A_391 = arith.constant 14 : i32
      %dma_start3A_392 = arith.constant 0 : i32
      %dma_start3A_393 = tpu.memref_slice %arg7[%dma_start3A_391, %dma_start3A_392] : memref<16x128xi32, #tpu.memory_space<vmem>> -> memref<1x128xi32, #tpu.memory_space<vmem>>
      %dma_start3A_394 = tpu.memref_squeeze %dma_start3A_393 : memref<1x128xi32, #tpu.memory_space<vmem>> -> memref<128xi32, #tpu.memory_space<vmem>>
      %dma_start3A_395 = arith.constant 0 : i32
      %dma_start3A_396 = arith.constant 0 : i32
      %dma_start3A_397 = tpu.memref_slice %arg5[%dma_start3A_395, %dma_start3A_396] : memref<10240x128xf32, #tpu.memory_space<hbm>> -> memref<10240x128xf32, #tpu.memory_space<hbm>>
      tpu.enqueue_indirect_dma source(%dma_start3A_397 : memref<10240x128xf32, #tpu.memory_space<hbm>>) target(%arg9 : memref<128x128xf32, #tpu.memory_space<vmem>>) offsets(%dma_start3A_394 : memref<128xi32, #tpu.memory_space<vmem>>) semaphore(%arg12 : memref<!tpu.dma_semaphore, #tpu.memory_space<semaphore_mem>>)
      %dma_wait3A_398 = arith.constant 13 : i32
      %dma_wait3A_399 = arith.constant 0 : i32
      %dma_wait3A_400 = tpu.memref_slice %arg7[%dma_wait3A_398, %dma_wait3A_399] : memref<16x128xi32, #tpu.memory_space<vmem>> -> memref<1x128xi32, #tpu.memory_space<vmem>>
      %dma_wait3A_401 = tpu.memref_squeeze %dma_wait3A_400 : memref<1x128xi32, #tpu.memory_space<vmem>> -> memref<128xi32, #tpu.memory_space<vmem>>
      %dma_wait3A_402 = arith.constant 0 : i32
      %dma_wait3A_403 = arith.constant 0 : i32
      %dma_wait3A_404 = tpu.memref_slice %arg5[%dma_wait3A_402, %dma_wait3A_403] : memref<10240x128xf32, #tpu.memory_space<hbm>> -> memref<10240x128xf32, #tpu.memory_space<hbm>>
      tpu.wait_indirect_dma semaphore(%arg13 : memref<!tpu.dma_semaphore, #tpu.memory_space<semaphore_mem>>) src(%dma_wait3A_404 : memref<10240x128xf32, #tpu.memory_space<hbm>>) dst(%arg10 : memref<128x128xf32, #tpu.memory_space<vmem>>)
      %dma_start3A_405 = arith.constant 13 : i32
      %dma_start3A_406 = arith.constant 0 : i32
      %dma_start3A_407 = tpu.memref_slice %arg8[%dma_start3A_405, %dma_start3A_406] : memref<16x128xi32, #tpu.memory_space<vmem>> -> memref<1x128xi32, #tpu.memory_space<vmem>>
      %dma_start3A_408 = tpu.memref_squeeze %dma_start3A_407 : memref<1x128xi32, #tpu.memory_space<vmem>> -> memref<128xi32, #tpu.memory_space<vmem>>
      %dma_start3A_409 = arith.constant 0 : i32
      %dma_start3A_410 = arith.constant 0 : i32
      %dma_start3A_411 = tpu.memref_slice %arg11[%dma_start3A_409, %dma_start3A_410] : memref<10240x128xf32, #tpu.memory_space<vmem_shared>> -> memref<10240x128xf32, #tpu.memory_space<vmem_shared>>
      tpu.enqueue_indirect_dma source(%arg10 : memref<128x128xf32, #tpu.memory_space<vmem>>) target(%dma_start3A_411 : memref<10240x128xf32, #tpu.memory_space<vmem_shared>>) offsets(%dma_start3A_408 : memref<128xi32, #tpu.memory_space<vmem>>) semaphore(%arg15 : memref<!tpu.dma_semaphore, #tpu.memory_space<semaphore_mem>>) {add = true}
      %dma_wait3A_412 = arith.constant 13 : i32
      %dma_wait3A_413 = arith.constant 0 : i32
      %dma_wait3A_414 = tpu.memref_slice %arg8[%dma_wait3A_412, %dma_wait3A_413] : memref<16x128xi32, #tpu.memory_space<vmem>> -> memref<1x128xi32, #tpu.memory_space<vmem>>
      %dma_wait3A_415 = tpu.memref_squeeze %dma_wait3A_414 : memref<1x128xi32, #tpu.memory_space<vmem>> -> memref<128xi32, #tpu.memory_space<vmem>>
      %dma_wait3A_416 = arith.constant 0 : i32
      %dma_wait3A_417 = arith.constant 0 : i32
      %dma_wait3A_418 = tpu.memref_slice %arg11[%dma_wait3A_416, %dma_wait3A_417] : memref<10240x128xf32, #tpu.memory_space<vmem_shared>> -> memref<10240x128xf32, #tpu.memory_space<vmem_shared>>
      tpu.wait_indirect_dma semaphore(%arg15 : memref<!tpu.dma_semaphore, #tpu.memory_space<semaphore_mem>>) src(%arg10 : memref<128x128xf32, #tpu.memory_space<vmem>>) dst(%dma_wait3A_418 : memref<10240x128xf32, #tpu.memory_space<vmem_shared>>)
      %dma_start3A_419 = arith.constant 15 : i32
      %dma_start3A_420 = arith.constant 0 : i32
      %dma_start3A_421 = tpu.memref_slice %arg7[%dma_start3A_419, %dma_start3A_420] : memref<16x128xi32, #tpu.memory_space<vmem>> -> memref<1x128xi32, #tpu.memory_space<vmem>>
      %dma_start3A_422 = tpu.memref_squeeze %dma_start3A_421 : memref<1x128xi32, #tpu.memory_space<vmem>> -> memref<128xi32, #tpu.memory_space<vmem>>
      %dma_start3A_423 = arith.constant 0 : i32
      %dma_start3A_424 = arith.constant 0 : i32
      %dma_start3A_425 = tpu.memref_slice %arg5[%dma_start3A_423, %dma_start3A_424] : memref<10240x128xf32, #tpu.memory_space<hbm>> -> memref<10240x128xf32, #tpu.memory_space<hbm>>
      tpu.enqueue_indirect_dma source(%dma_start3A_425 : memref<10240x128xf32, #tpu.memory_space<hbm>>) target(%arg10 : memref<128x128xf32, #tpu.memory_space<vmem>>) offsets(%dma_start3A_422 : memref<128xi32, #tpu.memory_space<vmem>>) semaphore(%arg13 : memref<!tpu.dma_semaphore, #tpu.memory_space<semaphore_mem>>)
      %dma_wait3A_426 = arith.constant 14 : i32
      %dma_wait3A_427 = arith.constant 0 : i32
      %dma_wait3A_428 = tpu.memref_slice %arg7[%dma_wait3A_426, %dma_wait3A_427] : memref<16x128xi32, #tpu.memory_space<vmem>> -> memref<1x128xi32, #tpu.memory_space<vmem>>
      %dma_wait3A_429 = tpu.memref_squeeze %dma_wait3A_428 : memref<1x128xi32, #tpu.memory_space<vmem>> -> memref<128xi32, #tpu.memory_space<vmem>>
      %dma_wait3A_430 = arith.constant 0 : i32
      %dma_wait3A_431 = arith.constant 0 : i32
      %dma_wait3A_432 = tpu.memref_slice %arg5[%dma_wait3A_430, %dma_wait3A_431] : memref<10240x128xf32, #tpu.memory_space<hbm>> -> memref<10240x128xf32, #tpu.memory_space<hbm>>
      tpu.wait_indirect_dma semaphore(%arg12 : memref<!tpu.dma_semaphore, #tpu.memory_space<semaphore_mem>>) src(%dma_wait3A_432 : memref<10240x128xf32, #tpu.memory_space<hbm>>) dst(%arg9 : memref<128x128xf32, #tpu.memory_space<vmem>>)
      %dma_start3A_433 = arith.constant 14 : i32
      %dma_start3A_434 = arith.constant 0 : i32
      %dma_start3A_435 = tpu.memref_slice %arg8[%dma_start3A_433, %dma_start3A_434] : memref<16x128xi32, #tpu.memory_space<vmem>> -> memref<1x128xi32, #tpu.memory_space<vmem>>
      %dma_start3A_436 = tpu.memref_squeeze %dma_start3A_435 : memref<1x128xi32, #tpu.memory_space<vmem>> -> memref<128xi32, #tpu.memory_space<vmem>>
      %dma_start3A_437 = arith.constant 0 : i32
      %dma_start3A_438 = arith.constant 0 : i32
      %dma_start3A_439 = tpu.memref_slice %arg11[%dma_start3A_437, %dma_start3A_438] : memref<10240x128xf32, #tpu.memory_space<vmem_shared>> -> memref<10240x128xf32, #tpu.memory_space<vmem_shared>>
      tpu.enqueue_indirect_dma source(%arg9 : memref<128x128xf32, #tpu.memory_space<vmem>>) target(%dma_start3A_439 : memref<10240x128xf32, #tpu.memory_space<vmem_shared>>) offsets(%dma_start3A_436 : memref<128xi32, #tpu.memory_space<vmem>>) semaphore(%arg14 : memref<!tpu.dma_semaphore, #tpu.memory_space<semaphore_mem>>) {add = true}
      %dma_wait3A_440 = arith.constant 15 : i32
      %dma_wait3A_441 = arith.constant 0 : i32
      %dma_wait3A_442 = tpu.memref_slice %arg7[%dma_wait3A_440, %dma_wait3A_441] : memref<16x128xi32, #tpu.memory_space<vmem>> -> memref<1x128xi32, #tpu.memory_space<vmem>>
      %dma_wait3A_443 = tpu.memref_squeeze %dma_wait3A_442 : memref<1x128xi32, #tpu.memory_space<vmem>> -> memref<128xi32, #tpu.memory_space<vmem>>
      %dma_wait3A_444 = arith.constant 0 : i32
      %dma_wait3A_445 = arith.constant 0 : i32
      %dma_wait3A_446 = tpu.memref_slice %arg5[%dma_wait3A_444, %dma_wait3A_445] : memref<10240x128xf32, #tpu.memory_space<hbm>> -> memref<10240x128xf32, #tpu.memory_space<hbm>>
      tpu.wait_indirect_dma semaphore(%arg13 : memref<!tpu.dma_semaphore, #tpu.memory_space<semaphore_mem>>) src(%dma_wait3A_446 : memref<10240x128xf32, #tpu.memory_space<hbm>>) dst(%arg10 : memref<128x128xf32, #tpu.memory_space<vmem>>)
      %dma_start3A_447 = arith.constant 15 : i32
      %dma_start3A_448 = arith.constant 0 : i32
      %dma_start3A_449 = tpu.memref_slice %arg8[%dma_start3A_447, %dma_start3A_448] : memref<16x128xi32, #tpu.memory_space<vmem>> -> memref<1x128xi32, #tpu.memory_space<vmem>>
      %dma_start3A_450 = tpu.memref_squeeze %dma_start3A_449 : memref<1x128xi32, #tpu.memory_space<vmem>> -> memref<128xi32, #tpu.memory_space<vmem>>
      %dma_start3A_451 = arith.constant 0 : i32
      %dma_start3A_452 = arith.constant 0 : i32
      %dma_start3A_453 = tpu.memref_slice %arg11[%dma_start3A_451, %dma_start3A_452] : memref<10240x128xf32, #tpu.memory_space<vmem_shared>> -> memref<10240x128xf32, #tpu.memory_space<vmem_shared>>
      tpu.enqueue_indirect_dma source(%arg10 : memref<128x128xf32, #tpu.memory_space<vmem>>) target(%dma_start3A_453 : memref<10240x128xf32, #tpu.memory_space<vmem_shared>>) offsets(%dma_start3A_450 : memref<128xi32, #tpu.memory_space<vmem>>) semaphore(%arg15 : memref<!tpu.dma_semaphore, #tpu.memory_space<semaphore_mem>>) {add = true}
      %dma_wait3A_454 = arith.constant 14 : i32
      %dma_wait3A_455 = arith.constant 0 : i32
      %dma_wait3A_456 = tpu.memref_slice %arg8[%dma_wait3A_454, %dma_wait3A_455] : memref<16x128xi32, #tpu.memory_space<vmem>> -> memref<1x128xi32, #tpu.memory_space<vmem>>
      %dma_wait3A_457 = tpu.memref_squeeze %dma_wait3A_456 : memref<1x128xi32, #tpu.memory_space<vmem>> -> memref<128xi32, #tpu.memory_space<vmem>>
      %dma_wait3A_458 = arith.constant 0 : i32
      %dma_wait3A_459 = arith.constant 0 : i32
      %dma_wait3A_460 = tpu.memref_slice %arg11[%dma_wait3A_458, %dma_wait3A_459] : memref<10240x128xf32, #tpu.memory_space<vmem_shared>> -> memref<10240x128xf32, #tpu.memory_space<vmem_shared>>
      tpu.wait_indirect_dma semaphore(%arg14 : memref<!tpu.dma_semaphore, #tpu.memory_space<semaphore_mem>>) src(%arg9 : memref<128x128xf32, #tpu.memory_space<vmem>>) dst(%dma_wait3A_460 : memref<10240x128xf32, #tpu.memory_space<vmem_shared>>)
      %dma_wait3A_461 = arith.constant 15 : i32
      %dma_wait3A_462 = arith.constant 0 : i32
      %dma_wait3A_463 = tpu.memref_slice %arg8[%dma_wait3A_461, %dma_wait3A_462] : memref<16x128xi32, #tpu.memory_space<vmem>> -> memref<1x128xi32, #tpu.memory_space<vmem>>
      %dma_wait3A_464 = tpu.memref_squeeze %dma_wait3A_463 : memref<1x128xi32, #tpu.memory_space<vmem>> -> memref<128xi32, #tpu.memory_space<vmem>>
      %dma_wait3A_465 = arith.constant 0 : i32
      %dma_wait3A_466 = arith.constant 0 : i32
      %dma_wait3A_467 = tpu.memref_slice %arg11[%dma_wait3A_465, %dma_wait3A_466] : memref<10240x128xf32, #tpu.memory_space<vmem_shared>> -> memref<10240x128xf32, #tpu.memory_space<vmem_shared>>
      tpu.wait_indirect_dma semaphore(%arg15 : memref<!tpu.dma_semaphore, #tpu.memory_space<semaphore_mem>>) src(%arg10 : memref<128x128xf32, #tpu.memory_space<vmem>>) dst(%dma_wait3A_467 : memref<10240x128xf32, #tpu.memory_space<vmem_shared>>)
      %scan3A_468 = arith.constant 0 : i32
      scf.yield %scan3A_468 : i32
    }
    %scan3A_8 = arith.constant 5 : i32
    %barrier3A_9 = arith.constant 0 : index
    tpu.barrier barrier_id(%barrier3A_9)
    %eq3A_10 = arith.constant 0 : i32
    %eq3A_11 = arith.cmpi eq, %arg1, %eq3A_10 : i32
    %convert_element_type3A_12 = arith.extui %eq3A_11 : i1 to i32
    %cond3A_13 = arith.constant 0 : i32
    %cond3A_14 = arith.cmpi ne, %convert_element_type3A_12, %cond3A_13 : i32
    scf.if %cond3A_14 {
      %mul3A_15 = arith.constant 10240 : i32
      %mul3A_16 = arith.muli %arg0, %mul3A_15 : i32
      "tpu.region"() ({
        %run_scoped3A = tpu.sem_alloc : memref<!tpu.dma_semaphore, #tpu.memory_space<semaphore_mem>>
        %dma_start3A = arith.constant 0 : i32
        %dma_start3A_17 = tpu.memref_slice %arg6[%mul3A_16, %dma_start3A] : memref<20480x128xf32, #tpu.memory_space<hbm>> -> memref<10240x128xf32, #tpu.memory_space<hbm>>
        tpu.enqueue_dma source(%arg11 : memref<10240x128xf32, #tpu.memory_space<vmem_shared>>) target(%dma_start3A_17 : memref<10240x128xf32, #tpu.memory_space<hbm>>) target_semaphore(%run_scoped3A : memref<!tpu.dma_semaphore, #tpu.memory_space<semaphore_mem>>)
        %dma_wait3A = arith.constant 0 : i32
        %dma_wait3A_18 = tpu.memref_slice %arg6[%mul3A_16, %dma_wait3A] : memref<20480x128xf32, #tpu.memory_space<hbm>> -> memref<10240x128xf32, #tpu.memory_space<hbm>>
        tpu.wait_dma2 semaphore(%run_scoped3A : memref<!tpu.dma_semaphore, #tpu.memory_space<semaphore_mem>>) src(%arg11 : memref<10240x128xf32, #tpu.memory_space<vmem_shared>>) dst(%dma_wait3A_18 : memref<10240x128xf32, #tpu.memory_space<hbm>>)
        tpu.yield
      }) : () -> ()
    } else {
    }
    return
  }
}

#map = affine_map<(d0, d1) -> (0, 0)>
#map1 = affine_map<(d0, d1) -> (0, 0, 0)>
module attributes {stable_mosaic.version = 14 : i64} {
  func.func @_agg1_body(%arg0: i32, %arg1: i32, %arg2: memref<10240x128xf32, #tpu.memory_space<hbm>>, %arg3: memref<2x2560x128xi32, #tpu.memory_space<hbm>>, %arg4: memref<2560x128xi32, #tpu.memory_space<hbm>>, %arg5: memref<20480x128xf32, #tpu.memory_space<hbm>>, %arg6: memref<20480x128xf32, #tpu.memory_space<hbm>>, %arg7: memref<16x128xi32, #tpu.memory_space<vmem>>, %arg8: memref<16x128xi32, #tpu.memory_space<vmem>>, %arg9: memref<128x128xf32, #tpu.memory_space<vmem>>, %arg10: memref<128x128xf32, #tpu.memory_space<vmem>>, %arg11: memref<10240x128xf32, #tpu.memory_space<vmem_shared>>, %arg12: memref<!tpu.dma_semaphore, #tpu.memory_space<semaphore_mem>>, %arg13: memref<!tpu.dma_semaphore, #tpu.memory_space<semaphore_mem>>, %arg14: memref<!tpu.dma_semaphore, #tpu.memory_space<semaphore_mem>>, %arg15: memref<!tpu.dma_semaphore, #tpu.memory_space<semaphore_mem>>) attributes {dimension_semantics = [#tpu.dimension_semantics<core_parallel>, #tpu.dimension_semantics<subcore_parallel>], iteration_bounds = array<i64: 2, 16>, scalar_prefetch = 0 : i64, scratch_operands = 9 : i64, tpu.core_type = #tpu.core_type<sc_vector_subcore>, window_params = [{transform_indices = #map}, {transform_indices = #map1}, {transform_indices = #map}, {transform_indices = #map}, {transform_indices = #map}]} {
    %eq3A = arith.constant 0 : i32
    %eq3A_0 = arith.cmpi eq, %arg1, %eq3A : i32
    %convert_element_type3A = arith.extui %eq3A_0 : i1 to i32
    %cond3A = arith.constant 0 : i32
    %cond3A_1 = arith.cmpi ne, %convert_element_type3A, %cond3A : i32
    scf.if %cond3A_1 {
      "tpu.region"() ({
        %run_scoped3A = tpu.sem_alloc : memref<!tpu.dma_semaphore, #tpu.memory_space<semaphore_mem>>
        tpu.enqueue_dma source(%arg2 : memref<10240x128xf32, #tpu.memory_space<hbm>>) target(%arg11 : memref<10240x128xf32, #tpu.memory_space<vmem_shared>>) target_semaphore(%run_scoped3A : memref<!tpu.dma_semaphore, #tpu.memory_space<semaphore_mem>>)
        tpu.wait_dma2 semaphore(%run_scoped3A : memref<!tpu.dma_semaphore, #tpu.memory_space<semaphore_mem>>) src(%arg2 : memref<10240x128xf32, #tpu.memory_space<hbm>>) dst(%arg11 : memref<10240x128xf32, #tpu.memory_space<vmem_shared>>)
        tpu.yield
      }) : () -> ()
    } else {
    }
    %barrier3A = arith.constant 0 : index
    tpu.barrier barrier_id(%barrier3A)
    %scan3A = arith.constant 0 : i32
    %scan3A_2 = arith.constant 0 : i32
    %scan3A_3 = arith.constant 10 : i32
    %scan3A_4 = arith.addi %scan3A_2, %scan3A_3 : i32
    %scan3A_5 = arith.constant 1 : i32
    %scan3A_6 = scf.for %scan3A_14 = %scan3A_2 to %scan3A_4 step %scan3A_5 iter_args(%scan3A_15 = %scan3A) -> (i32)  : i32 {
      %mul3A = arith.constant 160 : i32
      %mul3A_16 = arith.muli %arg1, %mul3A : i32
      %mul3A_17 = arith.constant 16 : i32
      %mul3A_18 = arith.muli %scan3A_14, %mul3A_17 : i32
      %add3A = arith.addi %mul3A_16, %mul3A_18 : i32
      "tpu.region"() ({
        %run_scoped3A = tpu.sem_alloc : memref<!tpu.dma_semaphore, #tpu.memory_space<semaphore_mem>>
        %dma_start3A_466 = arith.constant 0 : i32
        %dma_start3A_467 = tpu.memref_slice %arg3[%arg0, %add3A, %dma_start3A_466] : memref<2x2560x128xi32, #tpu.memory_space<hbm>> -> memref<1x16x128xi32, #tpu.memory_space<hbm>>
        %dma_start3A_468 = tpu.memref_squeeze %dma_start3A_467 : memref<1x16x128xi32, #tpu.memory_space<hbm>> -> memref<16x128xi32, #tpu.memory_space<hbm>>
        %dma_start3A_469 = arith.constant 0 : i32
        %dma_start3A_470 = tpu.memref_slice %arg3[%arg0, %add3A, %dma_start3A_469] : memref<2x2560x128xi32, #tpu.memory_space<hbm>> -> memref<1x16x128xi32, #tpu.memory_space<hbm>>
        %dma_start3A_471 = tpu.memref_squeeze %dma_start3A_470 : memref<1x16x128xi32, #tpu.memory_space<hbm>> -> memref<16x128xi32, #tpu.memory_space<hbm>>
        tpu.enqueue_dma source(%dma_start3A_471 : memref<16x128xi32, #tpu.memory_space<hbm>>) target(%arg7 : memref<16x128xi32, #tpu.memory_space<vmem>>) target_semaphore(%run_scoped3A : memref<!tpu.dma_semaphore, #tpu.memory_space<semaphore_mem>>)
        %dma_wait3A_472 = arith.constant 0 : i32
        %dma_wait3A_473 = tpu.memref_slice %arg3[%arg0, %add3A, %dma_wait3A_472] : memref<2x2560x128xi32, #tpu.memory_space<hbm>> -> memref<1x16x128xi32, #tpu.memory_space<hbm>>
        %dma_wait3A_474 = tpu.memref_squeeze %dma_wait3A_473 : memref<1x16x128xi32, #tpu.memory_space<hbm>> -> memref<16x128xi32, #tpu.memory_space<hbm>>
        %dma_wait3A_475 = arith.constant 0 : i32
        %dma_wait3A_476 = tpu.memref_slice %arg3[%arg0, %add3A, %dma_wait3A_475] : memref<2x2560x128xi32, #tpu.memory_space<hbm>> -> memref<1x16x128xi32, #tpu.memory_space<hbm>>
        %dma_wait3A_477 = tpu.memref_squeeze %dma_wait3A_476 : memref<1x16x128xi32, #tpu.memory_space<hbm>> -> memref<16x128xi32, #tpu.memory_space<hbm>>
        tpu.wait_dma2 semaphore(%run_scoped3A : memref<!tpu.dma_semaphore, #tpu.memory_space<semaphore_mem>>) src(%dma_wait3A_477 : memref<16x128xi32, #tpu.memory_space<hbm>>) dst(%arg7 : memref<16x128xi32, #tpu.memory_space<vmem>>)
        tpu.yield
      }) : () -> ()
      "tpu.region"() ({
        %run_scoped3A = tpu.sem_alloc : memref<!tpu.dma_semaphore, #tpu.memory_space<semaphore_mem>>
        %dma_start3A_466 = arith.constant 0 : i32
        %dma_start3A_467 = tpu.memref_slice %arg4[%add3A, %dma_start3A_466] : memref<2560x128xi32, #tpu.memory_space<hbm>> -> memref<16x128xi32, #tpu.memory_space<hbm>>
        %dma_start3A_468 = arith.constant 0 : i32
        %dma_start3A_469 = tpu.memref_slice %arg4[%add3A, %dma_start3A_468] : memref<2560x128xi32, #tpu.memory_space<hbm>> -> memref<16x128xi32, #tpu.memory_space<hbm>>
        tpu.enqueue_dma source(%dma_start3A_469 : memref<16x128xi32, #tpu.memory_space<hbm>>) target(%arg8 : memref<16x128xi32, #tpu.memory_space<vmem>>) target_semaphore(%run_scoped3A : memref<!tpu.dma_semaphore, #tpu.memory_space<semaphore_mem>>)
        %dma_wait3A_470 = arith.constant 0 : i32
        %dma_wait3A_471 = tpu.memref_slice %arg4[%add3A, %dma_wait3A_470] : memref<2560x128xi32, #tpu.memory_space<hbm>> -> memref<16x128xi32, #tpu.memory_space<hbm>>
        %dma_wait3A_472 = arith.constant 0 : i32
        %dma_wait3A_473 = tpu.memref_slice %arg4[%add3A, %dma_wait3A_472] : memref<2560x128xi32, #tpu.memory_space<hbm>> -> memref<16x128xi32, #tpu.memory_space<hbm>>
        tpu.wait_dma2 semaphore(%run_scoped3A : memref<!tpu.dma_semaphore, #tpu.memory_space<semaphore_mem>>) src(%dma_wait3A_473 : memref<16x128xi32, #tpu.memory_space<hbm>>) dst(%arg8 : memref<16x128xi32, #tpu.memory_space<vmem>>)
        tpu.yield
      }) : () -> ()
      %dma_start3A = arith.constant 0 : i32
      %dma_start3A_19 = arith.constant 0 : i32
      %dma_start3A_20 = tpu.memref_slice %arg7[%dma_start3A, %dma_start3A_19] : memref<16x128xi32, #tpu.memory_space<vmem>> -> memref<1x128xi32, #tpu.memory_space<vmem>>
      %dma_start3A_21 = tpu.memref_squeeze %dma_start3A_20 : memref<1x128xi32, #tpu.memory_space<vmem>> -> memref<128xi32, #tpu.memory_space<vmem>>
      %dma_start3A_22 = arith.constant 0 : i32
      %dma_start3A_23 = arith.constant 0 : i32
      %dma_start3A_24 = tpu.memref_slice %arg5[%dma_start3A_22, %dma_start3A_23] : memref<20480x128xf32, #tpu.memory_space<hbm>> -> memref<20480x128xf32, #tpu.memory_space<hbm>>
      tpu.enqueue_indirect_dma source(%dma_start3A_24 : memref<20480x128xf32, #tpu.memory_space<hbm>>) target(%arg9 : memref<128x128xf32, #tpu.memory_space<vmem>>) offsets(%dma_start3A_21 : memref<128xi32, #tpu.memory_space<vmem>>) semaphore(%arg12 : memref<!tpu.dma_semaphore, #tpu.memory_space<semaphore_mem>>)
      %dma_start3A_25 = arith.constant 1 : i32
      %dma_start3A_26 = arith.constant 0 : i32
      %dma_start3A_27 = tpu.memref_slice %arg7[%dma_start3A_25, %dma_start3A_26] : memref<16x128xi32, #tpu.memory_space<vmem>> -> memref<1x128xi32, #tpu.memory_space<vmem>>
      %dma_start3A_28 = tpu.memref_squeeze %dma_start3A_27 : memref<1x128xi32, #tpu.memory_space<vmem>> -> memref<128xi32, #tpu.memory_space<vmem>>
      %dma_start3A_29 = arith.constant 0 : i32
      %dma_start3A_30 = arith.constant 0 : i32
      %dma_start3A_31 = tpu.memref_slice %arg5[%dma_start3A_29, %dma_start3A_30] : memref<20480x128xf32, #tpu.memory_space<hbm>> -> memref<20480x128xf32, #tpu.memory_space<hbm>>
      tpu.enqueue_indirect_dma source(%dma_start3A_31 : memref<20480x128xf32, #tpu.memory_space<hbm>>) target(%arg10 : memref<128x128xf32, #tpu.memory_space<vmem>>) offsets(%dma_start3A_28 : memref<128xi32, #tpu.memory_space<vmem>>) semaphore(%arg13 : memref<!tpu.dma_semaphore, #tpu.memory_space<semaphore_mem>>)
      %dma_wait3A = arith.constant 0 : i32
      %dma_wait3A_32 = arith.constant 0 : i32
      %dma_wait3A_33 = tpu.memref_slice %arg7[%dma_wait3A, %dma_wait3A_32] : memref<16x128xi32, #tpu.memory_space<vmem>> -> memref<1x128xi32, #tpu.memory_space<vmem>>
      %dma_wait3A_34 = tpu.memref_squeeze %dma_wait3A_33 : memref<1x128xi32, #tpu.memory_space<vmem>> -> memref<128xi32, #tpu.memory_space<vmem>>
      %dma_wait3A_35 = arith.constant 0 : i32
      %dma_wait3A_36 = arith.constant 0 : i32
      %dma_wait3A_37 = tpu.memref_slice %arg5[%dma_wait3A_35, %dma_wait3A_36] : memref<20480x128xf32, #tpu.memory_space<hbm>> -> memref<20480x128xf32, #tpu.memory_space<hbm>>
      tpu.wait_indirect_dma semaphore(%arg12 : memref<!tpu.dma_semaphore, #tpu.memory_space<semaphore_mem>>) src(%dma_wait3A_37 : memref<20480x128xf32, #tpu.memory_space<hbm>>) dst(%arg9 : memref<128x128xf32, #tpu.memory_space<vmem>>)
      %dma_start3A_38 = arith.constant 0 : i32
      %dma_start3A_39 = arith.constant 0 : i32
      %dma_start3A_40 = tpu.memref_slice %arg8[%dma_start3A_38, %dma_start3A_39] : memref<16x128xi32, #tpu.memory_space<vmem>> -> memref<1x128xi32, #tpu.memory_space<vmem>>
      %dma_start3A_41 = tpu.memref_squeeze %dma_start3A_40 : memref<1x128xi32, #tpu.memory_space<vmem>> -> memref<128xi32, #tpu.memory_space<vmem>>
      %dma_start3A_42 = arith.constant 0 : i32
      %dma_start3A_43 = arith.constant 0 : i32
      %dma_start3A_44 = tpu.memref_slice %arg11[%dma_start3A_42, %dma_start3A_43] : memref<10240x128xf32, #tpu.memory_space<vmem_shared>> -> memref<10240x128xf32, #tpu.memory_space<vmem_shared>>
      tpu.enqueue_indirect_dma source(%arg9 : memref<128x128xf32, #tpu.memory_space<vmem>>) target(%dma_start3A_44 : memref<10240x128xf32, #tpu.memory_space<vmem_shared>>) offsets(%dma_start3A_41 : memref<128xi32, #tpu.memory_space<vmem>>) semaphore(%arg14 : memref<!tpu.dma_semaphore, #tpu.memory_space<semaphore_mem>>) {add = true}
      %dma_wait3A_45 = arith.constant 0 : i32
      %dma_wait3A_46 = arith.constant 0 : i32
      %dma_wait3A_47 = tpu.memref_slice %arg8[%dma_wait3A_45, %dma_wait3A_46] : memref<16x128xi32, #tpu.memory_space<vmem>> -> memref<1x128xi32, #tpu.memory_space<vmem>>
      %dma_wait3A_48 = tpu.memref_squeeze %dma_wait3A_47 : memref<1x128xi32, #tpu.memory_space<vmem>> -> memref<128xi32, #tpu.memory_space<vmem>>
      %dma_wait3A_49 = arith.constant 0 : i32
      %dma_wait3A_50 = arith.constant 0 : i32
      %dma_wait3A_51 = tpu.memref_slice %arg11[%dma_wait3A_49, %dma_wait3A_50] : memref<10240x128xf32, #tpu.memory_space<vmem_shared>> -> memref<10240x128xf32, #tpu.memory_space<vmem_shared>>
      tpu.wait_indirect_dma semaphore(%arg14 : memref<!tpu.dma_semaphore, #tpu.memory_space<semaphore_mem>>) src(%arg9 : memref<128x128xf32, #tpu.memory_space<vmem>>) dst(%dma_wait3A_51 : memref<10240x128xf32, #tpu.memory_space<vmem_shared>>)
      %dma_start3A_52 = arith.constant 2 : i32
      %dma_start3A_53 = arith.constant 0 : i32
      %dma_start3A_54 = tpu.memref_slice %arg7[%dma_start3A_52, %dma_start3A_53] : memref<16x128xi32, #tpu.memory_space<vmem>> -> memref<1x128xi32, #tpu.memory_space<vmem>>
      %dma_start3A_55 = tpu.memref_squeeze %dma_start3A_54 : memref<1x128xi32, #tpu.memory_space<vmem>> -> memref<128xi32, #tpu.memory_space<vmem>>
      %dma_start3A_56 = arith.constant 0 : i32
      %dma_start3A_57 = arith.constant 0 : i32
      %dma_start3A_58 = tpu.memref_slice %arg5[%dma_start3A_56, %dma_start3A_57] : memref<20480x128xf32, #tpu.memory_space<hbm>> -> memref<20480x128xf32, #tpu.memory_space<hbm>>
      tpu.enqueue_indirect_dma source(%dma_start3A_58 : memref<20480x128xf32, #tpu.memory_space<hbm>>) target(%arg9 : memref<128x128xf32, #tpu.memory_space<vmem>>) offsets(%dma_start3A_55 : memref<128xi32, #tpu.memory_space<vmem>>) semaphore(%arg12 : memref<!tpu.dma_semaphore, #tpu.memory_space<semaphore_mem>>)
      %dma_wait3A_59 = arith.constant 1 : i32
      %dma_wait3A_60 = arith.constant 0 : i32
      %dma_wait3A_61 = tpu.memref_slice %arg7[%dma_wait3A_59, %dma_wait3A_60] : memref<16x128xi32, #tpu.memory_space<vmem>> -> memref<1x128xi32, #tpu.memory_space<vmem>>
      %dma_wait3A_62 = tpu.memref_squeeze %dma_wait3A_61 : memref<1x128xi32, #tpu.memory_space<vmem>> -> memref<128xi32, #tpu.memory_space<vmem>>
      %dma_wait3A_63 = arith.constant 0 : i32
      %dma_wait3A_64 = arith.constant 0 : i32
      %dma_wait3A_65 = tpu.memref_slice %arg5[%dma_wait3A_63, %dma_wait3A_64] : memref<20480x128xf32, #tpu.memory_space<hbm>> -> memref<20480x128xf32, #tpu.memory_space<hbm>>
      tpu.wait_indirect_dma semaphore(%arg13 : memref<!tpu.dma_semaphore, #tpu.memory_space<semaphore_mem>>) src(%dma_wait3A_65 : memref<20480x128xf32, #tpu.memory_space<hbm>>) dst(%arg10 : memref<128x128xf32, #tpu.memory_space<vmem>>)
      %dma_start3A_66 = arith.constant 1 : i32
      %dma_start3A_67 = arith.constant 0 : i32
      %dma_start3A_68 = tpu.memref_slice %arg8[%dma_start3A_66, %dma_start3A_67] : memref<16x128xi32, #tpu.memory_space<vmem>> -> memref<1x128xi32, #tpu.memory_space<vmem>>
      %dma_start3A_69 = tpu.memref_squeeze %dma_start3A_68 : memref<1x128xi32, #tpu.memory_space<vmem>> -> memref<128xi32, #tpu.memory_space<vmem>>
      %dma_start3A_70 = arith.constant 0 : i32
      %dma_start3A_71 = arith.constant 0 : i32
      %dma_start3A_72 = tpu.memref_slice %arg11[%dma_start3A_70, %dma_start3A_71] : memref<10240x128xf32, #tpu.memory_space<vmem_shared>> -> memref<10240x128xf32, #tpu.memory_space<vmem_shared>>
      tpu.enqueue_indirect_dma source(%arg10 : memref<128x128xf32, #tpu.memory_space<vmem>>) target(%dma_start3A_72 : memref<10240x128xf32, #tpu.memory_space<vmem_shared>>) offsets(%dma_start3A_69 : memref<128xi32, #tpu.memory_space<vmem>>) semaphore(%arg15 : memref<!tpu.dma_semaphore, #tpu.memory_space<semaphore_mem>>) {add = true}
      %dma_wait3A_73 = arith.constant 1 : i32
      %dma_wait3A_74 = arith.constant 0 : i32
      %dma_wait3A_75 = tpu.memref_slice %arg8[%dma_wait3A_73, %dma_wait3A_74] : memref<16x128xi32, #tpu.memory_space<vmem>> -> memref<1x128xi32, #tpu.memory_space<vmem>>
      %dma_wait3A_76 = tpu.memref_squeeze %dma_wait3A_75 : memref<1x128xi32, #tpu.memory_space<vmem>> -> memref<128xi32, #tpu.memory_space<vmem>>
      %dma_wait3A_77 = arith.constant 0 : i32
      %dma_wait3A_78 = arith.constant 0 : i32
      %dma_wait3A_79 = tpu.memref_slice %arg11[%dma_wait3A_77, %dma_wait3A_78] : memref<10240x128xf32, #tpu.memory_space<vmem_shared>> -> memref<10240x128xf32, #tpu.memory_space<vmem_shared>>
      tpu.wait_indirect_dma semaphore(%arg15 : memref<!tpu.dma_semaphore, #tpu.memory_space<semaphore_mem>>) src(%arg10 : memref<128x128xf32, #tpu.memory_space<vmem>>) dst(%dma_wait3A_79 : memref<10240x128xf32, #tpu.memory_space<vmem_shared>>)
      %dma_start3A_80 = arith.constant 3 : i32
      %dma_start3A_81 = arith.constant 0 : i32
      %dma_start3A_82 = tpu.memref_slice %arg7[%dma_start3A_80, %dma_start3A_81] : memref<16x128xi32, #tpu.memory_space<vmem>> -> memref<1x128xi32, #tpu.memory_space<vmem>>
      %dma_start3A_83 = tpu.memref_squeeze %dma_start3A_82 : memref<1x128xi32, #tpu.memory_space<vmem>> -> memref<128xi32, #tpu.memory_space<vmem>>
      %dma_start3A_84 = arith.constant 0 : i32
      %dma_start3A_85 = arith.constant 0 : i32
      %dma_start3A_86 = tpu.memref_slice %arg5[%dma_start3A_84, %dma_start3A_85] : memref<20480x128xf32, #tpu.memory_space<hbm>> -> memref<20480x128xf32, #tpu.memory_space<hbm>>
      tpu.enqueue_indirect_dma source(%dma_start3A_86 : memref<20480x128xf32, #tpu.memory_space<hbm>>) target(%arg10 : memref<128x128xf32, #tpu.memory_space<vmem>>) offsets(%dma_start3A_83 : memref<128xi32, #tpu.memory_space<vmem>>) semaphore(%arg13 : memref<!tpu.dma_semaphore, #tpu.memory_space<semaphore_mem>>)
      %dma_wait3A_87 = arith.constant 2 : i32
      %dma_wait3A_88 = arith.constant 0 : i32
      %dma_wait3A_89 = tpu.memref_slice %arg7[%dma_wait3A_87, %dma_wait3A_88] : memref<16x128xi32, #tpu.memory_space<vmem>> -> memref<1x128xi32, #tpu.memory_space<vmem>>
      %dma_wait3A_90 = tpu.memref_squeeze %dma_wait3A_89 : memref<1x128xi32, #tpu.memory_space<vmem>> -> memref<128xi32, #tpu.memory_space<vmem>>
      %dma_wait3A_91 = arith.constant 0 : i32
      %dma_wait3A_92 = arith.constant 0 : i32
      %dma_wait3A_93 = tpu.memref_slice %arg5[%dma_wait3A_91, %dma_wait3A_92] : memref<20480x128xf32, #tpu.memory_space<hbm>> -> memref<20480x128xf32, #tpu.memory_space<hbm>>
      tpu.wait_indirect_dma semaphore(%arg12 : memref<!tpu.dma_semaphore, #tpu.memory_space<semaphore_mem>>) src(%dma_wait3A_93 : memref<20480x128xf32, #tpu.memory_space<hbm>>) dst(%arg9 : memref<128x128xf32, #tpu.memory_space<vmem>>)
      %dma_start3A_94 = arith.constant 2 : i32
      %dma_start3A_95 = arith.constant 0 : i32
      %dma_start3A_96 = tpu.memref_slice %arg8[%dma_start3A_94, %dma_start3A_95] : memref<16x128xi32, #tpu.memory_space<vmem>> -> memref<1x128xi32, #tpu.memory_space<vmem>>
      %dma_start3A_97 = tpu.memref_squeeze %dma_start3A_96 : memref<1x128xi32, #tpu.memory_space<vmem>> -> memref<128xi32, #tpu.memory_space<vmem>>
      %dma_start3A_98 = arith.constant 0 : i32
      %dma_start3A_99 = arith.constant 0 : i32
      %dma_start3A_100 = tpu.memref_slice %arg11[%dma_start3A_98, %dma_start3A_99] : memref<10240x128xf32, #tpu.memory_space<vmem_shared>> -> memref<10240x128xf32, #tpu.memory_space<vmem_shared>>
      tpu.enqueue_indirect_dma source(%arg9 : memref<128x128xf32, #tpu.memory_space<vmem>>) target(%dma_start3A_100 : memref<10240x128xf32, #tpu.memory_space<vmem_shared>>) offsets(%dma_start3A_97 : memref<128xi32, #tpu.memory_space<vmem>>) semaphore(%arg14 : memref<!tpu.dma_semaphore, #tpu.memory_space<semaphore_mem>>) {add = true}
      %dma_wait3A_101 = arith.constant 2 : i32
      %dma_wait3A_102 = arith.constant 0 : i32
      %dma_wait3A_103 = tpu.memref_slice %arg8[%dma_wait3A_101, %dma_wait3A_102] : memref<16x128xi32, #tpu.memory_space<vmem>> -> memref<1x128xi32, #tpu.memory_space<vmem>>
      %dma_wait3A_104 = tpu.memref_squeeze %dma_wait3A_103 : memref<1x128xi32, #tpu.memory_space<vmem>> -> memref<128xi32, #tpu.memory_space<vmem>>
      %dma_wait3A_105 = arith.constant 0 : i32
      %dma_wait3A_106 = arith.constant 0 : i32
      %dma_wait3A_107 = tpu.memref_slice %arg11[%dma_wait3A_105, %dma_wait3A_106] : memref<10240x128xf32, #tpu.memory_space<vmem_shared>> -> memref<10240x128xf32, #tpu.memory_space<vmem_shared>>
      tpu.wait_indirect_dma semaphore(%arg14 : memref<!tpu.dma_semaphore, #tpu.memory_space<semaphore_mem>>) src(%arg9 : memref<128x128xf32, #tpu.memory_space<vmem>>) dst(%dma_wait3A_107 : memref<10240x128xf32, #tpu.memory_space<vmem_shared>>)
      %dma_start3A_108 = arith.constant 4 : i32
      %dma_start3A_109 = arith.constant 0 : i32
      %dma_start3A_110 = tpu.memref_slice %arg7[%dma_start3A_108, %dma_start3A_109] : memref<16x128xi32, #tpu.memory_space<vmem>> -> memref<1x128xi32, #tpu.memory_space<vmem>>
      %dma_start3A_111 = tpu.memref_squeeze %dma_start3A_110 : memref<1x128xi32, #tpu.memory_space<vmem>> -> memref<128xi32, #tpu.memory_space<vmem>>
      %dma_start3A_112 = arith.constant 0 : i32
      %dma_start3A_113 = arith.constant 0 : i32
      %dma_start3A_114 = tpu.memref_slice %arg5[%dma_start3A_112, %dma_start3A_113] : memref<20480x128xf32, #tpu.memory_space<hbm>> -> memref<20480x128xf32, #tpu.memory_space<hbm>>
      tpu.enqueue_indirect_dma source(%dma_start3A_114 : memref<20480x128xf32, #tpu.memory_space<hbm>>) target(%arg9 : memref<128x128xf32, #tpu.memory_space<vmem>>) offsets(%dma_start3A_111 : memref<128xi32, #tpu.memory_space<vmem>>) semaphore(%arg12 : memref<!tpu.dma_semaphore, #tpu.memory_space<semaphore_mem>>)
      %dma_wait3A_115 = arith.constant 3 : i32
      %dma_wait3A_116 = arith.constant 0 : i32
      %dma_wait3A_117 = tpu.memref_slice %arg7[%dma_wait3A_115, %dma_wait3A_116] : memref<16x128xi32, #tpu.memory_space<vmem>> -> memref<1x128xi32, #tpu.memory_space<vmem>>
      %dma_wait3A_118 = tpu.memref_squeeze %dma_wait3A_117 : memref<1x128xi32, #tpu.memory_space<vmem>> -> memref<128xi32, #tpu.memory_space<vmem>>
      %dma_wait3A_119 = arith.constant 0 : i32
      %dma_wait3A_120 = arith.constant 0 : i32
      %dma_wait3A_121 = tpu.memref_slice %arg5[%dma_wait3A_119, %dma_wait3A_120] : memref<20480x128xf32, #tpu.memory_space<hbm>> -> memref<20480x128xf32, #tpu.memory_space<hbm>>
      tpu.wait_indirect_dma semaphore(%arg13 : memref<!tpu.dma_semaphore, #tpu.memory_space<semaphore_mem>>) src(%dma_wait3A_121 : memref<20480x128xf32, #tpu.memory_space<hbm>>) dst(%arg10 : memref<128x128xf32, #tpu.memory_space<vmem>>)
      %dma_start3A_122 = arith.constant 3 : i32
      %dma_start3A_123 = arith.constant 0 : i32
      %dma_start3A_124 = tpu.memref_slice %arg8[%dma_start3A_122, %dma_start3A_123] : memref<16x128xi32, #tpu.memory_space<vmem>> -> memref<1x128xi32, #tpu.memory_space<vmem>>
      %dma_start3A_125 = tpu.memref_squeeze %dma_start3A_124 : memref<1x128xi32, #tpu.memory_space<vmem>> -> memref<128xi32, #tpu.memory_space<vmem>>
      %dma_start3A_126 = arith.constant 0 : i32
      %dma_start3A_127 = arith.constant 0 : i32
      %dma_start3A_128 = tpu.memref_slice %arg11[%dma_start3A_126, %dma_start3A_127] : memref<10240x128xf32, #tpu.memory_space<vmem_shared>> -> memref<10240x128xf32, #tpu.memory_space<vmem_shared>>
      tpu.enqueue_indirect_dma source(%arg10 : memref<128x128xf32, #tpu.memory_space<vmem>>) target(%dma_start3A_128 : memref<10240x128xf32, #tpu.memory_space<vmem_shared>>) offsets(%dma_start3A_125 : memref<128xi32, #tpu.memory_space<vmem>>) semaphore(%arg15 : memref<!tpu.dma_semaphore, #tpu.memory_space<semaphore_mem>>) {add = true}
      %dma_wait3A_129 = arith.constant 3 : i32
      %dma_wait3A_130 = arith.constant 0 : i32
      %dma_wait3A_131 = tpu.memref_slice %arg8[%dma_wait3A_129, %dma_wait3A_130] : memref<16x128xi32, #tpu.memory_space<vmem>> -> memref<1x128xi32, #tpu.memory_space<vmem>>
      %dma_wait3A_132 = tpu.memref_squeeze %dma_wait3A_131 : memref<1x128xi32, #tpu.memory_space<vmem>> -> memref<128xi32, #tpu.memory_space<vmem>>
      %dma_wait3A_133 = arith.constant 0 : i32
      %dma_wait3A_134 = arith.constant 0 : i32
      %dma_wait3A_135 = tpu.memref_slice %arg11[%dma_wait3A_133, %dma_wait3A_134] : memref<10240x128xf32, #tpu.memory_space<vmem_shared>> -> memref<10240x128xf32, #tpu.memory_space<vmem_shared>>
      tpu.wait_indirect_dma semaphore(%arg15 : memref<!tpu.dma_semaphore, #tpu.memory_space<semaphore_mem>>) src(%arg10 : memref<128x128xf32, #tpu.memory_space<vmem>>) dst(%dma_wait3A_135 : memref<10240x128xf32, #tpu.memory_space<vmem_shared>>)
      %dma_start3A_136 = arith.constant 5 : i32
      %dma_start3A_137 = arith.constant 0 : i32
      %dma_start3A_138 = tpu.memref_slice %arg7[%dma_start3A_136, %dma_start3A_137] : memref<16x128xi32, #tpu.memory_space<vmem>> -> memref<1x128xi32, #tpu.memory_space<vmem>>
      %dma_start3A_139 = tpu.memref_squeeze %dma_start3A_138 : memref<1x128xi32, #tpu.memory_space<vmem>> -> memref<128xi32, #tpu.memory_space<vmem>>
      %dma_start3A_140 = arith.constant 0 : i32
      %dma_start3A_141 = arith.constant 0 : i32
      %dma_start3A_142 = tpu.memref_slice %arg5[%dma_start3A_140, %dma_start3A_141] : memref<20480x128xf32, #tpu.memory_space<hbm>> -> memref<20480x128xf32, #tpu.memory_space<hbm>>
      tpu.enqueue_indirect_dma source(%dma_start3A_142 : memref<20480x128xf32, #tpu.memory_space<hbm>>) target(%arg10 : memref<128x128xf32, #tpu.memory_space<vmem>>) offsets(%dma_start3A_139 : memref<128xi32, #tpu.memory_space<vmem>>) semaphore(%arg13 : memref<!tpu.dma_semaphore, #tpu.memory_space<semaphore_mem>>)
      %dma_wait3A_143 = arith.constant 4 : i32
      %dma_wait3A_144 = arith.constant 0 : i32
      %dma_wait3A_145 = tpu.memref_slice %arg7[%dma_wait3A_143, %dma_wait3A_144] : memref<16x128xi32, #tpu.memory_space<vmem>> -> memref<1x128xi32, #tpu.memory_space<vmem>>
      %dma_wait3A_146 = tpu.memref_squeeze %dma_wait3A_145 : memref<1x128xi32, #tpu.memory_space<vmem>> -> memref<128xi32, #tpu.memory_space<vmem>>
      %dma_wait3A_147 = arith.constant 0 : i32
      %dma_wait3A_148 = arith.constant 0 : i32
      %dma_wait3A_149 = tpu.memref_slice %arg5[%dma_wait3A_147, %dma_wait3A_148] : memref<20480x128xf32, #tpu.memory_space<hbm>> -> memref<20480x128xf32, #tpu.memory_space<hbm>>
      tpu.wait_indirect_dma semaphore(%arg12 : memref<!tpu.dma_semaphore, #tpu.memory_space<semaphore_mem>>) src(%dma_wait3A_149 : memref<20480x128xf32, #tpu.memory_space<hbm>>) dst(%arg9 : memref<128x128xf32, #tpu.memory_space<vmem>>)
      %dma_start3A_150 = arith.constant 4 : i32
      %dma_start3A_151 = arith.constant 0 : i32
      %dma_start3A_152 = tpu.memref_slice %arg8[%dma_start3A_150, %dma_start3A_151] : memref<16x128xi32, #tpu.memory_space<vmem>> -> memref<1x128xi32, #tpu.memory_space<vmem>>
      %dma_start3A_153 = tpu.memref_squeeze %dma_start3A_152 : memref<1x128xi32, #tpu.memory_space<vmem>> -> memref<128xi32, #tpu.memory_space<vmem>>
      %dma_start3A_154 = arith.constant 0 : i32
      %dma_start3A_155 = arith.constant 0 : i32
      %dma_start3A_156 = tpu.memref_slice %arg11[%dma_start3A_154, %dma_start3A_155] : memref<10240x128xf32, #tpu.memory_space<vmem_shared>> -> memref<10240x128xf32, #tpu.memory_space<vmem_shared>>
      tpu.enqueue_indirect_dma source(%arg9 : memref<128x128xf32, #tpu.memory_space<vmem>>) target(%dma_start3A_156 : memref<10240x128xf32, #tpu.memory_space<vmem_shared>>) offsets(%dma_start3A_153 : memref<128xi32, #tpu.memory_space<vmem>>) semaphore(%arg14 : memref<!tpu.dma_semaphore, #tpu.memory_space<semaphore_mem>>) {add = true}
      %dma_wait3A_157 = arith.constant 4 : i32
      %dma_wait3A_158 = arith.constant 0 : i32
      %dma_wait3A_159 = tpu.memref_slice %arg8[%dma_wait3A_157, %dma_wait3A_158] : memref<16x128xi32, #tpu.memory_space<vmem>> -> memref<1x128xi32, #tpu.memory_space<vmem>>
      %dma_wait3A_160 = tpu.memref_squeeze %dma_wait3A_159 : memref<1x128xi32, #tpu.memory_space<vmem>> -> memref<128xi32, #tpu.memory_space<vmem>>
      %dma_wait3A_161 = arith.constant 0 : i32
      %dma_wait3A_162 = arith.constant 0 : i32
      %dma_wait3A_163 = tpu.memref_slice %arg11[%dma_wait3A_161, %dma_wait3A_162] : memref<10240x128xf32, #tpu.memory_space<vmem_shared>> -> memref<10240x128xf32, #tpu.memory_space<vmem_shared>>
      tpu.wait_indirect_dma semaphore(%arg14 : memref<!tpu.dma_semaphore, #tpu.memory_space<semaphore_mem>>) src(%arg9 : memref<128x128xf32, #tpu.memory_space<vmem>>) dst(%dma_wait3A_163 : memref<10240x128xf32, #tpu.memory_space<vmem_shared>>)
      %dma_start3A_164 = arith.constant 6 : i32
      %dma_start3A_165 = arith.constant 0 : i32
      %dma_start3A_166 = tpu.memref_slice %arg7[%dma_start3A_164, %dma_start3A_165] : memref<16x128xi32, #tpu.memory_space<vmem>> -> memref<1x128xi32, #tpu.memory_space<vmem>>
      %dma_start3A_167 = tpu.memref_squeeze %dma_start3A_166 : memref<1x128xi32, #tpu.memory_space<vmem>> -> memref<128xi32, #tpu.memory_space<vmem>>
      %dma_start3A_168 = arith.constant 0 : i32
      %dma_start3A_169 = arith.constant 0 : i32
      %dma_start3A_170 = tpu.memref_slice %arg5[%dma_start3A_168, %dma_start3A_169] : memref<20480x128xf32, #tpu.memory_space<hbm>> -> memref<20480x128xf32, #tpu.memory_space<hbm>>
      tpu.enqueue_indirect_dma source(%dma_start3A_170 : memref<20480x128xf32, #tpu.memory_space<hbm>>) target(%arg9 : memref<128x128xf32, #tpu.memory_space<vmem>>) offsets(%dma_start3A_167 : memref<128xi32, #tpu.memory_space<vmem>>) semaphore(%arg12 : memref<!tpu.dma_semaphore, #tpu.memory_space<semaphore_mem>>)
      %dma_wait3A_171 = arith.constant 5 : i32
      %dma_wait3A_172 = arith.constant 0 : i32
      %dma_wait3A_173 = tpu.memref_slice %arg7[%dma_wait3A_171, %dma_wait3A_172] : memref<16x128xi32, #tpu.memory_space<vmem>> -> memref<1x128xi32, #tpu.memory_space<vmem>>
      %dma_wait3A_174 = tpu.memref_squeeze %dma_wait3A_173 : memref<1x128xi32, #tpu.memory_space<vmem>> -> memref<128xi32, #tpu.memory_space<vmem>>
      %dma_wait3A_175 = arith.constant 0 : i32
      %dma_wait3A_176 = arith.constant 0 : i32
      %dma_wait3A_177 = tpu.memref_slice %arg5[%dma_wait3A_175, %dma_wait3A_176] : memref<20480x128xf32, #tpu.memory_space<hbm>> -> memref<20480x128xf32, #tpu.memory_space<hbm>>
      tpu.wait_indirect_dma semaphore(%arg13 : memref<!tpu.dma_semaphore, #tpu.memory_space<semaphore_mem>>) src(%dma_wait3A_177 : memref<20480x128xf32, #tpu.memory_space<hbm>>) dst(%arg10 : memref<128x128xf32, #tpu.memory_space<vmem>>)
      %dma_start3A_178 = arith.constant 5 : i32
      %dma_start3A_179 = arith.constant 0 : i32
      %dma_start3A_180 = tpu.memref_slice %arg8[%dma_start3A_178, %dma_start3A_179] : memref<16x128xi32, #tpu.memory_space<vmem>> -> memref<1x128xi32, #tpu.memory_space<vmem>>
      %dma_start3A_181 = tpu.memref_squeeze %dma_start3A_180 : memref<1x128xi32, #tpu.memory_space<vmem>> -> memref<128xi32, #tpu.memory_space<vmem>>
      %dma_start3A_182 = arith.constant 0 : i32
      %dma_start3A_183 = arith.constant 0 : i32
      %dma_start3A_184 = tpu.memref_slice %arg11[%dma_start3A_182, %dma_start3A_183] : memref<10240x128xf32, #tpu.memory_space<vmem_shared>> -> memref<10240x128xf32, #tpu.memory_space<vmem_shared>>
      tpu.enqueue_indirect_dma source(%arg10 : memref<128x128xf32, #tpu.memory_space<vmem>>) target(%dma_start3A_184 : memref<10240x128xf32, #tpu.memory_space<vmem_shared>>) offsets(%dma_start3A_181 : memref<128xi32, #tpu.memory_space<vmem>>) semaphore(%arg15 : memref<!tpu.dma_semaphore, #tpu.memory_space<semaphore_mem>>) {add = true}
      %dma_wait3A_185 = arith.constant 5 : i32
      %dma_wait3A_186 = arith.constant 0 : i32
      %dma_wait3A_187 = tpu.memref_slice %arg8[%dma_wait3A_185, %dma_wait3A_186] : memref<16x128xi32, #tpu.memory_space<vmem>> -> memref<1x128xi32, #tpu.memory_space<vmem>>
      %dma_wait3A_188 = tpu.memref_squeeze %dma_wait3A_187 : memref<1x128xi32, #tpu.memory_space<vmem>> -> memref<128xi32, #tpu.memory_space<vmem>>
      %dma_wait3A_189 = arith.constant 0 : i32
      %dma_wait3A_190 = arith.constant 0 : i32
      %dma_wait3A_191 = tpu.memref_slice %arg11[%dma_wait3A_189, %dma_wait3A_190] : memref<10240x128xf32, #tpu.memory_space<vmem_shared>> -> memref<10240x128xf32, #tpu.memory_space<vmem_shared>>
      tpu.wait_indirect_dma semaphore(%arg15 : memref<!tpu.dma_semaphore, #tpu.memory_space<semaphore_mem>>) src(%arg10 : memref<128x128xf32, #tpu.memory_space<vmem>>) dst(%dma_wait3A_191 : memref<10240x128xf32, #tpu.memory_space<vmem_shared>>)
      %dma_start3A_192 = arith.constant 7 : i32
      %dma_start3A_193 = arith.constant 0 : i32
      %dma_start3A_194 = tpu.memref_slice %arg7[%dma_start3A_192, %dma_start3A_193] : memref<16x128xi32, #tpu.memory_space<vmem>> -> memref<1x128xi32, #tpu.memory_space<vmem>>
      %dma_start3A_195 = tpu.memref_squeeze %dma_start3A_194 : memref<1x128xi32, #tpu.memory_space<vmem>> -> memref<128xi32, #tpu.memory_space<vmem>>
      %dma_start3A_196 = arith.constant 0 : i32
      %dma_start3A_197 = arith.constant 0 : i32
      %dma_start3A_198 = tpu.memref_slice %arg5[%dma_start3A_196, %dma_start3A_197] : memref<20480x128xf32, #tpu.memory_space<hbm>> -> memref<20480x128xf32, #tpu.memory_space<hbm>>
      tpu.enqueue_indirect_dma source(%dma_start3A_198 : memref<20480x128xf32, #tpu.memory_space<hbm>>) target(%arg10 : memref<128x128xf32, #tpu.memory_space<vmem>>) offsets(%dma_start3A_195 : memref<128xi32, #tpu.memory_space<vmem>>) semaphore(%arg13 : memref<!tpu.dma_semaphore, #tpu.memory_space<semaphore_mem>>)
      %dma_wait3A_199 = arith.constant 6 : i32
      %dma_wait3A_200 = arith.constant 0 : i32
      %dma_wait3A_201 = tpu.memref_slice %arg7[%dma_wait3A_199, %dma_wait3A_200] : memref<16x128xi32, #tpu.memory_space<vmem>> -> memref<1x128xi32, #tpu.memory_space<vmem>>
      %dma_wait3A_202 = tpu.memref_squeeze %dma_wait3A_201 : memref<1x128xi32, #tpu.memory_space<vmem>> -> memref<128xi32, #tpu.memory_space<vmem>>
      %dma_wait3A_203 = arith.constant 0 : i32
      %dma_wait3A_204 = arith.constant 0 : i32
      %dma_wait3A_205 = tpu.memref_slice %arg5[%dma_wait3A_203, %dma_wait3A_204] : memref<20480x128xf32, #tpu.memory_space<hbm>> -> memref<20480x128xf32, #tpu.memory_space<hbm>>
      tpu.wait_indirect_dma semaphore(%arg12 : memref<!tpu.dma_semaphore, #tpu.memory_space<semaphore_mem>>) src(%dma_wait3A_205 : memref<20480x128xf32, #tpu.memory_space<hbm>>) dst(%arg9 : memref<128x128xf32, #tpu.memory_space<vmem>>)
      %dma_start3A_206 = arith.constant 6 : i32
      %dma_start3A_207 = arith.constant 0 : i32
      %dma_start3A_208 = tpu.memref_slice %arg8[%dma_start3A_206, %dma_start3A_207] : memref<16x128xi32, #tpu.memory_space<vmem>> -> memref<1x128xi32, #tpu.memory_space<vmem>>
      %dma_start3A_209 = tpu.memref_squeeze %dma_start3A_208 : memref<1x128xi32, #tpu.memory_space<vmem>> -> memref<128xi32, #tpu.memory_space<vmem>>
      %dma_start3A_210 = arith.constant 0 : i32
      %dma_start3A_211 = arith.constant 0 : i32
      %dma_start3A_212 = tpu.memref_slice %arg11[%dma_start3A_210, %dma_start3A_211] : memref<10240x128xf32, #tpu.memory_space<vmem_shared>> -> memref<10240x128xf32, #tpu.memory_space<vmem_shared>>
      tpu.enqueue_indirect_dma source(%arg9 : memref<128x128xf32, #tpu.memory_space<vmem>>) target(%dma_start3A_212 : memref<10240x128xf32, #tpu.memory_space<vmem_shared>>) offsets(%dma_start3A_209 : memref<128xi32, #tpu.memory_space<vmem>>) semaphore(%arg14 : memref<!tpu.dma_semaphore, #tpu.memory_space<semaphore_mem>>) {add = true}
      %dma_wait3A_213 = arith.constant 6 : i32
      %dma_wait3A_214 = arith.constant 0 : i32
      %dma_wait3A_215 = tpu.memref_slice %arg8[%dma_wait3A_213, %dma_wait3A_214] : memref<16x128xi32, #tpu.memory_space<vmem>> -> memref<1x128xi32, #tpu.memory_space<vmem>>
      %dma_wait3A_216 = tpu.memref_squeeze %dma_wait3A_215 : memref<1x128xi32, #tpu.memory_space<vmem>> -> memref<128xi32, #tpu.memory_space<vmem>>
      %dma_wait3A_217 = arith.constant 0 : i32
      %dma_wait3A_218 = arith.constant 0 : i32
      %dma_wait3A_219 = tpu.memref_slice %arg11[%dma_wait3A_217, %dma_wait3A_218] : memref<10240x128xf32, #tpu.memory_space<vmem_shared>> -> memref<10240x128xf32, #tpu.memory_space<vmem_shared>>
      tpu.wait_indirect_dma semaphore(%arg14 : memref<!tpu.dma_semaphore, #tpu.memory_space<semaphore_mem>>) src(%arg9 : memref<128x128xf32, #tpu.memory_space<vmem>>) dst(%dma_wait3A_219 : memref<10240x128xf32, #tpu.memory_space<vmem_shared>>)
      %dma_start3A_220 = arith.constant 8 : i32
      %dma_start3A_221 = arith.constant 0 : i32
      %dma_start3A_222 = tpu.memref_slice %arg7[%dma_start3A_220, %dma_start3A_221] : memref<16x128xi32, #tpu.memory_space<vmem>> -> memref<1x128xi32, #tpu.memory_space<vmem>>
      %dma_start3A_223 = tpu.memref_squeeze %dma_start3A_222 : memref<1x128xi32, #tpu.memory_space<vmem>> -> memref<128xi32, #tpu.memory_space<vmem>>
      %dma_start3A_224 = arith.constant 0 : i32
      %dma_start3A_225 = arith.constant 0 : i32
      %dma_start3A_226 = tpu.memref_slice %arg5[%dma_start3A_224, %dma_start3A_225] : memref<20480x128xf32, #tpu.memory_space<hbm>> -> memref<20480x128xf32, #tpu.memory_space<hbm>>
      tpu.enqueue_indirect_dma source(%dma_start3A_226 : memref<20480x128xf32, #tpu.memory_space<hbm>>) target(%arg9 : memref<128x128xf32, #tpu.memory_space<vmem>>) offsets(%dma_start3A_223 : memref<128xi32, #tpu.memory_space<vmem>>) semaphore(%arg12 : memref<!tpu.dma_semaphore, #tpu.memory_space<semaphore_mem>>)
      %dma_wait3A_227 = arith.constant 7 : i32
      %dma_wait3A_228 = arith.constant 0 : i32
      %dma_wait3A_229 = tpu.memref_slice %arg7[%dma_wait3A_227, %dma_wait3A_228] : memref<16x128xi32, #tpu.memory_space<vmem>> -> memref<1x128xi32, #tpu.memory_space<vmem>>
      %dma_wait3A_230 = tpu.memref_squeeze %dma_wait3A_229 : memref<1x128xi32, #tpu.memory_space<vmem>> -> memref<128xi32, #tpu.memory_space<vmem>>
      %dma_wait3A_231 = arith.constant 0 : i32
      %dma_wait3A_232 = arith.constant 0 : i32
      %dma_wait3A_233 = tpu.memref_slice %arg5[%dma_wait3A_231, %dma_wait3A_232] : memref<20480x128xf32, #tpu.memory_space<hbm>> -> memref<20480x128xf32, #tpu.memory_space<hbm>>
      tpu.wait_indirect_dma semaphore(%arg13 : memref<!tpu.dma_semaphore, #tpu.memory_space<semaphore_mem>>) src(%dma_wait3A_233 : memref<20480x128xf32, #tpu.memory_space<hbm>>) dst(%arg10 : memref<128x128xf32, #tpu.memory_space<vmem>>)
      %dma_start3A_234 = arith.constant 7 : i32
      %dma_start3A_235 = arith.constant 0 : i32
      %dma_start3A_236 = tpu.memref_slice %arg8[%dma_start3A_234, %dma_start3A_235] : memref<16x128xi32, #tpu.memory_space<vmem>> -> memref<1x128xi32, #tpu.memory_space<vmem>>
      %dma_start3A_237 = tpu.memref_squeeze %dma_start3A_236 : memref<1x128xi32, #tpu.memory_space<vmem>> -> memref<128xi32, #tpu.memory_space<vmem>>
      %dma_start3A_238 = arith.constant 0 : i32
      %dma_start3A_239 = arith.constant 0 : i32
      %dma_start3A_240 = tpu.memref_slice %arg11[%dma_start3A_238, %dma_start3A_239] : memref<10240x128xf32, #tpu.memory_space<vmem_shared>> -> memref<10240x128xf32, #tpu.memory_space<vmem_shared>>
      tpu.enqueue_indirect_dma source(%arg10 : memref<128x128xf32, #tpu.memory_space<vmem>>) target(%dma_start3A_240 : memref<10240x128xf32, #tpu.memory_space<vmem_shared>>) offsets(%dma_start3A_237 : memref<128xi32, #tpu.memory_space<vmem>>) semaphore(%arg15 : memref<!tpu.dma_semaphore, #tpu.memory_space<semaphore_mem>>) {add = true}
      %dma_wait3A_241 = arith.constant 7 : i32
      %dma_wait3A_242 = arith.constant 0 : i32
      %dma_wait3A_243 = tpu.memref_slice %arg8[%dma_wait3A_241, %dma_wait3A_242] : memref<16x128xi32, #tpu.memory_space<vmem>> -> memref<1x128xi32, #tpu.memory_space<vmem>>
      %dma_wait3A_244 = tpu.memref_squeeze %dma_wait3A_243 : memref<1x128xi32, #tpu.memory_space<vmem>> -> memref<128xi32, #tpu.memory_space<vmem>>
      %dma_wait3A_245 = arith.constant 0 : i32
      %dma_wait3A_246 = arith.constant 0 : i32
      %dma_wait3A_247 = tpu.memref_slice %arg11[%dma_wait3A_245, %dma_wait3A_246] : memref<10240x128xf32, #tpu.memory_space<vmem_shared>> -> memref<10240x128xf32, #tpu.memory_space<vmem_shared>>
      tpu.wait_indirect_dma semaphore(%arg15 : memref<!tpu.dma_semaphore, #tpu.memory_space<semaphore_mem>>) src(%arg10 : memref<128x128xf32, #tpu.memory_space<vmem>>) dst(%dma_wait3A_247 : memref<10240x128xf32, #tpu.memory_space<vmem_shared>>)
      %dma_start3A_248 = arith.constant 9 : i32
      %dma_start3A_249 = arith.constant 0 : i32
      %dma_start3A_250 = tpu.memref_slice %arg7[%dma_start3A_248, %dma_start3A_249] : memref<16x128xi32, #tpu.memory_space<vmem>> -> memref<1x128xi32, #tpu.memory_space<vmem>>
      %dma_start3A_251 = tpu.memref_squeeze %dma_start3A_250 : memref<1x128xi32, #tpu.memory_space<vmem>> -> memref<128xi32, #tpu.memory_space<vmem>>
      %dma_start3A_252 = arith.constant 0 : i32
      %dma_start3A_253 = arith.constant 0 : i32
      %dma_start3A_254 = tpu.memref_slice %arg5[%dma_start3A_252, %dma_start3A_253] : memref<20480x128xf32, #tpu.memory_space<hbm>> -> memref<20480x128xf32, #tpu.memory_space<hbm>>
      tpu.enqueue_indirect_dma source(%dma_start3A_254 : memref<20480x128xf32, #tpu.memory_space<hbm>>) target(%arg10 : memref<128x128xf32, #tpu.memory_space<vmem>>) offsets(%dma_start3A_251 : memref<128xi32, #tpu.memory_space<vmem>>) semaphore(%arg13 : memref<!tpu.dma_semaphore, #tpu.memory_space<semaphore_mem>>)
      %dma_wait3A_255 = arith.constant 8 : i32
      %dma_wait3A_256 = arith.constant 0 : i32
      %dma_wait3A_257 = tpu.memref_slice %arg7[%dma_wait3A_255, %dma_wait3A_256] : memref<16x128xi32, #tpu.memory_space<vmem>> -> memref<1x128xi32, #tpu.memory_space<vmem>>
      %dma_wait3A_258 = tpu.memref_squeeze %dma_wait3A_257 : memref<1x128xi32, #tpu.memory_space<vmem>> -> memref<128xi32, #tpu.memory_space<vmem>>
      %dma_wait3A_259 = arith.constant 0 : i32
      %dma_wait3A_260 = arith.constant 0 : i32
      %dma_wait3A_261 = tpu.memref_slice %arg5[%dma_wait3A_259, %dma_wait3A_260] : memref<20480x128xf32, #tpu.memory_space<hbm>> -> memref<20480x128xf32, #tpu.memory_space<hbm>>
      tpu.wait_indirect_dma semaphore(%arg12 : memref<!tpu.dma_semaphore, #tpu.memory_space<semaphore_mem>>) src(%dma_wait3A_261 : memref<20480x128xf32, #tpu.memory_space<hbm>>) dst(%arg9 : memref<128x128xf32, #tpu.memory_space<vmem>>)
      %dma_start3A_262 = arith.constant 8 : i32
      %dma_start3A_263 = arith.constant 0 : i32
      %dma_start3A_264 = tpu.memref_slice %arg8[%dma_start3A_262, %dma_start3A_263] : memref<16x128xi32, #tpu.memory_space<vmem>> -> memref<1x128xi32, #tpu.memory_space<vmem>>
      %dma_start3A_265 = tpu.memref_squeeze %dma_start3A_264 : memref<1x128xi32, #tpu.memory_space<vmem>> -> memref<128xi32, #tpu.memory_space<vmem>>
      %dma_start3A_266 = arith.constant 0 : i32
      %dma_start3A_267 = arith.constant 0 : i32
      %dma_start3A_268 = tpu.memref_slice %arg11[%dma_start3A_266, %dma_start3A_267] : memref<10240x128xf32, #tpu.memory_space<vmem_shared>> -> memref<10240x128xf32, #tpu.memory_space<vmem_shared>>
      tpu.enqueue_indirect_dma source(%arg9 : memref<128x128xf32, #tpu.memory_space<vmem>>) target(%dma_start3A_268 : memref<10240x128xf32, #tpu.memory_space<vmem_shared>>) offsets(%dma_start3A_265 : memref<128xi32, #tpu.memory_space<vmem>>) semaphore(%arg14 : memref<!tpu.dma_semaphore, #tpu.memory_space<semaphore_mem>>) {add = true}
      %dma_wait3A_269 = arith.constant 8 : i32
      %dma_wait3A_270 = arith.constant 0 : i32
      %dma_wait3A_271 = tpu.memref_slice %arg8[%dma_wait3A_269, %dma_wait3A_270] : memref<16x128xi32, #tpu.memory_space<vmem>> -> memref<1x128xi32, #tpu.memory_space<vmem>>
      %dma_wait3A_272 = tpu.memref_squeeze %dma_wait3A_271 : memref<1x128xi32, #tpu.memory_space<vmem>> -> memref<128xi32, #tpu.memory_space<vmem>>
      %dma_wait3A_273 = arith.constant 0 : i32
      %dma_wait3A_274 = arith.constant 0 : i32
      %dma_wait3A_275 = tpu.memref_slice %arg11[%dma_wait3A_273, %dma_wait3A_274] : memref<10240x128xf32, #tpu.memory_space<vmem_shared>> -> memref<10240x128xf32, #tpu.memory_space<vmem_shared>>
      tpu.wait_indirect_dma semaphore(%arg14 : memref<!tpu.dma_semaphore, #tpu.memory_space<semaphore_mem>>) src(%arg9 : memref<128x128xf32, #tpu.memory_space<vmem>>) dst(%dma_wait3A_275 : memref<10240x128xf32, #tpu.memory_space<vmem_shared>>)
      %dma_start3A_276 = arith.constant 10 : i32
      %dma_start3A_277 = arith.constant 0 : i32
      %dma_start3A_278 = tpu.memref_slice %arg7[%dma_start3A_276, %dma_start3A_277] : memref<16x128xi32, #tpu.memory_space<vmem>> -> memref<1x128xi32, #tpu.memory_space<vmem>>
      %dma_start3A_279 = tpu.memref_squeeze %dma_start3A_278 : memref<1x128xi32, #tpu.memory_space<vmem>> -> memref<128xi32, #tpu.memory_space<vmem>>
      %dma_start3A_280 = arith.constant 0 : i32
      %dma_start3A_281 = arith.constant 0 : i32
      %dma_start3A_282 = tpu.memref_slice %arg5[%dma_start3A_280, %dma_start3A_281] : memref<20480x128xf32, #tpu.memory_space<hbm>> -> memref<20480x128xf32, #tpu.memory_space<hbm>>
      tpu.enqueue_indirect_dma source(%dma_start3A_282 : memref<20480x128xf32, #tpu.memory_space<hbm>>) target(%arg9 : memref<128x128xf32, #tpu.memory_space<vmem>>) offsets(%dma_start3A_279 : memref<128xi32, #tpu.memory_space<vmem>>) semaphore(%arg12 : memref<!tpu.dma_semaphore, #tpu.memory_space<semaphore_mem>>)
      %dma_wait3A_283 = arith.constant 9 : i32
      %dma_wait3A_284 = arith.constant 0 : i32
      %dma_wait3A_285 = tpu.memref_slice %arg7[%dma_wait3A_283, %dma_wait3A_284] : memref<16x128xi32, #tpu.memory_space<vmem>> -> memref<1x128xi32, #tpu.memory_space<vmem>>
      %dma_wait3A_286 = tpu.memref_squeeze %dma_wait3A_285 : memref<1x128xi32, #tpu.memory_space<vmem>> -> memref<128xi32, #tpu.memory_space<vmem>>
      %dma_wait3A_287 = arith.constant 0 : i32
      %dma_wait3A_288 = arith.constant 0 : i32
      %dma_wait3A_289 = tpu.memref_slice %arg5[%dma_wait3A_287, %dma_wait3A_288] : memref<20480x128xf32, #tpu.memory_space<hbm>> -> memref<20480x128xf32, #tpu.memory_space<hbm>>
      tpu.wait_indirect_dma semaphore(%arg13 : memref<!tpu.dma_semaphore, #tpu.memory_space<semaphore_mem>>) src(%dma_wait3A_289 : memref<20480x128xf32, #tpu.memory_space<hbm>>) dst(%arg10 : memref<128x128xf32, #tpu.memory_space<vmem>>)
      %dma_start3A_290 = arith.constant 9 : i32
      %dma_start3A_291 = arith.constant 0 : i32
      %dma_start3A_292 = tpu.memref_slice %arg8[%dma_start3A_290, %dma_start3A_291] : memref<16x128xi32, #tpu.memory_space<vmem>> -> memref<1x128xi32, #tpu.memory_space<vmem>>
      %dma_start3A_293 = tpu.memref_squeeze %dma_start3A_292 : memref<1x128xi32, #tpu.memory_space<vmem>> -> memref<128xi32, #tpu.memory_space<vmem>>
      %dma_start3A_294 = arith.constant 0 : i32
      %dma_start3A_295 = arith.constant 0 : i32
      %dma_start3A_296 = tpu.memref_slice %arg11[%dma_start3A_294, %dma_start3A_295] : memref<10240x128xf32, #tpu.memory_space<vmem_shared>> -> memref<10240x128xf32, #tpu.memory_space<vmem_shared>>
      tpu.enqueue_indirect_dma source(%arg10 : memref<128x128xf32, #tpu.memory_space<vmem>>) target(%dma_start3A_296 : memref<10240x128xf32, #tpu.memory_space<vmem_shared>>) offsets(%dma_start3A_293 : memref<128xi32, #tpu.memory_space<vmem>>) semaphore(%arg15 : memref<!tpu.dma_semaphore, #tpu.memory_space<semaphore_mem>>) {add = true}
      %dma_wait3A_297 = arith.constant 9 : i32
      %dma_wait3A_298 = arith.constant 0 : i32
      %dma_wait3A_299 = tpu.memref_slice %arg8[%dma_wait3A_297, %dma_wait3A_298] : memref<16x128xi32, #tpu.memory_space<vmem>> -> memref<1x128xi32, #tpu.memory_space<vmem>>
      %dma_wait3A_300 = tpu.memref_squeeze %dma_wait3A_299 : memref<1x128xi32, #tpu.memory_space<vmem>> -> memref<128xi32, #tpu.memory_space<vmem>>
      %dma_wait3A_301 = arith.constant 0 : i32
      %dma_wait3A_302 = arith.constant 0 : i32
      %dma_wait3A_303 = tpu.memref_slice %arg11[%dma_wait3A_301, %dma_wait3A_302] : memref<10240x128xf32, #tpu.memory_space<vmem_shared>> -> memref<10240x128xf32, #tpu.memory_space<vmem_shared>>
      tpu.wait_indirect_dma semaphore(%arg15 : memref<!tpu.dma_semaphore, #tpu.memory_space<semaphore_mem>>) src(%arg10 : memref<128x128xf32, #tpu.memory_space<vmem>>) dst(%dma_wait3A_303 : memref<10240x128xf32, #tpu.memory_space<vmem_shared>>)
      %dma_start3A_304 = arith.constant 11 : i32
      %dma_start3A_305 = arith.constant 0 : i32
      %dma_start3A_306 = tpu.memref_slice %arg7[%dma_start3A_304, %dma_start3A_305] : memref<16x128xi32, #tpu.memory_space<vmem>> -> memref<1x128xi32, #tpu.memory_space<vmem>>
      %dma_start3A_307 = tpu.memref_squeeze %dma_start3A_306 : memref<1x128xi32, #tpu.memory_space<vmem>> -> memref<128xi32, #tpu.memory_space<vmem>>
      %dma_start3A_308 = arith.constant 0 : i32
      %dma_start3A_309 = arith.constant 0 : i32
      %dma_start3A_310 = tpu.memref_slice %arg5[%dma_start3A_308, %dma_start3A_309] : memref<20480x128xf32, #tpu.memory_space<hbm>> -> memref<20480x128xf32, #tpu.memory_space<hbm>>
      tpu.enqueue_indirect_dma source(%dma_start3A_310 : memref<20480x128xf32, #tpu.memory_space<hbm>>) target(%arg10 : memref<128x128xf32, #tpu.memory_space<vmem>>) offsets(%dma_start3A_307 : memref<128xi32, #tpu.memory_space<vmem>>) semaphore(%arg13 : memref<!tpu.dma_semaphore, #tpu.memory_space<semaphore_mem>>)
      %dma_wait3A_311 = arith.constant 10 : i32
      %dma_wait3A_312 = arith.constant 0 : i32
      %dma_wait3A_313 = tpu.memref_slice %arg7[%dma_wait3A_311, %dma_wait3A_312] : memref<16x128xi32, #tpu.memory_space<vmem>> -> memref<1x128xi32, #tpu.memory_space<vmem>>
      %dma_wait3A_314 = tpu.memref_squeeze %dma_wait3A_313 : memref<1x128xi32, #tpu.memory_space<vmem>> -> memref<128xi32, #tpu.memory_space<vmem>>
      %dma_wait3A_315 = arith.constant 0 : i32
      %dma_wait3A_316 = arith.constant 0 : i32
      %dma_wait3A_317 = tpu.memref_slice %arg5[%dma_wait3A_315, %dma_wait3A_316] : memref<20480x128xf32, #tpu.memory_space<hbm>> -> memref<20480x128xf32, #tpu.memory_space<hbm>>
      tpu.wait_indirect_dma semaphore(%arg12 : memref<!tpu.dma_semaphore, #tpu.memory_space<semaphore_mem>>) src(%dma_wait3A_317 : memref<20480x128xf32, #tpu.memory_space<hbm>>) dst(%arg9 : memref<128x128xf32, #tpu.memory_space<vmem>>)
      %dma_start3A_318 = arith.constant 10 : i32
      %dma_start3A_319 = arith.constant 0 : i32
      %dma_start3A_320 = tpu.memref_slice %arg8[%dma_start3A_318, %dma_start3A_319] : memref<16x128xi32, #tpu.memory_space<vmem>> -> memref<1x128xi32, #tpu.memory_space<vmem>>
      %dma_start3A_321 = tpu.memref_squeeze %dma_start3A_320 : memref<1x128xi32, #tpu.memory_space<vmem>> -> memref<128xi32, #tpu.memory_space<vmem>>
      %dma_start3A_322 = arith.constant 0 : i32
      %dma_start3A_323 = arith.constant 0 : i32
      %dma_start3A_324 = tpu.memref_slice %arg11[%dma_start3A_322, %dma_start3A_323] : memref<10240x128xf32, #tpu.memory_space<vmem_shared>> -> memref<10240x128xf32, #tpu.memory_space<vmem_shared>>
      tpu.enqueue_indirect_dma source(%arg9 : memref<128x128xf32, #tpu.memory_space<vmem>>) target(%dma_start3A_324 : memref<10240x128xf32, #tpu.memory_space<vmem_shared>>) offsets(%dma_start3A_321 : memref<128xi32, #tpu.memory_space<vmem>>) semaphore(%arg14 : memref<!tpu.dma_semaphore, #tpu.memory_space<semaphore_mem>>) {add = true}
      %dma_wait3A_325 = arith.constant 10 : i32
      %dma_wait3A_326 = arith.constant 0 : i32
      %dma_wait3A_327 = tpu.memref_slice %arg8[%dma_wait3A_325, %dma_wait3A_326] : memref<16x128xi32, #tpu.memory_space<vmem>> -> memref<1x128xi32, #tpu.memory_space<vmem>>
      %dma_wait3A_328 = tpu.memref_squeeze %dma_wait3A_327 : memref<1x128xi32, #tpu.memory_space<vmem>> -> memref<128xi32, #tpu.memory_space<vmem>>
      %dma_wait3A_329 = arith.constant 0 : i32
      %dma_wait3A_330 = arith.constant 0 : i32
      %dma_wait3A_331 = tpu.memref_slice %arg11[%dma_wait3A_329, %dma_wait3A_330] : memref<10240x128xf32, #tpu.memory_space<vmem_shared>> -> memref<10240x128xf32, #tpu.memory_space<vmem_shared>>
      tpu.wait_indirect_dma semaphore(%arg14 : memref<!tpu.dma_semaphore, #tpu.memory_space<semaphore_mem>>) src(%arg9 : memref<128x128xf32, #tpu.memory_space<vmem>>) dst(%dma_wait3A_331 : memref<10240x128xf32, #tpu.memory_space<vmem_shared>>)
      %dma_start3A_332 = arith.constant 12 : i32
      %dma_start3A_333 = arith.constant 0 : i32
      %dma_start3A_334 = tpu.memref_slice %arg7[%dma_start3A_332, %dma_start3A_333] : memref<16x128xi32, #tpu.memory_space<vmem>> -> memref<1x128xi32, #tpu.memory_space<vmem>>
      %dma_start3A_335 = tpu.memref_squeeze %dma_start3A_334 : memref<1x128xi32, #tpu.memory_space<vmem>> -> memref<128xi32, #tpu.memory_space<vmem>>
      %dma_start3A_336 = arith.constant 0 : i32
      %dma_start3A_337 = arith.constant 0 : i32
      %dma_start3A_338 = tpu.memref_slice %arg5[%dma_start3A_336, %dma_start3A_337] : memref<20480x128xf32, #tpu.memory_space<hbm>> -> memref<20480x128xf32, #tpu.memory_space<hbm>>
      tpu.enqueue_indirect_dma source(%dma_start3A_338 : memref<20480x128xf32, #tpu.memory_space<hbm>>) target(%arg9 : memref<128x128xf32, #tpu.memory_space<vmem>>) offsets(%dma_start3A_335 : memref<128xi32, #tpu.memory_space<vmem>>) semaphore(%arg12 : memref<!tpu.dma_semaphore, #tpu.memory_space<semaphore_mem>>)
      %dma_wait3A_339 = arith.constant 11 : i32
      %dma_wait3A_340 = arith.constant 0 : i32
      %dma_wait3A_341 = tpu.memref_slice %arg7[%dma_wait3A_339, %dma_wait3A_340] : memref<16x128xi32, #tpu.memory_space<vmem>> -> memref<1x128xi32, #tpu.memory_space<vmem>>
      %dma_wait3A_342 = tpu.memref_squeeze %dma_wait3A_341 : memref<1x128xi32, #tpu.memory_space<vmem>> -> memref<128xi32, #tpu.memory_space<vmem>>
      %dma_wait3A_343 = arith.constant 0 : i32
      %dma_wait3A_344 = arith.constant 0 : i32
      %dma_wait3A_345 = tpu.memref_slice %arg5[%dma_wait3A_343, %dma_wait3A_344] : memref<20480x128xf32, #tpu.memory_space<hbm>> -> memref<20480x128xf32, #tpu.memory_space<hbm>>
      tpu.wait_indirect_dma semaphore(%arg13 : memref<!tpu.dma_semaphore, #tpu.memory_space<semaphore_mem>>) src(%dma_wait3A_345 : memref<20480x128xf32, #tpu.memory_space<hbm>>) dst(%arg10 : memref<128x128xf32, #tpu.memory_space<vmem>>)
      %dma_start3A_346 = arith.constant 11 : i32
      %dma_start3A_347 = arith.constant 0 : i32
      %dma_start3A_348 = tpu.memref_slice %arg8[%dma_start3A_346, %dma_start3A_347] : memref<16x128xi32, #tpu.memory_space<vmem>> -> memref<1x128xi32, #tpu.memory_space<vmem>>
      %dma_start3A_349 = tpu.memref_squeeze %dma_start3A_348 : memref<1x128xi32, #tpu.memory_space<vmem>> -> memref<128xi32, #tpu.memory_space<vmem>>
      %dma_start3A_350 = arith.constant 0 : i32
      %dma_start3A_351 = arith.constant 0 : i32
      %dma_start3A_352 = tpu.memref_slice %arg11[%dma_start3A_350, %dma_start3A_351] : memref<10240x128xf32, #tpu.memory_space<vmem_shared>> -> memref<10240x128xf32, #tpu.memory_space<vmem_shared>>
      tpu.enqueue_indirect_dma source(%arg10 : memref<128x128xf32, #tpu.memory_space<vmem>>) target(%dma_start3A_352 : memref<10240x128xf32, #tpu.memory_space<vmem_shared>>) offsets(%dma_start3A_349 : memref<128xi32, #tpu.memory_space<vmem>>) semaphore(%arg15 : memref<!tpu.dma_semaphore, #tpu.memory_space<semaphore_mem>>) {add = true}
      %dma_wait3A_353 = arith.constant 11 : i32
      %dma_wait3A_354 = arith.constant 0 : i32
      %dma_wait3A_355 = tpu.memref_slice %arg8[%dma_wait3A_353, %dma_wait3A_354] : memref<16x128xi32, #tpu.memory_space<vmem>> -> memref<1x128xi32, #tpu.memory_space<vmem>>
      %dma_wait3A_356 = tpu.memref_squeeze %dma_wait3A_355 : memref<1x128xi32, #tpu.memory_space<vmem>> -> memref<128xi32, #tpu.memory_space<vmem>>
      %dma_wait3A_357 = arith.constant 0 : i32
      %dma_wait3A_358 = arith.constant 0 : i32
      %dma_wait3A_359 = tpu.memref_slice %arg11[%dma_wait3A_357, %dma_wait3A_358] : memref<10240x128xf32, #tpu.memory_space<vmem_shared>> -> memref<10240x128xf32, #tpu.memory_space<vmem_shared>>
      tpu.wait_indirect_dma semaphore(%arg15 : memref<!tpu.dma_semaphore, #tpu.memory_space<semaphore_mem>>) src(%arg10 : memref<128x128xf32, #tpu.memory_space<vmem>>) dst(%dma_wait3A_359 : memref<10240x128xf32, #tpu.memory_space<vmem_shared>>)
      %dma_start3A_360 = arith.constant 13 : i32
      %dma_start3A_361 = arith.constant 0 : i32
      %dma_start3A_362 = tpu.memref_slice %arg7[%dma_start3A_360, %dma_start3A_361] : memref<16x128xi32, #tpu.memory_space<vmem>> -> memref<1x128xi32, #tpu.memory_space<vmem>>
      %dma_start3A_363 = tpu.memref_squeeze %dma_start3A_362 : memref<1x128xi32, #tpu.memory_space<vmem>> -> memref<128xi32, #tpu.memory_space<vmem>>
      %dma_start3A_364 = arith.constant 0 : i32
      %dma_start3A_365 = arith.constant 0 : i32
      %dma_start3A_366 = tpu.memref_slice %arg5[%dma_start3A_364, %dma_start3A_365] : memref<20480x128xf32, #tpu.memory_space<hbm>> -> memref<20480x128xf32, #tpu.memory_space<hbm>>
      tpu.enqueue_indirect_dma source(%dma_start3A_366 : memref<20480x128xf32, #tpu.memory_space<hbm>>) target(%arg10 : memref<128x128xf32, #tpu.memory_space<vmem>>) offsets(%dma_start3A_363 : memref<128xi32, #tpu.memory_space<vmem>>) semaphore(%arg13 : memref<!tpu.dma_semaphore, #tpu.memory_space<semaphore_mem>>)
      %dma_wait3A_367 = arith.constant 12 : i32
      %dma_wait3A_368 = arith.constant 0 : i32
      %dma_wait3A_369 = tpu.memref_slice %arg7[%dma_wait3A_367, %dma_wait3A_368] : memref<16x128xi32, #tpu.memory_space<vmem>> -> memref<1x128xi32, #tpu.memory_space<vmem>>
      %dma_wait3A_370 = tpu.memref_squeeze %dma_wait3A_369 : memref<1x128xi32, #tpu.memory_space<vmem>> -> memref<128xi32, #tpu.memory_space<vmem>>
      %dma_wait3A_371 = arith.constant 0 : i32
      %dma_wait3A_372 = arith.constant 0 : i32
      %dma_wait3A_373 = tpu.memref_slice %arg5[%dma_wait3A_371, %dma_wait3A_372] : memref<20480x128xf32, #tpu.memory_space<hbm>> -> memref<20480x128xf32, #tpu.memory_space<hbm>>
      tpu.wait_indirect_dma semaphore(%arg12 : memref<!tpu.dma_semaphore, #tpu.memory_space<semaphore_mem>>) src(%dma_wait3A_373 : memref<20480x128xf32, #tpu.memory_space<hbm>>) dst(%arg9 : memref<128x128xf32, #tpu.memory_space<vmem>>)
      %dma_start3A_374 = arith.constant 12 : i32
      %dma_start3A_375 = arith.constant 0 : i32
      %dma_start3A_376 = tpu.memref_slice %arg8[%dma_start3A_374, %dma_start3A_375] : memref<16x128xi32, #tpu.memory_space<vmem>> -> memref<1x128xi32, #tpu.memory_space<vmem>>
      %dma_start3A_377 = tpu.memref_squeeze %dma_start3A_376 : memref<1x128xi32, #tpu.memory_space<vmem>> -> memref<128xi32, #tpu.memory_space<vmem>>
      %dma_start3A_378 = arith.constant 0 : i32
      %dma_start3A_379 = arith.constant 0 : i32
      %dma_start3A_380 = tpu.memref_slice %arg11[%dma_start3A_378, %dma_start3A_379] : memref<10240x128xf32, #tpu.memory_space<vmem_shared>> -> memref<10240x128xf32, #tpu.memory_space<vmem_shared>>
      tpu.enqueue_indirect_dma source(%arg9 : memref<128x128xf32, #tpu.memory_space<vmem>>) target(%dma_start3A_380 : memref<10240x128xf32, #tpu.memory_space<vmem_shared>>) offsets(%dma_start3A_377 : memref<128xi32, #tpu.memory_space<vmem>>) semaphore(%arg14 : memref<!tpu.dma_semaphore, #tpu.memory_space<semaphore_mem>>) {add = true}
      %dma_wait3A_381 = arith.constant 12 : i32
      %dma_wait3A_382 = arith.constant 0 : i32
      %dma_wait3A_383 = tpu.memref_slice %arg8[%dma_wait3A_381, %dma_wait3A_382] : memref<16x128xi32, #tpu.memory_space<vmem>> -> memref<1x128xi32, #tpu.memory_space<vmem>>
      %dma_wait3A_384 = tpu.memref_squeeze %dma_wait3A_383 : memref<1x128xi32, #tpu.memory_space<vmem>> -> memref<128xi32, #tpu.memory_space<vmem>>
      %dma_wait3A_385 = arith.constant 0 : i32
      %dma_wait3A_386 = arith.constant 0 : i32
      %dma_wait3A_387 = tpu.memref_slice %arg11[%dma_wait3A_385, %dma_wait3A_386] : memref<10240x128xf32, #tpu.memory_space<vmem_shared>> -> memref<10240x128xf32, #tpu.memory_space<vmem_shared>>
      tpu.wait_indirect_dma semaphore(%arg14 : memref<!tpu.dma_semaphore, #tpu.memory_space<semaphore_mem>>) src(%arg9 : memref<128x128xf32, #tpu.memory_space<vmem>>) dst(%dma_wait3A_387 : memref<10240x128xf32, #tpu.memory_space<vmem_shared>>)
      %dma_start3A_388 = arith.constant 14 : i32
      %dma_start3A_389 = arith.constant 0 : i32
      %dma_start3A_390 = tpu.memref_slice %arg7[%dma_start3A_388, %dma_start3A_389] : memref<16x128xi32, #tpu.memory_space<vmem>> -> memref<1x128xi32, #tpu.memory_space<vmem>>
      %dma_start3A_391 = tpu.memref_squeeze %dma_start3A_390 : memref<1x128xi32, #tpu.memory_space<vmem>> -> memref<128xi32, #tpu.memory_space<vmem>>
      %dma_start3A_392 = arith.constant 0 : i32
      %dma_start3A_393 = arith.constant 0 : i32
      %dma_start3A_394 = tpu.memref_slice %arg5[%dma_start3A_392, %dma_start3A_393] : memref<20480x128xf32, #tpu.memory_space<hbm>> -> memref<20480x128xf32, #tpu.memory_space<hbm>>
      tpu.enqueue_indirect_dma source(%dma_start3A_394 : memref<20480x128xf32, #tpu.memory_space<hbm>>) target(%arg9 : memref<128x128xf32, #tpu.memory_space<vmem>>) offsets(%dma_start3A_391 : memref<128xi32, #tpu.memory_space<vmem>>) semaphore(%arg12 : memref<!tpu.dma_semaphore, #tpu.memory_space<semaphore_mem>>)
      %dma_wait3A_395 = arith.constant 13 : i32
      %dma_wait3A_396 = arith.constant 0 : i32
      %dma_wait3A_397 = tpu.memref_slice %arg7[%dma_wait3A_395, %dma_wait3A_396] : memref<16x128xi32, #tpu.memory_space<vmem>> -> memref<1x128xi32, #tpu.memory_space<vmem>>
      %dma_wait3A_398 = tpu.memref_squeeze %dma_wait3A_397 : memref<1x128xi32, #tpu.memory_space<vmem>> -> memref<128xi32, #tpu.memory_space<vmem>>
      %dma_wait3A_399 = arith.constant 0 : i32
      %dma_wait3A_400 = arith.constant 0 : i32
      %dma_wait3A_401 = tpu.memref_slice %arg5[%dma_wait3A_399, %dma_wait3A_400] : memref<20480x128xf32, #tpu.memory_space<hbm>> -> memref<20480x128xf32, #tpu.memory_space<hbm>>
      tpu.wait_indirect_dma semaphore(%arg13 : memref<!tpu.dma_semaphore, #tpu.memory_space<semaphore_mem>>) src(%dma_wait3A_401 : memref<20480x128xf32, #tpu.memory_space<hbm>>) dst(%arg10 : memref<128x128xf32, #tpu.memory_space<vmem>>)
      %dma_start3A_402 = arith.constant 13 : i32
      %dma_start3A_403 = arith.constant 0 : i32
      %dma_start3A_404 = tpu.memref_slice %arg8[%dma_start3A_402, %dma_start3A_403] : memref<16x128xi32, #tpu.memory_space<vmem>> -> memref<1x128xi32, #tpu.memory_space<vmem>>
      %dma_start3A_405 = tpu.memref_squeeze %dma_start3A_404 : memref<1x128xi32, #tpu.memory_space<vmem>> -> memref<128xi32, #tpu.memory_space<vmem>>
      %dma_start3A_406 = arith.constant 0 : i32
      %dma_start3A_407 = arith.constant 0 : i32
      %dma_start3A_408 = tpu.memref_slice %arg11[%dma_start3A_406, %dma_start3A_407] : memref<10240x128xf32, #tpu.memory_space<vmem_shared>> -> memref<10240x128xf32, #tpu.memory_space<vmem_shared>>
      tpu.enqueue_indirect_dma source(%arg10 : memref<128x128xf32, #tpu.memory_space<vmem>>) target(%dma_start3A_408 : memref<10240x128xf32, #tpu.memory_space<vmem_shared>>) offsets(%dma_start3A_405 : memref<128xi32, #tpu.memory_space<vmem>>) semaphore(%arg15 : memref<!tpu.dma_semaphore, #tpu.memory_space<semaphore_mem>>) {add = true}
      %dma_wait3A_409 = arith.constant 13 : i32
      %dma_wait3A_410 = arith.constant 0 : i32
      %dma_wait3A_411 = tpu.memref_slice %arg8[%dma_wait3A_409, %dma_wait3A_410] : memref<16x128xi32, #tpu.memory_space<vmem>> -> memref<1x128xi32, #tpu.memory_space<vmem>>
      %dma_wait3A_412 = tpu.memref_squeeze %dma_wait3A_411 : memref<1x128xi32, #tpu.memory_space<vmem>> -> memref<128xi32, #tpu.memory_space<vmem>>
      %dma_wait3A_413 = arith.constant 0 : i32
      %dma_wait3A_414 = arith.constant 0 : i32
      %dma_wait3A_415 = tpu.memref_slice %arg11[%dma_wait3A_413, %dma_wait3A_414] : memref<10240x128xf32, #tpu.memory_space<vmem_shared>> -> memref<10240x128xf32, #tpu.memory_space<vmem_shared>>
      tpu.wait_indirect_dma semaphore(%arg15 : memref<!tpu.dma_semaphore, #tpu.memory_space<semaphore_mem>>) src(%arg10 : memref<128x128xf32, #tpu.memory_space<vmem>>) dst(%dma_wait3A_415 : memref<10240x128xf32, #tpu.memory_space<vmem_shared>>)
      %dma_start3A_416 = arith.constant 15 : i32
      %dma_start3A_417 = arith.constant 0 : i32
      %dma_start3A_418 = tpu.memref_slice %arg7[%dma_start3A_416, %dma_start3A_417] : memref<16x128xi32, #tpu.memory_space<vmem>> -> memref<1x128xi32, #tpu.memory_space<vmem>>
      %dma_start3A_419 = tpu.memref_squeeze %dma_start3A_418 : memref<1x128xi32, #tpu.memory_space<vmem>> -> memref<128xi32, #tpu.memory_space<vmem>>
      %dma_start3A_420 = arith.constant 0 : i32
      %dma_start3A_421 = arith.constant 0 : i32
      %dma_start3A_422 = tpu.memref_slice %arg5[%dma_start3A_420, %dma_start3A_421] : memref<20480x128xf32, #tpu.memory_space<hbm>> -> memref<20480x128xf32, #tpu.memory_space<hbm>>
      tpu.enqueue_indirect_dma source(%dma_start3A_422 : memref<20480x128xf32, #tpu.memory_space<hbm>>) target(%arg10 : memref<128x128xf32, #tpu.memory_space<vmem>>) offsets(%dma_start3A_419 : memref<128xi32, #tpu.memory_space<vmem>>) semaphore(%arg13 : memref<!tpu.dma_semaphore, #tpu.memory_space<semaphore_mem>>)
      %dma_wait3A_423 = arith.constant 14 : i32
      %dma_wait3A_424 = arith.constant 0 : i32
      %dma_wait3A_425 = tpu.memref_slice %arg7[%dma_wait3A_423, %dma_wait3A_424] : memref<16x128xi32, #tpu.memory_space<vmem>> -> memref<1x128xi32, #tpu.memory_space<vmem>>
      %dma_wait3A_426 = tpu.memref_squeeze %dma_wait3A_425 : memref<1x128xi32, #tpu.memory_space<vmem>> -> memref<128xi32, #tpu.memory_space<vmem>>
      %dma_wait3A_427 = arith.constant 0 : i32
      %dma_wait3A_428 = arith.constant 0 : i32
      %dma_wait3A_429 = tpu.memref_slice %arg5[%dma_wait3A_427, %dma_wait3A_428] : memref<20480x128xf32, #tpu.memory_space<hbm>> -> memref<20480x128xf32, #tpu.memory_space<hbm>>
      tpu.wait_indirect_dma semaphore(%arg12 : memref<!tpu.dma_semaphore, #tpu.memory_space<semaphore_mem>>) src(%dma_wait3A_429 : memref<20480x128xf32, #tpu.memory_space<hbm>>) dst(%arg9 : memref<128x128xf32, #tpu.memory_space<vmem>>)
      %dma_start3A_430 = arith.constant 14 : i32
      %dma_start3A_431 = arith.constant 0 : i32
      %dma_start3A_432 = tpu.memref_slice %arg8[%dma_start3A_430, %dma_start3A_431] : memref<16x128xi32, #tpu.memory_space<vmem>> -> memref<1x128xi32, #tpu.memory_space<vmem>>
      %dma_start3A_433 = tpu.memref_squeeze %dma_start3A_432 : memref<1x128xi32, #tpu.memory_space<vmem>> -> memref<128xi32, #tpu.memory_space<vmem>>
      %dma_start3A_434 = arith.constant 0 : i32
      %dma_start3A_435 = arith.constant 0 : i32
      %dma_start3A_436 = tpu.memref_slice %arg11[%dma_start3A_434, %dma_start3A_435] : memref<10240x128xf32, #tpu.memory_space<vmem_shared>> -> memref<10240x128xf32, #tpu.memory_space<vmem_shared>>
      tpu.enqueue_indirect_dma source(%arg9 : memref<128x128xf32, #tpu.memory_space<vmem>>) target(%dma_start3A_436 : memref<10240x128xf32, #tpu.memory_space<vmem_shared>>) offsets(%dma_start3A_433 : memref<128xi32, #tpu.memory_space<vmem>>) semaphore(%arg14 : memref<!tpu.dma_semaphore, #tpu.memory_space<semaphore_mem>>) {add = true}
      %dma_wait3A_437 = arith.constant 15 : i32
      %dma_wait3A_438 = arith.constant 0 : i32
      %dma_wait3A_439 = tpu.memref_slice %arg7[%dma_wait3A_437, %dma_wait3A_438] : memref<16x128xi32, #tpu.memory_space<vmem>> -> memref<1x128xi32, #tpu.memory_space<vmem>>
      %dma_wait3A_440 = tpu.memref_squeeze %dma_wait3A_439 : memref<1x128xi32, #tpu.memory_space<vmem>> -> memref<128xi32, #tpu.memory_space<vmem>>
      %dma_wait3A_441 = arith.constant 0 : i32
      %dma_wait3A_442 = arith.constant 0 : i32
      %dma_wait3A_443 = tpu.memref_slice %arg5[%dma_wait3A_441, %dma_wait3A_442] : memref<20480x128xf32, #tpu.memory_space<hbm>> -> memref<20480x128xf32, #tpu.memory_space<hbm>>
      tpu.wait_indirect_dma semaphore(%arg13 : memref<!tpu.dma_semaphore, #tpu.memory_space<semaphore_mem>>) src(%dma_wait3A_443 : memref<20480x128xf32, #tpu.memory_space<hbm>>) dst(%arg10 : memref<128x128xf32, #tpu.memory_space<vmem>>)
      %dma_start3A_444 = arith.constant 15 : i32
      %dma_start3A_445 = arith.constant 0 : i32
      %dma_start3A_446 = tpu.memref_slice %arg8[%dma_start3A_444, %dma_start3A_445] : memref<16x128xi32, #tpu.memory_space<vmem>> -> memref<1x128xi32, #tpu.memory_space<vmem>>
      %dma_start3A_447 = tpu.memref_squeeze %dma_start3A_446 : memref<1x128xi32, #tpu.memory_space<vmem>> -> memref<128xi32, #tpu.memory_space<vmem>>
      %dma_start3A_448 = arith.constant 0 : i32
      %dma_start3A_449 = arith.constant 0 : i32
      %dma_start3A_450 = tpu.memref_slice %arg11[%dma_start3A_448, %dma_start3A_449] : memref<10240x128xf32, #tpu.memory_space<vmem_shared>> -> memref<10240x128xf32, #tpu.memory_space<vmem_shared>>
      tpu.enqueue_indirect_dma source(%arg10 : memref<128x128xf32, #tpu.memory_space<vmem>>) target(%dma_start3A_450 : memref<10240x128xf32, #tpu.memory_space<vmem_shared>>) offsets(%dma_start3A_447 : memref<128xi32, #tpu.memory_space<vmem>>) semaphore(%arg15 : memref<!tpu.dma_semaphore, #tpu.memory_space<semaphore_mem>>) {add = true}
      %dma_wait3A_451 = arith.constant 14 : i32
      %dma_wait3A_452 = arith.constant 0 : i32
      %dma_wait3A_453 = tpu.memref_slice %arg8[%dma_wait3A_451, %dma_wait3A_452] : memref<16x128xi32, #tpu.memory_space<vmem>> -> memref<1x128xi32, #tpu.memory_space<vmem>>
      %dma_wait3A_454 = tpu.memref_squeeze %dma_wait3A_453 : memref<1x128xi32, #tpu.memory_space<vmem>> -> memref<128xi32, #tpu.memory_space<vmem>>
      %dma_wait3A_455 = arith.constant 0 : i32
      %dma_wait3A_456 = arith.constant 0 : i32
      %dma_wait3A_457 = tpu.memref_slice %arg11[%dma_wait3A_455, %dma_wait3A_456] : memref<10240x128xf32, #tpu.memory_space<vmem_shared>> -> memref<10240x128xf32, #tpu.memory_space<vmem_shared>>
      tpu.wait_indirect_dma semaphore(%arg14 : memref<!tpu.dma_semaphore, #tpu.memory_space<semaphore_mem>>) src(%arg9 : memref<128x128xf32, #tpu.memory_space<vmem>>) dst(%dma_wait3A_457 : memref<10240x128xf32, #tpu.memory_space<vmem_shared>>)
      %dma_wait3A_458 = arith.constant 15 : i32
      %dma_wait3A_459 = arith.constant 0 : i32
      %dma_wait3A_460 = tpu.memref_slice %arg8[%dma_wait3A_458, %dma_wait3A_459] : memref<16x128xi32, #tpu.memory_space<vmem>> -> memref<1x128xi32, #tpu.memory_space<vmem>>
      %dma_wait3A_461 = tpu.memref_squeeze %dma_wait3A_460 : memref<1x128xi32, #tpu.memory_space<vmem>> -> memref<128xi32, #tpu.memory_space<vmem>>
      %dma_wait3A_462 = arith.constant 0 : i32
      %dma_wait3A_463 = arith.constant 0 : i32
      %dma_wait3A_464 = tpu.memref_slice %arg11[%dma_wait3A_462, %dma_wait3A_463] : memref<10240x128xf32, #tpu.memory_space<vmem_shared>> -> memref<10240x128xf32, #tpu.memory_space<vmem_shared>>
      tpu.wait_indirect_dma semaphore(%arg15 : memref<!tpu.dma_semaphore, #tpu.memory_space<semaphore_mem>>) src(%arg10 : memref<128x128xf32, #tpu.memory_space<vmem>>) dst(%dma_wait3A_464 : memref<10240x128xf32, #tpu.memory_space<vmem_shared>>)
      %scan3A_465 = arith.constant 0 : i32
      scf.yield %scan3A_465 : i32
    }
    %scan3A_7 = arith.constant 10 : i32
    %barrier3A_8 = arith.constant 0 : index
    tpu.barrier barrier_id(%barrier3A_8)
    %eq3A_9 = arith.constant 0 : i32
    %eq3A_10 = arith.cmpi eq, %arg1, %eq3A_9 : i32
    %convert_element_type3A_11 = arith.extui %eq3A_10 : i1 to i32
    %cond3A_12 = arith.constant 0 : i32
    %cond3A_13 = arith.cmpi ne, %convert_element_type3A_11, %cond3A_12 : i32
    scf.if %cond3A_13 {
      %mul3A = arith.constant 10240 : i32
      %mul3A_14 = arith.muli %arg0, %mul3A : i32
      "tpu.region"() ({
        %run_scoped3A = tpu.sem_alloc : memref<!tpu.dma_semaphore, #tpu.memory_space<semaphore_mem>>
        %dma_start3A = arith.constant 0 : i32
        %dma_start3A_15 = tpu.memref_slice %arg6[%mul3A_14, %dma_start3A] : memref<20480x128xf32, #tpu.memory_space<hbm>> -> memref<10240x128xf32, #tpu.memory_space<hbm>>
        tpu.enqueue_dma source(%arg11 : memref<10240x128xf32, #tpu.memory_space<vmem_shared>>) target(%dma_start3A_15 : memref<10240x128xf32, #tpu.memory_space<hbm>>) target_semaphore(%run_scoped3A : memref<!tpu.dma_semaphore, #tpu.memory_space<semaphore_mem>>)
        %dma_wait3A = arith.constant 0 : i32
        %dma_wait3A_16 = tpu.memref_slice %arg6[%mul3A_14, %dma_wait3A] : memref<20480x128xf32, #tpu.memory_space<hbm>> -> memref<10240x128xf32, #tpu.memory_space<hbm>>
        tpu.wait_dma2 semaphore(%run_scoped3A : memref<!tpu.dma_semaphore, #tpu.memory_space<semaphore_mem>>) src(%arg11 : memref<10240x128xf32, #tpu.memory_space<vmem_shared>>) dst(%dma_wait3A_16 : memref<10240x128xf32, #tpu.memory_space<hbm>>)
        tpu.yield
      }) : () -> ()
    } else {
    }
    return
  }
}

module attributes {stable_mosaic.version = 14 : i64} {
  func.func @_tc1a_body(%arg0: i32, %arg1: memref<1024x128xf32, #tpu.memory_space<vmem>>, %arg2: memref<128x256xf32, #tpu.memory_space<vmem>>, %arg3: memref<1024x256xf32, #tpu.memory_space<vmem>>) attributes {dimension_semantics = [#tpu.dimension_semantics<arbitrary>], iteration_bounds = array<i64: 10>, scalar_prefetch = 0 : i64, scratch_operands = 0 : i64, tpu.core_type = #tpu.core_type<tc>, window_params = [{transform_indices = @transform_0, window_bounds = array<i64: 1024, 128>}, {pipeline_mode = #tpu.pipeline_mode<synchronous>, transform_indices = @transform_1, window_bounds = array<i64: 128, 256>}, {transform_indices = @transform_2, window_bounds = array<i64: 1024, 256>}]} {
    %get3A = arith.constant 0 : index
    %get3A_0 = arith.constant 0 : index
    %get3A_1 = vector.load %arg1[%get3A, %get3A_0] : memref<1024x128xf32, #tpu.memory_space<vmem>>, vector<1024x128xf32>
    %get3A_2 = arith.constant 0 : index
    %get3A_3 = arith.constant 0 : index
    %get3A_4 = vector.load %arg2[%get3A_2, %get3A_3] : memref<128x256xf32, #tpu.memory_space<vmem>>, vector<128x256xf32>
    %dot_general3A = arith.constant dense<0.000000e+00> : vector<1024x256xf32>
    %dot_general3A_5 = tpu.matmul %get3A_1, %get3A_4, %dot_general3A {dimension_numbers = #tpu.dot_dimension_numbers<[1], [0], [0], [1], [0, 0, 1, 1], [], []>, transpose_lhs_hint = false} : vector<1024x128xf32>, vector<128x256xf32>, vector<1024x256xf32> -> vector<1024x256xf32>
    %swap3A = arith.constant 0 : index
    %swap3A_6 = arith.constant 0 : index
    %swap3A_7 = vector.load %arg3[%swap3A, %swap3A_6] : memref<1024x256xf32, #tpu.memory_space<vmem>>, vector<1024x256xf32>
    tpu.vector_store %arg3[%swap3A, %swap3A_6], %dot_general3A_5 {strides = array<i32>} : memref<1024x256xf32, #tpu.memory_space<vmem>>, vector<1024x256xf32>,
    return
  }
  func.func @transform_0(%arg0: i32) -> (i32, i32) {
    %c0_i32 = arith.constant 0 : i32
    %c0_i32_0 = arith.constant 0 : i32
    return %arg0, %c0_i32 : i32, i32
  }
  func.func @transform_1(%arg0: i32) -> (i32, i32) {
    %c0_i32 = arith.constant 0 : i32
    %c0_i32_0 = arith.constant 0 : i32
    %c0_i32_1 = arith.constant 0 : i32
    return %c0_i32, %c0_i32_0 : i32, i32
  }
  func.func @transform_2(%arg0: i32) -> (i32, i32) {
    %c0_i32 = arith.constant 0 : i32
    %c0_i32_0 = arith.constant 0 : i32
    return %arg0, %c0_i32 : i32, i32
  }
}

module attributes {stable_mosaic.version = 14 : i64} {
  func.func @_tc1_body(%arg0: i32, %arg1: memref<1024x256xf32, #tpu.memory_space<vmem>>, %arg2: memref<1024x128xf32, #tpu.memory_space<vmem>>, %arg3: memref<1024x128xf32, #tpu.memory_space<vmem>>, %arg4: memref<1024x128xf32, #tpu.memory_space<vmem>>, %arg5: memref<1024x128xf32, #tpu.memory_space<vmem>>, %arg6: memref<1024x1xf32, #tpu.memory_space<vmem>>) attributes {dimension_semantics = [#tpu.dimension_semantics<arbitrary>], iteration_bounds = array<i64: 10>, scalar_prefetch = 0 : i64, scratch_operands = 0 : i64, tpu.core_type = #tpu.core_type<tc>, window_params = [{transform_indices = @transform_0, window_bounds = array<i64: 1024, 256>}, {transform_indices = @transform_1, window_bounds = array<i64: 1024, 128>}, {transform_indices = @transform_2, window_bounds = array<i64: 1024, 128>}, {transform_indices = @transform_3, window_bounds = array<i64: 1024, 128>}, {transform_indices = @transform_4, window_bounds = array<i64: 1024, 128>}, {transform_indices = @transform_5, window_bounds = array<i64: 1024, 1>}]} {
    %get3A = arith.constant 0 : index
    %get3A_0 = arith.constant 0 : index
    %get3A_1 = vector.load %arg2[%get3A, %get3A_0] : memref<1024x128xf32, #tpu.memory_space<vmem>>, vector<1024x1xf32>
    %get3A_2 = arith.constant 0 : index
    %get3A_3 = arith.constant 0 : index
    %get3A_4 = vector.load %arg3[%get3A_2, %get3A_3] : memref<1024x128xf32, #tpu.memory_space<vmem>>, vector<1024x1xf32>
    %add3A = arith.addf %get3A_1, %get3A_4 : vector<1024x1xf32>
    %add3A_5 = arith.constant 1.000000e+00 : f32
    %add3A_6 = vector.broadcast %add3A_5 : f32 to vector<1024x1xf32>
    %add3A_7 = arith.addf %add3A, %add3A_6 : vector<1024x1xf32>
    %rsqrt3A = math.rsqrt %add3A_7 : vector<1024x1xf32>
    %get3A_8 = arith.constant 0 : index
    %get3A_9 = arith.constant 0 : index
    %get3A_10 = vector.load %arg1[%get3A_8, %get3A_9] : memref<1024x256xf32, #tpu.memory_space<vmem>>, vector<1024x256xf32>
    %mul3A = vector.broadcast %rsqrt3A : vector<1024x1xf32> to vector<1024x256xf32>
    %mul3A_11 = arith.mulf %get3A_10, %mul3A : vector<1024x256xf32>
    %slice3A = vector.extract_strided_slice %mul3A_11 {offsets = [0, 0], sizes = [1024, 128], strides = [1, 1]} : vector<1024x256xf32> to vector<1024x128xf32>
    %swap3A = arith.constant 0 : index
    %swap3A_12 = arith.constant 0 : index
    %swap3A_13 = vector.load %arg4[%swap3A, %swap3A_12] : memref<1024x128xf32, #tpu.memory_space<vmem>>, vector<1024x128xf32>
    tpu.vector_store %arg4[%swap3A, %swap3A_12], %slice3A {strides = array<i32>} : memref<1024x128xf32, #tpu.memory_space<vmem>>, vector<1024x128xf32>,
    %slice3A_14 = vector.extract_strided_slice %mul3A_11 {offsets = [0, 128], sizes = [1024, 128], strides = [1, 1]} : vector<1024x256xf32> to vector<1024x128xf32>
    %swap3A_15 = arith.constant 0 : index
    %swap3A_16 = arith.constant 0 : index
    %swap3A_17 = vector.load %arg5[%swap3A_15, %swap3A_16] : memref<1024x128xf32, #tpu.memory_space<vmem>>, vector<1024x128xf32>
    tpu.vector_store %arg5[%swap3A_15, %swap3A_16], %slice3A_14 {strides = array<i32>} : memref<1024x128xf32, #tpu.memory_space<vmem>>, vector<1024x128xf32>,
    %swap3A_18 = arith.constant 0 : index
    %swap3A_19 = arith.constant 0 : index
    %swap3A_20 = vector.load %arg6[%swap3A_18, %swap3A_19] : memref<1024x1xf32, #tpu.memory_space<vmem>>, vector<1024x1xf32>
    tpu.vector_store %arg6[%swap3A_18, %swap3A_19], %rsqrt3A {strides = array<i32>} : memref<1024x1xf32, #tpu.memory_space<vmem>>, vector<1024x1xf32>,
    return
  }
  func.func @transform_0(%arg0: i32) -> (i32, i32) {
    %c0_i32 = arith.constant 0 : i32
    %c0_i32_0 = arith.constant 0 : i32
    return %arg0, %c0_i32 : i32, i32
  }
  func.func @transform_1(%arg0: i32) -> (i32, i32) {
    %c0_i32 = arith.constant 0 : i32
    %c0_i32_0 = arith.constant 0 : i32
    return %arg0, %c0_i32 : i32, i32
  }
  func.func @transform_2(%arg0: i32) -> (i32, i32) {
    %add3A = arith.constant 10 : i32
    %add3A_0 = arith.addi %arg0, %add3A : i32
    %c0_i32 = arith.constant 0 : i32
    %c0_i32_1 = arith.constant 0 : i32
    return %add3A_0, %c0_i32 : i32, i32
  }
  func.func @transform_3(%arg0: i32) -> (i32, i32) {
    %c0_i32 = arith.constant 0 : i32
    %c0_i32_0 = arith.constant 0 : i32
    return %arg0, %c0_i32 : i32, i32
  }
  func.func @transform_4(%arg0: i32) -> (i32, i32) {
    %c0_i32 = arith.constant 0 : i32
    %c0_i32_0 = arith.constant 0 : i32
    return %arg0, %c0_i32 : i32, i32
  }
  func.func @transform_5(%arg0: i32) -> (i32, i32) {
    %c0_i32 = arith.constant 0 : i32
    %c0_i32_0 = arith.constant 0 : i32
    return %arg0, %c0_i32 : i32, i32
  }
}

module attributes {stable_mosaic.version = 14 : i64} {
  func.func @_tc2_body(%arg0: i32, %arg1: memref<1024x128xf32, #tpu.memory_space<vmem>>, %arg2: memref<1024x128xf32, #tpu.memory_space<vmem>>, %arg3: memref<1024x128xf32, #tpu.memory_space<vmem>>, %arg4: memref<1024x128xf32, #tpu.memory_space<vmem>>, %arg5: memref<1024x1xf32, #tpu.memory_space<vmem>>, %arg6: memref<1x256xf32, #tpu.memory_space<vmem>>, %arg7: memref<256x128xf32, #tpu.memory_space<vmem>>, %arg8: memref<1024x128xf32, #tpu.memory_space<vmem>>) attributes {dimension_semantics = [#tpu.dimension_semantics<arbitrary>], iteration_bounds = array<i64: 10>, scalar_prefetch = 0 : i64, scratch_operands = 0 : i64, tpu.core_type = #tpu.core_type<tc>, window_params = [{transform_indices = @transform_0, window_bounds = array<i64: 1024, 128>}, {transform_indices = @transform_1, window_bounds = array<i64: 1024, 128>}, {transform_indices = @transform_2, window_bounds = array<i64: 1024, 128>}, {transform_indices = @transform_3, window_bounds = array<i64: 1024, 128>}, {transform_indices = @transform_4, window_bounds = array<i64: 1024, 1>}, {pipeline_mode = #tpu.pipeline_mode<synchronous>, transform_indices = @transform_5, window_bounds = array<i64: 1, 256>}, {pipeline_mode = #tpu.pipeline_mode<synchronous>, transform_indices = @transform_6, window_bounds = array<i64: 256, 128>}, {transform_indices = @transform_7, window_bounds = array<i64: 1024, 128>}]} {
    %get3A = arith.constant 0 : index
    %get3A_0 = arith.constant 0 : index
    %get3A_1 = vector.load %arg5[%get3A, %get3A_0] : memref<1024x1xf32, #tpu.memory_space<vmem>>, vector<1024x1xf32>
    %get3A_2 = arith.constant 0 : index
    %get3A_3 = arith.constant 0 : index
    %get3A_4 = vector.load %arg1[%get3A_2, %get3A_3] : memref<1024x128xf32, #tpu.memory_space<vmem>>, vector<1024x128xf32>
    %get3A_5 = arith.constant 0 : index
    %get3A_6 = arith.constant 0 : index
    %get3A_7 = vector.load %arg3[%get3A_5, %get3A_6] : memref<1024x128xf32, #tpu.memory_space<vmem>>, vector<1024x128xf32>
    %add3A = arith.addf %get3A_4, %get3A_7 : vector<1024x128xf32>
    %mul3A = vector.broadcast %get3A_1 : vector<1024x1xf32> to vector<1024x128xf32>
    %mul3A_8 = arith.mulf %mul3A, %add3A : vector<1024x128xf32>
    %get3A_9 = arith.constant 0 : index
    %get3A_10 = arith.constant 0 : index
    %get3A_11 = vector.load %arg6[%get3A_9, %get3A_10] : memref<1x256xf32, #tpu.memory_space<vmem>>, vector<1x128xf32>
    %add3A_12 = vector.broadcast %get3A_11 : vector<1x128xf32> to vector<1024x128xf32>
    %add3A_13 = arith.addf %mul3A_8, %add3A_12 : vector<1024x128xf32>
    %max3A = arith.constant 0.000000e+00 : f32
    %max3A_14 = vector.broadcast %max3A : f32 to vector<1024x128xf32>
    %max3A_15 = arith.maximumf %add3A_13, %max3A_14 : vector<1024x128xf32>
    %get3A_16 = arith.constant 0 : index
    %get3A_17 = arith.constant 0 : index
    %get3A_18 = vector.load %arg2[%get3A_16, %get3A_17] : memref<1024x128xf32, #tpu.memory_space<vmem>>, vector<1024x128xf32>
    %get3A_19 = arith.constant 0 : index
    %get3A_20 = arith.constant 0 : index
    %get3A_21 = vector.load %arg4[%get3A_19, %get3A_20] : memref<1024x128xf32, #tpu.memory_space<vmem>>, vector<1024x128xf32>
    %add3A_22 = arith.addf %get3A_18, %get3A_21 : vector<1024x128xf32>
    %mul3A_23 = vector.broadcast %get3A_1 : vector<1024x1xf32> to vector<1024x128xf32>
    %mul3A_24 = arith.mulf %mul3A_23, %add3A_22 : vector<1024x128xf32>
    %get3A_25 = arith.constant 0 : index
    %get3A_26 = arith.constant 128 : index
    %get3A_27 = vector.load %arg6[%get3A_25, %get3A_26] : memref<1x256xf32, #tpu.memory_space<vmem>>, vector<1x128xf32>
    %add3A_28 = vector.broadcast %get3A_27 : vector<1x128xf32> to vector<1024x128xf32>
    %add3A_29 = arith.addf %mul3A_24, %add3A_28 : vector<1024x128xf32>
    %max3A_30 = arith.constant 0.000000e+00 : f32
    %max3A_31 = vector.broadcast %max3A_30 : f32 to vector<1024x128xf32>
    %max3A_32 = arith.maximumf %add3A_29, %max3A_31 : vector<1024x128xf32>
    %concatenate3A = tpu.concatenate %max3A_15, %max3A_32 in 1 : vector<1024x128xf32>, vector<1024x128xf32> -> vector<1024x256xf32>
    %get3A_33 = arith.constant 0 : index
    %get3A_34 = arith.constant 0 : index
    %get3A_35 = vector.load %arg7[%get3A_33, %get3A_34] : memref<256x128xf32, #tpu.memory_space<vmem>>, vector<256x128xf32>
    %dot_general3A = arith.constant dense<0.000000e+00> : vector<1024x128xf32>
    %dot_general3A_36 = tpu.matmul %concatenate3A, %get3A_35, %dot_general3A {dimension_numbers = #tpu.dot_dimension_numbers<[1], [0], [0], [1], [0, 0, 1, 1], [], []>, transpose_lhs_hint = false} : vector<1024x256xf32>, vector<256x128xf32>, vector<1024x128xf32> -> vector<1024x128xf32>
    %mul3A_37 = vector.broadcast %get3A_1 : vector<1024x1xf32> to vector<1024x128xf32>
    %mul3A_38 = arith.mulf %dot_general3A_36, %mul3A_37 : vector<1024x128xf32>
    %swap3A = arith.constant 0 : index
    %swap3A_39 = arith.constant 0 : index
    %swap3A_40 = vector.load %arg8[%swap3A, %swap3A_39] : memref<1024x128xf32, #tpu.memory_space<vmem>>, vector<1024x128xf32>
    tpu.vector_store %arg8[%swap3A, %swap3A_39], %mul3A_38 {strides = array<i32>} : memref<1024x128xf32, #tpu.memory_space<vmem>>, vector<1024x128xf32>,
    return
  }
  func.func @transform_0(%arg0: i32) -> (i32, i32) {
    %c0_i32 = arith.constant 0 : i32
    %c0_i32_0 = arith.constant 0 : i32
    return %arg0, %c0_i32 : i32, i32
  }
  func.func @transform_1(%arg0: i32) -> (i32, i32) {
    %add3A = arith.constant 10 : i32
    %add3A_0 = arith.addi %arg0, %add3A : i32
    %c0_i32 = arith.constant 0 : i32
    %c0_i32_1 = arith.constant 0 : i32
    return %add3A_0, %c0_i32 : i32, i32
  }
  func.func @transform_2(%arg0: i32) -> (i32, i32) {
    %c0_i32 = arith.constant 0 : i32
    %c0_i32_0 = arith.constant 0 : i32
    return %arg0, %c0_i32 : i32, i32
  }
  func.func @transform_3(%arg0: i32) -> (i32, i32) {
    %c0_i32 = arith.constant 0 : i32
    %c0_i32_0 = arith.constant 0 : i32
    return %arg0, %c0_i32 : i32, i32
  }
  func.func @transform_4(%arg0: i32) -> (i32, i32) {
    %c0_i32 = arith.constant 0 : i32
    %c0_i32_0 = arith.constant 0 : i32
    return %arg0, %c0_i32 : i32, i32
  }
  func.func @transform_5(%arg0: i32) -> (i32, i32) {
    %c0_i32 = arith.constant 0 : i32
    %c0_i32_0 = arith.constant 0 : i32
    %c0_i32_1 = arith.constant 0 : i32
    return %c0_i32, %c0_i32_0 : i32, i32
  }
  func.func @transform_6(%arg0: i32) -> (i32, i32) {
    %c0_i32 = arith.constant 0 : i32
    %c0_i32_0 = arith.constant 0 : i32
    %c0_i32_1 = arith.constant 0 : i32
    return %c0_i32, %c0_i32_0 : i32, i32
  }
  func.func @transform_7(%arg0: i32) -> (i32, i32) {
    %c0_i32 = arith.constant 0 : i32
    %c0_i32_0 = arith.constant 0 : i32
    return %arg0, %c0_i32 : i32, i32
  }
}

module attributes {stable_mosaic.version = 14 : i64} {
  func.func @_tc3_body(%arg0: i32, %arg1: memref<1024x128xf32, #tpu.memory_space<vmem>>, %arg2: memref<1024x128xf32, #tpu.memory_space<vmem>>, %arg3: memref<1024x128xf32, #tpu.memory_space<vmem>>, %arg4: memref<1024x1xf32, #tpu.memory_space<vmem>>, %arg5: memref<1x128xf32, #tpu.memory_space<vmem>>, %arg6: memref<1024x128xf32, #tpu.memory_space<vmem>>, %arg7: memref<1024x128xf32, #tpu.memory_space<vmem>>) attributes {dimension_semantics = [#tpu.dimension_semantics<arbitrary>], iteration_bounds = array<i64: 10>, scalar_prefetch = 0 : i64, scratch_operands = 0 : i64, tpu.core_type = #tpu.core_type<tc>, window_params = [{transform_indices = @transform_0, window_bounds = array<i64: 1024, 128>}, {transform_indices = @transform_1, window_bounds = array<i64: 1024, 128>}, {transform_indices = @transform_2, window_bounds = array<i64: 1024, 128>}, {transform_indices = @transform_3, window_bounds = array<i64: 1024, 1>}, {pipeline_mode = #tpu.pipeline_mode<synchronous>, transform_indices = @transform_4, window_bounds = array<i64: 1, 128>}, {transform_indices = @transform_5, window_bounds = array<i64: 1024, 128>}, {transform_indices = @transform_6, window_bounds = array<i64: 1024, 128>}]} {
    %get3A = arith.constant 0 : index
    %get3A_0 = arith.constant 0 : index
    %get3A_1 = vector.load %arg4[%get3A, %get3A_0] : memref<1024x1xf32, #tpu.memory_space<vmem>>, vector<1024x1xf32>
    %get3A_2 = arith.constant 0 : index
    %get3A_3 = arith.constant 0 : index
    %get3A_4 = vector.load %arg1[%get3A_2, %get3A_3] : memref<1024x128xf32, #tpu.memory_space<vmem>>, vector<1024x128xf32>
    %get3A_5 = arith.constant 0 : index
    %get3A_6 = arith.constant 0 : index
    %get3A_7 = vector.load %arg2[%get3A_5, %get3A_6] : memref<1024x128xf32, #tpu.memory_space<vmem>>, vector<1024x128xf32>
    %add3A = arith.addf %get3A_4, %get3A_7 : vector<1024x128xf32>
    %get3A_8 = arith.constant 0 : index
    %get3A_9 = arith.constant 0 : index
    %get3A_10 = vector.load %arg3[%get3A_8, %get3A_9] : memref<1024x128xf32, #tpu.memory_space<vmem>>, vector<1024x128xf32>
    %add3A_11 = arith.addf %add3A, %get3A_10 : vector<1024x128xf32>
    %mul3A = vector.broadcast %get3A_1 : vector<1024x1xf32> to vector<1024x128xf32>
    %mul3A_12 = arith.mulf %mul3A, %add3A_11 : vector<1024x128xf32>
    %get3A_13 = arith.constant 0 : index
    %get3A_14 = arith.constant 0 : index
    %get3A_15 = vector.load %arg5[%get3A_13, %get3A_14] : memref<1x128xf32, #tpu.memory_space<vmem>>, vector<1x128xf32>
    %add3A_16 = vector.broadcast %get3A_15 : vector<1x128xf32> to vector<1024x128xf32>
    %add3A_17 = arith.addf %mul3A_12, %add3A_16 : vector<1024x128xf32>
    %get3A_18 = arith.constant 0 : index
    %get3A_19 = arith.constant 0 : index
    %get3A_20 = vector.load %arg6[%get3A_18, %get3A_19] : memref<1024x128xf32, #tpu.memory_space<vmem>>, vector<1024x128xf32>
    %add3A_21 = arith.addf %add3A_17, %get3A_20 : vector<1024x128xf32>
    %reduce_max3A = arith.constant dense<0xFF800000> : vector<1024xf32>
    %reduce_max3A_22 = vector.multi_reduction <maximumf>, %add3A_21, %reduce_max3A [1] : vector<1024x128xf32> to vector<1024xf32>
    %broadcast_in_dim3A = vector.shape_cast %reduce_max3A_22 : vector<1024xf32> to vector<1024x1xf32>
    %iota3A = tpu.iota {dimensions = array<i32: 1>} : vector<1024x128xi32>
    %ge3A = vector.broadcast %broadcast_in_dim3A : vector<1024x1xf32> to vector<1024x128xf32>
    %ge3A_23 = arith.cmpf oge, %add3A_21, %ge3A : vector<1024x128xf32>
    %jit3A = arith.constant 128 : i32
    %broadcast_in_dim3A_24 = vector.broadcast %jit3A : i32 to vector<1024x128xi32>
    %select_n3A = arith.select %ge3A_23, %iota3A, %broadcast_in_dim3A_24 : vector<1024x128xi1>, vector<1024x128xi32>
    %reduce_min3A = arith.constant dense<2147483647> : vector<1024xi32>
    %reduce_min3A_25 = vector.multi_reduction <minsi>, %select_n3A, %reduce_min3A [1] : vector<1024x128xi32> to vector<1024xi32>
    %broadcast_in_dim3A_26 = vector.shape_cast %reduce_min3A_25 : vector<1024xi32> to vector<1024x1xi32>
    %eq3A = vector.broadcast %broadcast_in_dim3A_26 : vector<1024x1xi32> to vector<1024x128xi32>
    %eq3A_27 = arith.cmpi eq, %iota3A, %eq3A : vector<1024x128xi32>
    %convert_element_type3A = arith.extui %eq3A_27 : vector<1024x128xi1> to vector<1024x128xi32>
    %convert_element_type3A_28 = arith.sitofp %convert_element_type3A : vector<1024x128xi32> to vector<1024x128xf32>
    %swap3A = arith.constant 0 : index
    %swap3A_29 = arith.constant 0 : index
    %swap3A_30 = vector.load %arg7[%swap3A, %swap3A_29] : memref<1024x128xf32, #tpu.memory_space<vmem>>, vector<1024x128xf32>
    tpu.vector_store %arg7[%swap3A, %swap3A_29], %convert_element_type3A_28 {strides = array<i32>} : memref<1024x128xf32, #tpu.memory_space<vmem>>, vector<1024x128xf32>,
    return
  }
  func.func @transform_0(%arg0: i32) -> (i32, i32) {
    %c0_i32 = arith.constant 0 : i32
    %c0_i32_0 = arith.constant 0 : i32
    return %arg0, %c0_i32 : i32, i32
  }
  func.func @transform_1(%arg0: i32) -> (i32, i32) {
    %add3A = arith.constant 10 : i32
    %add3A_0 = arith.addi %arg0, %add3A : i32
    %c0_i32 = arith.constant 0 : i32
    %c0_i32_1 = arith.constant 0 : i32
    return %add3A_0, %c0_i32 : i32, i32
  }
  func.func @transform_2(%arg0: i32) -> (i32, i32) {
    %c0_i32 = arith.constant 0 : i32
    %c0_i32_0 = arith.constant 0 : i32
    return %arg0, %c0_i32 : i32, i32
  }
  func.func @transform_3(%arg0: i32) -> (i32, i32) {
    %c0_i32 = arith.constant 0 : i32
    %c0_i32_0 = arith.constant 0 : i32
    return %arg0, %c0_i32 : i32, i32
  }
  func.func @transform_4(%arg0: i32) -> (i32, i32) {
    %c0_i32 = arith.constant 0 : i32
    %c0_i32_0 = arith.constant 0 : i32
    %c0_i32_1 = arith.constant 0 : i32
    return %c0_i32, %c0_i32_0 : i32, i32
  }
  func.func @transform_5(%arg0: i32) -> (i32, i32) {
    %c0_i32 = arith.constant 0 : i32
    %c0_i32_0 = arith.constant 0 : i32
    return %arg0, %c0_i32 : i32, i32
  }
  func.func @transform_6(%arg0: i32) -> (i32, i32) {
    %c0_i32 = arith.constant 0 : i32
    %c0_i32_0 = arith.constant 0 : i32
    return %arg0, %c0_i32 : i32, i32
  }
}

</mosaic_0001>

<sc_bundles>
// kernel: kernel.12.cloned.1.call-start
scs
__scs_entry_jumppad:
0x0: {  	(pc) =	sbr.rel $0x88, $3  }
0x1: {  	(tag) =	ssettag $0x0;
	lr =	simm.s32 $0x1  }
0x2: {  	[smem:$0x3F9B] =	sst lr;
	_ =	strace $0xD0000000  }
0x3: {  	_ = 	snop  }
0x4: {  	_ = 	snop  }
0x5: {  	_ = 	snop  }
0x6: {  	_ = 	snop  }
0x7: {  	_ = 	snop  }
__scs_overlays_trampoline_lowered:
0x8: {  	[smem:$0x3FAA] =	sst s0  }
0x9: {  	[smem:$0x3FAB] =	sst s1  }
0xa: {  	[smem:$0x3FAC] =	sst s2  }
0xb: {  	[smem:$0x3FAD] =	sst s3  }
0xc: {  	[smem:$0x3FAE] =	sst s4  }
0xd: {  	[smem:$0x3FAF] =	sst s5  }
0xe: {  	[smem:$0x3FB0] =	sst s6  }
0xf: {  	[smem:$0x3FB1] =	sst s7  }
0x10: {  	[smem:$0x3FB2] =	sst s8  }
0x11: {  	[smem:$0x3FB3] =	sst s9;
	s0 =	simm.s32 @!p0 $0x0  }
0x12: {  	s1 =	sld [smem:$0x3F99];
	s0 =	simm.s32 @p0 $0x1  }
0x13: {  	[smem:$0x3FB4] =	sst s0;
	s0 =	simm.s32 @!p1 $0x0  }
0x14: {  	s2 =	sld [smem:$0x3F98];
	s0 =	simm.s32 @p1 $0x1  }
0x15: {  	[smem:$0x3FB5] =	sst s0;
	s0 =	simm.s32 @!p2 $0x0  }
0x16: {  	s3 =	sld [smem:$0x3FDB];
	s0 =	simm.s32 @p2 $0x1  }
0x17: {  	s4 =	simm.s32 $0x1BF5;
	[smem:$0x3FB7] =	sst s0  }
0x18: {  	s0 =	sld [smem:$0x3F9A];
	_ =	swait.ge [sflag:s4], $0x0  }
0x19: {  	s7 =	sld [smem:$0x3F9B]  }
0x1a: {  	s8 =	sadd.s32 $0xFFFFE003, lr  }
0x1b: {  	s9 =	sadd.s32 $0xFFFFFEF7, lr;
	s5 =	simm.s32 $0xFFFFFFFF;
	p2 =	slt.u32 s8, $0xFFFFF086  }
0x1c: {  	p1 =	slt.u32 s9, $0xF7A;
	s5 =	simm.s32 @!p2 $0x0  }
0x1d: {  	s5 =	simm.s32 @p1 $0x1;
	p0 =	seq.s32 s7, s2  }
0x1e: {  	s7 =	smul.u32 @!p0 $0xF7A, s2;
	p2 =	seq.s32 @!p0 s5, $0x0  }
0x1f: {  	s9 =	smul.u32 $0xF7A, s1;
	s8 =	simm.s32 @!p0 $0x1BF5;
	p2 =	por !p2, p0  }
0x20: {  	[sflag:s8] =	ssyncset.s32 @!p0 $0xFFFFF086;
	s6 =	sadd.s32 @!p0 s3, s7;
	s7 =	simm.s32 @!p0 $0x108  }
0x21: {  	s3 =	sadd.s32 s3, s9;
	s6 =	sadd.s32 @!p0 $0x88, s6;
	s7 =	simm.s32 @p2 $0x1082  }
0x22: {  	[simem:s7], [sflag:s8] =	dma.local @!p0 [hbm:s6], $0xF7A  }
0x23: {  	s9 =	sor.u32 $0xD0000000, s2;
	s6 =	simm.s32 $0x108;
	_ =	swait.ge @!p0 [sflag:s8], $0x0  }
0x24: {  	s3 =	sadd.s32 $0x88, s3;
	s6 =	simm.s32 @!p1 $0x1082;
	[sflag:s4] =	ssyncset.s32 $0xFFFFF086  }
0x25: {  	[simem:s6], [sflag:s4] =	dma.local [hbm:s3], $0xF7A  }
0x26: {  	[smem:$0x3F9B] =	sst s1;
	(tag) =	ssettag s2;
	_ =	strace s9  }
0x27: {  	s1 =	sld [smem:$0x3FAB]  }
0x28: {  	s2 =	sld [smem:$0x3FAC]  }
0x29: {  	s4 =	sld [smem:$0x3FAE]  }
0x2a: {  	p0 =	seq.s32 s5, $0x0;
	s5 =	sld [smem:$0x3FAF]  }
0x2b: {  	s6 =	sld [smem:$0x3FB0]  }
0x2c: {  	s7 =	sld [smem:$0x3FB1]  }
0x2d: {  	s3 =	simm.s32 $0x108;
	s8 =	sld [smem:$0x3FB2]  }
0x2e: {  	s3 =	simm.s32 @!p0 $0x1082;
	s9 =	sld [smem:$0x3FB3]  }
0x2f: {  	lr =	sadd.s32 s0, s3;
	s0 =	sld [smem:$0x3FAA]  }
0x30: {  	s3 =	sld [smem:$0x3FAD]  }
0x31: {  	[smem:$0x3FB6] =	sst s10  }
0x32: {  	s10 =	sld [smem:$0x3FB4];
	_ =	sdelay $0x3  }
0x33: {  	p0 =	seq.s32 s10, $0x1;
	s10 =	sld [smem:$0x3FB6];
	_ =	sdelay $0x3  }
0x34: {  	[smem:$0x3FB6] =	sst s10  }
0x35: {  	s10 =	sld [smem:$0x3FB5];
	_ =	sdelay $0x3  }
0x36: {  	p1 =	seq.s32 s10, $0x1;
	s10 =	sld [smem:$0x3FB6];
	_ =	sdelay $0x3  }
0x37: {  	[smem:$0x3FB6] =	sst s10  }
0x38: {  	s10 =	sld [smem:$0x3FB7]  }
0x39: {  	_ = 	snop;
	(pc) =	sbr.ind lr, $3  }
0x3a: {  	_ = 	snop  }
0x3b: {  	_ = 	snop  }
0x3c: {  	p2 =	seq.s32 s10, $0x1;
	s10 =	sld [smem:$0x3FB6]  }
0x3d: {  	_ =	shalt  }
0x3e: {  	_ =	shalt  }
0x3f: {  	_ =	shalt  }
0x40: {  	_ =	shalt  }
0x41: {  	_ =	shalt  }
0x42: {  	_ =	shalt  }
0x43: {  	_ =	shalt  }
0x44: {  	_ =	shalt  }
0x45: {  	_ =	shalt  }
0x46: {  	_ =	shalt  }
0x47: {  	_ =	shalt  }
0x48: {  	_ =	shalt  }
0x49: {  	_ =	shalt  }
0x4a: {  	_ =	shalt  }
0x4b: {  	_ =	shalt  }
0x4c: {  	_ =	shalt  }
0x4d: {  	_ =	shalt  }
0x4e: {  	_ =	shalt  }
0x4f: {  	_ =	shalt  }
0x50: {  	_ =	shalt  }
0x51: {  	_ =	shalt  }
0x52: {  	_ =	shalt  }
0x53: {  	_ =	shalt  }
0x54: {  	_ =	shalt  }
0x55: {  	_ =	shalt  }
0x56: {  	_ =	shalt  }
0x57: {  	_ =	shalt  }
0x58: {  	_ =	shalt  }
0x59: {  	_ =	shalt  }
0x5a: {  	_ =	shalt  }
0x5b: {  	_ =	shalt  }
0x5c: {  	_ =	shalt  }
0x5d: {  	_ =	shalt  }
0x5e: {  	_ =	shalt  }
0x5f: {  	_ =	shalt  }
0x60: {  	_ =	shalt  }
0x61: {  	_ =	shalt  }
0x62: {  	_ =	shalt  }
0x63: {  	_ =	shalt  }
0x64: {  	_ =	shalt  }
0x65: {  	_ =	shalt  }
0x66: {  	_ =	shalt  }
0x67: {  	_ =	shalt  }
0x68: {  	_ =	shalt  }
0x69: {  	_ =	shalt  }
0x6a: {  	_ =	shalt  }
0x6b: {  	_ =	shalt  }
0x6c: {  	_ =	shalt  }
0x6d: {  	_ =	shalt  }
0x6e: {  	_ =	shalt  }
0x6f: {  	_ =	shalt  }
0x70: {  	_ =	shalt  }
0x71: {  	_ =	shalt  }
0x72: {  	_ =	shalt  }
0x73: {  	_ =	shalt  }
0x74: {  	_ =	shalt  }
0x75: {  	_ =	shalt  }
0x76: {  	_ =	shalt  }
0x77: {  	_ =	shalt  }
0x78: {  	_ =	shalt  }
0x79: {  	_ =	shalt  }
0x7a: {  	_ =	shalt  }
0x7b: {  	_ =	shalt  }
0x7c: {  	_ =	shalt  }
0x7d: {  	_ =	shalt  }
0x7e: {  	_ =	shalt  }
0x7f: {  	_ =	shalt  }
0x80: {  	_ =	shalt  }
0x81: {  	_ =	shalt  }
0x82: {  	_ =	shalt  }
0x83: {  	_ =	shalt  }
0x84: {  	_ =	shalt  }
0x85: {  	_ =	shalt  }
0x86: {  	_ =	shalt  }
0x87: {  	_ =	shalt  }
.Lfunc_end0:
.L_simem_size_0:
called_computation.1_lowered:
.L_overlay_start_0:
0x88: {  	s2 =	sld [smem:$0x3FD9]  }
0x89: {  	s3 =	sld [smem:$0x3FFE];
	_ =	sdelay $0x1  }
0x8a: {  	s1 =	srdreg.scid  }
0x8b: {  	s0 =	sand.u32 $0x1, s1  }
0x8c: {  	s17 =	sshll.u32 s0, $0xA;
	s2 =	sadd.s32 s3, s2  }
0x8d: {  	s2 =	sadd.s32 s2, s17  }
0x8e: {  	[smem:$0x3FC2] =	sst s2  }
0x8f: {  	_ = 	snop  }
0x90: {  	s2 =	sld [smem:$0x3FD0];
	(tm) =	ssettm $0x1  }
0x91: {  	s18 =	sld [smem:$0x3FFB];
	_ =	sdelay $0x3  }
0x92: {  	_ =	strace s18  }
0x93: {  	s3 =	sld [smem:$0x3FFC];
	_ =	sdelay $0x3  }
0x94: {  	_ =	strace s3  }
0x95: {  	s3 =	sld [smem:$0x3FFD];
	_ =	sdelay $0x3  }
0x96: {  	_ =	strace s3  }
0x97: {  	_ =	strace $0x8FFFFFFF  }
0x98: {  	s19 =	sld [smem:$0x3FDB];
	_ =	sdelay $0x1  }
0x99: {  	s4 =	simm.s32 $_scs_section_size  }
0x9a: {  	s5 =	simm.s32 $_size__tile_overlayer_lowered;
	s6 =	simm.s32 $_tile_overlayer_lowered  }
0x9b: {  	s22 =	simm.s32 $0x1BFF;
	s21 =	sshll.u32 s6, $0x1;
	s3 =	sadd.s32 s4, s19  }
0x9c: {  	s7 =	simm.s32 $0x0;
	s20 =	sshll.u32 s5, $0x1;
	s5 =	sadd.s32 s21, s3  }
0x9d: {  	[timem:s7], [sflag:s22] =	dma.local [hbm:s5], s20  }
0x9e: {  	_ =	swait.ge [sflag:s22], s20  }
0x9f: {  	s4 =	ssub.s32 $0x0, s20;
	[sflag:s22] =	ssyncset.done $0x0  }
0xa0: {  	[sflag:s22] =	ssyncadd.s32 s4;
	_ =	sdelay $0x1  }
0xa1: {  	s23 =	simm.s32 $0x1B8B  }
0xa2: {  	_ =	swait.ge [sflag:s23], $0x1  }
0xa3: {  	[sflag:s23] =	ssyncset.done $0x0  }
0xa4: {  	s25 =	simm.s32 $0x1B8E;
	s24 =	sld [smem:$0x3FFE];
	[sflag:s23] =	ssyncadd.s32 $0xFFFFFFFF  }
0xa5: {  	s26 =	simm.s32 $execute0_lowered;
	[smem:$0x3FD2] =	sst s25  }
0xa6: {  	s5 =	sshll.u32 s26, $0x1;
	_ =	strace $0x80000049;
	[dreg:$0x1] =	wrdreg $0xFFFFFFFF  }
0xa7: {  	s28 =	simm.s32 $_size_execute0_lowered;
	s3 =	sadd.s32 s3, s5;
	[dreg:$0x0] =	wrdreg $0x0  }
0xa8: {  	s5 =	sshll.u32 s28, $0x1;
	[dreg:$0x2] =	wrdreg s3  }
0xa9: {  	[dreg:$0x3] =	wrdreg s5  }
0xaa: {  	[dreg:$0x4] =	wrdreg $0xC0  }
0xab: {  	_ =	task [dreg:s7], $0x5FFFF  }
0xac: {  	[dreg:$0x1] =	wrdreg $0xFFFFFFFF  }
0xad: {  	[dreg:$0x0] =	wrdreg $0x60  }
0xae: {  	[dreg:$0x2] =	wrdreg s24  }
0xaf: {  	[dreg:$0x3] =	wrdreg s2  }
0xb0: {  	[dreg:$0x4] =	wrdreg $0x90000  }
0xb1: {  	[dreg:$0x5] =	wrdreg $0x9  }
0xb2: {  	_ =	task.clear_ibuf [dreg:s7], $0x6FFFF;
	_ =	strace $0x90000049  }
0xb3: {  	s29 =	simm.s32 $0x9;
	_ =	strace $0x8000004B  }
0xb4: {  	_ =	swait.ge [sflag:s29], $0x1  }
0xb5: {  	[sflag:s29] =	ssyncadd.s32 $0xFFFFFFFF  }
0xb6: {  	_ =	strace $0x9000004B  }
0xb7: {  	_ =	sfence  }
0xb8: {  	s30 =	sld [smem:$0x0];
	_ =	sdelay $0x2  }
0xb9: {  	s31 =	sshll.u32 s1, $0xD;
	s1 =	sshrl.u32 s1, $0x2  }
0xba: {  	s3 =	sand.u32 $0x4000, s31;
	s1 =	sadd.s32 s1, s30  }
0xbb: {  	s0 =	sor.u32 s3, s0;
	s1 =	sshll.u32 s1, $0x11  }
0xbc: {  	s0 =	sor.u32 s1, s0  }
0xbd: {  	s0 =	sadd.s32 $0x8F2B, s0  }
0xbe: {  	[sflag:s0] =	ssyncadd.remote.s32 $0x1  }
0xbf: {  	_ =	sfence.sel $0xFFFF  }
0xc0: {  	[dreg:$0x0] =	wrdreg $0xFFFFFFFF;
	(pc) =	sbr.abs _section_cstart, $3  }
0xc1: {  	[dreg:$0x1] =	wrdreg $0xFFFFFFFF  }
0xc2: {  	_ =	task.clear_ibuf [dreg:s7], $0x2FFFF;
	_ =	strace $0x9FFFFFFF  }
0xc3: {  	(tm) =	ssettm $0x7FFFFFFF  }
tec
execute0_lowered:
.L_overlay_start_1:
0x0: {  	(tag) =	ssettag $0x1  }
0x1: {  	s0 =	rddreg [dreg:$0x0]  }
0x2: {  	s3 =	rddreg [dreg:$0x1]  }
0x3: {  	s1 =	rddreg [dreg:$0x2]  }
0x4: {  	s5 =	stileid.u32;
	s6 =	srdreg.scid;
	s2 =	simm.s32 $0x0  }
0x5: {  	s12 =	simm.s32 $0x100;
	[smem:$0x7FF] =	sst s2;
	s9 =	sadd.s32 $0xC600, s0  }
0x6: {  	s13 =	simm.s32 $0x880;
	_ =	strace $0x8000004A;
	[dreg:$0x14] =	wrdreg s9  }
0x7: {  	s14 =	simm.s32 $0x180;
	s16 =	simm.s32 $0x900;
	[dreg:$0x6] =	wrdreg s12  }
0x8: {  	s17 =	simm.s32 $0x200;
	s18 =	simm.s32 $0x980;
	[dreg:$0x7] =	wrdreg s13  }
0x9: {  	s19 =	simm.s32 $0x280;
	s20 =	simm.s32 $0xA00;
	[dreg:$0x8] =	wrdreg s14  }
0xa: {  	s21 =	simm.s32 $0x300;
	s22 =	simm.s32 $0xA80;
	[dreg:$0x9] =	wrdreg s16  }
0xb: {  	s23 =	simm.s32 $0x380;
	s24 =	simm.s32 $0xB00;
	[dreg:$0xa] =	wrdreg s17  }
0xc: {  	s25 =	simm.s32 $0x400;
	s28 =	simm.s32 $0x700;
	[dreg:$0xb] =	wrdreg s18  }
0xd: {  	s29 =	simm.s32 $0xE80;
	s30 =	simm.s32 $0x780;
	[dreg:$0xc] =	wrdreg s19  }
0xe: {  	s31 =	simm.s32 $0xF00;
	s4 =	smul.u32 $0xA00, s5;
	[dreg:$0xd] =	wrdreg s20  }
0xf: {  	s6 =	sand.u32 $0x1, s6;
	s7 =	smul.u32 $0x5000, s5;
	[dreg:$0xe] =	wrdreg s21  }
0x10: {  	p0 =	sne.s32 s5, $0x0;
	s8 =	smul.u32 $0x50000, s6;
	[dreg:$0xf] =	wrdreg s22  }
0x11: {  	s26 =	smul.u32 $0x28000, s6;
	s6 =	ssub.s32 $0x2, s6;
	[dreg:$0x10] =	wrdreg s23  }
0x12: {  	s9 =	simm.s32 $0x800;
	s12 =	simm.s32 $0x5000;
	[dreg:$0x11] =	wrdreg s24  }
0x13: {  	s13 =	simm.s32 $0x1;
	s14 =	simm.s32 $0x3;
	[dreg:$0x12] =	wrdreg s25  }
0x14: {  	s16 =	simm.s32 $0x4;
	s17 =	simm.s32 $0x480;
	s18 =	simm.s32 $0xC00  }
0x15: {  	s19 =	simm.s32 $0x500;
	s20 =	simm.s32 $0xC80;
	s21 =	simm.s32 $0x580  }
0x16: {  	s22 =	simm.s32 $0xD00;
	s23 =	simm.s32 $0x600;
	s24 =	simm.s32 $0xD80  }
0x17: {  	s25 =	simm.s32 $0x680;
	s10 =	sadd.s32 s4, s0;
	s4 =	sadd.s32 $0x34600, s0  }
0x18: {  	s11 =	sshrl.u32 s6, $0x1;
	s7 =	sadd.s32 s7, s8;
	s0 =	sadd.s32 s26, s0  }
0x19: {  	s10 =	sadd.s32 $0x2600, s10;
	s6 =	ssub.s32 s6, s11;
	s8 =	simm.s32 $0x5  }
0x1a: {  	s11 =	simm.s32 $0x1000;
	s26 =	simm.s32 $0xB80;
	[dreg:$0x4] =	wrdreg s10  }
0x1b: {  	s7 =	sshrl.u32 s7, $0x3;
	s0 =	sadd.s32 $0x84600, s0;
	[dreg:$0x13] =	wrdreg s26  }
0x1c: {  	s15 =	smax.u32 s6, $0x1;
	s6 =	sshrl.u32 @!p0 s1, $0x3;
	[dreg:$0x15] =	wrdreg s0  }
0x1d: {  	s10 =	simm.s32 $0x80;
	s26 =	simm.s32 $0xE00;
	[dreg:$0x16] =	wrdreg s15  }
0x1e: {  	s3 =	sadd.s32 s7, s3;
	s15 =	simm.s32 $0x2;
	[dreg:$0x17] =	wrdreg s6  }
0x1f: {  	s0 =	simm.s32 $0xF80;
	s7 =	simm.s32 $0x0;
	[dreg:$0x5] =	wrdreg s3  }
.LBB2_1:
0x20: {  	[dreg:$0x18] =	wrdreg s7  }
0x21: {  	s5 =	simm.s32 @!p0 $0x1C05;
	s3 =	rddreg [dreg:$0x14]  }
0x22: {  	[spmem:s6], [sflag:s5] =	dma.local @!p0 [hbm:s3], $0x28000  }
0x23: {  	s5 =	simm.s32 @!p0 $0x5  }
0x24: {  	_ =	swait.ge @!p0 [sflag:s5], $0x28000  }
0x25: {  	[sflag:s5] =	ssyncset.done @!p0 $0x0  }
0x26: {  	[sflag:s5] =	ssyncadd.s32 @!p0 $0xFFFD8000  }
0x27: {  	[bflag:$0x0] =	sbarrier.arrive $0xFFFF  }
0x28: {  	s7 =	rddreg [dreg:$0x5]  }
0x29: {  	s5 =	sadd.s32 $0x0, s7  }
0x2a: {  	[tilespmem:s2], [sflag:$0x5] =	stream.linear.gather [hbm4b:s5+s2], $0x800, $0x38;
	[tilespmem:$0x1D000] =	vst v63  }
0x2b: {  	_ =	swait.ge [sflag:s8], $0x800  }
0x2c: {  	s3 =	rddreg [dreg:$0x4];
	[sflag:s8] =	ssyncset.done $0x0  }
0x2d: {  	[sflag:s8] =	ssyncadd.s32 $0xFFFFF800;
	s5 =	sadd.s32 $0x0, s3  }
0x2e: {  	[tilespmem:s9], [sflag:$0x5] =	stream.linear.gather [hbm4b:s5+s2], $0x800, $0x38;
	[tilespmem:$0x1D000] =	vst v63  }
0x2f: {  	_ =	swait.ge [sflag:s8], $0x800  }
0x30: {  	[sflag:s8] =	ssyncset.done $0x0  }
0x31: {  	[sflag:s8] =	ssyncadd.s32 $0xFFFFF800  }
0x32: {  	[tilespmem:s11], [sflag:$0x1] =	stream.indirect.gather [hbm4b:s4+s10], $0x80, s2, s10, $0xb8;
	[tilespmem:$0x1D000] =	vst v63  }
0x33: {  	_ = 	snop  }
0x34: {  	[tilespmem:s12], [sflag:$0x2] =	stream.indirect.gather [hbm4b:s4+s10], $0x80, s10, s10, $0xb8;
	[tilespmem:$0x1D000] =	vst v63  }
0x35: {  	_ =	swait.ge [sflag:s13], $0x4000  }
0x36: {  	[sflag:s13] =	ssyncset.done $0x0  }
0x37: {  	[sflag:s13] =	ssyncadd.s32 $0xFFFFC000  }
0x38: {  	[spmem:s1] =	stream.indirect.scatter.add.f32 [tilespmem:s11], [sflag:$0x3], $0x80, s9, s10, $0xb8;
	[tilespmem:$0x1D000] =	vst v63  }
0x39: {  	_ =	swait.ge [sflag:s14], $0x4000  }
0x3a: {  	[sflag:s14] =	ssyncset.done $0x0  }
0x3b: {  	s6 =	rddreg [dreg:$0x6];
	[sflag:s14] =	ssyncadd.s32 $0xFFFFC000  }
0x3c: {  	[tilespmem:s11], [sflag:$0x1] =	stream.indirect.gather [hbm4b:s4+s10], $0x80, s6, s10, $0xb8;
	[tilespmem:$0x1D000] =	vst v63  }
0x3d: {  	_ =	swait.ge [sflag:s15], $0x4000  }
0x3e: {  	[sflag:s15] =	ssyncset.done $0x0  }
0x3f: {  	s7 =	rddreg [dreg:$0x7];
	[sflag:s15] =	ssyncadd.s32 $0xFFFFC000  }
0x40: {  	[spmem:s1] =	stream.indirect.scatter.add.f32 [tilespmem:s12], [sflag:$0x4], $0x80, s7, s10, $0xb8;
	[tilespmem:$0x1D000] =	vst v63  }
0x41: {  	_ =	swait.ge [sflag:s16], $0x4000  }
0x42: {  	[sflag:s16] =	ssyncset.done $0x0  }
0x43: {  	s3 =	rddreg [dreg:$0x8];
	[sflag:s16] =	ssyncadd.s32 $0xFFFFC000  }
0x44: {  	[tilespmem:s12], [sflag:$0x2] =	stream.indirect.gather [hbm4b:s4+s10], $0x80, s3, s10, $0xb8;
	[tilespmem:$0x1D000] =	vst v63  }
0x45: {  	_ =	swait.ge [sflag:s13], $0x4000  }
0x46: {  	[sflag:s13] =	ssyncset.done $0x0  }
0x47: {  	s6 =	rddreg [dreg:$0x9];
	[sflag:s13] =	ssyncadd.s32 $0xFFFFC000  }
0x48: {  	[spmem:s1] =	stream.indirect.scatter.add.f32 [tilespmem:s11], [sflag:$0x3], $0x80, s6, s10, $0xb8;
	[tilespmem:$0x1D000] =	vst v63  }
0x49: {  	_ =	swait.ge [sflag:s14], $0x4000  }
0x4a: {  	[sflag:s14] =	ssyncset.done $0x0  }
0x4b: {  	s7 =	rddreg [dreg:$0xa];
	[sflag:s14] =	ssyncadd.s32 $0xFFFFC000  }
0x4c: {  	[tilespmem:s11], [sflag:$0x1] =	stream.indirect.gather [hbm4b:s4+s10], $0x80, s7, s10, $0xb8;
	[tilespmem:$0x1D000] =	vst v63  }
0x4d: {  	_ =	swait.ge [sflag:s15], $0x4000  }
0x4e: {  	[sflag:s15] =	ssyncset.done $0x0  }
0x4f: {  	s3 =	rddreg [dreg:$0xb];
	[sflag:s15] =	ssyncadd.s32 $0xFFFFC000  }
0x50: {  	[spmem:s1] =	stream.indirect.scatter.add.f32 [tilespmem:s12], [sflag:$0x4], $0x80, s3, s10, $0xb8;
	[tilespmem:$0x1D000] =	vst v63  }
0x51: {  	_ =	swait.ge [sflag:s16], $0x4000  }
0x52: {  	[sflag:s16] =	ssyncset.done $0x0  }
0x53: {  	s6 =	rddreg [dreg:$0xc];
	[sflag:s16] =	ssyncadd.s32 $0xFFFFC000  }
0x54: {  	[tilespmem:s12], [sflag:$0x2] =	stream.indirect.gather [hbm4b:s4+s10], $0x80, s6, s10, $0xb8;
	[tilespmem:$0x1D000] =	vst v63  }
0x55: {  	_ =	swait.ge [sflag:s13], $0x4000  }
0x56: {  	[sflag:s13] =	ssyncset.done $0x0  }
0x57: {  	s7 =	rddreg [dreg:$0xd];
	[sflag:s13] =	ssyncadd.s32 $0xFFFFC000  }
0x58: {  	[spmem:s1] =	stream.indirect.scatter.add.f32 [tilespmem:s11], [sflag:$0x3], $0x80, s7, s10, $0xb8;
	[tilespmem:$0x1D000] =	vst v63  }
0x59: {  	_ =	swait.ge [sflag:s14], $0x4000  }
0x5a: {  	[sflag:s14] =	ssyncset.done $0x0  }
0x5b: {  	s3 =	rddreg [dreg:$0xe];
	[sflag:s14] =	ssyncadd.s32 $0xFFFFC000  }
0x5c: {  	[tilespmem:s11], [sflag:$0x1] =	stream.indirect.gather [hbm4b:s4+s10], $0x80, s3, s10, $0xb8;
	[tilespmem:$0x1D000] =	vst v63  }
0x5d: {  	_ =	swait.ge [sflag:s15], $0x4000  }
0x5e: {  	[sflag:s15] =	ssyncset.done $0x0  }
0x5f: {  	s6 =	rddreg [dreg:$0xf];
	[sflag:s15] =	ssyncadd.s32 $0xFFFFC000  }
0x60: {  	[spmem:s1] =	stream.indirect.scatter.add.f32 [tilespmem:s12], [sflag:$0x4], $0x80, s6, s10, $0xb8;
	[tilespmem:$0x1D000] =	vst v63  }
0x61: {  	_ =	swait.ge [sflag:s16], $0x4000  }
0x62: {  	[sflag:s16] =	ssyncset.done $0x0  }
0x63: {  	s7 =	rddreg [dreg:$0x10];
	[sflag:s16] =	ssyncadd.s32 $0xFFFFC000  }
0x64: {  	[tilespmem:s12], [sflag:$0x2] =	stream.indirect.gather [hbm4b:s4+s10], $0x80, s7, s10, $0xb8;
	[tilespmem:$0x1D000] =	vst v63  }
0x65: {  	_ =	swait.ge [sflag:s13], $0x4000  }
0x66: {  	[sflag:s13] =	ssyncset.done $0x0  }
0x67: {  	s3 =	rddreg [dreg:$0x11];
	[sflag:s13] =	ssyncadd.s32 $0xFFFFC000  }
0x68: {  	[spmem:s1] =	stream.indirect.scatter.add.f32 [tilespmem:s11], [sflag:$0x3], $0x80, s3, s10, $0xb8;
	[tilespmem:$0x1D000] =	vst v63  }
0x69: {  	_ =	swait.ge [sflag:s14], $0x4000  }
0x6a: {  	[sflag:s14] =	ssyncset.done $0x0  }
0x6b: {  	s6 =	rddreg [dreg:$0x12];
	[sflag:s14] =	ssyncadd.s32 $0xFFFFC000  }
0x6c: {  	[tilespmem:s11], [sflag:$0x1] =	stream.indirect.gather [hbm4b:s4+s10], $0x80, s6, s10, $0xb8;
	[tilespmem:$0x1D000] =	vst v63  }
0x6d: {  	_ =	swait.ge [sflag:s15], $0x4000  }
0x6e: {  	[sflag:s15] =	ssyncset.done $0x0  }
0x6f: {  	s7 =	rddreg [dreg:$0x13];
	[sflag:s15] =	ssyncadd.s32 $0xFFFFC000  }
0x70: {  	[spmem:s1] =	stream.indirect.scatter.add.f32 [tilespmem:s12], [sflag:$0x4], $0x80, s7, s10, $0xb8;
	[tilespmem:$0x1D000] =	vst v63  }
0x71: {  	_ =	swait.ge [sflag:s16], $0x4000  }
0x72: {  	[sflag:s16] =	ssyncset.done $0x0  }
0x73: {  	[sflag:s16] =	ssyncadd.s32 $0xFFFFC000  }
0x74: {  	[tilespmem:s12], [sflag:$0x2] =	stream.indirect.gather [hbm4b:s4+s10], $0x80, s17, s10, $0xb8;
	[tilespmem:$0x1D000] =	vst v63  }
0x75: {  	_ =	swait.ge [sflag:s13], $0x4000  }
0x76: {  	[sflag:s13] =	ssyncset.done $0x0  }
0x77: {  	[sflag:s13] =	ssyncadd.s32 $0xFFFFC000  }
0x78: {  	[spmem:s1] =	stream.indirect.scatter.add.f32 [tilespmem:s11], [sflag:$0x3], $0x80, s18, s10, $0xb8;
	[tilespmem:$0x1D000] =	vst v63  }
0x79: {  	_ =	swait.ge [sflag:s14], $0x4000  }
0x7a: {  	[sflag:s14] =	ssyncset.done $0x0  }
0x7b: {  	[sflag:s14] =	ssyncadd.s32 $0xFFFFC000  }
0x7c: {  	[tilespmem:s11], [sflag:$0x1] =	stream.indirect.gather [hbm4b:s4+s10], $0x80, s19, s10, $0xb8;
	[tilespmem:$0x1D000] =	vst v63  }
0x7d: {  	_ =	swait.ge [sflag:s15], $0x4000  }
0x7e: {  	[sflag:s15] =	ssyncset.done $0x0  }
0x7f: {  	[sflag:s15] =	ssyncadd.s32 $0xFFFFC000  }
0x80: {  	[spmem:s1] =	stream.indirect.scatter.add.f32 [tilespmem:s12], [sflag:$0x4], $0x80, s20, s10, $0xb8;
	[tilespmem:$0x1D000] =	vst v63  }
0x81: {  	_ =	swait.ge [sflag:s16], $0x4000  }
0x82: {  	[sflag:s16] =	ssyncset.done $0x0  }
0x83: {  	[sflag:s16] =	ssyncadd.s32 $0xFFFFC000  }
0x84: {  	[tilespmem:s12], [sflag:$0x2] =	stream.indirect.gather [hbm4b:s4+s10], $0x80, s21, s10, $0xb8;
	[tilespmem:$0x1D000] =	vst v63  }
0x85: {  	_ =	swait.ge [sflag:s13], $0x4000  }
0x86: {  	[sflag:s13] =	ssyncset.done $0x0  }
0x87: {  	[sflag:s13] =	ssyncadd.s32 $0xFFFFC000  }
0x88: {  	[spmem:s1] =	stream.indirect.scatter.add.f32 [tilespmem:s11], [sflag:$0x3], $0x80, s22, s10, $0xb8;
	[tilespmem:$0x1D000] =	vst v63  }
0x89: {  	_ =	swait.ge [sflag:s14], $0x4000  }
0x8a: {  	[sflag:s14] =	ssyncset.done $0x0  }
0x8b: {  	[sflag:s14] =	ssyncadd.s32 $0xFFFFC000  }
0x8c: {  	[tilespmem:s11], [sflag:$0x1] =	stream.indirect.gather [hbm4b:s4+s10], $0x80, s23, s10, $0xb8;
	[tilespmem:$0x1D000] =	vst v63  }
0x8d: {  	_ =	swait.ge [sflag:s15], $0x4000  }
0x8e: {  	[sflag:s15] =	ssyncset.done $0x0  }
0x8f: {  	[sflag:s15] =	ssyncadd.s32 $0xFFFFC000  }
0x90: {  	[spmem:s1] =	stream.indirect.scatter.add.f32 [tilespmem:s12], [sflag:$0x4], $0x80, s24, s10, $0xb8;
	[tilespmem:$0x1D000] =	vst v63  }
0x91: {  	_ =	swait.ge [sflag:s16], $0x4000  }
0x92: {  	[sflag:s16] =	ssyncset.done $0x0  }
0x93: {  	[sflag:s16] =	ssyncadd.s32 $0xFFFFC000  }
0x94: {  	[tilespmem:s12], [sflag:$0x2] =	stream.indirect.gather [hbm4b:s4+s10], $0x80, s25, s10, $0xb8;
	[tilespmem:$0x1D000] =	vst v63  }
0x95: {  	_ =	swait.ge [sflag:s13], $0x4000  }
0x96: {  	[sflag:s13] =	ssyncset.done $0x0  }
0x97: {  	[sflag:s13] =	ssyncadd.s32 $0xFFFFC000  }
0x98: {  	[spmem:s1] =	stream.indirect.scatter.add.f32 [tilespmem:s11], [sflag:$0x3], $0x80, s26, s10, $0xb8;
	[tilespmem:$0x1D000] =	vst v63  }
0x99: {  	_ =	swait.ge [sflag:s14], $0x4000  }
0x9a: {  	[sflag:s14] =	ssyncset.done $0x0  }
0x9b: {  	[sflag:s14] =	ssyncadd.s32 $0xFFFFC000  }
0x9c: {  	[tilespmem:s11], [sflag:$0x1] =	stream.indirect.gather [hbm4b:s4+s10], $0x80, s28, s10, $0xb8;
	[tilespmem:$0x1D000] =	vst v63  }
0x9d: {  	_ =	swait.ge [sflag:s15], $0x4000  }
0x9e: {  	[sflag:s15] =	ssyncset.done $0x0  }
0x9f: {  	[sflag:s15] =	ssyncadd.s32 $0xFFFFC000  }
0xa0: {  	[spmem:s1] =	stream.indirect.scatter.add.f32 [tilespmem:s12], [sflag:$0x4], $0x80, s29, s10, $0xb8;
	[tilespmem:$0x1D000] =	vst v63  }
0xa1: {  	_ =	swait.ge [sflag:s16], $0x4000  }
0xa2: {  	[sflag:s16] =	ssyncset.done $0x0  }
0xa3: {  	[sflag:s16] =	ssyncadd.s32 $0xFFFFC000  }
0xa4: {  	[tilespmem:s12], [sflag:$0x2] =	stream.indirect.gather [hbm4b:s4+s10], $0x80, s30, s10, $0xb8;
	[tilespmem:$0x1D000] =	vst v63  }
0xa5: {  	_ =	swait.ge [sflag:s13], $0x4000  }
0xa6: {  	[sflag:s13] =	ssyncset.done $0x0  }
0xa7: {  	[sflag:s13] =	ssyncadd.s32 $0xFFFFC000  }
0xa8: {  	[spmem:s1] =	stream.indirect.scatter.add.f32 [tilespmem:s11], [sflag:$0x3], $0x80, s31, s10, $0xb8;
	[tilespmem:$0x1D000] =	vst v63  }
0xa9: {  	_ =	swait.ge [sflag:s15], $0x4000  }
0xaa: {  	[sflag:s15] =	ssyncset.done $0x0  }
0xab: {  	[sflag:s15] =	ssyncadd.s32 $0xFFFFC000  }
0xac: {  	[spmem:s1] =	stream.indirect.scatter.add.f32 [tilespmem:s12], [sflag:$0x4], $0x80, s0, s10, $0xb8;
	[tilespmem:$0x1D000] =	vst v63  }
0xad: {  	_ =	swait.ge [sflag:s14], $0x4000  }
0xae: {  	[sflag:s14] =	ssyncset.done $0x0  }
0xaf: {  	[sflag:s14] =	ssyncadd.s32 $0xFFFFC000  }
0xb0: {  	s5 =	simm.s32 $0x100;
	_ =	swait.ge [sflag:s16], $0x4000  }
0xb1: {  	s6 =	simm.s32 $0x200;
	s7 =	rddreg [dreg:$0x5];
	[sflag:s16] =	ssyncset.done $0x0  }
.LBB2_2:
0xb2: {  	[sflag:s16] =	ssyncadd.s32 $0xFFFFC000;
	s7 =	sadd.s32 s5, s7  }
0xb3: {  	[tilespmem:s2], [sflag:$0x5] =	stream.linear.gather [hbm4b:s7+s2], $0x800, $0x38;
	[tilespmem:$0x1D000] =	vst v63  }
0xb4: {  	_ =	swait.ge [sflag:s8], $0x800  }
0xb5: {  	s7 =	rddreg [dreg:$0x4];
	[sflag:s8] =	ssyncset.done $0x0  }
0xb6: {  	[sflag:s8] =	ssyncadd.s32 $0xFFFFF800;
	s7 =	sadd.s32 s5, s7  }
0xb7: {  	[tilespmem:s9], [sflag:$0x5] =	stream.linear.gather [hbm4b:s7+s2], $0x800, $0x38;
	[tilespmem:$0x1D000] =	vst v63  }
0xb8: {  	_ =	swait.ge [sflag:s8], $0x800  }
0xb9: {  	[sflag:s8] =	ssyncset.done $0x0  }
0xba: {  	[sflag:s8] =	ssyncadd.s32 $0xFFFFF800  }
0xbb: {  	[tilespmem:s11], [sflag:$0x1] =	stream.indirect.gather [hbm4b:s4+s10], $0x80, s2, s10, $0xb8;
	[tilespmem:$0x1D000] =	vst v63  }
0xbc: {  	_ = 	snop  }
0xbd: {  	[tilespmem:s12], [sflag:$0x2] =	stream.indirect.gather [hbm4b:s4+s10], $0x80, s10, s10, $0xb8;
	[tilespmem:$0x1D000] =	vst v63  }
0xbe: {  	_ =	swait.ge [sflag:s13], $0x4000  }
0xbf: {  	[sflag:s13] =	ssyncset.done $0x0  }
0xc0: {  	[sflag:s13] =	ssyncadd.s32 $0xFFFFC000  }
0xc1: {  	[spmem:s1] =	stream.indirect.scatter.add.f32 [tilespmem:s11], [sflag:$0x3], $0x80, s9, s10, $0xb8;
	[tilespmem:$0x1D000] =	vst v63  }
0xc2: {  	_ =	swait.ge [sflag:s14], $0x4000  }
0xc3: {  	[sflag:s14] =	ssyncset.done $0x0  }
0xc4: {  	s7 =	rddreg [dreg:$0x6];
	[sflag:s14] =	ssyncadd.s32 $0xFFFFC000  }
0xc5: {  	[tilespmem:s11], [sflag:$0x1] =	stream.indirect.gather [hbm4b:s4+s10], $0x80, s7, s10, $0xb8;
	[tilespmem:$0x1D000] =	vst v63  }
0xc6: {  	_ =	swait.ge [sflag:s15], $0x4000  }
0xc7: {  	[sflag:s15] =	ssyncset.done $0x0  }
0xc8: {  	s7 =	rddreg [dreg:$0x7];
	[sflag:s15] =	ssyncadd.s32 $0xFFFFC000  }
0xc9: {  	[spmem:s1] =	stream.indirect.scatter.add.f32 [tilespmem:s12], [sflag:$0x4], $0x80, s7, s10, $0xb8;
	[tilespmem:$0x1D000] =	vst v63  }
0xca: {  	_ =	swait.ge [sflag:s16], $0x4000  }
0xcb: {  	[sflag:s16] =	ssyncset.done $0x0  }
0xcc: {  	s7 =	rddreg [dreg:$0x8];
	[sflag:s16] =	ssyncadd.s32 $0xFFFFC000  }
0xcd: {  	[tilespmem:s12], [sflag:$0x2] =	stream.indirect.gather [hbm4b:s4+s10], $0x80, s7, s10, $0xb8;
	[tilespmem:$0x1D000] =	vst v63  }
0xce: {  	_ =	swait.ge [sflag:s13], $0x4000  }
0xcf: {  	[sflag:s13] =	ssyncset.done $0x0  }
0xd0: {  	s7 =	rddreg [dreg:$0x9];
	[sflag:s13] =	ssyncadd.s32 $0xFFFFC000  }
0xd1: {  	[spmem:s1] =	stream.indirect.scatter.add.f32 [tilespmem:s11], [sflag:$0x3], $0x80, s7, s10, $0xb8;
	[tilespmem:$0x1D000] =	vst v63  }
0xd2: {  	_ =	swait.ge [sflag:s14], $0x4000  }
0xd3: {  	[sflag:s14] =	ssyncset.done $0x0  }
0xd4: {  	s7 =	rddreg [dreg:$0xa];
	[sflag:s14] =	ssyncadd.s32 $0xFFFFC000  }
0xd5: {  	[tilespmem:s11], [sflag:$0x1] =	stream.indirect.gather [hbm4b:s4+s10], $0x80, s7, s10, $0xb8;
	[tilespmem:$0x1D000] =	vst v63  }
0xd6: {  	_ =	swait.ge [sflag:s15], $0x4000  }
0xd7: {  	[sflag:s15] =	ssyncset.done $0x0  }
0xd8: {  	s7 =	rddreg [dreg:$0xb];
	[sflag:s15] =	ssyncadd.s32 $0xFFFFC000  }
0xd9: {  	[spmem:s1] =	stream.indirect.scatter.add.f32 [tilespmem:s12], [sflag:$0x4], $0x80, s7, s10, $0xb8;
	[tilespmem:$0x1D000] =	vst v63  }
0xda: {  	_ =	swait.ge [sflag:s16], $0x4000  }
0xdb: {  	[sflag:s16] =	ssyncset.done $0x0  }
0xdc: {  	s7 =	rddreg [dreg:$0xc];
	[sflag:s16] =	ssyncadd.s32 $0xFFFFC000  }
0xdd: {  	[tilespmem:s12], [sflag:$0x2] =	stream.indirect.gather [hbm4b:s4+s10], $0x80, s7, s10, $0xb8;
	[tilespmem:$0x1D000] =	vst v63  }
0xde: {  	_ =	swait.ge [sflag:s13], $0x4000  }
0xdf: {  	[sflag:s13] =	ssyncset.done $0x0  }
0xe0: {  	s7 =	rddreg [dreg:$0xd];
	[sflag:s13] =	ssyncadd.s32 $0xFFFFC000  }
0xe1: {  	[spmem:s1] =	stream.indirect.scatter.add.f32 [tilespmem:s11], [sflag:$0x3], $0x80, s7, s10, $0xb8;
	[tilespmem:$0x1D000] =	vst v63  }
0xe2: {  	_ =	swait.ge [sflag:s14], $0x4000  }
0xe3: {  	[sflag:s14] =	ssyncset.done $0x0  }
0xe4: {  	s7 =	rddreg [dreg:$0xe];
	[sflag:s14] =	ssyncadd.s32 $0xFFFFC000  }
0xe5: {  	[tilespmem:s11], [sflag:$0x1] =	stream.indirect.gather [hbm4b:s4+s10], $0x80, s7, s10, $0xb8;
	[tilespmem:$0x1D000] =	vst v63  }
0xe6: {  	_ =	swait.ge [sflag:s15], $0x4000  }
0xe7: {  	[sflag:s15] =	ssyncset.done $0x0  }
0xe8: {  	s7 =	rddreg [dreg:$0xf];
	[sflag:s15] =	ssyncadd.s32 $0xFFFFC000  }
0xe9: {  	[spmem:s1] =	stream.indirect.scatter.add.f32 [tilespmem:s12], [sflag:$0x4], $0x80, s7, s10, $0xb8;
	[tilespmem:$0x1D000] =	vst v63  }
0xea: {  	_ =	swait.ge [sflag:s16], $0x4000  }
0xeb: {  	[sflag:s16] =	ssyncset.done $0x0  }
0xec: {  	s7 =	rddreg [dreg:$0x10];
	[sflag:s16] =	ssyncadd.s32 $0xFFFFC000  }
0xed: {  	[tilespmem:s12], [sflag:$0x2] =	stream.indirect.gather [hbm4b:s4+s10], $0x80, s7, s10, $0xb8;
	[tilespmem:$0x1D000] =	vst v63  }
0xee: {  	_ =	swait.ge [sflag:s13], $0x4000  }
0xef: {  	[sflag:s13] =	ssyncset.done $0x0  }
0xf0: {  	s7 =	rddreg [dreg:$0x11];
	[sflag:s13] =	ssyncadd.s32 $0xFFFFC000  }
0xf1: {  	[spmem:s1] =	stream.indirect.scatter.add.f32 [tilespmem:s11], [sflag:$0x3], $0x80, s7, s10, $0xb8;
	[tilespmem:$0x1D000] =	vst v63  }
0xf2: {  	_ =	swait.ge [sflag:s14], $0x4000  }
0xf3: {  	[sflag:s14] =	ssyncset.done $0x0  }
0xf4: {  	s7 =	rddreg [dreg:$0x12];
	[sflag:s14] =	ssyncadd.s32 $0xFFFFC000  }
0xf5: {  	[tilespmem:s11], [sflag:$0x1] =	stream.indirect.gather [hbm4b:s4+s10], $0x80, s7, s10, $0xb8;
	[tilespmem:$0x1D000] =	vst v63  }
0xf6: {  	_ =	swait.ge [sflag:s15], $0x4000  }
0xf7: {  	[sflag:s15] =	ssyncset.done $0x0  }
0xf8: {  	s7 =	rddreg [dreg:$0x13];
	[sflag:s15] =	ssyncadd.s32 $0xFFFFC000  }
0xf9: {  	[spmem:s1] =	stream.indirect.scatter.add.f32 [tilespmem:s12], [sflag:$0x4], $0x80, s7, s10, $0xb8;
	[tilespmem:$0x1D000] =	vst v63  }
0xfa: {  	_ =	swait.ge [sflag:s16], $0x4000  }
0xfb: {  	[sflag:s16] =	ssyncset.done $0x0  }
0xfc: {  	[sflag:s16] =	ssyncadd.s32 $0xFFFFC000  }
0xfd: {  	[tilespmem:s12], [sflag:$0x2] =	stream.indirect.gather [hbm4b:s4+s10], $0x80, s17, s10, $0xb8;
	[tilespmem:$0x1D000] =	vst v63  }
0xfe: {  	_ =	swait.ge [sflag:s13], $0x4000  }
0xff: {  	[sflag:s13] =	ssyncset.done $0x0  }
0x100: {  	[sflag:s13] =	ssyncadd.s32 $0xFFFFC000  }
0x101: {  	[spmem:s1] =	stream.indirect.scatter.add.f32 [tilespmem:s11], [sflag:$0x3], $0x80, s18, s10, $0xb8;
	[tilespmem:$0x1D000] =	vst v63  }
0x102: {  	_ =	swait.ge [sflag:s14], $0x4000  }
0x103: {  	[sflag:s14] =	ssyncset.done $0x0  }
0x104: {  	[sflag:s14] =	ssyncadd.s32 $0xFFFFC000  }
0x105: {  	[tilespmem:s11], [sflag:$0x1] =	stream.indirect.gather [hbm4b:s4+s10], $0x80, s19, s10, $0xb8;
	[tilespmem:$0x1D000] =	vst v63  }
0x106: {  	_ =	swait.ge [sflag:s15], $0x4000  }
0x107: {  	[sflag:s15] =	ssyncset.done $0x0  }
0x108: {  	[sflag:s15] =	ssyncadd.s32 $0xFFFFC000  }
0x109: {  	[spmem:s1] =	stream.indirect.scatter.add.f32 [tilespmem:s12], [sflag:$0x4], $0x80, s20, s10, $0xb8;
	[tilespmem:$0x1D000] =	vst v63  }
0x10a: {  	_ =	swait.ge [sflag:s16], $0x4000  }
0x10b: {  	[sflag:s16] =	ssyncset.done $0x0  }
0x10c: {  	[sflag:s16] =	ssyncadd.s32 $0xFFFFC000  }
0x10d: {  	[tilespmem:s12], [sflag:$0x2] =	stream.indirect.gather [hbm4b:s4+s10], $0x80, s21, s10, $0xb8;
	[tilespmem:$0x1D000] =	vst v63  }
0x10e: {  	_ =	swait.ge [sflag:s13], $0x4000  }
0x10f: {  	[sflag:s13] =	ssyncset.done $0x0  }
0x110: {  	[sflag:s13] =	ssyncadd.s32 $0xFFFFC000  }
0x111: {  	[spmem:s1] =	stream.indirect.scatter.add.f32 [tilespmem:s11], [sflag:$0x3], $0x80, s22, s10, $0xb8;
	[tilespmem:$0x1D000] =	vst v63  }
0x112: {  	_ =	swait.ge [sflag:s14], $0x4000  }
0x113: {  	[sflag:s14] =	ssyncset.done $0x0  }
0x114: {  	[sflag:s14] =	ssyncadd.s32 $0xFFFFC000  }
0x115: {  	[tilespmem:s11], [sflag:$0x1] =	stream.indirect.gather [hbm4b:s4+s10], $0x80, s23, s10, $0xb8;
	[tilespmem:$0x1D000] =	vst v63  }
0x116: {  	_ =	swait.ge [sflag:s15], $0x4000  }
0x117: {  	[sflag:s15] =	ssyncset.done $0x0  }
0x118: {  	[sflag:s15] =	ssyncadd.s32 $0xFFFFC000  }
0x119: {  	[spmem:s1] =	stream.indirect.scatter.add.f32 [tilespmem:s12], [sflag:$0x4], $0x80, s24, s10, $0xb8;
	[tilespmem:$0x1D000] =	vst v63  }
0x11a: {  	_ =	swait.ge [sflag:s16], $0x4000  }
0x11b: {  	[sflag:s16] =	ssyncset.done $0x0  }
0x11c: {  	[sflag:s16] =	ssyncadd.s32 $0xFFFFC000  }
0x11d: {  	[tilespmem:s12], [sflag:$0x2] =	stream.indirect.gather [hbm4b:s4+s10], $0x80, s25, s10, $0xb8;
	[tilespmem:$0x1D000] =	vst v63  }
0x11e: {  	_ =	swait.ge [sflag:s13], $0x4000  }
0x11f: {  	[sflag:s13] =	ssyncset.done $0x0  }
0x120: {  	[sflag:s13] =	ssyncadd.s32 $0xFFFFC000  }
0x121: {  	[spmem:s1] =	stream.indirect.scatter.add.f32 [tilespmem:s11], [sflag:$0x3], $0x80, s26, s10, $0xb8;
	[tilespmem:$0x1D000] =	vst v63  }
0x122: {  	_ =	swait.ge [sflag:s14], $0x4000  }
0x123: {  	[sflag:s14] =	ssyncset.done $0x0  }
0x124: {  	[sflag:s14] =	ssyncadd.s32 $0xFFFFC000  }
0x125: {  	[tilespmem:s11], [sflag:$0x1] =	stream.indirect.gather [hbm4b:s4+s10], $0x80, s28, s10, $0xb8;
	[tilespmem:$0x1D000] =	vst v63  }
0x126: {  	_ =	swait.ge [sflag:s15], $0x4000  }
0x127: {  	[sflag:s15] =	ssyncset.done $0x0  }
0x128: {  	[sflag:s15] =	ssyncadd.s32 $0xFFFFC000  }
0x129: {  	[spmem:s1] =	stream.indirect.scatter.add.f32 [tilespmem:s12], [sflag:$0x4], $0x80, s29, s10, $0xb8;
	[tilespmem:$0x1D000] =	vst v63  }
0x12a: {  	_ =	swait.ge [sflag:s16], $0x4000  }
0x12b: {  	[sflag:s16] =	ssyncset.done $0x0  }
0x12c: {  	[sflag:s16] =	ssyncadd.s32 $0xFFFFC000  }
0x12d: {  	[tilespmem:s12], [sflag:$0x2] =	stream.indirect.gather [hbm4b:s4+s10], $0x80, s30, s10, $0xb8;
	[tilespmem:$0x1D000] =	vst v63  }
0x12e: {  	_ =	swait.ge [sflag:s13], $0x4000  }
0x12f: {  	[sflag:s13] =	ssyncset.done $0x0  }
0x130: {  	[sflag:s13] =	ssyncadd.s32 $0xFFFFC000  }
0x131: {  	[spmem:s1] =	stream.indirect.scatter.add.f32 [tilespmem:s11], [sflag:$0x3], $0x80, s31, s10, $0xb8;
	[tilespmem:$0x1D000] =	vst v63  }
0x132: {  	_ =	swait.ge [sflag:s15], $0x4000  }
0x133: {  	[sflag:s15] =	ssyncset.done $0x0  }
0x134: {  	p1 =	sne.s32 s6, $0x900;
	[sflag:s15] =	ssyncadd.s32 $0xFFFFC000  }
0x135: {  	[spmem:s1] =	stream.indirect.scatter.add.f32 [tilespmem:s12], [sflag:$0x4], $0x80, s0, s10, $0xb8;
	[tilespmem:$0x1D000] =	vst v63  }
.Ltmp0:
0x136: {  	_ =	swait.ge [sflag:s14], $0x4000;
	(pc) =	sbr.rel @p1 .LBB2_2-.Ltmp0, $4  }
0x137: {  	[sflag:s14] =	ssyncset.done $0x0  }
0x138: {  	[sflag:s14] =	ssyncadd.s32 $0xFFFFC000  }
0x139: {  	s3 =	smov.u32 s6;
	s6 =	sadd.s32 $0x100, s6;
	_ =	swait.ge [sflag:s16], $0x4000  }
0x13a: {  	s5 =	smov.u32 s3;
	s7 =	rddreg [dreg:$0x5];
	[sflag:s16] =	ssyncset.done $0x0  }
0x13b: {  	[sflag:s16] =	ssyncadd.s32 $0xFFFFC000;
	s3 =	sadd.s32 s5, s7  }
0x13c: {  	[tilespmem:s2], [sflag:$0x5] =	stream.linear.gather [hbm4b:s3+s2], $0x800, $0x38;
	[tilespmem:$0x1D000] =	vst v63  }
0x13d: {  	_ =	swait.ge [sflag:s8], $0x800  }
0x13e: {  	s7 =	rddreg [dreg:$0x4];
	[sflag:s8] =	ssyncset.done $0x0  }
0x13f: {  	s3 =	sadd.s32 s5, s7;
	[sflag:s8] =	ssyncadd.s32 $0xFFFFF800  }
0x140: {  	[tilespmem:s9], [sflag:$0x5] =	stream.linear.gather [hbm4b:s3+s2], $0x800, $0x38;
	[tilespmem:$0x1D000] =	vst v63  }
0x141: {  	_ =	swait.ge [sflag:s8], $0x800  }
0x142: {  	[sflag:s8] =	ssyncset.done $0x0  }
0x143: {  	[sflag:s8] =	ssyncadd.s32 $0xFFFFF800  }
0x144: {  	[tilespmem:s11], [sflag:$0x1] =	stream.indirect.gather [hbm4b:s4+s10], $0x80, s2, s10, $0xb8;
	[tilespmem:$0x1D000] =	vst v63  }
0x145: {  	_ = 	snop  }
0x146: {  	[tilespmem:s12], [sflag:$0x2] =	stream.indirect.gather [hbm4b:s4+s10], $0x80, s10, s10, $0xb8;
	[tilespmem:$0x1D000] =	vst v63  }
0x147: {  	_ =	swait.ge [sflag:s13], $0x4000  }
0x148: {  	[sflag:s13] =	ssyncset.done $0x0  }
0x149: {  	[sflag:s13] =	ssyncadd.s32 $0xFFFFC000  }
0x14a: {  	[spmem:s1] =	stream.indirect.scatter.add.f32 [tilespmem:s11], [sflag:$0x3], $0x80, s9, s10, $0xb8;
	[tilespmem:$0x1D000] =	vst v63  }
0x14b: {  	_ =	swait.ge [sflag:s14], $0x4000  }
0x14c: {  	[sflag:s14] =	ssyncset.done $0x0  }
0x14d: {  	s6 =	rddreg [dreg:$0x6];
	[sflag:s14] =	ssyncadd.s32 $0xFFFFC000  }
0x14e: {  	[tilespmem:s11], [sflag:$0x1] =	stream.indirect.gather [hbm4b:s4+s10], $0x80, s6, s10, $0xb8;
	[tilespmem:$0x1D000] =	vst v63  }
0x14f: {  	_ =	swait.ge [sflag:s15], $0x4000  }
0x150: {  	[sflag:s15] =	ssyncset.done $0x0  }
0x151: {  	s7 =	rddreg [dreg:$0x7];
	[sflag:s15] =	ssyncadd.s32 $0xFFFFC000  }
0x152: {  	[spmem:s1] =	stream.indirect.scatter.add.f32 [tilespmem:s12], [sflag:$0x4], $0x80, s7, s10, $0xb8;
	[tilespmem:$0x1D000] =	vst v63  }
0x153: {  	_ =	swait.ge [sflag:s16], $0x4000  }
0x154: {  	[sflag:s16] =	ssyncset.done $0x0  }
0x155: {  	s5 =	rddreg [dreg:$0x8];
	[sflag:s16] =	ssyncadd.s32 $0xFFFFC000  }
0x156: {  	[tilespmem:s12], [sflag:$0x2] =	stream.indirect.gather [hbm4b:s4+s10], $0x80, s5, s10, $0xb8;
	[tilespmem:$0x1D000] =	vst v63  }
0x157: {  	_ =	swait.ge [sflag:s13], $0x4000  }
0x158: {  	[sflag:s13] =	ssyncset.done $0x0  }
0x159: {  	s6 =	rddreg [dreg:$0x9];
	[sflag:s13] =	ssyncadd.s32 $0xFFFFC000  }
0x15a: {  	[spmem:s1] =	stream.indirect.scatter.add.f32 [tilespmem:s11], [sflag:$0x3], $0x80, s6, s10, $0xb8;
	[tilespmem:$0x1D000] =	vst v63  }
0x15b: {  	_ =	swait.ge [sflag:s14], $0x4000  }
0x15c: {  	[sflag:s14] =	ssyncset.done $0x0  }
0x15d: {  	s7 =	rddreg [dreg:$0xa];
	[sflag:s14] =	ssyncadd.s32 $0xFFFFC000  }
0x15e: {  	[tilespmem:s11], [sflag:$0x1] =	stream.indirect.gather [hbm4b:s4+s10], $0x80, s7, s10, $0xb8;
	[tilespmem:$0x1D000] =	vst v63  }
0x15f: {  	_ =	swait.ge [sflag:s15], $0x4000  }
0x160: {  	[sflag:s15] =	ssyncset.done $0x0  }
0x161: {  	s5 =	rddreg [dreg:$0xb];
	[sflag:s15] =	ssyncadd.s32 $0xFFFFC000  }
0x162: {  	[spmem:s1] =	stream.indirect.scatter.add.f32 [tilespmem:s12], [sflag:$0x4], $0x80, s5, s10, $0xb8;
	[tilespmem:$0x1D000] =	vst v63  }
0x163: {  	_ =	swait.ge [sflag:s16], $0x4000  }
0x164: {  	[sflag:s16] =	ssyncset.done $0x0  }
0x165: {  	s6 =	rddreg [dreg:$0xc];
	[sflag:s16] =	ssyncadd.s32 $0xFFFFC000  }
0x166: {  	[tilespmem:s12], [sflag:$0x2] =	stream.indirect.gather [hbm4b:s4+s10], $0x80, s6, s10, $0xb8;
	[tilespmem:$0x1D000] =	vst v63  }
0x167: {  	_ =	swait.ge [sflag:s13], $0x4000  }
0x168: {  	[sflag:s13] =	ssyncset.done $0x0  }
0x169: {  	s7 =	rddreg [dreg:$0xd];
	[sflag:s13] =	ssyncadd.s32 $0xFFFFC000  }
0x16a: {  	[spmem:s1] =	stream.indirect.scatter.add.f32 [tilespmem:s11], [sflag:$0x3], $0x80, s7, s10, $0xb8;
	[tilespmem:$0x1D000] =	vst v63  }
0x16b: {  	_ =	swait.ge [sflag:s14], $0x4000  }
0x16c: {  	[sflag:s14] =	ssyncset.done $0x0  }
0x16d: {  	s5 =	rddreg [dreg:$0xe];
	[sflag:s14] =	ssyncadd.s32 $0xFFFFC000  }
0x16e: {  	[tilespmem:s11], [sflag:$0x1] =	stream.indirect.gather [hbm4b:s4+s10], $0x80, s5, s10, $0xb8;
	[tilespmem:$0x1D000] =	vst v63  }
0x16f: {  	_ =	swait.ge [sflag:s15], $0x4000  }
0x170: {  	[sflag:s15] =	ssyncset.done $0x0  }
0x171: {  	s6 =	rddreg [dreg:$0xf];
	[sflag:s15] =	ssyncadd.s32 $0xFFFFC000  }
0x172: {  	[spmem:s1] =	stream.indirect.scatter.add.f32 [tilespmem:s12], [sflag:$0x4], $0x80, s6, s10, $0xb8;
	[tilespmem:$0x1D000] =	vst v63  }
0x173: {  	_ =	swait.ge [sflag:s16], $0x4000  }
0x174: {  	[sflag:s16] =	ssyncset.done $0x0  }
0x175: {  	s7 =	rddreg [dreg:$0x10];
	[sflag:s16] =	ssyncadd.s32 $0xFFFFC000  }
0x176: {  	[tilespmem:s12], [sflag:$0x2] =	stream.indirect.gather [hbm4b:s4+s10], $0x80, s7, s10, $0xb8;
	[tilespmem:$0x1D000] =	vst v63  }
0x177: {  	_ =	swait.ge [sflag:s13], $0x4000  }
0x178: {  	[sflag:s13] =	ssyncset.done $0x0  }
0x179: {  	s5 =	rddreg [dreg:$0x11];
	[sflag:s13] =	ssyncadd.s32 $0xFFFFC000  }
0x17a: {  	[spmem:s1] =	stream.indirect.scatter.add.f32 [tilespmem:s11], [sflag:$0x3], $0x80, s5, s10, $0xb8;
	[tilespmem:$0x1D000] =	vst v63  }
0x17b: {  	_ =	swait.ge [sflag:s14], $0x4000  }
0x17c: {  	[sflag:s14] =	ssyncset.done $0x0  }
0x17d: {  	s6 =	rddreg [dreg:$0x12];
	[sflag:s14] =	ssyncadd.s32 $0xFFFFC000  }
0x17e: {  	[tilespmem:s11], [sflag:$0x1] =	stream.indirect.gather [hbm4b:s4+s10], $0x80, s6, s10, $0xb8;
	[tilespmem:$0x1D000] =	vst v63  }
0x17f: {  	_ =	swait.ge [sflag:s15], $0x4000  }
0x180: {  	[sflag:s15] =	ssyncset.done $0x0  }
0x181: {  	s7 =	rddreg [dreg:$0x13];
	[sflag:s15] =	ssyncadd.s32 $0xFFFFC000  }
0x182: {  	[spmem:s1] =	stream.indirect.scatter.add.f32 [tilespmem:s12], [sflag:$0x4], $0x80, s7, s10, $0xb8;
	[tilespmem:$0x1D000] =	vst v63  }
0x183: {  	_ =	swait.ge [sflag:s16], $0x4000  }
0x184: {  	[sflag:s16] =	ssyncset.done $0x0  }
0x185: {  	[sflag:s16] =	ssyncadd.s32 $0xFFFFC000  }
0x186: {  	[tilespmem:s12], [sflag:$0x2] =	stream.indirect.gather [hbm4b:s4+s10], $0x80, s17, s10, $0xb8;
	[tilespmem:$0x1D000] =	vst v63  }
0x187: {  	_ =	swait.ge [sflag:s13], $0x4000  }
0x188: {  	[sflag:s13] =	ssyncset.done $0x0  }
0x189: {  	[sflag:s13] =	ssyncadd.s32 $0xFFFFC000  }
0x18a: {  	[spmem:s1] =	stream.indirect.scatter.add.f32 [tilespmem:s11], [sflag:$0x3], $0x80, s18, s10, $0xb8;
	[tilespmem:$0x1D000] =	vst v63  }
0x18b: {  	_ =	swait.ge [sflag:s14], $0x4000  }
0x18c: {  	[sflag:s14] =	ssyncset.done $0x0  }
0x18d: {  	[sflag:s14] =	ssyncadd.s32 $0xFFFFC000  }
0x18e: {  	[tilespmem:s11], [sflag:$0x1] =	stream.indirect.gather [hbm4b:s4+s10], $0x80, s19, s10, $0xb8;
	[tilespmem:$0x1D000] =	vst v63  }
0x18f: {  	_ =	swait.ge [sflag:s15], $0x4000  }
0x190: {  	[sflag:s15] =	ssyncset.done $0x0  }
0x191: {  	[sflag:s15] =	ssyncadd.s32 $0xFFFFC000  }
0x192: {  	[spmem:s1] =	stream.indirect.scatter.add.f32 [tilespmem:s12], [sflag:$0x4], $0x80, s20, s10, $0xb8;
	[tilespmem:$0x1D000] =	vst v63  }
0x193: {  	_ =	swait.ge [sflag:s16], $0x4000  }
0x194: {  	[sflag:s16] =	ssyncset.done $0x0  }
0x195: {  	[sflag:s16] =	ssyncadd.s32 $0xFFFFC000  }
0x196: {  	[tilespmem:s12], [sflag:$0x2] =	stream.indirect.gather [hbm4b:s4+s10], $0x80, s21, s10, $0xb8;
	[tilespmem:$0x1D000] =	vst v63  }
0x197: {  	_ =	swait.ge [sflag:s13], $0x4000  }
0x198: {  	[sflag:s13] =	ssyncset.done $0x0  }
0x199: {  	[sflag:s13] =	ssyncadd.s32 $0xFFFFC000  }
0x19a: {  	[spmem:s1] =	stream.indirect.scatter.add.f32 [tilespmem:s11], [sflag:$0x3], $0x80, s22, s10, $0xb8;
	[tilespmem:$0x1D000] =	vst v63  }
0x19b: {  	_ =	swait.ge [sflag:s14], $0x4000  }
0x19c: {  	[sflag:s14] =	ssyncset.done $0x0  }
0x19d: {  	[sflag:s14] =	ssyncadd.s32 $0xFFFFC000  }
0x19e: {  	[tilespmem:s11], [sflag:$0x1] =	stream.indirect.gather [hbm4b:s4+s10], $0x80, s23, s10, $0xb8;
	[tilespmem:$0x1D000] =	vst v63  }
0x19f: {  	_ =	swait.ge [sflag:s15], $0x4000  }
0x1a0: {  	[sflag:s15] =	ssyncset.done $0x0  }
0x1a1: {  	[sflag:s15] =	ssyncadd.s32 $0xFFFFC000  }
0x1a2: {  	[spmem:s1] =	stream.indirect.scatter.add.f32 [tilespmem:s12], [sflag:$0x4], $0x80, s24, s10, $0xb8;
	[tilespmem:$0x1D000] =	vst v63  }
0x1a3: {  	_ =	swait.ge [sflag:s16], $0x4000  }
0x1a4: {  	[sflag:s16] =	ssyncset.done $0x0  }
0x1a5: {  	[sflag:s16] =	ssyncadd.s32 $0xFFFFC000  }
0x1a6: {  	[tilespmem:s12], [sflag:$0x2] =	stream.indirect.gather [hbm4b:s4+s10], $0x80, s25, s10, $0xb8;
	[tilespmem:$0x1D000] =	vst v63  }
0x1a7: {  	_ =	swait.ge [sflag:s13], $0x4000  }
0x1a8: {  	[sflag:s13] =	ssyncset.done $0x0  }
0x1a9: {  	[sflag:s13] =	ssyncadd.s32 $0xFFFFC000  }
0x1aa: {  	[spmem:s1] =	stream.indirect.scatter.add.f32 [tilespmem:s11], [sflag:$0x3], $0x80, s26, s10, $0xb8;
	[tilespmem:$0x1D000] =	vst v63  }
0x1ab: {  	_ =	swait.ge [sflag:s14], $0x4000  }
0x1ac: {  	[sflag:s14] =	ssyncset.done $0x0  }
0x1ad: {  	[sflag:s14] =	ssyncadd.s32 $0xFFFFC000  }
0x1ae: {  	[tilespmem:s11], [sflag:$0x1] =	stream.indirect.gather [hbm4b:s4+s10], $0x80, s28, s10, $0xb8;
	[tilespmem:$0x1D000] =	vst v63  }
0x1af: {  	_ =	swait.ge [sflag:s15], $0x4000  }
0x1b0: {  	[sflag:s15] =	ssyncset.done $0x0  }
0x1b1: {  	[sflag:s15] =	ssyncadd.s32 $0xFFFFC000  }
0x1b2: {  	[spmem:s1] =	stream.indirect.scatter.add.f32 [tilespmem:s12], [sflag:$0x4], $0x80, s29, s10, $0xb8;
	[tilespmem:$0x1D000] =	vst v63  }
0x1b3: {  	_ =	swait.ge [sflag:s16], $0x4000  }
0x1b4: {  	[sflag:s16] =	ssyncset.done $0x0  }
0x1b5: {  	[sflag:s16] =	ssyncadd.s32 $0xFFFFC000  }
0x1b6: {  	[tilespmem:s12], [sflag:$0x2] =	stream.indirect.gather [hbm4b:s4+s10], $0x80, s30, s10, $0xb8;
	[tilespmem:$0x1D000] =	vst v63  }
0x1b7: {  	_ =	swait.ge [sflag:s13], $0x4000  }
0x1b8: {  	[sflag:s13] =	ssyncset.done $0x0  }
0x1b9: {  	[sflag:s13] =	ssyncadd.s32 $0xFFFFC000  }
0x1ba: {  	[spmem:s1] =	stream.indirect.scatter.add.f32 [tilespmem:s11], [sflag:$0x3], $0x80, s31, s10, $0xb8;
	[tilespmem:$0x1D000] =	vst v63  }
0x1bb: {  	_ =	swait.ge [sflag:s15], $0x4000  }
0x1bc: {  	[sflag:s15] =	ssyncset.done $0x0  }
0x1bd: {  	[sflag:s15] =	ssyncadd.s32 $0xFFFFC000  }
0x1be: {  	[spmem:s1] =	stream.indirect.scatter.add.f32 [tilespmem:s12], [sflag:$0x4], $0x80, s0, s10, $0xb8;
	[tilespmem:$0x1D000] =	vst v63  }
0x1bf: {  	_ =	swait.ge [sflag:s14], $0x4000  }
0x1c0: {  	[sflag:s14] =	ssyncset.done $0x0  }
0x1c1: {  	[sflag:s14] =	ssyncadd.s32 $0xFFFFC000  }
0x1c2: {  	_ =	swait.ge [sflag:s16], $0x4000  }
0x1c3: {  	[sflag:s16] =	ssyncset.done $0x0  }
0x1c4: {  	[sflag:s16] =	ssyncadd.s32 $0xFFFFC000  }
0x1c5: {  	[bflag:$0x0] =	sbarrier.arrive $0xFFFF  }
0x1c6: {  	s5 =	rddreg [dreg:$0x15]  }
0x1c7: {  	s3 =	simm.s32 @!p0 $0x1C05;
	s6 =	rddreg [dreg:$0x17]  }
0x1c8: {  	[hbm:s5], [sflag:s3] =	dma.local @!p0 [spmem:s6], $0x28000  }
0x1c9: {  	s3 =	simm.s32 @!p0 $0x5  }
0x1ca: {  	_ =	swait.ge @!p0 [sflag:s3], $0x28000  }
0x1cb: {  	s5 =	rddreg [dreg:$0x18]  }
0x1cc: {  	s7 =	sadd.s32 $0x1, s5;
	s5 =	rddreg [dreg:$0x16]  }
0x1cd: {  	p1 =	sne.s32 s7, s5  }
.Ltmp1:
0x1ce: {  	_ = 	snop;
	(pc) =	sbr.rel @p1 .LBB2_1-.Ltmp1, $3  }
0x1cf: {  	_ =	sdelay $0x1  }
0x1d0: {  	[sflag:s3] =	ssyncset.done @!p0 $0x0  }
0x1d1: {  	[sflag:s3] =	ssyncadd.s32 @!p0 $0xFFFD8000  }
0x1d2: {  	_ =	sfence.sel $0x180000  }
0x1d3: {  	[bflag:$0x0] =	sbarrier.arrive $0xFFFF  }
0x1d4: {  	_ =	strace $0x9000004A  }
0x1d5: {  	[bflag:$0x2] =	sbarrier.arrive $0xFFFF  }
0x1d6: {  	s0 =	rddreg [dreg:$0x3]  }
0x1d7: {  	s0 =	sadd.s32 @!p0 $0x100000, s0  }
0x1d8: {  	[sflag:s0] =	ssyncadd.tile.s32 @!p0 $0x1;
	_ =	shalt  }
.Lfunc_end2:
_tile_overlayer_lowered:
.L_overlay_start_2:
0x1d9: {  	(tag) =	ssettag $0x2  }
0x1da: {  	s0 =	rddreg [dreg:$0x0];
	s2 =	stileid.u32  }
0x1db: {  	s1 =	rddreg [dreg:$0x1];
	p0 =	sne.s32 s2, $0x0  }
0x1dc: {  	s3 =	rddreg [dreg:$0x2];
	[bflag:$0x3] =	sbarrier.arrive $0xFFFF;
	s2 =	simm.s32 @!p0 $0x1C05  }
0x1dd: {  	[timem:s3], [sflag:s2] =	dma.local @!p0 [hbm:s0], s1  }
0x1de: {  	s0 =	simm.s32 @!p0 $0x5  }
0x1df: {  	_ =	swait.ge @!p0 [sflag:s0], s1  }
0x1e0: {  	s1 =	ssub.s32 @!p0 $0x0, s1;
	[sflag:s0] =	ssyncset.done @!p0 $0x0  }
0x1e1: {  	[sflag:s0] =	ssyncadd.s32 @!p0 s1  }
0x1e2: {  	[bflag:$0x3] =	sbarrier.arrive $0xFFFF  }
0x1e3: {  	_ =	shalt  }

// kernel: kernel.15.cloned.1.call-start
scs
__scs_entry_jumppad:
0x0: {  	(pc) =	sbr.rel $0x88, $3  }
0x1: {  	(tag) =	ssettag $0x0;
	lr =	simm.s32 $0x1  }
0x2: {  	[smem:$0x3F9B] =	sst lr;
	_ =	strace $0xD0000000  }
0x3: {  	_ = 	snop  }
0x4: {  	_ = 	snop  }
0x5: {  	_ = 	snop  }
0x6: {  	_ = 	snop  }
0x7: {  	_ = 	snop  }
__scs_overlays_trampoline_lowered:
0x8: {  	[smem:$0x3FAA] =	sst s0  }
0x9: {  	[smem:$0x3FAB] =	sst s1  }
0xa: {  	[smem:$0x3FAC] =	sst s2  }
0xb: {  	[smem:$0x3FAD] =	sst s3  }
0xc: {  	[smem:$0x3FAE] =	sst s4  }
0xd: {  	[smem:$0x3FAF] =	sst s5  }
0xe: {  	[smem:$0x3FB0] =	sst s6  }
0xf: {  	[smem:$0x3FB1] =	sst s7  }
0x10: {  	[smem:$0x3FB2] =	sst s8  }
0x11: {  	[smem:$0x3FB3] =	sst s9;
	s0 =	simm.s32 @!p0 $0x0  }
0x12: {  	s1 =	sld [smem:$0x3F99];
	s0 =	simm.s32 @p0 $0x1  }
0x13: {  	[smem:$0x3FB4] =	sst s0;
	s0 =	simm.s32 @!p1 $0x0  }
0x14: {  	s2 =	sld [smem:$0x3F98];
	s0 =	simm.s32 @p1 $0x1  }
0x15: {  	[smem:$0x3FB5] =	sst s0;
	s0 =	simm.s32 @!p2 $0x0  }
0x16: {  	s3 =	sld [smem:$0x3FDB];
	s0 =	simm.s32 @p2 $0x1  }
0x17: {  	s4 =	simm.s32 $0x1BF5;
	[smem:$0x3FB7] =	sst s0  }
0x18: {  	s0 =	sld [smem:$0x3F9A];
	_ =	swait.ge [sflag:s4], $0x0  }
0x19: {  	s7 =	sld [smem:$0x3F9B]  }
0x1a: {  	s8 =	sadd.s32 $0xFFFFE003, lr  }
0x1b: {  	s9 =	sadd.s32 $0xFFFFFEF7, lr;
	s5 =	simm.s32 $0xFFFFFFFF;
	p2 =	slt.u32 s8, $0xFFFFF086  }
0x1c: {  	p1 =	slt.u32 s9, $0xF7A;
	s5 =	simm.s32 @!p2 $0x0  }
0x1d: {  	s5 =	simm.s32 @p1 $0x1;
	p0 =	seq.s32 s7, s2  }
0x1e: {  	s7 =	smul.u32 @!p0 $0xF7A, s2;
	p2 =	seq.s32 @!p0 s5, $0x0  }
0x1f: {  	s9 =	smul.u32 $0xF7A, s1;
	s8 =	simm.s32 @!p0 $0x1BF5;
	p2 =	por !p2, p0  }
0x20: {  	[sflag:s8] =	ssyncset.s32 @!p0 $0xFFFFF086;
	s6 =	sadd.s32 @!p0 s3, s7;
	s7 =	simm.s32 @!p0 $0x108  }
0x21: {  	s3 =	sadd.s32 s3, s9;
	s6 =	sadd.s32 @!p0 $0x88, s6;
	s7 =	simm.s32 @p2 $0x1082  }
0x22: {  	[simem:s7], [sflag:s8] =	dma.local @!p0 [hbm:s6], $0xF7A  }
0x23: {  	s9 =	sor.u32 $0xD0000000, s2;
	s6 =	simm.s32 $0x108;
	_ =	swait.ge @!p0 [sflag:s8], $0x0  }
0x24: {  	s3 =	sadd.s32 $0x88, s3;
	s6 =	simm.s32 @!p1 $0x1082;
	[sflag:s4] =	ssyncset.s32 $0xFFFFF086  }
0x25: {  	[simem:s6], [sflag:s4] =	dma.local [hbm:s3], $0xF7A  }
0x26: {  	[smem:$0x3F9B] =	sst s1;
	(tag) =	ssettag s2;
	_ =	strace s9  }
0x27: {  	s1 =	sld [smem:$0x3FAB]  }
0x28: {  	s2 =	sld [smem:$0x3FAC]  }
0x29: {  	s4 =	sld [smem:$0x3FAE]  }
0x2a: {  	p0 =	seq.s32 s5, $0x0;
	s5 =	sld [smem:$0x3FAF]  }
0x2b: {  	s6 =	sld [smem:$0x3FB0]  }
0x2c: {  	s7 =	sld [smem:$0x3FB1]  }
0x2d: {  	s3 =	simm.s32 $0x108;
	s8 =	sld [smem:$0x3FB2]  }
0x2e: {  	s3 =	simm.s32 @!p0 $0x1082;
	s9 =	sld [smem:$0x3FB3]  }
0x2f: {  	lr =	sadd.s32 s0, s3;
	s0 =	sld [smem:$0x3FAA]  }
0x30: {  	s3 =	sld [smem:$0x3FAD]  }
0x31: {  	[smem:$0x3FB6] =	sst s10  }
0x32: {  	s10 =	sld [smem:$0x3FB4];
	_ =	sdelay $0x3  }
0x33: {  	p0 =	seq.s32 s10, $0x1;
	s10 =	sld [smem:$0x3FB6];
	_ =	sdelay $0x3  }
0x34: {  	[smem:$0x3FB6] =	sst s10  }
0x35: {  	s10 =	sld [smem:$0x3FB5];
	_ =	sdelay $0x3  }
0x36: {  	p1 =	seq.s32 s10, $0x1;
	s10 =	sld [smem:$0x3FB6];
	_ =	sdelay $0x3  }
0x37: {  	[smem:$0x3FB6] =	sst s10  }
0x38: {  	s10 =	sld [smem:$0x3FB7]  }
0x39: {  	_ = 	snop;
	(pc) =	sbr.ind lr, $3  }
0x3a: {  	_ = 	snop  }
0x3b: {  	_ = 	snop  }
0x3c: {  	p2 =	seq.s32 s10, $0x1;
	s10 =	sld [smem:$0x3FB6]  }
0x3d: {  	_ =	shalt  }
0x3e: {  	_ =	shalt  }
0x3f: {  	_ =	shalt  }
0x40: {  	_ =	shalt  }
0x41: {  	_ =	shalt  }
0x42: {  	_ =	shalt  }
0x43: {  	_ =	shalt  }
0x44: {  	_ =	shalt  }
0x45: {  	_ =	shalt  }
0x46: {  	_ =	shalt  }
0x47: {  	_ =	shalt  }
0x48: {  	_ =	shalt  }
0x49: {  	_ =	shalt  }
0x4a: {  	_ =	shalt  }
0x4b: {  	_ =	shalt  }
0x4c: {  	_ =	shalt  }
0x4d: {  	_ =	shalt  }
0x4e: {  	_ =	shalt  }
0x4f: {  	_ =	shalt  }
0x50: {  	_ =	shalt  }
0x51: {  	_ =	shalt  }
0x52: {  	_ =	shalt  }
0x53: {  	_ =	shalt  }
0x54: {  	_ =	shalt  }
0x55: {  	_ =	shalt  }
0x56: {  	_ =	shalt  }
0x57: {  	_ =	shalt  }
0x58: {  	_ =	shalt  }
0x59: {  	_ =	shalt  }
0x5a: {  	_ =	shalt  }
0x5b: {  	_ =	shalt  }
0x5c: {  	_ =	shalt  }
0x5d: {  	_ =	shalt  }
0x5e: {  	_ =	shalt  }
0x5f: {  	_ =	shalt  }
0x60: {  	_ =	shalt  }
0x61: {  	_ =	shalt  }
0x62: {  	_ =	shalt  }
0x63: {  	_ =	shalt  }
0x64: {  	_ =	shalt  }
0x65: {  	_ =	shalt  }
0x66: {  	_ =	shalt  }
0x67: {  	_ =	shalt  }
0x68: {  	_ =	shalt  }
0x69: {  	_ =	shalt  }
0x6a: {  	_ =	shalt  }
0x6b: {  	_ =	shalt  }
0x6c: {  	_ =	shalt  }
0x6d: {  	_ =	shalt  }
0x6e: {  	_ =	shalt  }
0x6f: {  	_ =	shalt  }
0x70: {  	_ =	shalt  }
0x71: {  	_ =	shalt  }
0x72: {  	_ =	shalt  }
0x73: {  	_ =	shalt  }
0x74: {  	_ =	shalt  }
0x75: {  	_ =	shalt  }
0x76: {  	_ =	shalt  }
0x77: {  	_ =	shalt  }
0x78: {  	_ =	shalt  }
0x79: {  	_ =	shalt  }
0x7a: {  	_ =	shalt  }
0x7b: {  	_ =	shalt  }
0x7c: {  	_ =	shalt  }
0x7d: {  	_ =	shalt  }
0x7e: {  	_ =	shalt  }
0x7f: {  	_ =	shalt  }
0x80: {  	_ =	shalt  }
0x81: {  	_ =	shalt  }
0x82: {  	_ =	shalt  }
0x83: {  	_ =	shalt  }
0x84: {  	_ =	shalt  }
0x85: {  	_ =	shalt  }
0x86: {  	_ =	shalt  }
0x87: {  	_ =	shalt  }
.Lfunc_end0:
.L_simem_size_0:
called_computation.2_lowered:
.L_overlay_start_0:
0x88: {  	s2 =	sld [smem:$0x3FD9]  }
0x89: {  	s3 =	sld [smem:$0x3FFE];
	_ =	sdelay $0x1  }
0x8a: {  	s1 =	srdreg.scid  }
0x8b: {  	s0 =	sand.u32 $0x1, s1  }
0x8c: {  	s16 =	sshll.u32 s0, $0xA;
	s2 =	sadd.s32 s3, s2  }
0x8d: {  	s2 =	sadd.s32 s2, s16  }
0x8e: {  	[smem:$0x3FC2] =	sst s2  }
0x8f: {  	_ = 	snop  }
0x90: {  	(tm) =	ssettm $0x1  }
0x91: {  	s17 =	sld [smem:$0x3FFB];
	_ =	sdelay $0x3  }
0x92: {  	_ =	strace s17  }
0x93: {  	s2 =	sld [smem:$0x3FFC];
	_ =	sdelay $0x3  }
0x94: {  	_ =	strace s2  }
0x95: {  	s2 =	sld [smem:$0x3FFD];
	_ =	sdelay $0x3  }
0x96: {  	_ =	strace s2  }
0x97: {  	_ =	strace $0x8FFFFFFF  }
0x98: {  	s18 =	sld [smem:$0x3FDB];
	_ =	sdelay $0x1  }
0x99: {  	s19 =	simm.s32 $_scs_section_size  }
0x9a: {  	s4 =	simm.s32 $_size__tile_overlayer_lowered;
	s5 =	simm.s32 $_tile_overlayer_lowered  }
0x9b: {  	s22 =	simm.s32 $0x1BFF;
	s21 =	sshll.u32 s5, $0x1;
	s2 =	sadd.s32 s19, s18  }
0x9c: {  	s6 =	simm.s32 $0x0;
	s20 =	sshll.u32 s4, $0x1;
	s4 =	sadd.s32 s21, s2  }
0x9d: {  	[timem:s6], [sflag:s22] =	dma.local [hbm:s4], s20  }
0x9e: {  	_ =	swait.ge [sflag:s22], s20  }
0x9f: {  	s3 =	ssub.s32 $0x0, s20;
	[sflag:s22] =	ssyncset.done $0x0  }
0xa0: {  	[sflag:s22] =	ssyncadd.s32 s3;
	_ =	sdelay $0x1  }
0xa1: {  	s23 =	simm.s32 $0x1B8B  }
0xa2: {  	_ =	swait.ge [sflag:s23], $0x1  }
0xa3: {  	[sflag:s23] =	ssyncset.done $0x0  }
0xa4: {  	s25 =	simm.s32 $0x1B8E;
	s24 =	sld [smem:$0x3FFE];
	[sflag:s23] =	ssyncadd.s32 $0xFFFFFFFF  }
0xa5: {  	s26 =	simm.s32 $execute0_lowered;
	[smem:$0x3FD2] =	sst s25  }
0xa6: {  	s4 =	sshll.u32 s26, $0x1;
	_ =	strace $0x8000004C;
	[dreg:$0x1] =	wrdreg $0xFFFFFFFF  }
0xa7: {  	s28 =	simm.s32 $_size_execute0_lowered;
	s2 =	sadd.s32 s2, s4;
	[dreg:$0x0] =	wrdreg $0x0  }
0xa8: {  	s4 =	sshll.u32 s28, $0x1;
	[dreg:$0x2] =	wrdreg s2  }
0xa9: {  	[dreg:$0x3] =	wrdreg s4  }
0xaa: {  	[dreg:$0x4] =	wrdreg $0xC0  }
0xab: {  	_ =	task [dreg:s6], $0x5FFFF  }
0xac: {  	[dreg:$0x1] =	wrdreg $0xFFFFFFFF  }
0xad: {  	[dreg:$0x0] =	wrdreg $0x60  }
0xae: {  	[dreg:$0x2] =	wrdreg s24  }
0xaf: {  	[dreg:$0x3] =	wrdreg $0x90000  }
0xb0: {  	[dreg:$0x4] =	wrdreg $0x9  }
0xb1: {  	_ =	task.clear_ibuf [dreg:s6], $0x5FFFF;
	_ =	strace $0x9000004C  }
0xb2: {  	s29 =	simm.s32 $0x9;
	_ =	strace $0x8000004E  }
0xb3: {  	_ =	swait.ge [sflag:s29], $0x1  }
0xb4: {  	[sflag:s29] =	ssyncadd.s32 $0xFFFFFFFF  }
0xb5: {  	_ =	strace $0x9000004E  }
0xb6: {  	_ =	sfence  }
0xb7: {  	s30 =	sld [smem:$0x0];
	_ =	sdelay $0x2  }
0xb8: {  	s31 =	sshll.u32 s1, $0xD;
	s1 =	sshrl.u32 s1, $0x2  }
0xb9: {  	s3 =	sand.u32 $0x4000, s31;
	s1 =	sadd.s32 s1, s30  }
0xba: {  	s0 =	sor.u32 s3, s0;
	s1 =	sshll.u32 s1, $0x11  }
0xbb: {  	s0 =	sor.u32 s1, s0  }
0xbc: {  	s0 =	sadd.s32 $0x8F2B, s0  }
0xbd: {  	[sflag:s0] =	ssyncadd.remote.s32 $0x1  }
0xbe: {  	_ =	sfence.sel $0xFFFF  }
0xbf: {  	[dreg:$0x0] =	wrdreg $0xFFFFFFFF;
	(pc) =	sbr.abs _section_cstart, $3  }
0xc0: {  	[dreg:$0x1] =	wrdreg $0xFFFFFFFF  }
0xc1: {  	_ =	task.clear_ibuf [dreg:s6], $0x2FFFF;
	_ =	strace $0x9FFFFFFF  }
0xc2: {  	(tm) =	ssettm $0x7FFFFFFF  }
0xc3: {  	_ =	shalt  }
tec
execute0_lowered:
.L_overlay_start_1:
0x0: {  	(tag) =	ssettag $0x1  }
0x1: {  	s6 =	rddreg [dreg:$0x0]  }
0x2: {  	s1 =	rddreg [dreg:$0x1];
	s2 =	simm.s32 $0x0  }
0x3: {  	s0 =	srdreg.scid;
	[smem:$0x7FF] =	sst s2;
	s7 =	sadd.s32 $0xC600, s6  }
0x4: {  	s13 =	simm.s32 $0x100;
	_ =	strace $0x8000004D;
	[dreg:$0x13] =	wrdreg s7  }
0x5: {  	s3 =	stileid.u32;
	s14 =	simm.s32 $0x880;
	[dreg:$0x5] =	wrdreg s13  }
0x6: {  	s15 =	simm.s32 $0x180;
	s16 =	simm.s32 $0x900;
	[dreg:$0x6] =	wrdreg s14  }
0x7: {  	s17 =	simm.s32 $0x200;
	s18 =	simm.s32 $0x980;
	[dreg:$0x7] =	wrdreg s15  }
0x8: {  	s8 =	simm.s32 $0x5;
	s19 =	simm.s32 $0x280;
	[dreg:$0x8] =	wrdreg s16  }
0x9: {  	s20 =	simm.s32 $0xA00;
	s21 =	simm.s32 $0x300;
	[dreg:$0x9] =	wrdreg s17  }
0xa: {  	s22 =	simm.s32 $0xA80;
	s23 =	simm.s32 $0x380;
	[dreg:$0xa] =	wrdreg s18  }
0xb: {  	s24 =	simm.s32 $0xB00;
	s25 =	simm.s32 $0x400;
	[dreg:$0xb] =	wrdreg s19  }
0xc: {  	s26 =	simm.s32 $0xB80;
	s28 =	simm.s32 $0x700;
	[dreg:$0xc] =	wrdreg s20  }
0xd: {  	s29 =	simm.s32 $0xE80;
	s30 =	simm.s32 $0x780;
	[dreg:$0xd] =	wrdreg s21  }
0xe: {  	s31 =	simm.s32 $0xF00;
	s0 =	sand.u32 $0x1, s0;
	[dreg:$0xe] =	wrdreg s22  }
0xf: {  	s4 =	smul.u32 $0x2800, s3;
	p0 =	sne.s32 s3, $0x0;
	[dreg:$0xf] =	wrdreg s23  }
0x10: {  	s5 =	smul.u32 $0x28000, s0;
	s0 =	ssub.s32 $0x2, s0;
	[dreg:$0x10] =	wrdreg s24  }
0x11: {  	s13 =	simm.s32 $0x1;
	s14 =	simm.s32 $0x3;
	[dreg:$0x11] =	wrdreg s25  }
0x12: {  	s15 =	simm.s32 $0x2;
	s16 =	simm.s32 $0x4;
	[dreg:$0x12] =	wrdreg s26  }
0x13: {  	s17 =	simm.s32 $0x480;
	s18 =	simm.s32 $0xC00;
	s19 =	simm.s32 $0x500  }
0x14: {  	s20 =	simm.s32 $0xC80;
	s21 =	simm.s32 $0x580;
	s22 =	simm.s32 $0xD00  }
0x15: {  	s23 =	simm.s32 $0x600;
	s24 =	simm.s32 $0xD80;
	s25 =	simm.s32 $0x680  }
0x16: {  	s26 =	simm.s32 $0xE00;
	s7 =	simm.s32 $0x0;
	s12 =	sshrl.u32 s0, $0x1  }
0x17: {  	s4 =	sadd.s32 s4, s5;
	s5 =	sadd.s32 s5, s6;
	s0 =	ssub.s32 s0, s12  }
0x18: {  	s12 =	simm.s32 $0x5000;
	s4 =	sshrl.u32 s4, $0x3;
	s5 =	sadd.s32 $0x5C600, s5  }
0x19: {  	s0 =	smax.u32 s0, $0x1;
	s9 =	sadd.s32 s4, s6;
	[dreg:$0x14] =	wrdreg s5  }
0x1a: {  	s4 =	sadd.s32 $0x34600, s6;
	[dreg:$0x15] =	wrdreg s0;
	s6 =	sshrl.u32 @!p0 s1, $0x3  }
0x1b: {  	s0 =	simm.s32 $0xF80;
	s10 =	sadd.s32 $0x2600, s9;
	[dreg:$0x16] =	wrdreg s6  }
0x1c: {  	s11 =	sadd.s32 $0xD4600, s9;
	s9 =	simm.s32 $0x800;
	[dreg:$0x3] =	wrdreg s10  }
0x1d: {  	[dreg:$0x4] =	wrdreg s11;
	s10 =	simm.s32 $0x80;
	s11 =	simm.s32 $0x1000  }
.LBB2_1:
0x1e: {  	[dreg:$0x17] =	wrdreg s7  }
0x1f: {  	s5 =	simm.s32 @!p0 $0x1C05;
	s3 =	rddreg [dreg:$0x13]  }
0x20: {  	[spmem:s6], [sflag:s5] =	dma.local @!p0 [hbm:s3], $0x28000  }
0x21: {  	s5 =	simm.s32 @!p0 $0x5  }
0x22: {  	_ =	swait.ge @!p0 [sflag:s5], $0x28000  }
0x23: {  	[sflag:s5] =	ssyncset.done @!p0 $0x0  }
0x24: {  	[sflag:s5] =	ssyncadd.s32 @!p0 $0xFFFD8000  }
0x25: {  	[bflag:$0x0] =	sbarrier.arrive $0xFFFF  }
0x26: {  	s7 =	rddreg [dreg:$0x4]  }
0x27: {  	s5 =	sadd.s32 $0x0, s7  }
0x28: {  	[tilespmem:s2], [sflag:$0x5] =	stream.linear.gather [hbm4b:s5+s2], $0x800, $0x38;
	[tilespmem:$0x1D000] =	vst v63  }
0x29: {  	_ =	swait.ge [sflag:s8], $0x800  }
0x2a: {  	s3 =	rddreg [dreg:$0x3];
	[sflag:s8] =	ssyncset.done $0x0  }
0x2b: {  	[sflag:s8] =	ssyncadd.s32 $0xFFFFF800;
	s5 =	sadd.s32 $0x0, s3  }
0x2c: {  	[tilespmem:s9], [sflag:$0x5] =	stream.linear.gather [hbm4b:s5+s2], $0x800, $0x38;
	[tilespmem:$0x1D000] =	vst v63  }
0x2d: {  	_ =	swait.ge [sflag:s8], $0x800  }
0x2e: {  	[sflag:s8] =	ssyncset.done $0x0  }
0x2f: {  	[sflag:s8] =	ssyncadd.s32 $0xFFFFF800  }
0x30: {  	[tilespmem:s11], [sflag:$0x1] =	stream.indirect.gather [hbm4b:s4+s10], $0x80, s2, s10, $0xb8;
	[tilespmem:$0x1D000] =	vst v63  }
0x31: {  	_ = 	snop  }
0x32: {  	[tilespmem:s12], [sflag:$0x2] =	stream.indirect.gather [hbm4b:s4+s10], $0x80, s10, s10, $0xb8;
	[tilespmem:$0x1D000] =	vst v63  }
0x33: {  	_ =	swait.ge [sflag:s13], $0x4000  }
0x34: {  	[sflag:s13] =	ssyncset.done $0x0  }
0x35: {  	[sflag:s13] =	ssyncadd.s32 $0xFFFFC000  }
0x36: {  	[spmem:s1] =	stream.indirect.scatter.add.f32 [tilespmem:s11], [sflag:$0x3], $0x80, s9, s10, $0xb8;
	[tilespmem:$0x1D000] =	vst v63  }
0x37: {  	_ =	swait.ge [sflag:s14], $0x4000  }
0x38: {  	[sflag:s14] =	ssyncset.done $0x0  }
0x39: {  	s6 =	rddreg [dreg:$0x5];
	[sflag:s14] =	ssyncadd.s32 $0xFFFFC000  }
0x3a: {  	[tilespmem:s11], [sflag:$0x1] =	stream.indirect.gather [hbm4b:s4+s10], $0x80, s6, s10, $0xb8;
	[tilespmem:$0x1D000] =	vst v63  }
0x3b: {  	_ =	swait.ge [sflag:s15], $0x4000  }
0x3c: {  	[sflag:s15] =	ssyncset.done $0x0  }
0x3d: {  	s7 =	rddreg [dreg:$0x6];
	[sflag:s15] =	ssyncadd.s32 $0xFFFFC000  }
0x3e: {  	[spmem:s1] =	stream.indirect.scatter.add.f32 [tilespmem:s12], [sflag:$0x4], $0x80, s7, s10, $0xb8;
	[tilespmem:$0x1D000] =	vst v63  }
0x3f: {  	_ =	swait.ge [sflag:s16], $0x4000  }
0x40: {  	[sflag:s16] =	ssyncset.done $0x0  }
0x41: {  	s3 =	rddreg [dreg:$0x7];
	[sflag:s16] =	ssyncadd.s32 $0xFFFFC000  }
0x42: {  	[tilespmem:s12], [sflag:$0x2] =	stream.indirect.gather [hbm4b:s4+s10], $0x80, s3, s10, $0xb8;
	[tilespmem:$0x1D000] =	vst v63  }
0x43: {  	_ =	swait.ge [sflag:s13], $0x4000  }
0x44: {  	[sflag:s13] =	ssyncset.done $0x0  }
0x45: {  	s6 =	rddreg [dreg:$0x8];
	[sflag:s13] =	ssyncadd.s32 $0xFFFFC000  }
0x46: {  	[spmem:s1] =	stream.indirect.scatter.add.f32 [tilespmem:s11], [sflag:$0x3], $0x80, s6, s10, $0xb8;
	[tilespmem:$0x1D000] =	vst v63  }
0x47: {  	_ =	swait.ge [sflag:s14], $0x4000  }
0x48: {  	[sflag:s14] =	ssyncset.done $0x0  }
0x49: {  	s7 =	rddreg [dreg:$0x9];
	[sflag:s14] =	ssyncadd.s32 $0xFFFFC000  }
0x4a: {  	[tilespmem:s11], [sflag:$0x1] =	stream.indirect.gather [hbm4b:s4+s10], $0x80, s7, s10, $0xb8;
	[tilespmem:$0x1D000] =	vst v63  }
0x4b: {  	_ =	swait.ge [sflag:s15], $0x4000  }
0x4c: {  	[sflag:s15] =	ssyncset.done $0x0  }
0x4d: {  	s3 =	rddreg [dreg:$0xa];
	[sflag:s15] =	ssyncadd.s32 $0xFFFFC000  }
0x4e: {  	[spmem:s1] =	stream.indirect.scatter.add.f32 [tilespmem:s12], [sflag:$0x4], $0x80, s3, s10, $0xb8;
	[tilespmem:$0x1D000] =	vst v63  }
0x4f: {  	_ =	swait.ge [sflag:s16], $0x4000  }
0x50: {  	[sflag:s16] =	ssyncset.done $0x0  }
0x51: {  	s6 =	rddreg [dreg:$0xb];
	[sflag:s16] =	ssyncadd.s32 $0xFFFFC000  }
0x52: {  	[tilespmem:s12], [sflag:$0x2] =	stream.indirect.gather [hbm4b:s4+s10], $0x80, s6, s10, $0xb8;
	[tilespmem:$0x1D000] =	vst v63  }
0x53: {  	_ =	swait.ge [sflag:s13], $0x4000  }
0x54: {  	[sflag:s13] =	ssyncset.done $0x0  }
0x55: {  	s7 =	rddreg [dreg:$0xc];
	[sflag:s13] =	ssyncadd.s32 $0xFFFFC000  }
0x56: {  	[spmem:s1] =	stream.indirect.scatter.add.f32 [tilespmem:s11], [sflag:$0x3], $0x80, s7, s10, $0xb8;
	[tilespmem:$0x1D000] =	vst v63  }
0x57: {  	_ =	swait.ge [sflag:s14], $0x4000  }
0x58: {  	[sflag:s14] =	ssyncset.done $0x0  }
0x59: {  	s3 =	rddreg [dreg:$0xd];
	[sflag:s14] =	ssyncadd.s32 $0xFFFFC000  }
0x5a: {  	[tilespmem:s11], [sflag:$0x1] =	stream.indirect.gather [hbm4b:s4+s10], $0x80, s3, s10, $0xb8;
	[tilespmem:$0x1D000] =	vst v63  }
0x5b: {  	_ =	swait.ge [sflag:s15], $0x4000  }
0x5c: {  	[sflag:s15] =	ssyncset.done $0x0  }
0x5d: {  	s6 =	rddreg [dreg:$0xe];
	[sflag:s15] =	ssyncadd.s32 $0xFFFFC000  }
0x5e: {  	[spmem:s1] =	stream.indirect.scatter.add.f32 [tilespmem:s12], [sflag:$0x4], $0x80, s6, s10, $0xb8;
	[tilespmem:$0x1D000] =	vst v63  }
0x5f: {  	_ =	swait.ge [sflag:s16], $0x4000  }
0x60: {  	[sflag:s16] =	ssyncset.done $0x0  }
0x61: {  	s7 =	rddreg [dreg:$0xf];
	[sflag:s16] =	ssyncadd.s32 $0xFFFFC000  }
0x62: {  	[tilespmem:s12], [sflag:$0x2] =	stream.indirect.gather [hbm4b:s4+s10], $0x80, s7, s10, $0xb8;
	[tilespmem:$0x1D000] =	vst v63  }
0x63: {  	_ =	swait.ge [sflag:s13], $0x4000  }
0x64: {  	[sflag:s13] =	ssyncset.done $0x0  }
0x65: {  	s3 =	rddreg [dreg:$0x10];
	[sflag:s13] =	ssyncadd.s32 $0xFFFFC000  }
0x66: {  	[spmem:s1] =	stream.indirect.scatter.add.f32 [tilespmem:s11], [sflag:$0x3], $0x80, s3, s10, $0xb8;
	[tilespmem:$0x1D000] =	vst v63  }
0x67: {  	_ =	swait.ge [sflag:s14], $0x4000  }
0x68: {  	[sflag:s14] =	ssyncset.done $0x0  }
0x69: {  	s6 =	rddreg [dreg:$0x11];
	[sflag:s14] =	ssyncadd.s32 $0xFFFFC000  }
0x6a: {  	[tilespmem:s11], [sflag:$0x1] =	stream.indirect.gather [hbm4b:s4+s10], $0x80, s6, s10, $0xb8;
	[tilespmem:$0x1D000] =	vst v63  }
0x6b: {  	_ =	swait.ge [sflag:s15], $0x4000  }
0x6c: {  	[sflag:s15] =	ssyncset.done $0x0  }
0x6d: {  	s7 =	rddreg [dreg:$0x12];
	[sflag:s15] =	ssyncadd.s32 $0xFFFFC000  }
0x6e: {  	[spmem:s1] =	stream.indirect.scatter.add.f32 [tilespmem:s12], [sflag:$0x4], $0x80, s7, s10, $0xb8;
	[tilespmem:$0x1D000] =	vst v63  }
0x6f: {  	_ =	swait.ge [sflag:s16], $0x4000  }
0x70: {  	[sflag:s16] =	ssyncset.done $0x0  }
0x71: {  	[sflag:s16] =	ssyncadd.s32 $0xFFFFC000  }
0x72: {  	[tilespmem:s12], [sflag:$0x2] =	stream.indirect.gather [hbm4b:s4+s10], $0x80, s17, s10, $0xb8;
	[tilespmem:$0x1D000] =	vst v63  }
0x73: {  	_ =	swait.ge [sflag:s13], $0x4000  }
0x74: {  	[sflag:s13] =	ssyncset.done $0x0  }
0x75: {  	[sflag:s13] =	ssyncadd.s32 $0xFFFFC000  }
0x76: {  	[spmem:s1] =	stream.indirect.scatter.add.f32 [tilespmem:s11], [sflag:$0x3], $0x80, s18, s10, $0xb8;
	[tilespmem:$0x1D000] =	vst v63  }
0x77: {  	_ =	swait.ge [sflag:s14], $0x4000  }
0x78: {  	[sflag:s14] =	ssyncset.done $0x0  }
0x79: {  	[sflag:s14] =	ssyncadd.s32 $0xFFFFC000  }
0x7a: {  	[tilespmem:s11], [sflag:$0x1] =	stream.indirect.gather [hbm4b:s4+s10], $0x80, s19, s10, $0xb8;
	[tilespmem:$0x1D000] =	vst v63  }
0x7b: {  	_ =	swait.ge [sflag:s15], $0x4000  }
0x7c: {  	[sflag:s15] =	ssyncset.done $0x0  }
0x7d: {  	[sflag:s15] =	ssyncadd.s32 $0xFFFFC000  }
0x7e: {  	[spmem:s1] =	stream.indirect.scatter.add.f32 [tilespmem:s12], [sflag:$0x4], $0x80, s20, s10, $0xb8;
	[tilespmem:$0x1D000] =	vst v63  }
0x7f: {  	_ =	swait.ge [sflag:s16], $0x4000  }
0x80: {  	[sflag:s16] =	ssyncset.done $0x0  }
0x81: {  	[sflag:s16] =	ssyncadd.s32 $0xFFFFC000  }
0x82: {  	[tilespmem:s12], [sflag:$0x2] =	stream.indirect.gather [hbm4b:s4+s10], $0x80, s21, s10, $0xb8;
	[tilespmem:$0x1D000] =	vst v63  }
0x83: {  	_ =	swait.ge [sflag:s13], $0x4000  }
0x84: {  	[sflag:s13] =	ssyncset.done $0x0  }
0x85: {  	[sflag:s13] =	ssyncadd.s32 $0xFFFFC000  }
0x86: {  	[spmem:s1] =	stream.indirect.scatter.add.f32 [tilespmem:s11], [sflag:$0x3], $0x80, s22, s10, $0xb8;
	[tilespmem:$0x1D000] =	vst v63  }
0x87: {  	_ =	swait.ge [sflag:s14], $0x4000  }
0x88: {  	[sflag:s14] =	ssyncset.done $0x0  }
0x89: {  	[sflag:s14] =	ssyncadd.s32 $0xFFFFC000  }
0x8a: {  	[tilespmem:s11], [sflag:$0x1] =	stream.indirect.gather [hbm4b:s4+s10], $0x80, s23, s10, $0xb8;
	[tilespmem:$0x1D000] =	vst v63  }
0x8b: {  	_ =	swait.ge [sflag:s15], $0x4000  }
0x8c: {  	[sflag:s15] =	ssyncset.done $0x0  }
0x8d: {  	[sflag:s15] =	ssyncadd.s32 $0xFFFFC000  }
0x8e: {  	[spmem:s1] =	stream.indirect.scatter.add.f32 [tilespmem:s12], [sflag:$0x4], $0x80, s24, s10, $0xb8;
	[tilespmem:$0x1D000] =	vst v63  }
0x8f: {  	_ =	swait.ge [sflag:s16], $0x4000  }
0x90: {  	[sflag:s16] =	ssyncset.done $0x0  }
0x91: {  	[sflag:s16] =	ssyncadd.s32 $0xFFFFC000  }
0x92: {  	[tilespmem:s12], [sflag:$0x2] =	stream.indirect.gather [hbm4b:s4+s10], $0x80, s25, s10, $0xb8;
	[tilespmem:$0x1D000] =	vst v63  }
0x93: {  	_ =	swait.ge [sflag:s13], $0x4000  }
0x94: {  	[sflag:s13] =	ssyncset.done $0x0  }
0x95: {  	[sflag:s13] =	ssyncadd.s32 $0xFFFFC000  }
0x96: {  	[spmem:s1] =	stream.indirect.scatter.add.f32 [tilespmem:s11], [sflag:$0x3], $0x80, s26, s10, $0xb8;
	[tilespmem:$0x1D000] =	vst v63  }
0x97: {  	_ =	swait.ge [sflag:s14], $0x4000  }
0x98: {  	[sflag:s14] =	ssyncset.done $0x0  }
0x99: {  	[sflag:s14] =	ssyncadd.s32 $0xFFFFC000  }
0x9a: {  	[tilespmem:s11], [sflag:$0x1] =	stream.indirect.gather [hbm4b:s4+s10], $0x80, s28, s10, $0xb8;
	[tilespmem:$0x1D000] =	vst v63  }
0x9b: {  	_ =	swait.ge [sflag:s15], $0x4000  }
0x9c: {  	[sflag:s15] =	ssyncset.done $0x0  }
0x9d: {  	[sflag:s15] =	ssyncadd.s32 $0xFFFFC000  }
0x9e: {  	[spmem:s1] =	stream.indirect.scatter.add.f32 [tilespmem:s12], [sflag:$0x4], $0x80, s29, s10, $0xb8;
	[tilespmem:$0x1D000] =	vst v63  }
0x9f: {  	_ =	swait.ge [sflag:s16], $0x4000  }
0xa0: {  	[sflag:s16] =	ssyncset.done $0x0  }
0xa1: {  	[sflag:s16] =	ssyncadd.s32 $0xFFFFC000  }
0xa2: {  	[tilespmem:s12], [sflag:$0x2] =	stream.indirect.gather [hbm4b:s4+s10], $0x80, s30, s10, $0xb8;
	[tilespmem:$0x1D000] =	vst v63  }
0xa3: {  	_ =	swait.ge [sflag:s13], $0x4000  }
0xa4: {  	[sflag:s13] =	ssyncset.done $0x0  }
0xa5: {  	[sflag:s13] =	ssyncadd.s32 $0xFFFFC000  }
0xa6: {  	[spmem:s1] =	stream.indirect.scatter.add.f32 [tilespmem:s11], [sflag:$0x3], $0x80, s31, s10, $0xb8;
	[tilespmem:$0x1D000] =	vst v63  }
0xa7: {  	_ =	swait.ge [sflag:s15], $0x4000  }
0xa8: {  	[sflag:s15] =	ssyncset.done $0x0  }
0xa9: {  	[sflag:s15] =	ssyncadd.s32 $0xFFFFC000  }
0xaa: {  	[spmem:s1] =	stream.indirect.scatter.add.f32 [tilespmem:s12], [sflag:$0x4], $0x80, s0, s10, $0xb8;
	[tilespmem:$0x1D000] =	vst v63  }
0xab: {  	_ =	swait.ge [sflag:s14], $0x4000  }
0xac: {  	[sflag:s14] =	ssyncset.done $0x0  }
0xad: {  	[sflag:s14] =	ssyncadd.s32 $0xFFFFC000  }
0xae: {  	s5 =	simm.s32 $0x100;
	_ =	swait.ge [sflag:s16], $0x4000  }
0xaf: {  	s6 =	simm.s32 $0x200;
	s7 =	rddreg [dreg:$0x4];
	[sflag:s16] =	ssyncset.done $0x0  }
.LBB2_2:
0xb0: {  	[sflag:s16] =	ssyncadd.s32 $0xFFFFC000;
	s7 =	sadd.s32 s5, s7  }
0xb1: {  	[tilespmem:s2], [sflag:$0x5] =	stream.linear.gather [hbm4b:s7+s2], $0x800, $0x38;
	[tilespmem:$0x1D000] =	vst v63  }
0xb2: {  	_ =	swait.ge [sflag:s8], $0x800  }
0xb3: {  	s7 =	rddreg [dreg:$0x3];
	[sflag:s8] =	ssyncset.done $0x0  }
0xb4: {  	[sflag:s8] =	ssyncadd.s32 $0xFFFFF800;
	s7 =	sadd.s32 s5, s7  }
0xb5: {  	[tilespmem:s9], [sflag:$0x5] =	stream.linear.gather [hbm4b:s7+s2], $0x800, $0x38;
	[tilespmem:$0x1D000] =	vst v63  }
0xb6: {  	_ =	swait.ge [sflag:s8], $0x800  }
0xb7: {  	[sflag:s8] =	ssyncset.done $0x0  }
0xb8: {  	[sflag:s8] =	ssyncadd.s32 $0xFFFFF800  }
0xb9: {  	[tilespmem:s11], [sflag:$0x1] =	stream.indirect.gather [hbm4b:s4+s10], $0x80, s2, s10, $0xb8;
	[tilespmem:$0x1D000] =	vst v63  }
0xba: {  	_ = 	snop  }
0xbb: {  	[tilespmem:s12], [sflag:$0x2] =	stream.indirect.gather [hbm4b:s4+s10], $0x80, s10, s10, $0xb8;
	[tilespmem:$0x1D000] =	vst v63  }
0xbc: {  	_ =	swait.ge [sflag:s13], $0x4000  }
0xbd: {  	[sflag:s13] =	ssyncset.done $0x0  }
0xbe: {  	[sflag:s13] =	ssyncadd.s32 $0xFFFFC000  }
0xbf: {  	[spmem:s1] =	stream.indirect.scatter.add.f32 [tilespmem:s11], [sflag:$0x3], $0x80, s9, s10, $0xb8;
	[tilespmem:$0x1D000] =	vst v63  }
0xc0: {  	_ =	swait.ge [sflag:s14], $0x4000  }
0xc1: {  	[sflag:s14] =	ssyncset.done $0x0  }
0xc2: {  	s7 =	rddreg [dreg:$0x5];
	[sflag:s14] =	ssyncadd.s32 $0xFFFFC000  }
0xc3: {  	[tilespmem:s11], [sflag:$0x1] =	stream.indirect.gather [hbm4b:s4+s10], $0x80, s7, s10, $0xb8;
	[tilespmem:$0x1D000] =	vst v63  }
0xc4: {  	_ =	swait.ge [sflag:s15], $0x4000  }
0xc5: {  	[sflag:s15] =	ssyncset.done $0x0  }
0xc6: {  	s7 =	rddreg [dreg:$0x6];
	[sflag:s15] =	ssyncadd.s32 $0xFFFFC000  }
0xc7: {  	[spmem:s1] =	stream.indirect.scatter.add.f32 [tilespmem:s12], [sflag:$0x4], $0x80, s7, s10, $0xb8;
	[tilespmem:$0x1D000] =	vst v63  }
0xc8: {  	_ =	swait.ge [sflag:s16], $0x4000  }
0xc9: {  	[sflag:s16] =	ssyncset.done $0x0  }
0xca: {  	s7 =	rddreg [dreg:$0x7];
	[sflag:s16] =	ssyncadd.s32 $0xFFFFC000  }
0xcb: {  	[tilespmem:s12], [sflag:$0x2] =	stream.indirect.gather [hbm4b:s4+s10], $0x80, s7, s10, $0xb8;
	[tilespmem:$0x1D000] =	vst v63  }
0xcc: {  	_ =	swait.ge [sflag:s13], $0x4000  }
0xcd: {  	[sflag:s13] =	ssyncset.done $0x0  }
0xce: {  	s7 =	rddreg [dreg:$0x8];
	[sflag:s13] =	ssyncadd.s32 $0xFFFFC000  }
0xcf: {  	[spmem:s1] =	stream.indirect.scatter.add.f32 [tilespmem:s11], [sflag:$0x3], $0x80, s7, s10, $0xb8;
	[tilespmem:$0x1D000] =	vst v63  }
0xd0: {  	_ =	swait.ge [sflag:s14], $0x4000  }
0xd1: {  	[sflag:s14] =	ssyncset.done $0x0  }
0xd2: {  	s7 =	rddreg [dreg:$0x9];
	[sflag:s14] =	ssyncadd.s32 $0xFFFFC000  }
0xd3: {  	[tilespmem:s11], [sflag:$0x1] =	stream.indirect.gather [hbm4b:s4+s10], $0x80, s7, s10, $0xb8;
	[tilespmem:$0x1D000] =	vst v63  }
0xd4: {  	_ =	swait.ge [sflag:s15], $0x4000  }
0xd5: {  	[sflag:s15] =	ssyncset.done $0x0  }
0xd6: {  	s7 =	rddreg [dreg:$0xa];
	[sflag:s15] =	ssyncadd.s32 $0xFFFFC000  }
0xd7: {  	[spmem:s1] =	stream.indirect.scatter.add.f32 [tilespmem:s12], [sflag:$0x4], $0x80, s7, s10, $0xb8;
	[tilespmem:$0x1D000] =	vst v63  }
0xd8: {  	_ =	swait.ge [sflag:s16], $0x4000  }
0xd9: {  	[sflag:s16] =	ssyncset.done $0x0  }
0xda: {  	s7 =	rddreg [dreg:$0xb];
	[sflag:s16] =	ssyncadd.s32 $0xFFFFC000  }
0xdb: {  	[tilespmem:s12], [sflag:$0x2] =	stream.indirect.gather [hbm4b:s4+s10], $0x80, s7, s10, $0xb8;
	[tilespmem:$0x1D000] =	vst v63  }
0xdc: {  	_ =	swait.ge [sflag:s13], $0x4000  }
0xdd: {  	[sflag:s13] =	ssyncset.done $0x0  }
0xde: {  	s7 =	rddreg [dreg:$0xc];
	[sflag:s13] =	ssyncadd.s32 $0xFFFFC000  }
0xdf: {  	[spmem:s1] =	stream.indirect.scatter.add.f32 [tilespmem:s11], [sflag:$0x3], $0x80, s7, s10, $0xb8;
	[tilespmem:$0x1D000] =	vst v63  }
0xe0: {  	_ =	swait.ge [sflag:s14], $0x4000  }
0xe1: {  	[sflag:s14] =	ssyncset.done $0x0  }
0xe2: {  	s7 =	rddreg [dreg:$0xd];
	[sflag:s14] =	ssyncadd.s32 $0xFFFFC000  }
0xe3: {  	[tilespmem:s11], [sflag:$0x1] =	stream.indirect.gather [hbm4b:s4+s10], $0x80, s7, s10, $0xb8;
	[tilespmem:$0x1D000] =	vst v63  }
0xe4: {  	_ =	swait.ge [sflag:s15], $0x4000  }
0xe5: {  	[sflag:s15] =	ssyncset.done $0x0  }
0xe6: {  	s7 =	rddreg [dreg:$0xe];
	[sflag:s15] =	ssyncadd.s32 $0xFFFFC000  }
0xe7: {  	[spmem:s1] =	stream.indirect.scatter.add.f32 [tilespmem:s12], [sflag:$0x4], $0x80, s7, s10, $0xb8;
	[tilespmem:$0x1D000] =	vst v63  }
0xe8: {  	_ =	swait.ge [sflag:s16], $0x4000  }
0xe9: {  	[sflag:s16] =	ssyncset.done $0x0  }
0xea: {  	s7 =	rddreg [dreg:$0xf];
	[sflag:s16] =	ssyncadd.s32 $0xFFFFC000  }
0xeb: {  	[tilespmem:s12], [sflag:$0x2] =	stream.indirect.gather [hbm4b:s4+s10], $0x80, s7, s10, $0xb8;
	[tilespmem:$0x1D000] =	vst v63  }
0xec: {  	_ =	swait.ge [sflag:s13], $0x4000  }
0xed: {  	[sflag:s13] =	ssyncset.done $0x0  }
0xee: {  	s7 =	rddreg [dreg:$0x10];
	[sflag:s13] =	ssyncadd.s32 $0xFFFFC000  }
0xef: {  	[spmem:s1] =	stream.indirect.scatter.add.f32 [tilespmem:s11], [sflag:$0x3], $0x80, s7, s10, $0xb8;
	[tilespmem:$0x1D000] =	vst v63  }
0xf0: {  	_ =	swait.ge [sflag:s14], $0x4000  }
0xf1: {  	[sflag:s14] =	ssyncset.done $0x0  }
0xf2: {  	s7 =	rddreg [dreg:$0x11];
	[sflag:s14] =	ssyncadd.s32 $0xFFFFC000  }
0xf3: {  	[tilespmem:s11], [sflag:$0x1] =	stream.indirect.gather [hbm4b:s4+s10], $0x80, s7, s10, $0xb8;
	[tilespmem:$0x1D000] =	vst v63  }
0xf4: {  	_ =	swait.ge [sflag:s15], $0x4000  }
0xf5: {  	[sflag:s15] =	ssyncset.done $0x0  }
0xf6: {  	s7 =	rddreg [dreg:$0x12];
	[sflag:s15] =	ssyncadd.s32 $0xFFFFC000  }
0xf7: {  	[spmem:s1] =	stream.indirect.scatter.add.f32 [tilespmem:s12], [sflag:$0x4], $0x80, s7, s10, $0xb8;
	[tilespmem:$0x1D000] =	vst v63  }
0xf8: {  	_ =	swait.ge [sflag:s16], $0x4000  }
0xf9: {  	[sflag:s16] =	ssyncset.done $0x0  }
0xfa: {  	[sflag:s16] =	ssyncadd.s32 $0xFFFFC000  }
0xfb: {  	[tilespmem:s12], [sflag:$0x2] =	stream.indirect.gather [hbm4b:s4+s10], $0x80, s17, s10, $0xb8;
	[tilespmem:$0x1D000] =	vst v63  }
0xfc: {  	_ =	swait.ge [sflag:s13], $0x4000  }
0xfd: {  	[sflag:s13] =	ssyncset.done $0x0  }
0xfe: {  	[sflag:s13] =	ssyncadd.s32 $0xFFFFC000  }
0xff: {  	[spmem:s1] =	stream.indirect.scatter.add.f32 [tilespmem:s11], [sflag:$0x3], $0x80, s18, s10, $0xb8;
	[tilespmem:$0x1D000] =	vst v63  }
0x100: {  	_ =	swait.ge [sflag:s14], $0x4000  }
0x101: {  	[sflag:s14] =	ssyncset.done $0x0  }
0x102: {  	[sflag:s14] =	ssyncadd.s32 $0xFFFFC000  }
0x103: {  	[tilespmem:s11], [sflag:$0x1] =	stream.indirect.gather [hbm4b:s4+s10], $0x80, s19, s10, $0xb8;
	[tilespmem:$0x1D000] =	vst v63  }
0x104: {  	_ =	swait.ge [sflag:s15], $0x4000  }
0x105: {  	[sflag:s15] =	ssyncset.done $0x0  }
0x106: {  	[sflag:s15] =	ssyncadd.s32 $0xFFFFC000  }
0x107: {  	[spmem:s1] =	stream.indirect.scatter.add.f32 [tilespmem:s12], [sflag:$0x4], $0x80, s20, s10, $0xb8;
	[tilespmem:$0x1D000] =	vst v63  }
0x108: {  	_ =	swait.ge [sflag:s16], $0x4000  }
0x109: {  	[sflag:s16] =	ssyncset.done $0x0  }
0x10a: {  	[sflag:s16] =	ssyncadd.s32 $0xFFFFC000  }
0x10b: {  	[tilespmem:s12], [sflag:$0x2] =	stream.indirect.gather [hbm4b:s4+s10], $0x80, s21, s10, $0xb8;
	[tilespmem:$0x1D000] =	vst v63  }
0x10c: {  	_ =	swait.ge [sflag:s13], $0x4000  }
0x10d: {  	[sflag:s13] =	ssyncset.done $0x0  }
0x10e: {  	[sflag:s13] =	ssyncadd.s32 $0xFFFFC000  }
0x10f: {  	[spmem:s1] =	stream.indirect.scatter.add.f32 [tilespmem:s11], [sflag:$0x3], $0x80, s22, s10, $0xb8;
	[tilespmem:$0x1D000] =	vst v63  }
0x110: {  	_ =	swait.ge [sflag:s14], $0x4000  }
0x111: {  	[sflag:s14] =	ssyncset.done $0x0  }
0x112: {  	[sflag:s14] =	ssyncadd.s32 $0xFFFFC000  }
0x113: {  	[tilespmem:s11], [sflag:$0x1] =	stream.indirect.gather [hbm4b:s4+s10], $0x80, s23, s10, $0xb8;
	[tilespmem:$0x1D000] =	vst v63  }
0x114: {  	_ =	swait.ge [sflag:s15], $0x4000  }
0x115: {  	[sflag:s15] =	ssyncset.done $0x0  }
0x116: {  	[sflag:s15] =	ssyncadd.s32 $0xFFFFC000  }
0x117: {  	[spmem:s1] =	stream.indirect.scatter.add.f32 [tilespmem:s12], [sflag:$0x4], $0x80, s24, s10, $0xb8;
	[tilespmem:$0x1D000] =	vst v63  }
0x118: {  	_ =	swait.ge [sflag:s16], $0x4000  }
0x119: {  	[sflag:s16] =	ssyncset.done $0x0  }
0x11a: {  	[sflag:s16] =	ssyncadd.s32 $0xFFFFC000  }
0x11b: {  	[tilespmem:s12], [sflag:$0x2] =	stream.indirect.gather [hbm4b:s4+s10], $0x80, s25, s10, $0xb8;
	[tilespmem:$0x1D000] =	vst v63  }
0x11c: {  	_ =	swait.ge [sflag:s13], $0x4000  }
0x11d: {  	[sflag:s13] =	ssyncset.done $0x0  }
0x11e: {  	[sflag:s13] =	ssyncadd.s32 $0xFFFFC000  }
0x11f: {  	[spmem:s1] =	stream.indirect.scatter.add.f32 [tilespmem:s11], [sflag:$0x3], $0x80, s26, s10, $0xb8;
	[tilespmem:$0x1D000] =	vst v63  }
0x120: {  	_ =	swait.ge [sflag:s14], $0x4000  }
0x121: {  	[sflag:s14] =	ssyncset.done $0x0  }
0x122: {  	[sflag:s14] =	ssyncadd.s32 $0xFFFFC000  }
0x123: {  	[tilespmem:s11], [sflag:$0x1] =	stream.indirect.gather [hbm4b:s4+s10], $0x80, s28, s10, $0xb8;
	[tilespmem:$0x1D000] =	vst v63  }
0x124: {  	_ =	swait.ge [sflag:s15], $0x4000  }
0x125: {  	[sflag:s15] =	ssyncset.done $0x0  }
0x126: {  	[sflag:s15] =	ssyncadd.s32 $0xFFFFC000  }
0x127: {  	[spmem:s1] =	stream.indirect.scatter.add.f32 [tilespmem:s12], [sflag:$0x4], $0x80, s29, s10, $0xb8;
	[tilespmem:$0x1D000] =	vst v63  }
0x128: {  	_ =	swait.ge [sflag:s16], $0x4000  }
0x129: {  	[sflag:s16] =	ssyncset.done $0x0  }
0x12a: {  	[sflag:s16] =	ssyncadd.s32 $0xFFFFC000  }
0x12b: {  	[tilespmem:s12], [sflag:$0x2] =	stream.indirect.gather [hbm4b:s4+s10], $0x80, s30, s10, $0xb8;
	[tilespmem:$0x1D000] =	vst v63  }
0x12c: {  	_ =	swait.ge [sflag:s13], $0x4000  }
0x12d: {  	[sflag:s13] =	ssyncset.done $0x0  }
0x12e: {  	[sflag:s13] =	ssyncadd.s32 $0xFFFFC000  }
0x12f: {  	[spmem:s1] =	stream.indirect.scatter.add.f32 [tilespmem:s11], [sflag:$0x3], $0x80, s31, s10, $0xb8;
	[tilespmem:$0x1D000] =	vst v63  }
0x130: {  	_ =	swait.ge [sflag:s15], $0x4000  }
0x131: {  	[sflag:s15] =	ssyncset.done $0x0  }
0x132: {  	p1 =	sne.s32 s6, $0x400;
	[sflag:s15] =	ssyncadd.s32 $0xFFFFC000  }
0x133: {  	[spmem:s1] =	stream.indirect.scatter.add.f32 [tilespmem:s12], [sflag:$0x4], $0x80, s0, s10, $0xb8;
	[tilespmem:$0x1D000] =	vst v63  }
.Ltmp0:
0x134: {  	_ =	swait.ge [sflag:s14], $0x4000;
	(pc) =	sbr.rel @p1 .LBB2_2-.Ltmp0, $4  }
0x135: {  	[sflag:s14] =	ssyncset.done $0x0  }
0x136: {  	[sflag:s14] =	ssyncadd.s32 $0xFFFFC000  }
0x137: {  	s3 =	smov.u32 s6;
	s6 =	sadd.s32 $0x100, s6;
	_ =	swait.ge [sflag:s16], $0x4000  }
0x138: {  	s5 =	smov.u32 s3;
	s7 =	rddreg [dreg:$0x4];
	[sflag:s16] =	ssyncset.done $0x0  }
0x139: {  	[sflag:s16] =	ssyncadd.s32 $0xFFFFC000;
	s3 =	sadd.s32 s5, s7  }
0x13a: {  	[tilespmem:s2], [sflag:$0x5] =	stream.linear.gather [hbm4b:s3+s2], $0x800, $0x38;
	[tilespmem:$0x1D000] =	vst v63  }
0x13b: {  	_ =	swait.ge [sflag:s8], $0x800  }
0x13c: {  	s7 =	rddreg [dreg:$0x3];
	[sflag:s8] =	ssyncset.done $0x0  }
0x13d: {  	s3 =	sadd.s32 s5, s7;
	[sflag:s8] =	ssyncadd.s32 $0xFFFFF800  }
0x13e: {  	[tilespmem:s9], [sflag:$0x5] =	stream.linear.gather [hbm4b:s3+s2], $0x800, $0x38;
	[tilespmem:$0x1D000] =	vst v63  }
0x13f: {  	_ =	swait.ge [sflag:s8], $0x800  }
0x140: {  	[sflag:s8] =	ssyncset.done $0x0  }
0x141: {  	[sflag:s8] =	ssyncadd.s32 $0xFFFFF800  }
0x142: {  	[tilespmem:s11], [sflag:$0x1] =	stream.indirect.gather [hbm4b:s4+s10], $0x80, s2, s10, $0xb8;
	[tilespmem:$0x1D000] =	vst v63  }
0x143: {  	_ = 	snop  }
0x144: {  	[tilespmem:s12], [sflag:$0x2] =	stream.indirect.gather [hbm4b:s4+s10], $0x80, s10, s10, $0xb8;
	[tilespmem:$0x1D000] =	vst v63  }
0x145: {  	_ =	swait.ge [sflag:s13], $0x4000  }
0x146: {  	[sflag:s13] =	ssyncset.done $0x0  }
0x147: {  	[sflag:s13] =	ssyncadd.s32 $0xFFFFC000  }
0x148: {  	[spmem:s1] =	stream.indirect.scatter.add.f32 [tilespmem:s11], [sflag:$0x3], $0x80, s9, s10, $0xb8;
	[tilespmem:$0x1D000] =	vst v63  }
0x149: {  	_ =	swait.ge [sflag:s14], $0x4000  }
0x14a: {  	[sflag:s14] =	ssyncset.done $0x0  }
0x14b: {  	s6 =	rddreg [dreg:$0x5];
	[sflag:s14] =	ssyncadd.s32 $0xFFFFC000  }
0x14c: {  	[tilespmem:s11], [sflag:$0x1] =	stream.indirect.gather [hbm4b:s4+s10], $0x80, s6, s10, $0xb8;
	[tilespmem:$0x1D000] =	vst v63  }
0x14d: {  	_ =	swait.ge [sflag:s15], $0x4000  }
0x14e: {  	[sflag:s15] =	ssyncset.done $0x0  }
0x14f: {  	s7 =	rddreg [dreg:$0x6];
	[sflag:s15] =	ssyncadd.s32 $0xFFFFC000  }
0x150: {  	[spmem:s1] =	stream.indirect.scatter.add.f32 [tilespmem:s12], [sflag:$0x4], $0x80, s7, s10, $0xb8;
	[tilespmem:$0x1D000] =	vst v63  }
0x151: {  	_ =	swait.ge [sflag:s16], $0x4000  }
0x152: {  	[sflag:s16] =	ssyncset.done $0x0  }
0x153: {  	s5 =	rddreg [dreg:$0x7];
	[sflag:s16] =	ssyncadd.s32 $0xFFFFC000  }
0x154: {  	[tilespmem:s12], [sflag:$0x2] =	stream.indirect.gather [hbm4b:s4+s10], $0x80, s5, s10, $0xb8;
	[tilespmem:$0x1D000] =	vst v63  }
0x155: {  	_ =	swait.ge [sflag:s13], $0x4000  }
0x156: {  	[sflag:s13] =	ssyncset.done $0x0  }
0x157: {  	s6 =	rddreg [dreg:$0x8];
	[sflag:s13] =	ssyncadd.s32 $0xFFFFC000  }
0x158: {  	[spmem:s1] =	stream.indirect.scatter.add.f32 [tilespmem:s11], [sflag:$0x3], $0x80, s6, s10, $0xb8;
	[tilespmem:$0x1D000] =	vst v63  }
0x159: {  	_ =	swait.ge [sflag:s14], $0x4000  }
0x15a: {  	[sflag:s14] =	ssyncset.done $0x0  }
0x15b: {  	s7 =	rddreg [dreg:$0x9];
	[sflag:s14] =	ssyncadd.s32 $0xFFFFC000  }
0x15c: {  	[tilespmem:s11], [sflag:$0x1] =	stream.indirect.gather [hbm4b:s4+s10], $0x80, s7, s10, $0xb8;
	[tilespmem:$0x1D000] =	vst v63  }
0x15d: {  	_ =	swait.ge [sflag:s15], $0x4000  }
0x15e: {  	[sflag:s15] =	ssyncset.done $0x0  }
0x15f: {  	s5 =	rddreg [dreg:$0xa];
	[sflag:s15] =	ssyncadd.s32 $0xFFFFC000  }
0x160: {  	[spmem:s1] =	stream.indirect.scatter.add.f32 [tilespmem:s12], [sflag:$0x4], $0x80, s5, s10, $0xb8;
	[tilespmem:$0x1D000] =	vst v63  }
0x161: {  	_ =	swait.ge [sflag:s16], $0x4000  }
0x162: {  	[sflag:s16] =	ssyncset.done $0x0  }
0x163: {  	s6 =	rddreg [dreg:$0xb];
	[sflag:s16] =	ssyncadd.s32 $0xFFFFC000  }
0x164: {  	[tilespmem:s12], [sflag:$0x2] =	stream.indirect.gather [hbm4b:s4+s10], $0x80, s6, s10, $0xb8;
	[tilespmem:$0x1D000] =	vst v63  }
0x165: {  	_ =	swait.ge [sflag:s13], $0x4000  }
0x166: {  	[sflag:s13] =	ssyncset.done $0x0  }
0x167: {  	s7 =	rddreg [dreg:$0xc];
	[sflag:s13] =	ssyncadd.s32 $0xFFFFC000  }
0x168: {  	[spmem:s1] =	stream.indirect.scatter.add.f32 [tilespmem:s11], [sflag:$0x3], $0x80, s7, s10, $0xb8;
	[tilespmem:$0x1D000] =	vst v63  }
0x169: {  	_ =	swait.ge [sflag:s14], $0x4000  }
0x16a: {  	[sflag:s14] =	ssyncset.done $0x0  }
0x16b: {  	s5 =	rddreg [dreg:$0xd];
	[sflag:s14] =	ssyncadd.s32 $0xFFFFC000  }
0x16c: {  	[tilespmem:s11], [sflag:$0x1] =	stream.indirect.gather [hbm4b:s4+s10], $0x80, s5, s10, $0xb8;
	[tilespmem:$0x1D000] =	vst v63  }
0x16d: {  	_ =	swait.ge [sflag:s15], $0x4000  }
0x16e: {  	[sflag:s15] =	ssyncset.done $0x0  }
0x16f: {  	s6 =	rddreg [dreg:$0xe];
	[sflag:s15] =	ssyncadd.s32 $0xFFFFC000  }
0x170: {  	[spmem:s1] =	stream.indirect.scatter.add.f32 [tilespmem:s12], [sflag:$0x4], $0x80, s6, s10, $0xb8;
	[tilespmem:$0x1D000] =	vst v63  }
0x171: {  	_ =	swait.ge [sflag:s16], $0x4000  }
0x172: {  	[sflag:s16] =	ssyncset.done $0x0  }
0x173: {  	s7 =	rddreg [dreg:$0xf];
	[sflag:s16] =	ssyncadd.s32 $0xFFFFC000  }
0x174: {  	[tilespmem:s12], [sflag:$0x2] =	stream.indirect.gather [hbm4b:s4+s10], $0x80, s7, s10, $0xb8;
	[tilespmem:$0x1D000] =	vst v63  }
0x175: {  	_ =	swait.ge [sflag:s13], $0x4000  }
0x176: {  	[sflag:s13] =	ssyncset.done $0x0  }
0x177: {  	s5 =	rddreg [dreg:$0x10];
	[sflag:s13] =	ssyncadd.s32 $0xFFFFC000  }
0x178: {  	[spmem:s1] =	stream.indirect.scatter.add.f32 [tilespmem:s11], [sflag:$0x3], $0x80, s5, s10, $0xb8;
	[tilespmem:$0x1D000] =	vst v63  }
0x179: {  	_ =	swait.ge [sflag:s14], $0x4000  }
0x17a: {  	[sflag:s14] =	ssyncset.done $0x0  }
0x17b: {  	s6 =	rddreg [dreg:$0x11];
	[sflag:s14] =	ssyncadd.s32 $0xFFFFC000  }
0x17c: {  	[tilespmem:s11], [sflag:$0x1] =	stream.indirect.gather [hbm4b:s4+s10], $0x80, s6, s10, $0xb8;
	[tilespmem:$0x1D000] =	vst v63  }
0x17d: {  	_ =	swait.ge [sflag:s15], $0x4000  }
0x17e: {  	[sflag:s15] =	ssyncset.done $0x0  }
0x17f: {  	s7 =	rddreg [dreg:$0x12];
	[sflag:s15] =	ssyncadd.s32 $0xFFFFC000  }
0x180: {  	[spmem:s1] =	stream.indirect.scatter.add.f32 [tilespmem:s12], [sflag:$0x4], $0x80, s7, s10, $0xb8;
	[tilespmem:$0x1D000] =	vst v63  }
0x181: {  	_ =	swait.ge [sflag:s16], $0x4000  }
0x182: {  	[sflag:s16] =	ssyncset.done $0x0  }
0x183: {  	[sflag:s16] =	ssyncadd.s32 $0xFFFFC000  }
0x184: {  	[tilespmem:s12], [sflag:$0x2] =	stream.indirect.gather [hbm4b:s4+s10], $0x80, s17, s10, $0xb8;
	[tilespmem:$0x1D000] =	vst v63  }
0x185: {  	_ =	swait.ge [sflag:s13], $0x4000  }
0x186: {  	[sflag:s13] =	ssyncset.done $0x0  }
0x187: {  	[sflag:s13] =	ssyncadd.s32 $0xFFFFC000  }
0x188: {  	[spmem:s1] =	stream.indirect.scatter.add.f32 [tilespmem:s11], [sflag:$0x3], $0x80, s18, s10, $0xb8;
	[tilespmem:$0x1D000] =	vst v63  }
0x189: {  	_ =	swait.ge [sflag:s14], $0x4000  }
0x18a: {  	[sflag:s14] =	ssyncset.done $0x0  }
0x18b: {  	[sflag:s14] =	ssyncadd.s32 $0xFFFFC000  }
0x18c: {  	[tilespmem:s11], [sflag:$0x1] =	stream.indirect.gather [hbm4b:s4+s10], $0x80, s19, s10, $0xb8;
	[tilespmem:$0x1D000] =	vst v63  }
0x18d: {  	_ =	swait.ge [sflag:s15], $0x4000  }
0x18e: {  	[sflag:s15] =	ssyncset.done $0x0  }
0x18f: {  	[sflag:s15] =	ssyncadd.s32 $0xFFFFC000  }
0x190: {  	[spmem:s1] =	stream.indirect.scatter.add.f32 [tilespmem:s12], [sflag:$0x4], $0x80, s20, s10, $0xb8;
	[tilespmem:$0x1D000] =	vst v63  }
0x191: {  	_ =	swait.ge [sflag:s16], $0x4000  }
0x192: {  	[sflag:s16] =	ssyncset.done $0x0  }
0x193: {  	[sflag:s16] =	ssyncadd.s32 $0xFFFFC000  }
0x194: {  	[tilespmem:s12], [sflag:$0x2] =	stream.indirect.gather [hbm4b:s4+s10], $0x80, s21, s10, $0xb8;
	[tilespmem:$0x1D000] =	vst v63  }
0x195: {  	_ =	swait.ge [sflag:s13], $0x4000  }
0x196: {  	[sflag:s13] =	ssyncset.done $0x0  }
0x197: {  	[sflag:s13] =	ssyncadd.s32 $0xFFFFC000  }
0x198: {  	[spmem:s1] =	stream.indirect.scatter.add.f32 [tilespmem:s11], [sflag:$0x3], $0x80, s22, s10, $0xb8;
	[tilespmem:$0x1D000] =	vst v63  }
0x199: {  	_ =	swait.ge [sflag:s14], $0x4000  }
0x19a: {  	[sflag:s14] =	ssyncset.done $0x0  }
0x19b: {  	[sflag:s14] =	ssyncadd.s32 $0xFFFFC000  }
0x19c: {  	[tilespmem:s11], [sflag:$0x1] =	stream.indirect.gather [hbm4b:s4+s10], $0x80, s23, s10, $0xb8;
	[tilespmem:$0x1D000] =	vst v63  }
0x19d: {  	_ =	swait.ge [sflag:s15], $0x4000  }
0x19e: {  	[sflag:s15] =	ssyncset.done $0x0  }
0x19f: {  	[sflag:s15] =	ssyncadd.s32 $0xFFFFC000  }
0x1a0: {  	[spmem:s1] =	stream.indirect.scatter.add.f32 [tilespmem:s12], [sflag:$0x4], $0x80, s24, s10, $0xb8;
	[tilespmem:$0x1D000] =	vst v63  }
0x1a1: {  	_ =	swait.ge [sflag:s16], $0x4000  }
0x1a2: {  	[sflag:s16] =	ssyncset.done $0x0  }
0x1a3: {  	[sflag:s16] =	ssyncadd.s32 $0xFFFFC000  }
0x1a4: {  	[tilespmem:s12], [sflag:$0x2] =	stream.indirect.gather [hbm4b:s4+s10], $0x80, s25, s10, $0xb8;
	[tilespmem:$0x1D000] =	vst v63  }
0x1a5: {  	_ =	swait.ge [sflag:s13], $0x4000  }
0x1a6: {  	[sflag:s13] =	ssyncset.done $0x0  }
0x1a7: {  	[sflag:s13] =	ssyncadd.s32 $0xFFFFC000  }
0x1a8: {  	[spmem:s1] =	stream.indirect.scatter.add.f32 [tilespmem:s11], [sflag:$0x3], $0x80, s26, s10, $0xb8;
	[tilespmem:$0x1D000] =	vst v63  }
0x1a9: {  	_ =	swait.ge [sflag:s14], $0x4000  }
0x1aa: {  	[sflag:s14] =	ssyncset.done $0x0  }
0x1ab: {  	[sflag:s14] =	ssyncadd.s32 $0xFFFFC000  }
0x1ac: {  	[tilespmem:s11], [sflag:$0x1] =	stream.indirect.gather [hbm4b:s4+s10], $0x80, s28, s10, $0xb8;
	[tilespmem:$0x1D000] =	vst v63  }
0x1ad: {  	_ =	swait.ge [sflag:s15], $0x4000  }
0x1ae: {  	[sflag:s15] =	ssyncset.done $0x0  }
0x1af: {  	[sflag:s15] =	ssyncadd.s32 $0xFFFFC000  }
0x1b0: {  	[spmem:s1] =	stream.indirect.scatter.add.f32 [tilespmem:s12], [sflag:$0x4], $0x80, s29, s10, $0xb8;
	[tilespmem:$0x1D000] =	vst v63  }
0x1b1: {  	_ =	swait.ge [sflag:s16], $0x4000  }
0x1b2: {  	[sflag:s16] =	ssyncset.done $0x0  }
0x1b3: {  	[sflag:s16] =	ssyncadd.s32 $0xFFFFC000  }
0x1b4: {  	[tilespmem:s12], [sflag:$0x2] =	stream.indirect.gather [hbm4b:s4+s10], $0x80, s30, s10, $0xb8;
	[tilespmem:$0x1D000] =	vst v63  }
0x1b5: {  	_ =	swait.ge [sflag:s13], $0x4000  }
0x1b6: {  	[sflag:s13] =	ssyncset.done $0x0  }
0x1b7: {  	[sflag:s13] =	ssyncadd.s32 $0xFFFFC000  }
0x1b8: {  	[spmem:s1] =	stream.indirect.scatter.add.f32 [tilespmem:s11], [sflag:$0x3], $0x80, s31, s10, $0xb8;
	[tilespmem:$0x1D000] =	vst v63  }
0x1b9: {  	_ =	swait.ge [sflag:s15], $0x4000  }
0x1ba: {  	[sflag:s15] =	ssyncset.done $0x0  }
0x1bb: {  	[sflag:s15] =	ssyncadd.s32 $0xFFFFC000  }
0x1bc: {  	[spmem:s1] =	stream.indirect.scatter.add.f32 [tilespmem:s12], [sflag:$0x4], $0x80, s0, s10, $0xb8;
	[tilespmem:$0x1D000] =	vst v63  }
0x1bd: {  	_ =	swait.ge [sflag:s14], $0x4000  }
0x1be: {  	[sflag:s14] =	ssyncset.done $0x0  }
0x1bf: {  	[sflag:s14] =	ssyncadd.s32 $0xFFFFC000  }
0x1c0: {  	_ =	swait.ge [sflag:s16], $0x4000  }
0x1c1: {  	[sflag:s16] =	ssyncset.done $0x0  }
0x1c2: {  	[sflag:s16] =	ssyncadd.s32 $0xFFFFC000  }
0x1c3: {  	[bflag:$0x0] =	sbarrier.arrive $0xFFFF  }
0x1c4: {  	s5 =	rddreg [dreg:$0x14]  }
0x1c5: {  	s3 =	simm.s32 @!p0 $0x1C05;
	s6 =	rddreg [dreg:$0x16]  }
0x1c6: {  	[hbm:s5], [sflag:s3] =	dma.local @!p0 [spmem:s6], $0x28000  }
0x1c7: {  	s3 =	simm.s32 @!p0 $0x5  }
0x1c8: {  	_ =	swait.ge @!p0 [sflag:s3], $0x28000  }
0x1c9: {  	s5 =	rddreg [dreg:$0x17]  }
0x1ca: {  	s7 =	sadd.s32 $0x1, s5;
	s5 =	rddreg [dreg:$0x15]  }
0x1cb: {  	p1 =	sne.s32 s7, s5  }
.Ltmp1:
0x1cc: {  	_ = 	snop;
	(pc) =	sbr.rel @p1 .LBB2_1-.Ltmp1, $3  }
0x1cd: {  	_ =	sdelay $0x1  }
0x1ce: {  	[sflag:s3] =	ssyncset.done @!p0 $0x0  }
0x1cf: {  	[sflag:s3] =	ssyncadd.s32 @!p0 $0xFFFD8000  }
0x1d0: {  	_ =	sfence.sel $0x180000  }
0x1d1: {  	[bflag:$0x0] =	sbarrier.arrive $0xFFFF  }
0x1d2: {  	_ =	strace $0x9000004D  }
0x1d3: {  	[bflag:$0x2] =	sbarrier.arrive $0xFFFF  }
0x1d4: {  	s0 =	rddreg [dreg:$0x2]  }
0x1d5: {  	s0 =	sadd.s32 @!p0 $0x100000, s0  }
0x1d6: {  	[sflag:s0] =	ssyncadd.tile.s32 @!p0 $0x1;
	_ =	shalt  }
.Lfunc_end2:
_tile_overlayer_lowered:
.L_overlay_start_2:
0x1d7: {  	(tag) =	ssettag $0x2  }
0x1d8: {  	s0 =	rddreg [dreg:$0x0];
	s2 =	stileid.u32  }
0x1d9: {  	s1 =	rddreg [dreg:$0x1];
	p0 =	sne.s32 s2, $0x0  }
0x1da: {  	s3 =	rddreg [dreg:$0x2];
	[bflag:$0x3] =	sbarrier.arrive $0xFFFF;
	s2 =	simm.s32 @!p0 $0x1C05  }
0x1db: {  	[timem:s3], [sflag:s2] =	dma.local @!p0 [hbm:s0], s1  }
0x1dc: {  	s0 =	simm.s32 @!p0 $0x5  }
0x1dd: {  	_ =	swait.ge @!p0 [sflag:s0], s1  }
0x1de: {  	s1 =	ssub.s32 @!p0 $0x0, s1;
	[sflag:s0] =	ssyncset.done @!p0 $0x0  }
0x1df: {  	[sflag:s0] =	ssyncadd.s32 @!p0 s1  }
0x1e0: {  	[bflag:$0x3] =	sbarrier.arrive $0xFFFF  }
0x1e1: {  	_ =	shalt  }

// kernel: kernel.9.cloned.1.call-start
scs
__scs_entry_jumppad:
0x0: {  	(pc) =	sbr.rel $0x88, $3  }
0x1: {  	(tag) =	ssettag $0x0;
	lr =	simm.s32 $0x1  }
0x2: {  	[smem:$0x3F9B] =	sst lr;
	_ =	strace $0xD0000000  }
0x3: {  	_ = 	snop  }
0x4: {  	_ = 	snop  }
0x5: {  	_ = 	snop  }
0x6: {  	_ = 	snop  }
0x7: {  	_ = 	snop  }
__scs_overlays_trampoline_lowered:
0x8: {  	[smem:$0x3FAA] =	sst s0  }
0x9: {  	[smem:$0x3FAB] =	sst s1  }
0xa: {  	[smem:$0x3FAC] =	sst s2  }
0xb: {  	[smem:$0x3FAD] =	sst s3  }
0xc: {  	[smem:$0x3FAE] =	sst s4  }
0xd: {  	[smem:$0x3FAF] =	sst s5  }
0xe: {  	[smem:$0x3FB0] =	sst s6  }
0xf: {  	[smem:$0x3FB1] =	sst s7  }
0x10: {  	[smem:$0x3FB2] =	sst s8  }
0x11: {  	[smem:$0x3FB3] =	sst s9;
	s0 =	simm.s32 @!p0 $0x0  }
0x12: {  	s1 =	sld [smem:$0x3F99];
	s0 =	simm.s32 @p0 $0x1  }
0x13: {  	[smem:$0x3FB4] =	sst s0;
	s0 =	simm.s32 @!p1 $0x0  }
0x14: {  	s2 =	sld [smem:$0x3F98];
	s0 =	simm.s32 @p1 $0x1  }
0x15: {  	[smem:$0x3FB5] =	sst s0;
	s0 =	simm.s32 @!p2 $0x0  }
0x16: {  	s3 =	sld [smem:$0x3FDB];
	s0 =	simm.s32 @p2 $0x1  }
0x17: {  	s4 =	simm.s32 $0x1BF5;
	[smem:$0x3FB7] =	sst s0  }
0x18: {  	s0 =	sld [smem:$0x3F9A];
	_ =	swait.ge [sflag:s4], $0x0  }
0x19: {  	s7 =	sld [smem:$0x3F9B]  }
0x1a: {  	s8 =	sadd.s32 $0xFFFFE003, lr  }
0x1b: {  	s9 =	sadd.s32 $0xFFFFFEF7, lr;
	s5 =	simm.s32 $0xFFFFFFFF;
	p2 =	slt.u32 s8, $0xFFFFF086  }
0x1c: {  	p1 =	slt.u32 s9, $0xF7A;
	s5 =	simm.s32 @!p2 $0x0  }
0x1d: {  	s5 =	simm.s32 @p1 $0x1;
	p0 =	seq.s32 s7, s2  }
0x1e: {  	s7 =	smul.u32 @!p0 $0xF7A, s2;
	p2 =	seq.s32 @!p0 s5, $0x0  }
0x1f: {  	s9 =	smul.u32 $0xF7A, s1;
	s8 =	simm.s32 @!p0 $0x1BF5;
	p2 =	por !p2, p0  }
0x20: {  	[sflag:s8] =	ssyncset.s32 @!p0 $0xFFFFF086;
	s6 =	sadd.s32 @!p0 s3, s7;
	s7 =	simm.s32 @!p0 $0x108  }
0x21: {  	s3 =	sadd.s32 s3, s9;
	s6 =	sadd.s32 @!p0 $0x88, s6;
	s7 =	simm.s32 @p2 $0x1082  }
0x22: {  	[simem:s7], [sflag:s8] =	dma.local @!p0 [hbm:s6], $0xF7A  }
0x23: {  	s9 =	sor.u32 $0xD0000000, s2;
	s6 =	simm.s32 $0x108;
	_ =	swait.ge @!p0 [sflag:s8], $0x0  }
0x24: {  	s3 =	sadd.s32 $0x88, s3;
	s6 =	simm.s32 @!p1 $0x1082;
	[sflag:s4] =	ssyncset.s32 $0xFFFFF086  }
0x25: {  	[simem:s6], [sflag:s4] =	dma.local [hbm:s3], $0xF7A  }
0x26: {  	[smem:$0x3F9B] =	sst s1;
	(tag) =	ssettag s2;
	_ =	strace s9  }
0x27: {  	s1 =	sld [smem:$0x3FAB]  }
0x28: {  	s2 =	sld [smem:$0x3FAC]  }
0x29: {  	s4 =	sld [smem:$0x3FAE]  }
0x2a: {  	p0 =	seq.s32 s5, $0x0;
	s5 =	sld [smem:$0x3FAF]  }
0x2b: {  	s6 =	sld [smem:$0x3FB0]  }
0x2c: {  	s7 =	sld [smem:$0x3FB1]  }
0x2d: {  	s3 =	simm.s32 $0x108;
	s8 =	sld [smem:$0x3FB2]  }
0x2e: {  	s3 =	simm.s32 @!p0 $0x1082;
	s9 =	sld [smem:$0x3FB3]  }
0x2f: {  	lr =	sadd.s32 s0, s3;
	s0 =	sld [smem:$0x3FAA]  }
0x30: {  	s3 =	sld [smem:$0x3FAD]  }
0x31: {  	[smem:$0x3FB6] =	sst s10  }
0x32: {  	s10 =	sld [smem:$0x3FB4];
	_ =	sdelay $0x3  }
0x33: {  	p0 =	seq.s32 s10, $0x1;
	s10 =	sld [smem:$0x3FB6];
	_ =	sdelay $0x3  }
0x34: {  	[smem:$0x3FB6] =	sst s10  }
0x35: {  	s10 =	sld [smem:$0x3FB5];
	_ =	sdelay $0x3  }
0x36: {  	p1 =	seq.s32 s10, $0x1;
	s10 =	sld [smem:$0x3FB6];
	_ =	sdelay $0x3  }
0x37: {  	[smem:$0x3FB6] =	sst s10  }
0x38: {  	s10 =	sld [smem:$0x3FB7]  }
0x39: {  	_ = 	snop;
	(pc) =	sbr.ind lr, $3  }
0x3a: {  	_ = 	snop  }
0x3b: {  	_ = 	snop  }
0x3c: {  	p2 =	seq.s32 s10, $0x1;
	s10 =	sld [smem:$0x3FB6]  }
0x3d: {  	_ =	shalt  }
0x3e: {  	_ =	shalt  }
0x3f: {  	_ =	shalt  }
0x40: {  	_ =	shalt  }
0x41: {  	_ =	shalt  }
0x42: {  	_ =	shalt  }
0x43: {  	_ =	shalt  }
0x44: {  	_ =	shalt  }
0x45: {  	_ =	shalt  }
0x46: {  	_ =	shalt  }
0x47: {  	_ =	shalt  }
0x48: {  	_ =	shalt  }
0x49: {  	_ =	shalt  }
0x4a: {  	_ =	shalt  }
0x4b: {  	_ =	shalt  }
0x4c: {  	_ =	shalt  }
0x4d: {  	_ =	shalt  }
0x4e: {  	_ =	shalt  }
0x4f: {  	_ =	shalt  }
0x50: {  	_ =	shalt  }
0x51: {  	_ =	shalt  }
0x52: {  	_ =	shalt  }
0x53: {  	_ =	shalt  }
0x54: {  	_ =	shalt  }
0x55: {  	_ =	shalt  }
0x56: {  	_ =	shalt  }
0x57: {  	_ =	shalt  }
0x58: {  	_ =	shalt  }
0x59: {  	_ =	shalt  }
0x5a: {  	_ =	shalt  }
0x5b: {  	_ =	shalt  }
0x5c: {  	_ =	shalt  }
0x5d: {  	_ =	shalt  }
0x5e: {  	_ =	shalt  }
0x5f: {  	_ =	shalt  }
0x60: {  	_ =	shalt  }
0x61: {  	_ =	shalt  }
0x62: {  	_ =	shalt  }
0x63: {  	_ =	shalt  }
0x64: {  	_ =	shalt  }
0x65: {  	_ =	shalt  }
0x66: {  	_ =	shalt  }
0x67: {  	_ =	shalt  }
0x68: {  	_ =	shalt  }
0x69: {  	_ =	shalt  }
0x6a: {  	_ =	shalt  }
0x6b: {  	_ =	shalt  }
0x6c: {  	_ =	shalt  }
0x6d: {  	_ =	shalt  }
0x6e: {  	_ =	shalt  }
0x6f: {  	_ =	shalt  }
0x70: {  	_ =	shalt  }
0x71: {  	_ =	shalt  }
0x72: {  	_ =	shalt  }
0x73: {  	_ =	shalt  }
0x74: {  	_ =	shalt  }
0x75: {  	_ =	shalt  }
0x76: {  	_ =	shalt  }
0x77: {  	_ =	shalt  }
0x78: {  	_ =	shalt  }
0x79: {  	_ =	shalt  }
0x7a: {  	_ =	shalt  }
0x7b: {  	_ =	shalt  }
0x7c: {  	_ =	shalt  }
0x7d: {  	_ =	shalt  }
0x7e: {  	_ =	shalt  }
0x7f: {  	_ =	shalt  }
0x80: {  	_ =	shalt  }
0x81: {  	_ =	shalt  }
0x82: {  	_ =	shalt  }
0x83: {  	_ =	shalt  }
0x84: {  	_ =	shalt  }
0x85: {  	_ =	shalt  }
0x86: {  	_ =	shalt  }
0x87: {  	_ =	shalt  }
.Lfunc_end0:
.L_simem_size_0:
called_computation_lowered:
.L_overlay_start_0:
0x88: {  	s2 =	sld [smem:$0x3FD9]  }
0x89: {  	s3 =	sld [smem:$0x3FFE];
	_ =	sdelay $0x1  }
0x8a: {  	s1 =	srdreg.scid  }
0x8b: {  	s0 =	sand.u32 $0x1, s1  }
0x8c: {  	s16 =	sshll.u32 s0, $0xA;
	s2 =	sadd.s32 s3, s2  }
0x8d: {  	s2 =	sadd.s32 s2, s16  }
0x8e: {  	[smem:$0x3FC2] =	sst s2  }
0x8f: {  	_ = 	snop  }
0x90: {  	(tm) =	ssettm $0x1  }
0x91: {  	s17 =	sld [smem:$0x3FFB];
	_ =	sdelay $0x3  }
0x92: {  	_ =	strace s17  }
0x93: {  	s2 =	sld [smem:$0x3FFC];
	_ =	sdelay $0x3  }
0x94: {  	_ =	strace s2  }
0x95: {  	s2 =	sld [smem:$0x3FFD];
	_ =	sdelay $0x3  }
0x96: {  	_ =	strace s2  }
0x97: {  	_ =	strace $0x8FFFFFFF  }
0x98: {  	s18 =	sld [smem:$0x3FDB];
	_ =	sdelay $0x1  }
0x99: {  	s19 =	simm.s32 $_scs_section_size  }
0x9a: {  	s4 =	simm.s32 $_size__tile_overlayer_lowered;
	s5 =	simm.s32 $_tile_overlayer_lowered  }
0x9b: {  	s22 =	simm.s32 $0x1BFF;
	s21 =	sshll.u32 s5, $0x1;
	s2 =	sadd.s32 s19, s18  }
0x9c: {  	s6 =	simm.s32 $0x0;
	s20 =	sshll.u32 s4, $0x1;
	s4 =	sadd.s32 s21, s2  }
0x9d: {  	[timem:s6], [sflag:s22] =	dma.local [hbm:s4], s20  }
0x9e: {  	_ =	swait.ge [sflag:s22], s20  }
0x9f: {  	s3 =	ssub.s32 $0x0, s20;
	[sflag:s22] =	ssyncset.done $0x0  }
0xa0: {  	[sflag:s22] =	ssyncadd.s32 s3;
	_ =	sdelay $0x1  }
0xa1: {  	s23 =	simm.s32 $0x1B8B  }
0xa2: {  	_ =	swait.ge [sflag:s23], $0x1  }
0xa3: {  	[sflag:s23] =	ssyncset.done $0x0  }
0xa4: {  	s25 =	simm.s32 $0x1B8E;
	s24 =	sld [smem:$0x3FFE];
	[sflag:s23] =	ssyncadd.s32 $0xFFFFFFFF  }
0xa5: {  	s26 =	simm.s32 $execute0_lowered;
	[smem:$0x3FD2] =	sst s25  }
0xa6: {  	s4 =	sshll.u32 s26, $0x1;
	_ =	strace $0x80000046;
	[dreg:$0x1] =	wrdreg $0xFFFFFFFF  }
0xa7: {  	s28 =	simm.s32 $_size_execute0_lowered;
	s2 =	sadd.s32 s2, s4;
	[dreg:$0x0] =	wrdreg $0x0  }
0xa8: {  	s4 =	sshll.u32 s28, $0x1;
	[dreg:$0x2] =	wrdreg s2  }
0xa9: {  	[dreg:$0x3] =	wrdreg s4  }
0xaa: {  	[dreg:$0x4] =	wrdreg $0xC0  }
0xab: {  	_ =	task [dreg:s6], $0x5FFFF  }
0xac: {  	[dreg:$0x1] =	wrdreg $0xFFFFFFFF  }
0xad: {  	[dreg:$0x0] =	wrdreg $0x60  }
0xae: {  	[dreg:$0x2] =	wrdreg s24  }
0xaf: {  	[dreg:$0x3] =	wrdreg $0x48000  }
0xb0: {  	[dreg:$0x4] =	wrdreg $0x9  }
0xb1: {  	_ =	task.clear_ibuf [dreg:s6], $0x5FFFF;
	_ =	strace $0x90000046  }
0xb2: {  	s29 =	simm.s32 $0x9;
	_ =	strace $0x80000048  }
0xb3: {  	_ =	swait.ge [sflag:s29], $0x1  }
0xb4: {  	[sflag:s29] =	ssyncadd.s32 $0xFFFFFFFF  }
0xb5: {  	_ =	strace $0x90000048  }
0xb6: {  	_ =	sfence  }
0xb7: {  	s30 =	sld [smem:$0x0];
	_ =	sdelay $0x2  }
0xb8: {  	s31 =	sshll.u32 s1, $0xD;
	s1 =	sshrl.u32 s1, $0x2  }
0xb9: {  	s3 =	sand.u32 $0x4000, s31;
	s1 =	sadd.s32 s1, s30  }
0xba: {  	s0 =	sor.u32 s3, s0;
	s1 =	sshll.u32 s1, $0x11  }
0xbb: {  	s0 =	sor.u32 s1, s0  }
0xbc: {  	s0 =	sadd.s32 $0x8F2B, s0  }
0xbd: {  	[sflag:s0] =	ssyncadd.remote.s32 $0x1  }
0xbe: {  	_ =	sfence.sel $0xFFFF  }
0xbf: {  	[dreg:$0x0] =	wrdreg $0xFFFFFFFF;
	(pc) =	sbr.abs _section_cstart, $3  }
0xc0: {  	[dreg:$0x1] =	wrdreg $0xFFFFFFFF  }
0xc1: {  	_ =	task.clear_ibuf [dreg:s6], $0x2FFFF;
	_ =	strace $0x9FFFFFFF  }
0xc2: {  	(tm) =	ssettm $0x7FFFFFFF  }
0xc3: {  	_ =	shalt  }
tec
execute0_lowered:
.L_overlay_start_1:
0x0: {  	(tag) =	ssettag $0x1  }
0x1: {  	s4 =	rddreg [dreg:$0x0];
	s0 =	srdreg.scid  }
0x2: {  	s1 =	rddreg [dreg:$0x1];
	s6 =	stileid.u32  }
0x3: {  	s2 =	simm.s32 $0x0;
	s10 =	simm.s32 $0x80;
	s11 =	simm.s32 $0x4080  }
0x4: {  	s12 =	simm.s32 $0x4100;
	s13 =	simm.s32 $0x4180;
	s14 =	simm.s32 $0x4200  }
0x5: {  	s15 =	simm.s32 $0x4280;
	s16 =	simm.s32 $0x4300;
	s17 =	simm.s32 $0x4380  }
0x6: {  	s18 =	simm.s32 $0x4400;
	s19 =	simm.s32 $0x4480;
	s20 =	simm.s32 $0x4500  }
0x7: {  	s21 =	simm.s32 $0x4580;
	s22 =	simm.s32 $0x4600;
	s23 =	simm.s32 $0x4680  }
0x8: {  	s24 =	simm.s32 $0x4700;
	s25 =	simm.s32 $0x4780;
	s26 =	simm.s32 $0x0  }
0x9: {  	s3 =	sand.u32 $0x1, s0;
	s0 =	rddreg [dreg:$0x2];
	s7 =	smul.u32 $0x2800, s6  }
0xa: {  	[smem:$0x7FF] =	sst s2;
	s5 =	smul.u32 $0x28000, s3;
	s8 =	ssub.s32 $0x2, s3  }
0xb: {  	p0 =	sne.s32 s6, $0x0;
	_ =	strace $0x80000047;
	s9 =	sshrl.u32 s8, $0x1  }
0xc: {  	s3 =	sadd.s32 $0xC600, s4;
	s7 =	sadd.s32 s7, s5;
	s31 =	ssub.s32 s8, s9  }
0xd: {  	s8 =	simm.s32 $0x4000;
	s9 =	simm.s32 $0x1;
	s7 =	sshrl.u32 s7, $0x3  }
0xe: {  	s7 =	sadd.s32 s7, s4;
	s4 =	sadd.s32 s5, s4;
	s5 =	smax.u32 s31, $0x1  }
0xf: {  	v0 =	vimm.f32 $1.000000000e+00;
	s4 =	sadd.s32 $0x34600, s4;
	s6 =	sadd.s32 $0x2600, s7;
	s7 =	sshrl.u32 @!p0 s1, $0x3  }
.LBB2_1:
0x10: {  	s28 =	simm.s32 @!p0 $0x1C01  }
0x11: {  	[spmem:s7], [sflag:s28] =	dma.local @!p0 [hbm:s3], $0x28000  }
0x12: {  	s28 =	simm.s32 @!p0 $0x1  }
0x13: {  	_ =	swait.ge @!p0 [sflag:s28], $0x28000  }
0x14: {  	[sflag:s28] =	ssyncset.done @!p0 $0x0  }
0x15: {  	s29 =	simm.s32 $0x200;
	[sflag:s28] =	ssyncadd.s32 @!p0 $0xFFFD8000;
	s28 =	simm.s32 $0x0  }
.LBB2_2:
0x16: {  	p1 =	sne.s32 s29, $0xFE00;
	[tilespmem:s28+$0x70] =	vst v0  }
0x17: {  	[tilespmem:s28+$0x0] =	vst v0  }
0x18: {  	[tilespmem:s28+$0x10] =	vst v0  }
.Ltmp0:
0x19: {  	[tilespmem:s28+$0x20] =	vst v0;
	(pc) =	sbr.rel @p1 .LBB2_2-.Ltmp0, $4  }
0x1a: {  	[tilespmem:s28+$0x30] =	vst v0  }
0x1b: {  	[tilespmem:s28+$0x40] =	vst v0  }
0x1c: {  	[tilespmem:s28+$0x50] =	vst v0  }
0x1d: {  	[tilespmem:s28+$0x60] =	vst v0;
	s28 =	sshra.s32 s29, $0x2;
	s29 =	sadd.s32 $0x200, s29  }
0x1e: {  	[tilespmem:s28+$0x70] =	vst v0  }
0x1f: {  	[tilespmem:s28+$0x0] =	vst v0  }
0x20: {  	[tilespmem:s28+$0x10] =	vst v0  }
0x21: {  	[tilespmem:s28+$0x20] =	vst v0  }
0x22: {  	[tilespmem:s28+$0x30] =	vst v0  }
0x23: {  	[tilespmem:s28+$0x40] =	vst v0  }
0x24: {  	[tilespmem:s28+$0x50] =	vst v0  }
0x25: {  	[tilespmem:s28+$0x60] =	vst v0  }
0x26: {  	s28 =	sadd.s32 $0x0, s6;
	[bflag:$0x0] =	sbarrier.arrive $0xFFFF  }
0x27: {  	[tilespmem:s8], [sflag:$0x1] =	stream.linear.gather [hbm4b:s28+s2], $0x800, $0x38;
	[tilespmem:$0x18800] =	vst v63  }
0x28: {  	_ =	swait.ge [sflag:s9], $0x800  }
0x29: {  	[sflag:s9] =	ssyncset.done $0x0  }
0x2a: {  	[sflag:s9] =	ssyncadd.s32 $0xFFFFF800  }
0x2b: {  	[spmem:s1] =	stream.indirect.scatter.add.f32 [tilespmem:s2], [sflag:$0x1], $0x80, s8, s10, $0xb8;
	[tilespmem:$0x18800] =	vst v63  }
0x2c: {  	_ =	swait.ge [sflag:s9], $0x4000  }
0x2d: {  	[sflag:s9] =	ssyncset.done $0x0  }
0x2e: {  	[sflag:s9] =	ssyncadd.s32 $0xFFFFC000  }
0x2f: {  	[spmem:s1] =	stream.indirect.scatter.add.f32 [tilespmem:s2], [sflag:$0x1], $0x80, s11, s10, $0xb8;
	[tilespmem:$0x18800] =	vst v63  }
0x30: {  	_ =	swait.ge [sflag:s9], $0x4000  }
0x31: {  	[sflag:s9] =	ssyncset.done $0x0  }
0x32: {  	[sflag:s9] =	ssyncadd.s32 $0xFFFFC000  }
0x33: {  	[spmem:s1] =	stream.indirect.scatter.add.f32 [tilespmem:s2], [sflag:$0x1], $0x80, s12, s10, $0xb8;
	[tilespmem:$0x18800] =	vst v63  }
0x34: {  	_ =	swait.ge [sflag:s9], $0x4000  }
0x35: {  	[sflag:s9] =	ssyncset.done $0x0  }
0x36: {  	[sflag:s9] =	ssyncadd.s32 $0xFFFFC000  }
0x37: {  	[spmem:s1] =	stream.indirect.scatter.add.f32 [tilespmem:s2], [sflag:$0x1], $0x80, s13, s10, $0xb8;
	[tilespmem:$0x18800] =	vst v63  }
0x38: {  	_ =	swait.ge [sflag:s9], $0x4000  }
0x39: {  	[sflag:s9] =	ssyncset.done $0x0  }
0x3a: {  	[sflag:s9] =	ssyncadd.s32 $0xFFFFC000  }
0x3b: {  	[spmem:s1] =	stream.indirect.scatter.add.f32 [tilespmem:s2], [sflag:$0x1], $0x80, s14, s10, $0xb8;
	[tilespmem:$0x18800] =	vst v63  }
0x3c: {  	_ =	swait.ge [sflag:s9], $0x4000  }
0x3d: {  	[sflag:s9] =	ssyncset.done $0x0  }
0x3e: {  	[sflag:s9] =	ssyncadd.s32 $0xFFFFC000  }
0x3f: {  	[spmem:s1] =	stream.indirect.scatter.add.f32 [tilespmem:s2], [sflag:$0x1], $0x80, s15, s10, $0xb8;
	[tilespmem:$0x18800] =	vst v63  }
0x40: {  	_ =	swait.ge [sflag:s9], $0x4000  }
0x41: {  	[sflag:s9] =	ssyncset.done $0x0  }
0x42: {  	[sflag:s9] =	ssyncadd.s32 $0xFFFFC000  }
0x43: {  	[spmem:s1] =	stream.indirect.scatter.add.f32 [tilespmem:s2], [sflag:$0x1], $0x80, s16, s10, $0xb8;
	[tilespmem:$0x18800] =	vst v63  }
0x44: {  	_ =	swait.ge [sflag:s9], $0x4000  }
0x45: {  	[sflag:s9] =	ssyncset.done $0x0  }
0x46: {  	[sflag:s9] =	ssyncadd.s32 $0xFFFFC000  }
0x47: {  	[spmem:s1] =	stream.indirect.scatter.add.f32 [tilespmem:s2], [sflag:$0x1], $0x80, s17, s10, $0xb8;
	[tilespmem:$0x18800] =	vst v63  }
0x48: {  	_ =	swait.ge [sflag:s9], $0x4000  }
0x49: {  	[sflag:s9] =	ssyncset.done $0x0  }
0x4a: {  	[sflag:s9] =	ssyncadd.s32 $0xFFFFC000  }
0x4b: {  	[spmem:s1] =	stream.indirect.scatter.add.f32 [tilespmem:s2], [sflag:$0x1], $0x80, s18, s10, $0xb8;
	[tilespmem:$0x18800] =	vst v63  }
0x4c: {  	_ =	swait.ge [sflag:s9], $0x4000  }
0x4d: {  	[sflag:s9] =	ssyncset.done $0x0  }
0x4e: {  	[sflag:s9] =	ssyncadd.s32 $0xFFFFC000  }
0x4f: {  	[spmem:s1] =	stream.indirect.scatter.add.f32 [tilespmem:s2], [sflag:$0x1], $0x80, s19, s10, $0xb8;
	[tilespmem:$0x18800] =	vst v63  }
0x50: {  	_ =	swait.ge [sflag:s9], $0x4000  }
0x51: {  	[sflag:s9] =	ssyncset.done $0x0  }
0x52: {  	[sflag:s9] =	ssyncadd.s32 $0xFFFFC000  }
0x53: {  	[spmem:s1] =	stream.indirect.scatter.add.f32 [tilespmem:s2], [sflag:$0x1], $0x80, s20, s10, $0xb8;
	[tilespmem:$0x18800] =	vst v63  }
0x54: {  	_ =	swait.ge [sflag:s9], $0x4000  }
0x55: {  	[sflag:s9] =	ssyncset.done $0x0  }
0x56: {  	[sflag:s9] =	ssyncadd.s32 $0xFFFFC000  }
0x57: {  	[spmem:s1] =	stream.indirect.scatter.add.f32 [tilespmem:s2], [sflag:$0x1], $0x80, s21, s10, $0xb8;
	[tilespmem:$0x18800] =	vst v63  }
0x58: {  	_ =	swait.ge [sflag:s9], $0x4000  }
0x59: {  	[sflag:s9] =	ssyncset.done $0x0  }
0x5a: {  	[sflag:s9] =	ssyncadd.s32 $0xFFFFC000  }
0x5b: {  	[spmem:s1] =	stream.indirect.scatter.add.f32 [tilespmem:s2], [sflag:$0x1], $0x80, s22, s10, $0xb8;
	[tilespmem:$0x18800] =	vst v63  }
0x5c: {  	_ =	swait.ge [sflag:s9], $0x4000  }
0x5d: {  	[sflag:s9] =	ssyncset.done $0x0  }
0x5e: {  	[sflag:s9] =	ssyncadd.s32 $0xFFFFC000  }
0x5f: {  	[spmem:s1] =	stream.indirect.scatter.add.f32 [tilespmem:s2], [sflag:$0x1], $0x80, s23, s10, $0xb8;
	[tilespmem:$0x18800] =	vst v63  }
0x60: {  	_ =	swait.ge [sflag:s9], $0x4000  }
0x61: {  	[sflag:s9] =	ssyncset.done $0x0  }
0x62: {  	[sflag:s9] =	ssyncadd.s32 $0xFFFFC000  }
0x63: {  	[spmem:s1] =	stream.indirect.scatter.add.f32 [tilespmem:s2], [sflag:$0x1], $0x80, s24, s10, $0xb8;
	[tilespmem:$0x18800] =	vst v63  }
0x64: {  	_ =	swait.ge [sflag:s9], $0x4000  }
0x65: {  	[sflag:s9] =	ssyncset.done $0x0  }
0x66: {  	[sflag:s9] =	ssyncadd.s32 $0xFFFFC000  }
0x67: {  	[spmem:s1] =	stream.indirect.scatter.add.f32 [tilespmem:s2], [sflag:$0x1], $0x80, s25, s10, $0xb8;
	[tilespmem:$0x18800] =	vst v63  }
0x68: {  	_ =	swait.ge [sflag:s9], $0x4000  }
0x69: {  	s30 =	simm.s32 $0x200;
	s28 =	simm.s32 $0x100;
	[sflag:s9] =	ssyncset.done $0x0  }
.LBB2_4:
0x6a: {  	s31 =	sadd.s32 s28, s6  }
0x6b: {  	[sflag:s9] =	ssyncadd.s32 $0xFFFFC000;
	s28 =	smov.u32 s30;
	s29 =	sadd.s32 $0x100, s30  }
0x6c: {  	[tilespmem:s8], [sflag:$0x1] =	stream.linear.gather [hbm4b:s31+s2], $0x800, $0x38;
	[tilespmem:$0x18800] =	vst v63  }
0x6d: {  	p1 =	sne.s32 s30, $0x400;
	_ =	swait.ge [sflag:s9], $0x800  }
0x6e: {  	[sflag:s9] =	ssyncset.done $0x0  }
0x6f: {  	[sflag:s9] =	ssyncadd.s32 $0xFFFFF800  }
0x70: {  	[spmem:s1] =	stream.indirect.scatter.add.f32 [tilespmem:s2], [sflag:$0x1], $0x80, s8, s10, $0xb8;
	[tilespmem:$0x18800] =	vst v63  }
0x71: {  	_ =	swait.ge [sflag:s9], $0x4000  }
0x72: {  	[sflag:s9] =	ssyncset.done $0x0  }
0x73: {  	[sflag:s9] =	ssyncadd.s32 $0xFFFFC000  }
0x74: {  	[spmem:s1] =	stream.indirect.scatter.add.f32 [tilespmem:s2], [sflag:$0x1], $0x80, s11, s10, $0xb8;
	[tilespmem:$0x18800] =	vst v63  }
0x75: {  	_ =	swait.ge [sflag:s9], $0x4000  }
0x76: {  	[sflag:s9] =	ssyncset.done $0x0  }
0x77: {  	[sflag:s9] =	ssyncadd.s32 $0xFFFFC000  }
0x78: {  	[spmem:s1] =	stream.indirect.scatter.add.f32 [tilespmem:s2], [sflag:$0x1], $0x80, s12, s10, $0xb8;
	[tilespmem:$0x18800] =	vst v63  }
0x79: {  	_ =	swait.ge [sflag:s9], $0x4000  }
0x7a: {  	[sflag:s9] =	ssyncset.done $0x0  }
0x7b: {  	[sflag:s9] =	ssyncadd.s32 $0xFFFFC000  }
0x7c: {  	[spmem:s1] =	stream.indirect.scatter.add.f32 [tilespmem:s2], [sflag:$0x1], $0x80, s13, s10, $0xb8;
	[tilespmem:$0x18800] =	vst v63  }
0x7d: {  	_ =	swait.ge [sflag:s9], $0x4000  }
0x7e: {  	[sflag:s9] =	ssyncset.done $0x0  }
0x7f: {  	[sflag:s9] =	ssyncadd.s32 $0xFFFFC000  }
0x80: {  	[spmem:s1] =	stream.indirect.scatter.add.f32 [tilespmem:s2], [sflag:$0x1], $0x80, s14, s10, $0xb8;
	[tilespmem:$0x18800] =	vst v63  }
0x81: {  	_ =	swait.ge [sflag:s9], $0x4000  }
0x82: {  	[sflag:s9] =	ssyncset.done $0x0  }
0x83: {  	[sflag:s9] =	ssyncadd.s32 $0xFFFFC000  }
0x84: {  	[spmem:s1] =	stream.indirect.scatter.add.f32 [tilespmem:s2], [sflag:$0x1], $0x80, s15, s10, $0xb8;
	[tilespmem:$0x18800] =	vst v63  }
0x85: {  	_ =	swait.ge [sflag:s9], $0x4000  }
0x86: {  	[sflag:s9] =	ssyncset.done $0x0  }
0x87: {  	[sflag:s9] =	ssyncadd.s32 $0xFFFFC000  }
0x88: {  	[spmem:s1] =	stream.indirect.scatter.add.f32 [tilespmem:s2], [sflag:$0x1], $0x80, s16, s10, $0xb8;
	[tilespmem:$0x18800] =	vst v63  }
0x89: {  	_ =	swait.ge [sflag:s9], $0x4000  }
0x8a: {  	[sflag:s9] =	ssyncset.done $0x0  }
0x8b: {  	[sflag:s9] =	ssyncadd.s32 $0xFFFFC000  }
0x8c: {  	[spmem:s1] =	stream.indirect.scatter.add.f32 [tilespmem:s2], [sflag:$0x1], $0x80, s17, s10, $0xb8;
	[tilespmem:$0x18800] =	vst v63  }
0x8d: {  	_ =	swait.ge [sflag:s9], $0x4000  }
0x8e: {  	[sflag:s9] =	ssyncset.done $0x0  }
0x8f: {  	[sflag:s9] =	ssyncadd.s32 $0xFFFFC000  }
0x90: {  	[spmem:s1] =	stream.indirect.scatter.add.f32 [tilespmem:s2], [sflag:$0x1], $0x80, s18, s10, $0xb8;
	[tilespmem:$0x18800] =	vst v63  }
0x91: {  	_ =	swait.ge [sflag:s9], $0x4000  }
0x92: {  	[sflag:s9] =	ssyncset.done $0x0  }
0x93: {  	[sflag:s9] =	ssyncadd.s32 $0xFFFFC000  }
0x94: {  	[spmem:s1] =	stream.indirect.scatter.add.f32 [tilespmem:s2], [sflag:$0x1], $0x80, s19, s10, $0xb8;
	[tilespmem:$0x18800] =	vst v63  }
0x95: {  	_ =	swait.ge [sflag:s9], $0x4000  }
0x96: {  	[sflag:s9] =	ssyncset.done $0x0  }
0x97: {  	[sflag:s9] =	ssyncadd.s32 $0xFFFFC000  }
0x98: {  	[spmem:s1] =	stream.indirect.scatter.add.f32 [tilespmem:s2], [sflag:$0x1], $0x80, s20, s10, $0xb8;
	[tilespmem:$0x18800] =	vst v63  }
0x99: {  	_ =	swait.ge [sflag:s9], $0x4000  }
0x9a: {  	[sflag:s9] =	ssyncset.done $0x0  }
0x9b: {  	[sflag:s9] =	ssyncadd.s32 $0xFFFFC000  }
0x9c: {  	[spmem:s1] =	stream.indirect.scatter.add.f32 [tilespmem:s2], [sflag:$0x1], $0x80, s21, s10, $0xb8;
	[tilespmem:$0x18800] =	vst v63  }
0x9d: {  	_ =	swait.ge [sflag:s9], $0x4000  }
0x9e: {  	[sflag:s9] =	ssyncset.done $0x0  }
0x9f: {  	[sflag:s9] =	ssyncadd.s32 $0xFFFFC000  }
0xa0: {  	[spmem:s1] =	stream.indirect.scatter.add.f32 [tilespmem:s2], [sflag:$0x1], $0x80, s22, s10, $0xb8;
	[tilespmem:$0x18800] =	vst v63  }
0xa1: {  	_ =	swait.ge [sflag:s9], $0x4000  }
0xa2: {  	[sflag:s9] =	ssyncset.done $0x0  }
0xa3: {  	[sflag:s9] =	ssyncadd.s32 $0xFFFFC000  }
0xa4: {  	[spmem:s1] =	stream.indirect.scatter.add.f32 [tilespmem:s2], [sflag:$0x1], $0x80, s23, s10, $0xb8;
	[tilespmem:$0x18800] =	vst v63  }
0xa5: {  	_ =	swait.ge [sflag:s9], $0x4000  }
0xa6: {  	[sflag:s9] =	ssyncset.done $0x0  }
0xa7: {  	[sflag:s9] =	ssyncadd.s32 $0xFFFFC000  }
0xa8: {  	[spmem:s1] =	stream.indirect.scatter.add.f32 [tilespmem:s2], [sflag:$0x1], $0x80, s24, s10, $0xb8;
	[tilespmem:$0x18800] =	vst v63  }
0xa9: {  	_ =	swait.ge [sflag:s9], $0x4000  }
.Ltmp1:
0xaa: {  	[sflag:s9] =	ssyncset.done $0x0;
	(pc) =	sbr.rel @p1 .LBB2_4-.Ltmp1, $4  }
0xab: {  	[sflag:s9] =	ssyncadd.s32 $0xFFFFC000  }
0xac: {  	[spmem:s1] =	stream.indirect.scatter.add.f32 [tilespmem:s2], [sflag:$0x1], $0x80, s25, s10, $0xb8;
	[tilespmem:$0x18800] =	vst v63  }
0xad: {  	_ =	swait.ge [sflag:s9], $0x4000  }
0xae: {  	s30 =	smov.u32 s29;
	[sflag:s9] =	ssyncset.done $0x0  }
0xaf: {  	s28 =	sadd.s32 s28, s6;
	[sflag:s9] =	ssyncadd.s32 $0xFFFFC000  }
0xb0: {  	[tilespmem:s8], [sflag:$0x1] =	stream.linear.gather [hbm4b:s28+s2], $0x800, $0x38;
	[tilespmem:$0x18800] =	vst v63  }
0xb1: {  	_ =	swait.ge [sflag:s9], $0x800  }
0xb2: {  	[sflag:s9] =	ssyncset.done $0x0  }
0xb3: {  	[sflag:s9] =	ssyncadd.s32 $0xFFFFF800  }
0xb4: {  	[spmem:s1] =	stream.indirect.scatter.add.f32 [tilespmem:s2], [sflag:$0x1], $0x80, s8, s10, $0xb8;
	[tilespmem:$0x18800] =	vst v63  }
0xb5: {  	_ =	swait.ge [sflag:s9], $0x4000  }
0xb6: {  	[sflag:s9] =	ssyncset.done $0x0  }
0xb7: {  	[sflag:s9] =	ssyncadd.s32 $0xFFFFC000  }
0xb8: {  	[spmem:s1] =	stream.indirect.scatter.add.f32 [tilespmem:s2], [sflag:$0x1], $0x80, s11, s10, $0xb8;
	[tilespmem:$0x18800] =	vst v63  }
0xb9: {  	_ =	swait.ge [sflag:s9], $0x4000  }
0xba: {  	[sflag:s9] =	ssyncset.done $0x0  }
0xbb: {  	[sflag:s9] =	ssyncadd.s32 $0xFFFFC000  }
0xbc: {  	[spmem:s1] =	stream.indirect.scatter.add.f32 [tilespmem:s2], [sflag:$0x1], $0x80, s12, s10, $0xb8;
	[tilespmem:$0x18800] =	vst v63  }
0xbd: {  	_ =	swait.ge [sflag:s9], $0x4000  }
0xbe: {  	[sflag:s9] =	ssyncset.done $0x0  }
0xbf: {  	[sflag:s9] =	ssyncadd.s32 $0xFFFFC000  }
0xc0: {  	[spmem:s1] =	stream.indirect.scatter.add.f32 [tilespmem:s2], [sflag:$0x1], $0x80, s13, s10, $0xb8;
	[tilespmem:$0x18800] =	vst v63  }
0xc1: {  	_ =	swait.ge [sflag:s9], $0x4000  }
0xc2: {  	[sflag:s9] =	ssyncset.done $0x0  }
0xc3: {  	[sflag:s9] =	ssyncadd.s32 $0xFFFFC000  }
0xc4: {  	[spmem:s1] =	stream.indirect.scatter.add.f32 [tilespmem:s2], [sflag:$0x1], $0x80, s14, s10, $0xb8;
	[tilespmem:$0x18800] =	vst v63  }
0xc5: {  	_ =	swait.ge [sflag:s9], $0x4000  }
0xc6: {  	[sflag:s9] =	ssyncset.done $0x0  }
0xc7: {  	[sflag:s9] =	ssyncadd.s32 $0xFFFFC000  }
0xc8: {  	[spmem:s1] =	stream.indirect.scatter.add.f32 [tilespmem:s2], [sflag:$0x1], $0x80, s15, s10, $0xb8;
	[tilespmem:$0x18800] =	vst v63  }
0xc9: {  	_ =	swait.ge [sflag:s9], $0x4000  }
0xca: {  	[sflag:s9] =	ssyncset.done $0x0  }
0xcb: {  	[sflag:s9] =	ssyncadd.s32 $0xFFFFC000  }
0xcc: {  	[spmem:s1] =	stream.indirect.scatter.add.f32 [tilespmem:s2], [sflag:$0x1], $0x80, s16, s10, $0xb8;
	[tilespmem:$0x18800] =	vst v63  }
0xcd: {  	_ =	swait.ge [sflag:s9], $0x4000  }
0xce: {  	[sflag:s9] =	ssyncset.done $0x0  }
0xcf: {  	[sflag:s9] =	ssyncadd.s32 $0xFFFFC000  }
0xd0: {  	[spmem:s1] =	stream.indirect.scatter.add.f32 [tilespmem:s2], [sflag:$0x1], $0x80, s17, s10, $0xb8;
	[tilespmem:$0x18800] =	vst v63  }
0xd1: {  	_ =	swait.ge [sflag:s9], $0x4000  }
0xd2: {  	[sflag:s9] =	ssyncset.done $0x0  }
0xd3: {  	[sflag:s9] =	ssyncadd.s32 $0xFFFFC000  }
0xd4: {  	[spmem:s1] =	stream.indirect.scatter.add.f32 [tilespmem:s2], [sflag:$0x1], $0x80, s18, s10, $0xb8;
	[tilespmem:$0x18800] =	vst v63  }
0xd5: {  	_ =	swait.ge [sflag:s9], $0x4000  }
0xd6: {  	[sflag:s9] =	ssyncset.done $0x0  }
0xd7: {  	[sflag:s9] =	ssyncadd.s32 $0xFFFFC000  }
0xd8: {  	[spmem:s1] =	stream.indirect.scatter.add.f32 [tilespmem:s2], [sflag:$0x1], $0x80, s19, s10, $0xb8;
	[tilespmem:$0x18800] =	vst v63  }
0xd9: {  	_ =	swait.ge [sflag:s9], $0x4000  }
0xda: {  	[sflag:s9] =	ssyncset.done $0x0  }
0xdb: {  	[sflag:s9] =	ssyncadd.s32 $0xFFFFC000  }
0xdc: {  	[spmem:s1] =	stream.indirect.scatter.add.f32 [tilespmem:s2], [sflag:$0x1], $0x80, s20, s10, $0xb8;
	[tilespmem:$0x18800] =	vst v63  }
0xdd: {  	_ =	swait.ge [sflag:s9], $0x4000  }
0xde: {  	[sflag:s9] =	ssyncset.done $0x0  }
0xdf: {  	[sflag:s9] =	ssyncadd.s32 $0xFFFFC000  }
0xe0: {  	[spmem:s1] =	stream.indirect.scatter.add.f32 [tilespmem:s2], [sflag:$0x1], $0x80, s21, s10, $0xb8;
	[tilespmem:$0x18800] =	vst v63  }
0xe1: {  	_ =	swait.ge [sflag:s9], $0x4000  }
0xe2: {  	[sflag:s9] =	ssyncset.done $0x0  }
0xe3: {  	[sflag:s9] =	ssyncadd.s32 $0xFFFFC000  }
0xe4: {  	[spmem:s1] =	stream.indirect.scatter.add.f32 [tilespmem:s2], [sflag:$0x1], $0x80, s22, s10, $0xb8;
	[tilespmem:$0x18800] =	vst v63  }
0xe5: {  	_ =	swait.ge [sflag:s9], $0x4000  }
0xe6: {  	[sflag:s9] =	ssyncset.done $0x0  }
0xe7: {  	[sflag:s9] =	ssyncadd.s32 $0xFFFFC000  }
0xe8: {  	[spmem:s1] =	stream.indirect.scatter.add.f32 [tilespmem:s2], [sflag:$0x1], $0x80, s23, s10, $0xb8;
	[tilespmem:$0x18800] =	vst v63  }
0xe9: {  	_ =	swait.ge [sflag:s9], $0x4000  }
0xea: {  	[sflag:s9] =	ssyncset.done $0x0  }
0xeb: {  	[sflag:s9] =	ssyncadd.s32 $0xFFFFC000  }
0xec: {  	[spmem:s1] =	stream.indirect.scatter.add.f32 [tilespmem:s2], [sflag:$0x1], $0x80, s24, s10, $0xb8;
	[tilespmem:$0x18800] =	vst v63  }
0xed: {  	_ =	swait.ge [sflag:s9], $0x4000  }
0xee: {  	[sflag:s9] =	ssyncset.done $0x0  }
0xef: {  	[sflag:s9] =	ssyncadd.s32 $0xFFFFC000  }
0xf0: {  	[spmem:s1] =	stream.indirect.scatter.add.f32 [tilespmem:s2], [sflag:$0x1], $0x80, s25, s10, $0xb8;
	[tilespmem:$0x18800] =	vst v63  }
0xf1: {  	_ =	swait.ge [sflag:s9], $0x4000  }
0xf2: {  	[sflag:s9] =	ssyncset.done $0x0  }
0xf3: {  	s26 =	sadd.s32 $0x1, s26;
	[sflag:s9] =	ssyncadd.s32 $0xFFFFC000  }
0xf4: {  	s28 =	simm.s32 @!p0 $0x1C01;
	p1 =	sne.s32 s26, s5;
	[bflag:$0x0] =	sbarrier.arrive $0xFFFF  }
0xf5: {  	[hbm:s4], [sflag:s28] =	dma.local @!p0 [spmem:s7], $0x28000  }
.Ltmp2:
0xf6: {  	_ = 	snop;
	(pc) =	sbr.rel @p1 .LBB2_1-.Ltmp2, $4  }
0xf7: {  	s28 =	simm.s32 @!p0 $0x1  }
0xf8: {  	_ =	swait.ge @!p0 [sflag:s28], $0x28000  }
0xf9: {  	[sflag:s28] =	ssyncset.done @!p0 $0x0  }
0xfa: {  	[sflag:s28] =	ssyncadd.s32 @!p0 $0xFFFD8000  }
0xfb: {  	_ =	sfence.sel $0x180000  }
0xfc: {  	[bflag:$0x0] =	sbarrier.arrive $0xFFFF  }
0xfd: {  	_ =	strace $0x90000047  }
0xfe: {  	s0 =	sadd.s32 @!p0 $0x100000, s0;
	[bflag:$0x2] =	sbarrier.arrive $0xFFFF  }
0xff: {  	[sflag:s0] =	ssyncadd.tile.s32 @!p0 $0x1;
	_ =	shalt  }
.Lfunc_end2:
_tile_overlayer_lowered:
.L_overlay_start_2:
0x100: {  	(tag) =	ssettag $0x2  }
0x101: {  	s0 =	rddreg [dreg:$0x0];
	s2 =	stileid.u32  }
0x102: {  	s1 =	rddreg [dreg:$0x1];
	p0 =	sne.s32 s2, $0x0  }
0x103: {  	s3 =	rddreg [dreg:$0x2];
	[bflag:$0x3] =	sbarrier.arrive $0xFFFF;
	s2 =	simm.s32 @!p0 $0x1C01  }
0x104: {  	[timem:s3], [sflag:s2] =	dma.local @!p0 [hbm:s0], s1  }
0x105: {  	s0 =	simm.s32 @!p0 $0x1  }
0x106: {  	_ =	swait.ge @!p0 [sflag:s0], s1  }
0x107: {  	s1 =	ssub.s32 @!p0 $0x0, s1;
	[sflag:s0] =	ssyncset.done @!p0 $0x0  }
0x108: {  	[sflag:s0] =	ssyncadd.s32 @!p0 s1  }
0x109: {  	[bflag:$0x3] =	sbarrier.arrive $0xFFFF  }
0x10a: {  	_ =	shalt  }

</sc_bundles>
